<compile_context>
chip_gen: v7x
topology: tpu7x:2x2x1
jax: 0.10.2.dev20260603
libtpu: 0.0.44.dev20260713+nightly
codegen_flags: <defaults>
</compile_context>

<pallas_src>
import functools

import jax
import jax.numpy as jnp
from jax import lax
from jax.experimental import pallas as pl
from jax.experimental.pallas import tpu as pltpu
from jax.experimental.pallas import tpu_sc as plsc

NC = 2
NS = 16
L = 16
NW = NC * NS


@functools.lru_cache(maxsize=None)
def _build(rows, n_chunks, chunk_size, batch):
    assert n_chunks == 4 and chunk_size == L
    dim = n_chunks * chunk_size
    bpw = batch // NW
    n_vec = bpw // L
    n_bt = bpw // 128

    mesh = plsc.VectorSubcoreMesh(core_axis_name="c", subcore_axis_name="s")

    @functools.partial(
        pl.kernel,
        out_type=jax.ShapeDtypeStruct((8, batch // 128, 8, 128),
                                      jnp.float32),
        mesh=mesh,
        scratch_types=[
            pltpu.VMEM((bpw,), jnp.int32),
            pltpu.VMEM((n_chunks, L), jnp.int32),
            pltpu.VMEM((n_chunks, bpw), jnp.int32),
            pltpu.VMEM((2, 128, dim), jnp.float32),
            pltpu.VMEM((8, n_bt, 8, 128), jnp.float32),
            pltpu.SemaphoreType.DMA,
            pltpu.SemaphoreType.DMA,
            pltpu.SemaphoreType.DMA,
        ],
        compiler_params=pltpu.CompilerParams(needs_layout_passes=False,
                                             use_tc_tiling_on_sc=False),
    )
    def sc_kernel(tbl_h, x_h, pat_h, out_h, x_v, pat_v, r_v, gbuf_v, slab_v,
                  sem_a, sem_b, gsem):
        wid = lax.axis_index("s") * NC + lax.axis_index("c")
        base = wid * bpw
        pltpu.sync_copy(x_h.at[pl.ds(base, bpw)], x_v)
        pltpu.sync_copy(pat_h, pat_v)

        def hash_body(g, carry):
            xu = plsc.bitcast(x_v[pl.ds(g * L, L)], jnp.uint32)
            for c in range(n_chunks):
                cvec = plsc.bitcast(pat_v[c, :], jnp.uint32)
                h = (xu * cvec) % jnp.uint32(rows)
                r_v[c, pl.ds(g * L, L)] = plsc.bitcast(h, jnp.int32)
            return carry

        lax.fori_loop(0, n_vec, hash_body, 0)

        n_dma = n_chunks * n_bt

        def fire(d, buf, sem):
            c = d // n_bt
            bt = d % n_bt
            pltpu.async_copy(
                tbl_h.at[r_v.at[c, pl.ds(bt * 128, 128)]],
                gbuf_v.at[buf], sem)

        def wait(sem):
            pltpu.make_async_copy(
                tbl_h.at[pl.ds(0, 128)], gbuf_v.at[0], sem).wait()

        lanes = lax.iota(jnp.int32, L)

        def extract(d, buf):
            c = d // n_bt
            bt = d % n_bt
            for k in range(L):
                jt = 2 * c + k // 8
                js = k % 8
                kvec = lanes * 0 + (c * L + k)
                for v in range(128 // L):
                    evec = jnp.int32(v * L) + lanes
                    vals = plsc.load_gather(gbuf_v.at[buf], [evec, kvec])
                    slab_v[jt, bt, js, pl.ds(v * L, L)] = vals

        fire(0, 0, sem_a)
        fire(1, 1, sem_b)

        def pipe_body(m, carry):
            d0 = 2 * m
            wait(sem_a)
            extract(d0, 0)

            @pl.when(d0 + 2 < n_dma)
            def _next_a():
                fire(d0 + 2, 0, sem_a)

            wait(sem_b)
            extract(d0 + 1, 1)

            @pl.when(d0 + 3 < n_dma)
            def _next_b():
                fire(d0 + 3, 1, sem_b)

            return carry

        lax.fori_loop(0, n_dma // 2, pipe_body, 0)

        pltpu.async_copy(
            slab_v, out_h.at[:, pl.ds(n_bt * wid, n_bt), :, :], gsem).wait()

    return sc_kernel


def kernel(x, table, hash_coeffs):
    rows, n_chunks, chunk_size = table.shape
    batch = x.shape[0]
    tbl2 = table.reshape(rows, n_chunks * chunk_size)
    pat = lax.bitcast_convert_type(
        jnp.broadcast_to(hash_coeffs[:, None], (n_chunks, L)), jnp.int32)
    out4 = _build(rows, n_chunks, chunk_size, batch)(
        tbl2, x.astype(jnp.int32), pat)
    out2 = out4.transpose(0, 2, 1, 3).reshape(n_chunks * chunk_size, batch)
    return out2.T

# --- scband reference (transcript-rebuilt; emitter-appended) ---
"""Pipeline reference for scband-compositional-embedding-80822694576468 (READ-ONLY COPY).

The authoritative reference and input builder live on the scoring server;
editing this copy changes nothing except your own understanding.
"""

import jax, jax.numpy as jnp
import numpy as np

ROWS = 1000000
N_CHUNKS = 4
CHUNK_SIZE = 16
BATCH = 16384
ID_SPACE = 1000000


def setup_inputs(seed: int = 0) -> dict:
    key = jax.random.key(seed)
    k1, k2 = jax.random.split(key)
    x = jax.random.randint(k1, (BATCH,), 0, ID_SPACE, dtype=jnp.int32)
    dim = N_CHUNKS * CHUNK_SIZE
    bound = float(dim) ** (-0.5)
    table = jax.random.uniform(k2, (ROWS, N_CHUNKS, CHUNK_SIZE), minval=-bound, maxval=bound, dtype=jnp.float32)
    hash_coeffs = jnp.asarray(np.array([2654435761, 805459861, 3674653429, 2097192037], dtype=np.uint32))
    return {"x": x, "table": table, "hash_coeffs": hash_coeffs}


def multi_hash(x, hash_coeffs, rows):
    # MultiHash: one multiplicative universal hash per chunk.
    # uint32 wraparound multiply followed by mod rows -> indices [B, n_chunks]
    xu = x.astype(jnp.uint32)
    h = (xu[:, None] * hash_coeffs[None, :]) % jnp.uint32(rows)
    return h.astype(jnp.int32)


def reference(x, table, hash_coeffs):
    rows, n_chunks, chunk_size = table.shape
    idx = multi_hash(x, hash_coeffs, rows)  # [B, n_chunks]
    chunk_ids = jnp.arange(n_chunks, dtype=jnp.int32)[None, :]  # [1, n_chunks]
    # table[hash(x), range(n_chunks)] -> [B, n_chunks, chunk_size]
    gathered = table[idx, chunk_ids]
    # flatten(1, 2) -> [B, n_chunks * chunk_size]
    return gathered.reshape(x.shape[0], n_chunks * chunk_size)

if __name__ == "__main__":
    import jax
    _d = setup_inputs()
    print(jax.jit(kernel)(*tuple(_d.values())))

</pallas_src>

<mosaic_0001>
#map = affine_map<(d0, d1) -> (0, 0)>
#map1 = affine_map<(d0, d1) -> (0)>
#map2 = affine_map<(d0, d1) -> (0, 0, 0, 0)>
module attributes {stable_mosaic.version = 14 : i64} {
  func.func @sc_kernel(%arg0: i32, %arg1: i32, %arg2: memref<1000000x64xf32, #tpu.memory_space<hbm>>, %arg3: memref<16384xi32, #tpu.memory_space<hbm>>, %arg4: memref<4x16xi32, #tpu.memory_space<hbm>>, %arg5: memref<8x128x8x128xf32, #tpu.memory_space<hbm>>, %arg6: memref<512xi32, #tpu.memory_space<vmem>>, %arg7: memref<4x16xi32, #tpu.memory_space<vmem>>, %arg8: memref<4x512xi32, #tpu.memory_space<vmem>>, %arg9: memref<2x128x64xf32, #tpu.memory_space<vmem>>, %arg10: memref<8x4x8x128xf32, #tpu.memory_space<vmem>>, %arg11: memref<!tpu.dma_semaphore, #tpu.memory_space<semaphore_mem>>, %arg12: memref<!tpu.dma_semaphore, #tpu.memory_space<semaphore_mem>>, %arg13: memref<!tpu.dma_semaphore, #tpu.memory_space<semaphore_mem>>) attributes {dimension_semantics = [#tpu.dimension_semantics<core_parallel>, #tpu.dimension_semantics<subcore_parallel>], iteration_bounds = array<i64: 2, 16>, scalar_prefetch = 0 : i64, scratch_operands = 8 : i64, tpu.core_type = #tpu.core_type<sc_vector_subcore>, window_params = [{transform_indices = #map}, {transform_indices = #map1}, {transform_indices = #map}, {transform_indices = #map2}]} {
    %mul3A = arith.constant 2 : i32
    %mul3A_0 = arith.muli %arg1, %mul3A : i32
    %add3A = arith.addi %mul3A_0, %arg0 : i32
    %mul3A_1 = arith.constant 512 : i32
    %mul3A_2 = arith.muli %add3A, %mul3A_1 : i32
    "tpu.region"() ({
      %run_scoped3A = tpu.sem_alloc : memref<!tpu.dma_semaphore, #tpu.memory_space<semaphore_mem>>
      %dma_start3A_54 = tpu.memref_slice %arg3[%mul3A_2] : memref<16384xi32, #tpu.memory_space<hbm>> -> memref<512xi32, #tpu.memory_space<hbm>>
      %dma_start3A_55 = tpu.memref_slice %arg3[%mul3A_2] : memref<16384xi32, #tpu.memory_space<hbm>> -> memref<512xi32, #tpu.memory_space<hbm>>
      tpu.enqueue_dma source(%dma_start3A_55 : memref<512xi32, #tpu.memory_space<hbm>>) target(%arg6 : memref<512xi32, #tpu.memory_space<vmem>>) target_semaphore(%run_scoped3A : memref<!tpu.dma_semaphore, #tpu.memory_space<semaphore_mem>>)
      %dma_wait3A_56 = tpu.memref_slice %arg3[%mul3A_2] : memref<16384xi32, #tpu.memory_space<hbm>> -> memref<512xi32, #tpu.memory_space<hbm>>
      %dma_wait3A_57 = tpu.memref_slice %arg3[%mul3A_2] : memref<16384xi32, #tpu.memory_space<hbm>> -> memref<512xi32, #tpu.memory_space<hbm>>
      tpu.wait_dma2 semaphore(%run_scoped3A : memref<!tpu.dma_semaphore, #tpu.memory_space<semaphore_mem>>) src(%dma_wait3A_57 : memref<512xi32, #tpu.memory_space<hbm>>) dst(%arg6 : memref<512xi32, #tpu.memory_space<vmem>>)
      tpu.yield
    }) : () -> ()
    "tpu.region"() ({
      %run_scoped3A = tpu.sem_alloc : memref<!tpu.dma_semaphore, #tpu.memory_space<semaphore_mem>>
      tpu.enqueue_dma source(%arg4 : memref<4x16xi32, #tpu.memory_space<hbm>>) target(%arg7 : memref<4x16xi32, #tpu.memory_space<vmem>>) target_semaphore(%run_scoped3A : memref<!tpu.dma_semaphore, #tpu.memory_space<semaphore_mem>>)
      tpu.wait_dma2 semaphore(%run_scoped3A : memref<!tpu.dma_semaphore, #tpu.memory_space<semaphore_mem>>) src(%arg4 : memref<4x16xi32, #tpu.memory_space<hbm>>) dst(%arg7 : memref<4x16xi32, #tpu.memory_space<vmem>>)
      tpu.yield
    }) : () -> ()
    %scan3A = arith.constant 0 : i32
    %scan3A_3 = arith.constant 0 : i32
    %scan3A_4 = arith.constant 32 : i32
    %scan3A_5 = arith.addi %scan3A_3, %scan3A_4 : i32
    %scan3A_6 = arith.constant 1 : i32
    scf.for %scan3A_54 = %scan3A_3 to %scan3A_5 step %scan3A_6  : i32 {
      %mul3A_55 = arith.constant 16 : i32
      %mul3A_56 = arith.muli %scan3A_54, %mul3A_55 : i32
      %get3A = arith.index_cast %mul3A_56 : i32 to index
      %get3A_57 = tpu.vector_load %arg6[%get3A] {strides = array<i32>} : memref<512xi32, #tpu.memory_space<vmem>>, vector<16xi32>,
      %bitcast3A = vector.bitcast %get3A_57 : vector<16xi32> to vector<16xi32>
      %get3A_58 = arith.constant 0 : i32
      %get3A_59 = arith.index_cast %get3A_58 : i32 to index
      %get3A_60 = arith.constant 0 : index
      %get3A_61 = tpu.vector_load %arg7[%get3A_59, %get3A_60] {strides = array<i32>} : memref<4x16xi32, #tpu.memory_space<vmem>>, vector<16xi32>,
      %bitcast3A_62 = vector.bitcast %get3A_61 : vector<16xi32> to vector<16xi32>
      %mul3A_63 = arith.muli %bitcast3A, %bitcast3A_62 : vector<16xi32>
      %jit3A = arith.constant 1000000 : i32
      %eq3A = arith.constant 0 : i32
      %eq3A_64 = arith.cmpi eq, %jit3A, %eq3A : i32
      %jit3A_65 = arith.constant 1 : i32
      %select_n3A = arith.select %eq3A_64, %jit3A_65, %jit3A : i32
      %rem3A = vector.broadcast %select_n3A : i32 to vector<16xi32>
      %rem3A_66 = arith.remui %mul3A_63, %rem3A : vector<16xi32>
      %ne3A = arith.constant 0 : i32
      %ne3A_67 = vector.broadcast %ne3A : i32 to vector<16xi32>
      %ne3A_68 = arith.cmpi ne, %rem3A_66, %ne3A_67 : vector<16xi32>
      %lt3A = arith.constant 0 : i32
      %lt3A_69 = vector.broadcast %lt3A : i32 to vector<16xi32>
      %lt3A_70 = arith.cmpi ult, %rem3A_66, %lt3A_69 : vector<16xi32>
      %lt3A_71 = arith.constant 0 : i32
      %lt3A_72 = arith.cmpi ult, %select_n3A, %lt3A_71 : i32
      %ne3A_73 = vector.broadcast %lt3A_72 : i1 to vector<16xi1>
      %ne3A_74 = vector.broadcast %ne3A_73 : vector<16xi1> to vector<16xi1>
      %ne3A_75 = arith.xori %lt3A_70, %ne3A_74 : vector<16xi1>
      %and3A = arith.andi %ne3A_75, %ne3A_68 : vector<16xi1>
      %add3A_76 = vector.broadcast %select_n3A : i32 to vector<16xi32>
      %add3A_77 = arith.addi %rem3A_66, %add3A_76 : vector<16xi32>
      %select_n3A_78 = arith.select %and3A, %add3A_77, %rem3A_66 : vector<16xi1>, vector<16xi32>
      %bitcast3A_79 = vector.bitcast %select_n3A_78 : vector<16xi32> to vector<16xi32>
      %mul3A_80 = arith.constant 16 : i32
      %mul3A_81 = arith.muli %scan3A_54, %mul3A_80 : i32
      %swap3A = arith.constant 0 : i32
      %swap3A_82 = arith.index_cast %swap3A : i32 to index
      %swap3A_83 = arith.index_cast %mul3A_81 : i32 to index
      %swap3A_84 = tpu.vector_load %arg8[%swap3A_82, %swap3A_83] {strides = array<i32>} : memref<4x512xi32, #tpu.memory_space<vmem>>, vector<16xi32>,
      tpu.vector_store %arg8[%swap3A_82, %swap3A_83], %bitcast3A_79 {strides = array<i32>} : memref<4x512xi32, #tpu.memory_space<vmem>>, vector<16xi32>,
      %get3A_85 = arith.constant 1 : i32
      %get3A_86 = arith.index_cast %get3A_85 : i32 to index
      %get3A_87 = arith.constant 0 : index
      %get3A_88 = tpu.vector_load %arg7[%get3A_86, %get3A_87] {strides = array<i32>} : memref<4x16xi32, #tpu.memory_space<vmem>>, vector<16xi32>,
      %bitcast3A_89 = vector.bitcast %get3A_88 : vector<16xi32> to vector<16xi32>
      %mul3A_90 = arith.muli %bitcast3A, %bitcast3A_89 : vector<16xi32>
      %jit3A_91 = arith.constant 1000000 : i32
      %eq3A_92 = arith.constant 0 : i32
      %eq3A_93 = arith.cmpi eq, %jit3A_91, %eq3A_92 : i32
      %jit3A_94 = arith.constant 1 : i32
      %select_n3A_95 = arith.select %eq3A_93, %jit3A_94, %jit3A_91 : i32
      %rem3A_96 = vector.broadcast %select_n3A_95 : i32 to vector<16xi32>
      %rem3A_97 = arith.remui %mul3A_90, %rem3A_96 : vector<16xi32>
      %ne3A_98 = arith.constant 0 : i32
      %ne3A_99 = vector.broadcast %ne3A_98 : i32 to vector<16xi32>
      %ne3A_100 = arith.cmpi ne, %rem3A_97, %ne3A_99 : vector<16xi32>
      %lt3A_101 = arith.constant 0 : i32
      %lt3A_102 = vector.broadcast %lt3A_101 : i32 to vector<16xi32>
      %lt3A_103 = arith.cmpi ult, %rem3A_97, %lt3A_102 : vector<16xi32>
      %lt3A_104 = arith.constant 0 : i32
      %lt3A_105 = arith.cmpi ult, %select_n3A_95, %lt3A_104 : i32
      %ne3A_106 = vector.broadcast %lt3A_105 : i1 to vector<16xi1>
      %ne3A_107 = vector.broadcast %ne3A_106 : vector<16xi1> to vector<16xi1>
      %ne3A_108 = arith.xori %lt3A_103, %ne3A_107 : vector<16xi1>
      %and3A_109 = arith.andi %ne3A_108, %ne3A_100 : vector<16xi1>
      %add3A_110 = vector.broadcast %select_n3A_95 : i32 to vector<16xi32>
      %add3A_111 = arith.addi %rem3A_97, %add3A_110 : vector<16xi32>
      %select_n3A_112 = arith.select %and3A_109, %add3A_111, %rem3A_97 : vector<16xi1>, vector<16xi32>
      %bitcast3A_113 = vector.bitcast %select_n3A_112 : vector<16xi32> to vector<16xi32>
      %mul3A_114 = arith.constant 16 : i32
      %mul3A_115 = arith.muli %scan3A_54, %mul3A_114 : i32
      %swap3A_116 = arith.constant 1 : i32
      %swap3A_117 = arith.index_cast %swap3A_116 : i32 to index
      %swap3A_118 = arith.index_cast %mul3A_115 : i32 to index
      %swap3A_119 = tpu.vector_load %arg8[%swap3A_117, %swap3A_118] {strides = array<i32>} : memref<4x512xi32, #tpu.memory_space<vmem>>, vector<16xi32>,
      tpu.vector_store %arg8[%swap3A_117, %swap3A_118], %bitcast3A_113 {strides = array<i32>} : memref<4x512xi32, #tpu.memory_space<vmem>>, vector<16xi32>,
      %get3A_120 = arith.constant 2 : i32
      %get3A_121 = arith.index_cast %get3A_120 : i32 to index
      %get3A_122 = arith.constant 0 : index
      %get3A_123 = tpu.vector_load %arg7[%get3A_121, %get3A_122] {strides = array<i32>} : memref<4x16xi32, #tpu.memory_space<vmem>>, vector<16xi32>,
      %bitcast3A_124 = vector.bitcast %get3A_123 : vector<16xi32> to vector<16xi32>
      %mul3A_125 = arith.muli %bitcast3A, %bitcast3A_124 : vector<16xi32>
      %jit3A_126 = arith.constant 1000000 : i32
      %eq3A_127 = arith.constant 0 : i32
      %eq3A_128 = arith.cmpi eq, %jit3A_126, %eq3A_127 : i32
      %jit3A_129 = arith.constant 1 : i32
      %select_n3A_130 = arith.select %eq3A_128, %jit3A_129, %jit3A_126 : i32
      %rem3A_131 = vector.broadcast %select_n3A_130 : i32 to vector<16xi32>
      %rem3A_132 = arith.remui %mul3A_125, %rem3A_131 : vector<16xi32>
      %ne3A_133 = arith.constant 0 : i32
      %ne3A_134 = vector.broadcast %ne3A_133 : i32 to vector<16xi32>
      %ne3A_135 = arith.cmpi ne, %rem3A_132, %ne3A_134 : vector<16xi32>
      %lt3A_136 = arith.constant 0 : i32
      %lt3A_137 = vector.broadcast %lt3A_136 : i32 to vector<16xi32>
      %lt3A_138 = arith.cmpi ult, %rem3A_132, %lt3A_137 : vector<16xi32>
      %lt3A_139 = arith.constant 0 : i32
      %lt3A_140 = arith.cmpi ult, %select_n3A_130, %lt3A_139 : i32
      %ne3A_141 = vector.broadcast %lt3A_140 : i1 to vector<16xi1>
      %ne3A_142 = vector.broadcast %ne3A_141 : vector<16xi1> to vector<16xi1>
      %ne3A_143 = arith.xori %lt3A_138, %ne3A_142 : vector<16xi1>
      %and3A_144 = arith.andi %ne3A_143, %ne3A_135 : vector<16xi1>
      %add3A_145 = vector.broadcast %select_n3A_130 : i32 to vector<16xi32>
      %add3A_146 = arith.addi %rem3A_132, %add3A_145 : vector<16xi32>
      %select_n3A_147 = arith.select %and3A_144, %add3A_146, %rem3A_132 : vector<16xi1>, vector<16xi32>
      %bitcast3A_148 = vector.bitcast %select_n3A_147 : vector<16xi32> to vector<16xi32>
      %mul3A_149 = arith.constant 16 : i32
      %mul3A_150 = arith.muli %scan3A_54, %mul3A_149 : i32
      %swap3A_151 = arith.constant 2 : i32
      %swap3A_152 = arith.index_cast %swap3A_151 : i32 to index
      %swap3A_153 = arith.index_cast %mul3A_150 : i32 to index
      %swap3A_154 = tpu.vector_load %arg8[%swap3A_152, %swap3A_153] {strides = array<i32>} : memref<4x512xi32, #tpu.memory_space<vmem>>, vector<16xi32>,
      tpu.vector_store %arg8[%swap3A_152, %swap3A_153], %bitcast3A_148 {strides = array<i32>} : memref<4x512xi32, #tpu.memory_space<vmem>>, vector<16xi32>,
      %get3A_155 = arith.constant 3 : i32
      %get3A_156 = arith.index_cast %get3A_155 : i32 to index
      %get3A_157 = arith.constant 0 : index
      %get3A_158 = tpu.vector_load %arg7[%get3A_156, %get3A_157] {strides = array<i32>} : memref<4x16xi32, #tpu.memory_space<vmem>>, vector<16xi32>,
      %bitcast3A_159 = vector.bitcast %get3A_158 : vector<16xi32> to vector<16xi32>
      %mul3A_160 = arith.muli %bitcast3A, %bitcast3A_159 : vector<16xi32>
      %jit3A_161 = arith.constant 1000000 : i32
      %eq3A_162 = arith.constant 0 : i32
      %eq3A_163 = arith.cmpi eq, %jit3A_161, %eq3A_162 : i32
      %jit3A_164 = arith.constant 1 : i32
      %select_n3A_165 = arith.select %eq3A_163, %jit3A_164, %jit3A_161 : i32
      %rem3A_166 = vector.broadcast %select_n3A_165 : i32 to vector<16xi32>
      %rem3A_167 = arith.remui %mul3A_160, %rem3A_166 : vector<16xi32>
      %ne3A_168 = arith.constant 0 : i32
      %ne3A_169 = vector.broadcast %ne3A_168 : i32 to vector<16xi32>
      %ne3A_170 = arith.cmpi ne, %rem3A_167, %ne3A_169 : vector<16xi32>
      %lt3A_171 = arith.constant 0 : i32
      %lt3A_172 = vector.broadcast %lt3A_171 : i32 to vector<16xi32>
      %lt3A_173 = arith.cmpi ult, %rem3A_167, %lt3A_172 : vector<16xi32>
      %lt3A_174 = arith.constant 0 : i32
      %lt3A_175 = arith.cmpi ult, %select_n3A_165, %lt3A_174 : i32
      %ne3A_176 = vector.broadcast %lt3A_175 : i1 to vector<16xi1>
      %ne3A_177 = vector.broadcast %ne3A_176 : vector<16xi1> to vector<16xi1>
      %ne3A_178 = arith.xori %lt3A_173, %ne3A_177 : vector<16xi1>
      %and3A_179 = arith.andi %ne3A_178, %ne3A_170 : vector<16xi1>
      %add3A_180 = vector.broadcast %select_n3A_165 : i32 to vector<16xi32>
      %add3A_181 = arith.addi %rem3A_167, %add3A_180 : vector<16xi32>
      %select_n3A_182 = arith.select %and3A_179, %add3A_181, %rem3A_167 : vector<16xi1>, vector<16xi32>
      %bitcast3A_183 = vector.bitcast %select_n3A_182 : vector<16xi32> to vector<16xi32>
      %mul3A_184 = arith.constant 16 : i32
      %mul3A_185 = arith.muli %scan3A_54, %mul3A_184 : i32
      %swap3A_186 = arith.constant 3 : i32
      %swap3A_187 = arith.index_cast %swap3A_186 : i32 to index
      %swap3A_188 = arith.index_cast %mul3A_185 : i32 to index
      %swap3A_189 = tpu.vector_load %arg8[%swap3A_187, %swap3A_188] {strides = array<i32>} : memref<4x512xi32, #tpu.memory_space<vmem>>, vector<16xi32>,
      tpu.vector_store %arg8[%swap3A_187, %swap3A_188], %bitcast3A_183 {strides = array<i32>} : memref<4x512xi32, #tpu.memory_space<vmem>>, vector<16xi32>,
    }
    %scan3A_7 = arith.constant 32 : i32
    %iota3A = tpu.iota {dimensions = array<i32: 0>} : vector<16xi32>
    %dma_start3A = arith.constant 0 : i32
    %dma_start3A_8 = arith.constant 0 : i32
    %dma_start3A_9 = arith.constant 0 : i32
    %dma_start3A_10 = arith.constant 0 : i32
    %dma_start3A_11 = tpu.memref_slice %arg9[%dma_start3A_8, %dma_start3A_9, %dma_start3A_10] : memref<2x128x64xf32, #tpu.memory_space<vmem>> -> memref<1x128x64xf32, #tpu.memory_space<vmem>>
    %dma_start3A_12 = tpu.memref_squeeze %dma_start3A_11 : memref<1x128x64xf32, #tpu.memory_space<vmem>> -> memref<128x64xf32, #tpu.memory_space<vmem>>
    %dma_start3A_13 = arith.constant 0 : i32
    %dma_start3A_14 = tpu.memref_slice %arg8[%dma_start3A, %dma_start3A_13] : memref<4x512xi32, #tpu.memory_space<vmem>> -> memref<1x128xi32, #tpu.memory_space<vmem>>
    %dma_start3A_15 = tpu.memref_squeeze %dma_start3A_14 : memref<1x128xi32, #tpu.memory_space<vmem>> -> memref<128xi32, #tpu.memory_space<vmem>>
    %dma_start3A_16 = arith.constant 0 : i32
    %dma_start3A_17 = arith.constant 0 : i32
    %dma_start3A_18 = tpu.memref_slice %arg2[%dma_start3A_16, %dma_start3A_17] : memref<1000000x64xf32, #tpu.memory_space<hbm>> -> memref<1000000x64xf32, #tpu.memory_space<hbm>>
    tpu.enqueue_indirect_dma source(%dma_start3A_18 : memref<1000000x64xf32, #tpu.memory_space<hbm>>) target(%dma_start3A_12 : memref<128x64xf32, #tpu.memory_space<vmem>>) offsets(%dma_start3A_15 : memref<128xi32, #tpu.memory_space<vmem>>) semaphore(%arg11 : memref<!tpu.dma_semaphore, #tpu.memory_space<semaphore_mem>>)
    %dma_start3A_19 = arith.constant 0 : i32
    %dma_start3A_20 = arith.constant 1 : i32
    %dma_start3A_21 = arith.constant 0 : i32
    %dma_start3A_22 = arith.constant 0 : i32
    %dma_start3A_23 = tpu.memref_slice %arg9[%dma_start3A_20, %dma_start3A_21, %dma_start3A_22] : memref<2x128x64xf32, #tpu.memory_space<vmem>> -> memref<1x128x64xf32, #tpu.memory_space<vmem>>
    %dma_start3A_24 = tpu.memref_squeeze %dma_start3A_23 : memref<1x128x64xf32, #tpu.memory_space<vmem>> -> memref<128x64xf32, #tpu.memory_space<vmem>>
    %dma_start3A_25 = arith.constant 128 : i32
    %dma_start3A_26 = tpu.memref_slice %arg8[%dma_start3A_19, %dma_start3A_25] : memref<4x512xi32, #tpu.memory_space<vmem>> -> memref<1x128xi32, #tpu.memory_space<vmem>>
    %dma_start3A_27 = tpu.memref_squeeze %dma_start3A_26 : memref<1x128xi32, #tpu.memory_space<vmem>> -> memref<128xi32, #tpu.memory_space<vmem>>
    %dma_start3A_28 = arith.constant 0 : i32
    %dma_start3A_29 = arith.constant 0 : i32
    %dma_start3A_30 = tpu.memref_slice %arg2[%dma_start3A_28, %dma_start3A_29] : memref<1000000x64xf32, #tpu.memory_space<hbm>> -> memref<1000000x64xf32, #tpu.memory_space<hbm>>
    tpu.enqueue_indirect_dma source(%dma_start3A_30 : memref<1000000x64xf32, #tpu.memory_space<hbm>>) target(%dma_start3A_24 : memref<128x64xf32, #tpu.memory_space<vmem>>) offsets(%dma_start3A_27 : memref<128xi32, #tpu.memory_space<vmem>>) semaphore(%arg12 : memref<!tpu.dma_semaphore, #tpu.memory_space<semaphore_mem>>)
    %scan3A_31 = arith.constant 0 : i32
    %scan3A_32 = arith.constant 0 : i32
    %scan3A_33 = arith.constant 8 : i32
    %scan3A_34 = arith.addi %scan3A_32, %scan3A_33 : i32
    %scan3A_35 = arith.constant 1 : i32
    scf.for %scan3A_54 = %scan3A_32 to %scan3A_34 step %scan3A_35  : i32 {
      %mul3A_55 = arith.constant 2 : i32
      %mul3A_56 = arith.muli %mul3A_55, %scan3A_54 : i32
      %dma_wait3A_57 = arith.constant 0 : i32
      %dma_wait3A_58 = arith.constant 0 : i32
      %dma_wait3A_59 = arith.constant 0 : i32
      %dma_wait3A_60 = tpu.memref_slice %arg9[%dma_wait3A_57, %dma_wait3A_58, %dma_wait3A_59] : memref<2x128x64xf32, #tpu.memory_space<vmem>> -> memref<1x128x64xf32, #tpu.memory_space<vmem>>
      %dma_wait3A_61 = tpu.memref_squeeze %dma_wait3A_60 : memref<1x128x64xf32, #tpu.memory_space<vmem>> -> memref<128x64xf32, #tpu.memory_space<vmem>>
      %dma_wait3A_62 = arith.constant 0 : i32
      %dma_wait3A_63 = arith.constant 0 : i32
      %dma_wait3A_64 = tpu.memref_slice %arg2[%dma_wait3A_62, %dma_wait3A_63] : memref<1000000x64xf32, #tpu.memory_space<hbm>> -> memref<128x64xf32, #tpu.memory_space<hbm>>
      %dma_wait3A_65 = arith.constant 0 : i32
      %dma_wait3A_66 = arith.constant 0 : i32
      %dma_wait3A_67 = tpu.memref_slice %arg9[%dma_wait3A_57, %dma_wait3A_65, %dma_wait3A_66] : memref<2x128x64xf32, #tpu.memory_space<vmem>> -> memref<1x128x64xf32, #tpu.memory_space<vmem>>
      %dma_wait3A_68 = tpu.memref_squeeze %dma_wait3A_67 : memref<1x128x64xf32, #tpu.memory_space<vmem>> -> memref<128x64xf32, #tpu.memory_space<vmem>>
      %dma_wait3A_69 = arith.constant 0 : i32
      %dma_wait3A_70 = arith.constant 0 : i32
      %dma_wait3A_71 = tpu.memref_slice %arg2[%dma_wait3A_69, %dma_wait3A_70] : memref<1000000x64xf32, #tpu.memory_space<hbm>> -> memref<128x64xf32, #tpu.memory_space<hbm>>
      tpu.wait_dma2 semaphore(%arg11 : memref<!tpu.dma_semaphore, #tpu.memory_space<semaphore_mem>>) src(%dma_wait3A_71 : memref<128x64xf32, #tpu.memory_space<hbm>>) dst(%dma_wait3A_68 : memref<128x64xf32, #tpu.memory_space<vmem>>)
      %jit3A = arith.constant 4 : i32
      %div3A = arith.divsi %mul3A_56, %jit3A : i32
      %sign3A = arith.constant 0 : i32
      %sign3A_72 = arith.cmpi sgt, %mul3A_56, %sign3A : i32
      %sign3A_73 = arith.extui %sign3A_72 : i1 to i32
      %sign3A_74 = arith.constant 0 : i32
      %sign3A_75 = arith.cmpi slt, %mul3A_56, %sign3A_74 : i32
      %sign3A_76 = arith.extui %sign3A_75 : i1 to i32
      %sign3A_77 = arith.subi %sign3A_73, %sign3A_76 : i32
      %sign3A_78 = arith.constant 0 : i32
      %sign3A_79 = arith.cmpi sgt, %jit3A, %sign3A_78 : i32
      %sign3A_80 = arith.extui %sign3A_79 : i1 to i32
      %sign3A_81 = arith.constant 0 : i32
      %sign3A_82 = arith.cmpi slt, %jit3A, %sign3A_81 : i32
      %sign3A_83 = arith.extui %sign3A_82 : i1 to i32
      %sign3A_84 = arith.subi %sign3A_80, %sign3A_83 : i32
      %ne3A = arith.cmpi ne, %sign3A_77, %sign3A_84 : i32
      %rem3A = arith.remsi %mul3A_56, %jit3A : i32
      %ne3A_85 = arith.constant 0 : i32
      %ne3A_86 = arith.cmpi ne, %rem3A, %ne3A_85 : i32
      %and3A = arith.andi %ne3A, %ne3A_86 : i1
      %sub3A = arith.constant 1 : i32
      %sub3A_87 = arith.subi %div3A, %sub3A : i32
      %select_n3A = arith.select %and3A, %sub3A_87, %div3A : i32
      %jit3A_88 = arith.constant 4 : i32
      %eq3A = arith.constant 0 : i32
      %eq3A_89 = arith.cmpi eq, %jit3A_88, %eq3A : i32
      %jit3A_90 = arith.constant 1 : i32
      %select_n3A_91 = arith.select %eq3A_89, %jit3A_90, %jit3A_88 : i32
      %rem3A_92 = arith.remsi %mul3A_56, %select_n3A_91 : i32
      %ne3A_93 = arith.constant 0 : i32
      %ne3A_94 = arith.cmpi ne, %rem3A_92, %ne3A_93 : i32
      %lt3A = arith.constant 0 : i32
      %lt3A_95 = arith.cmpi slt, %rem3A_92, %lt3A : i32
      %lt3A_96 = arith.constant 0 : i32
      %lt3A_97 = arith.cmpi slt, %select_n3A_91, %lt3A_96 : i32
      %ne3A_98 = arith.xori %lt3A_95, %lt3A_97 : i1
      %and3A_99 = arith.andi %ne3A_98, %ne3A_94 : i1
      %add3A_100 = arith.addi %rem3A_92, %select_n3A_91 : i32
      %select_n3A_101 = arith.select %and3A_99, %add3A_100, %rem3A_92 : i32
      %mul3A_102 = arith.constant 2 : i32
      %mul3A_103 = arith.muli %mul3A_102, %select_n3A : i32
      %add3A_104 = arith.constant 0 : i32
      %add3A_105 = arith.addi %mul3A_103, %add3A_104 : i32
      %mul3A_106 = arith.constant 0 : i32
      %mul3A_107 = vector.broadcast %mul3A_106 : i32 to vector<16xi32>
      %mul3A_108 = arith.muli %iota3A, %mul3A_107 : vector<16xi32>
      %mul3A_109 = arith.constant 16 : i32
      %mul3A_110 = arith.muli %select_n3A, %mul3A_109 : i32
      %add3A_111 = arith.constant 0 : i32
      %add3A_112 = arith.addi %mul3A_110, %add3A_111 : i32
      %add3A_113 = vector.broadcast %add3A_112 : i32 to vector<16xi32>
      %add3A_114 = arith.addi %mul3A_108, %add3A_113 : vector<16xi32>
      %add3A_115 = arith.constant 0 : i32
      %add3A_116 = vector.broadcast %add3A_115 : i32 to vector<16xi32>
      %add3A_117 = arith.addi %add3A_116, %iota3A : vector<16xi32>
      %gather3A = arith.constant 0 : i32
      %gather3A_118 = arith.constant 0 : i32
      %gather3A_119 = arith.constant 0 : i32
      %gather3A_120 = tpu.memref_slice %arg9[%gather3A, %gather3A_118, %gather3A_119] : memref<2x128x64xf32, #tpu.memory_space<vmem>> -> memref<1x128x64xf32, #tpu.memory_space<vmem>>
      %gather3A_121 = tpu.memref_squeeze %gather3A_120 : memref<1x128x64xf32, #tpu.memory_space<vmem>> -> memref<128x64xf32, #tpu.memory_space<vmem>>
      %gather3A_122 = tpu.vector_load_idx %gather3A_121[%add3A_117, %add3A_114] : memref<128x64xf32, #tpu.memory_space<vmem>>[vector<16xi32>, vector<16xi32>], vector<16xf32>,
      %swap3A = arith.constant 0 : i32
      %swap3A_123 = arith.index_cast %add3A_105 : i32 to index
      %swap3A_124 = arith.index_cast %select_n3A_101 : i32 to index
      %swap3A_125 = arith.index_cast %swap3A : i32 to index
      %swap3A_126 = arith.constant 0 : index
      %swap3A_127 = tpu.vector_load %arg10[%swap3A_123, %swap3A_124, %swap3A_125, %swap3A_126] {strides = array<i32>} : memref<8x4x8x128xf32, #tpu.memory_space<vmem>>, vector<16xf32>,
      tpu.vector_store %arg10[%swap3A_123, %swap3A_124, %swap3A_125, %swap3A_126], %gather3A_122 {strides = array<i32>} : memref<8x4x8x128xf32, #tpu.memory_space<vmem>>, vector<16xf32>,
      %add3A_128 = arith.constant 16 : i32
      %add3A_129 = vector.broadcast %add3A_128 : i32 to vector<16xi32>
      %add3A_130 = arith.addi %add3A_129, %iota3A : vector<16xi32>
      %gather3A_131 = arith.constant 0 : i32
      %gather3A_132 = arith.constant 0 : i32
      %gather3A_133 = arith.constant 0 : i32
      %gather3A_134 = tpu.memref_slice %arg9[%gather3A_131, %gather3A_132, %gather3A_133] : memref<2x128x64xf32, #tpu.memory_space<vmem>> -> memref<1x128x64xf32, #tpu.memory_space<vmem>>
      %gather3A_135 = tpu.memref_squeeze %gather3A_134 : memref<1x128x64xf32, #tpu.memory_space<vmem>> -> memref<128x64xf32, #tpu.memory_space<vmem>>
      %gather3A_136 = tpu.vector_load_idx %gather3A_135[%add3A_130, %add3A_114] : memref<128x64xf32, #tpu.memory_space<vmem>>[vector<16xi32>, vector<16xi32>], vector<16xf32>,
      %swap3A_137 = arith.constant 0 : i32
      %swap3A_138 = arith.index_cast %add3A_105 : i32 to index
      %swap3A_139 = arith.index_cast %select_n3A_101 : i32 to index
      %swap3A_140 = arith.index_cast %swap3A_137 : i32 to index
      %swap3A_141 = arith.constant 16 : index
      %swap3A_142 = tpu.vector_load %arg10[%swap3A_138, %swap3A_139, %swap3A_140, %swap3A_141] {strides = array<i32>} : memref<8x4x8x128xf32, #tpu.memory_space<vmem>>, vector<16xf32>,
      tpu.vector_store %arg10[%swap3A_138, %swap3A_139, %swap3A_140, %swap3A_141], %gather3A_136 {strides = array<i32>} : memref<8x4x8x128xf32, #tpu.memory_space<vmem>>, vector<16xf32>,
      %add3A_143 = arith.constant 32 : i32
      %add3A_144 = vector.broadcast %add3A_143 : i32 to vector<16xi32>
      %add3A_145 = arith.addi %add3A_144, %iota3A : vector<16xi32>
      %gather3A_146 = arith.constant 0 : i32
      %gather3A_147 = arith.constant 0 : i32
      %gather3A_148 = arith.constant 0 : i32
      %gather3A_149 = tpu.memref_slice %arg9[%gather3A_146, %gather3A_147, %gather3A_148] : memref<2x128x64xf32, #tpu.memory_space<vmem>> -> memref<1x128x64xf32, #tpu.memory_space<vmem>>
      %gather3A_150 = tpu.memref_squeeze %gather3A_149 : memref<1x128x64xf32, #tpu.memory_space<vmem>> -> memref<128x64xf32, #tpu.memory_space<vmem>>
      %gather3A_151 = tpu.vector_load_idx %gather3A_150[%add3A_145, %add3A_114] : memref<128x64xf32, #tpu.memory_space<vmem>>[vector<16xi32>, vector<16xi32>], vector<16xf32>,
      %swap3A_152 = arith.constant 0 : i32
      %swap3A_153 = arith.index_cast %add3A_105 : i32 to index
      %swap3A_154 = arith.index_cast %select_n3A_101 : i32 to index
      %swap3A_155 = arith.index_cast %swap3A_152 : i32 to index
      %swap3A_156 = arith.constant 32 : index
      %swap3A_157 = tpu.vector_load %arg10[%swap3A_153, %swap3A_154, %swap3A_155, %swap3A_156] {strides = array<i32>} : memref<8x4x8x128xf32, #tpu.memory_space<vmem>>, vector<16xf32>,
      tpu.vector_store %arg10[%swap3A_153, %swap3A_154, %swap3A_155, %swap3A_156], %gather3A_151 {strides = array<i32>} : memref<8x4x8x128xf32, #tpu.memory_space<vmem>>, vector<16xf32>,
      %add3A_158 = arith.constant 48 : i32
      %add3A_159 = vector.broadcast %add3A_158 : i32 to vector<16xi32>
      %add3A_160 = arith.addi %add3A_159, %iota3A : vector<16xi32>
      %gather3A_161 = arith.constant 0 : i32
      %gather3A_162 = arith.constant 0 : i32
      %gather3A_163 = arith.constant 0 : i32
      %gather3A_164 = tpu.memref_slice %arg9[%gather3A_161, %gather3A_162, %gather3A_163] : memref<2x128x64xf32, #tpu.memory_space<vmem>> -> memref<1x128x64xf32, #tpu.memory_space<vmem>>
      %gather3A_165 = tpu.memref_squeeze %gather3A_164 : memref<1x128x64xf32, #tpu.memory_space<vmem>> -> memref<128x64xf32, #tpu.memory_space<vmem>>
      %gather3A_166 = tpu.vector_load_idx %gather3A_165[%add3A_160, %add3A_114] : memref<128x64xf32, #tpu.memory_space<vmem>>[vector<16xi32>, vector<16xi32>], vector<16xf32>,
      %swap3A_167 = arith.constant 0 : i32
      %swap3A_168 = arith.index_cast %add3A_105 : i32 to index
      %swap3A_169 = arith.index_cast %select_n3A_101 : i32 to index
      %swap3A_170 = arith.index_cast %swap3A_167 : i32 to index
      %swap3A_171 = arith.constant 48 : index
      %swap3A_172 = tpu.vector_load %arg10[%swap3A_168, %swap3A_169, %swap3A_170, %swap3A_171] {strides = array<i32>} : memref<8x4x8x128xf32, #tpu.memory_space<vmem>>, vector<16xf32>,
      tpu.vector_store %arg10[%swap3A_168, %swap3A_169, %swap3A_170, %swap3A_171], %gather3A_166 {strides = array<i32>} : memref<8x4x8x128xf32, #tpu.memory_space<vmem>>, vector<16xf32>,
      %add3A_173 = arith.constant 64 : i32
      %add3A_174 = vector.broadcast %add3A_173 : i32 to vector<16xi32>
      %add3A_175 = arith.addi %add3A_174, %iota3A : vector<16xi32>
      %gather3A_176 = arith.constant 0 : i32
      %gather3A_177 = arith.constant 0 : i32
      %gather3A_178 = arith.constant 0 : i32
      %gather3A_179 = tpu.memref_slice %arg9[%gather3A_176, %gather3A_177, %gather3A_178] : memref<2x128x64xf32, #tpu.memory_space<vmem>> -> memref<1x128x64xf32, #tpu.memory_space<vmem>>
      %gather3A_180 = tpu.memref_squeeze %gather3A_179 : memref<1x128x64xf32, #tpu.memory_space<vmem>> -> memref<128x64xf32, #tpu.memory_space<vmem>>
      %gather3A_181 = tpu.vector_load_idx %gather3A_180[%add3A_175, %add3A_114] : memref<128x64xf32, #tpu.memory_space<vmem>>[vector<16xi32>, vector<16xi32>], vector<16xf32>,
      %swap3A_182 = arith.constant 0 : i32
      %swap3A_183 = arith.index_cast %add3A_105 : i32 to index
      %swap3A_184 = arith.index_cast %select_n3A_101 : i32 to index
      %swap3A_185 = arith.index_cast %swap3A_182 : i32 to index
      %swap3A_186 = arith.constant 64 : index
      %swap3A_187 = tpu.vector_load %arg10[%swap3A_183, %swap3A_184, %swap3A_185, %swap3A_186] {strides = array<i32>} : memref<8x4x8x128xf32, #tpu.memory_space<vmem>>, vector<16xf32>,
      tpu.vector_store %arg10[%swap3A_183, %swap3A_184, %swap3A_185, %swap3A_186], %gather3A_181 {strides = array<i32>} : memref<8x4x8x128xf32, #tpu.memory_space<vmem>>, vector<16xf32>,
      %add3A_188 = arith.constant 80 : i32
      %add3A_189 = vector.broadcast %add3A_188 : i32 to vector<16xi32>
      %add3A_190 = arith.addi %add3A_189, %iota3A : vector<16xi32>
      %gather3A_191 = arith.constant 0 : i32
      %gather3A_192 = arith.constant 0 : i32
      %gather3A_193 = arith.constant 0 : i32
      %gather3A_194 = tpu.memref_slice %arg9[%gather3A_191, %gather3A_192, %gather3A_193] : memref<2x128x64xf32, #tpu.memory_space<vmem>> -> memref<1x128x64xf32, #tpu.memory_space<vmem>>
      %gather3A_195 = tpu.memref_squeeze %gather3A_194 : memref<1x128x64xf32, #tpu.memory_space<vmem>> -> memref<128x64xf32, #tpu.memory_space<vmem>>
      %gather3A_196 = tpu.vector_load_idx %gather3A_195[%add3A_190, %add3A_114] : memref<128x64xf32, #tpu.memory_space<vmem>>[vector<16xi32>, vector<16xi32>], vector<16xf32>,
      %swap3A_197 = arith.constant 0 : i32
      %swap3A_198 = arith.index_cast %add3A_105 : i32 to index
      %swap3A_199 = arith.index_cast %select_n3A_101 : i32 to index
      %swap3A_200 = arith.index_cast %swap3A_197 : i32 to index
      %swap3A_201 = arith.constant 80 : index
      %swap3A_202 = tpu.vector_load %arg10[%swap3A_198, %swap3A_199, %swap3A_200, %swap3A_201] {strides = array<i32>} : memref<8x4x8x128xf32, #tpu.memory_space<vmem>>, vector<16xf32>,
      tpu.vector_store %arg10[%swap3A_198, %swap3A_199, %swap3A_200, %swap3A_201], %gather3A_196 {strides = array<i32>} : memref<8x4x8x128xf32, #tpu.memory_space<vmem>>, vector<16xf32>,
      %add3A_203 = arith.constant 96 : i32
      %add3A_204 = vector.broadcast %add3A_203 : i32 to vector<16xi32>
      %add3A_205 = arith.addi %add3A_204, %iota3A : vector<16xi32>
      %gather3A_206 = arith.constant 0 : i32
      %gather3A_207 = arith.constant 0 : i32
      %gather3A_208 = arith.constant 0 : i32
      %gather3A_209 = tpu.memref_slice %arg9[%gather3A_206, %gather3A_207, %gather3A_208] : memref<2x128x64xf32, #tpu.memory_space<vmem>> -> memref<1x128x64xf32, #tpu.memory_space<vmem>>
      %gather3A_210 = tpu.memref_squeeze %gather3A_209 : memref<1x128x64xf32, #tpu.memory_space<vmem>> -> memref<128x64xf32, #tpu.memory_space<vmem>>
      %gather3A_211 = tpu.vector_load_idx %gather3A_210[%add3A_205, %add3A_114] : memref<128x64xf32, #tpu.memory_space<vmem>>[vector<16xi32>, vector<16xi32>], vector<16xf32>,
      %swap3A_212 = arith.constant 0 : i32
      %swap3A_213 = arith.index_cast %add3A_105 : i32 to index
      %swap3A_214 = arith.index_cast %select_n3A_101 : i32 to index
      %swap3A_215 = arith.index_cast %swap3A_212 : i32 to index
      %swap3A_216 = arith.constant 96 : index
      %swap3A_217 = tpu.vector_load %arg10[%swap3A_213, %swap3A_214, %swap3A_215, %swap3A_216] {strides = array<i32>} : memref<8x4x8x128xf32, #tpu.memory_space<vmem>>, vector<16xf32>,
      tpu.vector_store %arg10[%swap3A_213, %swap3A_214, %swap3A_215, %swap3A_216], %gather3A_211 {strides = array<i32>} : memref<8x4x8x128xf32, #tpu.memory_space<vmem>>, vector<16xf32>,
      %add3A_218 = arith.constant 112 : i32
      %add3A_219 = vector.broadcast %add3A_218 : i32 to vector<16xi32>
      %add3A_220 = arith.addi %add3A_219, %iota3A : vector<16xi32>
      %gather3A_221 = arith.constant 0 : i32
      %gather3A_222 = arith.constant 0 : i32
      %gather3A_223 = arith.constant 0 : i32
      %gather3A_224 = tpu.memref_slice %arg9[%gather3A_221, %gather3A_222, %gather3A_223] : memref<2x128x64xf32, #tpu.memory_space<vmem>> -> memref<1x128x64xf32, #tpu.memory_space<vmem>>
      %gather3A_225 = tpu.memref_squeeze %gather3A_224 : memref<1x128x64xf32, #tpu.memory_space<vmem>> -> memref<128x64xf32, #tpu.memory_space<vmem>>
      %gather3A_226 = tpu.vector_load_idx %gather3A_225[%add3A_220, %add3A_114] : memref<128x64xf32, #tpu.memory_space<vmem>>[vector<16xi32>, vector<16xi32>], vector<16xf32>,
      %swap3A_227 = arith.constant 0 : i32
      %swap3A_228 = arith.index_cast %add3A_105 : i32 to index
      %swap3A_229 = arith.index_cast %select_n3A_101 : i32 to index
      %swap3A_230 = arith.index_cast %swap3A_227 : i32 to index
      %swap3A_231 = arith.constant 112 : index
      %swap3A_232 = tpu.vector_load %arg10[%swap3A_228, %swap3A_229, %swap3A_230, %swap3A_231] {strides = array<i32>} : memref<8x4x8x128xf32, #tpu.memory_space<vmem>>, vector<16xf32>,
      tpu.vector_store %arg10[%swap3A_228, %swap3A_229, %swap3A_230, %swap3A_231], %gather3A_226 {strides = array<i32>} : memref<8x4x8x128xf32, #tpu.memory_space<vmem>>, vector<16xf32>,
      %mul3A_233 = arith.constant 2 : i32
      %mul3A_234 = arith.muli %mul3A_233, %select_n3A : i32
      %add3A_235 = arith.constant 0 : i32
      %add3A_236 = arith.addi %mul3A_234, %add3A_235 : i32
      %mul3A_237 = arith.constant 0 : i32
      %mul3A_238 = vector.broadcast %mul3A_237 : i32 to vector<16xi32>
      %mul3A_239 = arith.muli %iota3A, %mul3A_238 : vector<16xi32>
      %mul3A_240 = arith.constant 16 : i32
      %mul3A_241 = arith.muli %select_n3A, %mul3A_240 : i32
      %add3A_242 = arith.constant 1 : i32
      %add3A_243 = arith.addi %mul3A_241, %add3A_242 : i32
      %add3A_244 = vector.broadcast %add3A_243 : i32 to vector<16xi32>
      %add3A_245 = arith.addi %mul3A_239, %add3A_244 : vector<16xi32>
      %add3A_246 = arith.constant 0 : i32
      %add3A_247 = vector.broadcast %add3A_246 : i32 to vector<16xi32>
      %add3A_248 = arith.addi %add3A_247, %iota3A : vector<16xi32>
      %gather3A_249 = arith.constant 0 : i32
      %gather3A_250 = arith.constant 0 : i32
      %gather3A_251 = arith.constant 0 : i32
      %gather3A_252 = tpu.memref_slice %arg9[%gather3A_249, %gather3A_250, %gather3A_251] : memref<2x128x64xf32, #tpu.memory_space<vmem>> -> memref<1x128x64xf32, #tpu.memory_space<vmem>>
      %gather3A_253 = tpu.memref_squeeze %gather3A_252 : memref<1x128x64xf32, #tpu.memory_space<vmem>> -> memref<128x64xf32, #tpu.memory_space<vmem>>
      %gather3A_254 = tpu.vector_load_idx %gather3A_253[%add3A_248, %add3A_245] : memref<128x64xf32, #tpu.memory_space<vmem>>[vector<16xi32>, vector<16xi32>], vector<16xf32>,
      %swap3A_255 = arith.constant 1 : i32
      %swap3A_256 = arith.index_cast %add3A_236 : i32 to index
      %swap3A_257 = arith.index_cast %select_n3A_101 : i32 to index
      %swap3A_258 = arith.index_cast %swap3A_255 : i32 to index
      %swap3A_259 = arith.constant 0 : index
      %swap3A_260 = tpu.vector_load %arg10[%swap3A_256, %swap3A_257, %swap3A_258, %swap3A_259] {strides = array<i32>} : memref<8x4x8x128xf32, #tpu.memory_space<vmem>>, vector<16xf32>,
      tpu.vector_store %arg10[%swap3A_256, %swap3A_257, %swap3A_258, %swap3A_259], %gather3A_254 {strides = array<i32>} : memref<8x4x8x128xf32, #tpu.memory_space<vmem>>, vector<16xf32>,
      %add3A_261 = arith.constant 16 : i32
      %add3A_262 = vector.broadcast %add3A_261 : i32 to vector<16xi32>
      %add3A_263 = arith.addi %add3A_262, %iota3A : vector<16xi32>
      %gather3A_264 = arith.constant 0 : i32
      %gather3A_265 = arith.constant 0 : i32
      %gather3A_266 = arith.constant 0 : i32
      %gather3A_267 = tpu.memref_slice %arg9[%gather3A_264, %gather3A_265, %gather3A_266] : memref<2x128x64xf32, #tpu.memory_space<vmem>> -> memref<1x128x64xf32, #tpu.memory_space<vmem>>
      %gather3A_268 = tpu.memref_squeeze %gather3A_267 : memref<1x128x64xf32, #tpu.memory_space<vmem>> -> memref<128x64xf32, #tpu.memory_space<vmem>>
      %gather3A_269 = tpu.vector_load_idx %gather3A_268[%add3A_263, %add3A_245] : memref<128x64xf32, #tpu.memory_space<vmem>>[vector<16xi32>, vector<16xi32>], vector<16xf32>,
      %swap3A_270 = arith.constant 1 : i32
      %swap3A_271 = arith.index_cast %add3A_236 : i32 to index
      %swap3A_272 = arith.index_cast %select_n3A_101 : i32 to index
      %swap3A_273 = arith.index_cast %swap3A_270 : i32 to index
      %swap3A_274 = arith.constant 16 : index
      %swap3A_275 = tpu.vector_load %arg10[%swap3A_271, %swap3A_272, %swap3A_273, %swap3A_274] {strides = array<i32>} : memref<8x4x8x128xf32, #tpu.memory_space<vmem>>, vector<16xf32>,
      tpu.vector_store %arg10[%swap3A_271, %swap3A_272, %swap3A_273, %swap3A_274], %gather3A_269 {strides = array<i32>} : memref<8x4x8x128xf32, #tpu.memory_space<vmem>>, vector<16xf32>,
      %add3A_276 = arith.constant 32 : i32
      %add3A_277 = vector.broadcast %add3A_276 : i32 to vector<16xi32>
      %add3A_278 = arith.addi %add3A_277, %iota3A : vector<16xi32>
      %gather3A_279 = arith.constant 0 : i32
      %gather3A_280 = arith.constant 0 : i32
      %gather3A_281 = arith.constant 0 : i32
      %gather3A_282 = tpu.memref_slice %arg9[%gather3A_279, %gather3A_280, %gather3A_281] : memref<2x128x64xf32, #tpu.memory_space<vmem>> -> memref<1x128x64xf32, #tpu.memory_space<vmem>>
      %gather3A_283 = tpu.memref_squeeze %gather3A_282 : memref<1x128x64xf32, #tpu.memory_space<vmem>> -> memref<128x64xf32, #tpu.memory_space<vmem>>
      %gather3A_284 = tpu.vector_load_idx %gather3A_283[%add3A_278, %add3A_245] : memref<128x64xf32, #tpu.memory_space<vmem>>[vector<16xi32>, vector<16xi32>], vector<16xf32>,
      %swap3A_285 = arith.constant 1 : i32
      %swap3A_286 = arith.index_cast %add3A_236 : i32 to index
      %swap3A_287 = arith.index_cast %select_n3A_101 : i32 to index
      %swap3A_288 = arith.index_cast %swap3A_285 : i32 to index
      %swap3A_289 = arith.constant 32 : index
      %swap3A_290 = tpu.vector_load %arg10[%swap3A_286, %swap3A_287, %swap3A_288, %swap3A_289] {strides = array<i32>} : memref<8x4x8x128xf32, #tpu.memory_space<vmem>>, vector<16xf32>,
      tpu.vector_store %arg10[%swap3A_286, %swap3A_287, %swap3A_288, %swap3A_289], %gather3A_284 {strides = array<i32>} : memref<8x4x8x128xf32, #tpu.memory_space<vmem>>, vector<16xf32>,
      %add3A_291 = arith.constant 48 : i32
      %add3A_292 = vector.broadcast %add3A_291 : i32 to vector<16xi32>
      %add3A_293 = arith.addi %add3A_292, %iota3A : vector<16xi32>
      %gather3A_294 = arith.constant 0 : i32
      %gather3A_295 = arith.constant 0 : i32
      %gather3A_296 = arith.constant 0 : i32
      %gather3A_297 = tpu.memref_slice %arg9[%gather3A_294, %gather3A_295, %gather3A_296] : memref<2x128x64xf32, #tpu.memory_space<vmem>> -> memref<1x128x64xf32, #tpu.memory_space<vmem>>
      %gather3A_298 = tpu.memref_squeeze %gather3A_297 : memref<1x128x64xf32, #tpu.memory_space<vmem>> -> memref<128x64xf32, #tpu.memory_space<vmem>>
      %gather3A_299 = tpu.vector_load_idx %gather3A_298[%add3A_293, %add3A_245] : memref<128x64xf32, #tpu.memory_space<vmem>>[vector<16xi32>, vector<16xi32>], vector<16xf32>,
      %swap3A_300 = arith.constant 1 : i32
      %swap3A_301 = arith.index_cast %add3A_236 : i32 to index
      %swap3A_302 = arith.index_cast %select_n3A_101 : i32 to index
      %swap3A_303 = arith.index_cast %swap3A_300 : i32 to index
      %swap3A_304 = arith.constant 48 : index
      %swap3A_305 = tpu.vector_load %arg10[%swap3A_301, %swap3A_302, %swap3A_303, %swap3A_304] {strides = array<i32>} : memref<8x4x8x128xf32, #tpu.memory_space<vmem>>, vector<16xf32>,
      tpu.vector_store %arg10[%swap3A_301, %swap3A_302, %swap3A_303, %swap3A_304], %gather3A_299 {strides = array<i32>} : memref<8x4x8x128xf32, #tpu.memory_space<vmem>>, vector<16xf32>,
      %add3A_306 = arith.constant 64 : i32
      %add3A_307 = vector.broadcast %add3A_306 : i32 to vector<16xi32>
      %add3A_308 = arith.addi %add3A_307, %iota3A : vector<16xi32>
      %gather3A_309 = arith.constant 0 : i32
      %gather3A_310 = arith.constant 0 : i32
      %gather3A_311 = arith.constant 0 : i32
      %gather3A_312 = tpu.memref_slice %arg9[%gather3A_309, %gather3A_310, %gather3A_311] : memref<2x128x64xf32, #tpu.memory_space<vmem>> -> memref<1x128x64xf32, #tpu.memory_space<vmem>>
      %gather3A_313 = tpu.memref_squeeze %gather3A_312 : memref<1x128x64xf32, #tpu.memory_space<vmem>> -> memref<128x64xf32, #tpu.memory_space<vmem>>
      %gather3A_314 = tpu.vector_load_idx %gather3A_313[%add3A_308, %add3A_245] : memref<128x64xf32, #tpu.memory_space<vmem>>[vector<16xi32>, vector<16xi32>], vector<16xf32>,
      %swap3A_315 = arith.constant 1 : i32
      %swap3A_316 = arith.index_cast %add3A_236 : i32 to index
      %swap3A_317 = arith.index_cast %select_n3A_101 : i32 to index
      %swap3A_318 = arith.index_cast %swap3A_315 : i32 to index
      %swap3A_319 = arith.constant 64 : index
      %swap3A_320 = tpu.vector_load %arg10[%swap3A_316, %swap3A_317, %swap3A_318, %swap3A_319] {strides = array<i32>} : memref<8x4x8x128xf32, #tpu.memory_space<vmem>>, vector<16xf32>,
      tpu.vector_store %arg10[%swap3A_316, %swap3A_317, %swap3A_318, %swap3A_319], %gather3A_314 {strides = array<i32>} : memref<8x4x8x128xf32, #tpu.memory_space<vmem>>, vector<16xf32>,
      %add3A_321 = arith.constant 80 : i32
      %add3A_322 = vector.broadcast %add3A_321 : i32 to vector<16xi32>
      %add3A_323 = arith.addi %add3A_322, %iota3A : vector<16xi32>
      %gather3A_324 = arith.constant 0 : i32
      %gather3A_325 = arith.constant 0 : i32
      %gather3A_326 = arith.constant 0 : i32
      %gather3A_327 = tpu.memref_slice %arg9[%gather3A_324, %gather3A_325, %gather3A_326] : memref<2x128x64xf32, #tpu.memory_space<vmem>> -> memref<1x128x64xf32, #tpu.memory_space<vmem>>
      %gather3A_328 = tpu.memref_squeeze %gather3A_327 : memref<1x128x64xf32, #tpu.memory_space<vmem>> -> memref<128x64xf32, #tpu.memory_space<vmem>>
      %gather3A_329 = tpu.vector_load_idx %gather3A_328[%add3A_323, %add3A_245] : memref<128x64xf32, #tpu.memory_space<vmem>>[vector<16xi32>, vector<16xi32>], vector<16xf32>,
      %swap3A_330 = arith.constant 1 : i32
      %swap3A_331 = arith.index_cast %add3A_236 : i32 to index
      %swap3A_332 = arith.index_cast %select_n3A_101 : i32 to index
      %swap3A_333 = arith.index_cast %swap3A_330 : i32 to index
      %swap3A_334 = arith.constant 80 : index
      %swap3A_335 = tpu.vector_load %arg10[%swap3A_331, %swap3A_332, %swap3A_333, %swap3A_334] {strides = array<i32>} : memref<8x4x8x128xf32, #tpu.memory_space<vmem>>, vector<16xf32>,
      tpu.vector_store %arg10[%swap3A_331, %swap3A_332, %swap3A_333, %swap3A_334], %gather3A_329 {strides = array<i32>} : memref<8x4x8x128xf32, #tpu.memory_space<vmem>>, vector<16xf32>,
      %add3A_336 = arith.constant 96 : i32
      %add3A_337 = vector.broadcast %add3A_336 : i32 to vector<16xi32>
      %add3A_338 = arith.addi %add3A_337, %iota3A : vector<16xi32>
      %gather3A_339 = arith.constant 0 : i32
      %gather3A_340 = arith.constant 0 : i32
      %gather3A_341 = arith.constant 0 : i32
      %gather3A_342 = tpu.memref_slice %arg9[%gather3A_339, %gather3A_340, %gather3A_341] : memref<2x128x64xf32, #tpu.memory_space<vmem>> -> memref<1x128x64xf32, #tpu.memory_space<vmem>>
      %gather3A_343 = tpu.memref_squeeze %gather3A_342 : memref<1x128x64xf32, #tpu.memory_space<vmem>> -> memref<128x64xf32, #tpu.memory_space<vmem>>
      %gather3A_344 = tpu.vector_load_idx %gather3A_343[%add3A_338, %add3A_245] : memref<128x64xf32, #tpu.memory_space<vmem>>[vector<16xi32>, vector<16xi32>], vector<16xf32>,
      %swap3A_345 = arith.constant 1 : i32
      %swap3A_346 = arith.index_cast %add3A_236 : i32 to index
      %swap3A_347 = arith.index_cast %select_n3A_101 : i32 to index
      %swap3A_348 = arith.index_cast %swap3A_345 : i32 to index
      %swap3A_349 = arith.constant 96 : index
      %swap3A_350 = tpu.vector_load %arg10[%swap3A_346, %swap3A_347, %swap3A_348, %swap3A_349] {strides = array<i32>} : memref<8x4x8x128xf32, #tpu.memory_space<vmem>>, vector<16xf32>,
      tpu.vector_store %arg10[%swap3A_346, %swap3A_347, %swap3A_348, %swap3A_349], %gather3A_344 {strides = array<i32>} : memref<8x4x8x128xf32, #tpu.memory_space<vmem>>, vector<16xf32>,
      %add3A_351 = arith.constant 112 : i32
      %add3A_352 = vector.broadcast %add3A_351 : i32 to vector<16xi32>
      %add3A_353 = arith.addi %add3A_352, %iota3A : vector<16xi32>
      %gather3A_354 = arith.constant 0 : i32
      %gather3A_355 = arith.constant 0 : i32
      %gather3A_356 = arith.constant 0 : i32
      %gather3A_357 = tpu.memref_slice %arg9[%gather3A_354, %gather3A_355, %gather3A_356] : memref<2x128x64xf32, #tpu.memory_space<vmem>> -> memref<1x128x64xf32, #tpu.memory_space<vmem>>
      %gather3A_358 = tpu.memref_squeeze %gather3A_357 : memref<1x128x64xf32, #tpu.memory_space<vmem>> -> memref<128x64xf32, #tpu.memory_space<vmem>>
      %gather3A_359 = tpu.vector_load_idx %gather3A_358[%add3A_353, %add3A_245] : memref<128x64xf32, #tpu.memory_space<vmem>>[vector<16xi32>, vector<16xi32>], vector<16xf32>,
      %swap3A_360 = arith.constant 1 : i32
      %swap3A_361 = arith.index_cast %add3A_236 : i32 to index
      %swap3A_362 = arith.index_cast %select_n3A_101 : i32 to index
      %swap3A_363 = arith.index_cast %swap3A_360 : i32 to index
      %swap3A_364 = arith.constant 112 : index
      %swap3A_365 = tpu.vector_load %arg10[%swap3A_361, %swap3A_362, %swap3A_363, %swap3A_364] {strides = array<i32>} : memref<8x4x8x128xf32, #tpu.memory_space<vmem>>, vector<16xf32>,
      tpu.vector_store %arg10[%swap3A_361, %swap3A_362, %swap3A_363, %swap3A_364], %gather3A_359 {strides = array<i32>} : memref<8x4x8x128xf32, #tpu.memory_space<vmem>>, vector<16xf32>,
      %mul3A_366 = arith.constant 2 : i32
      %mul3A_367 = arith.muli %mul3A_366, %select_n3A : i32
      %add3A_368 = arith.constant 0 : i32
      %add3A_369 = arith.addi %mul3A_367, %add3A_368 : i32
      %mul3A_370 = arith.constant 0 : i32
      %mul3A_371 = vector.broadcast %mul3A_370 : i32 to vector<16xi32>
      %mul3A_372 = arith.muli %iota3A, %mul3A_371 : vector<16xi32>
      %mul3A_373 = arith.constant 16 : i32
      %mul3A_374 = arith.muli %select_n3A, %mul3A_373 : i32
      %add3A_375 = arith.constant 2 : i32
      %add3A_376 = arith.addi %mul3A_374, %add3A_375 : i32
      %add3A_377 = vector.broadcast %add3A_376 : i32 to vector<16xi32>
      %add3A_378 = arith.addi %mul3A_372, %add3A_377 : vector<16xi32>
      %add3A_379 = arith.constant 0 : i32
      %add3A_380 = vector.broadcast %add3A_379 : i32 to vector<16xi32>
      %add3A_381 = arith.addi %add3A_380, %iota3A : vector<16xi32>
      %gather3A_382 = arith.constant 0 : i32
      %gather3A_383 = arith.constant 0 : i32
      %gather3A_384 = arith.constant 0 : i32
      %gather3A_385 = tpu.memref_slice %arg9[%gather3A_382, %gather3A_383, %gather3A_384] : memref<2x128x64xf32, #tpu.memory_space<vmem>> -> memref<1x128x64xf32, #tpu.memory_space<vmem>>
      %gather3A_386 = tpu.memref_squeeze %gather3A_385 : memref<1x128x64xf32, #tpu.memory_space<vmem>> -> memref<128x64xf32, #tpu.memory_space<vmem>>
      %gather3A_387 = tpu.vector_load_idx %gather3A_386[%add3A_381, %add3A_378] : memref<128x64xf32, #tpu.memory_space<vmem>>[vector<16xi32>, vector<16xi32>], vector<16xf32>,
      %swap3A_388 = arith.constant 2 : i32
      %swap3A_389 = arith.index_cast %add3A_369 : i32 to index
      %swap3A_390 = arith.index_cast %select_n3A_101 : i32 to index
      %swap3A_391 = arith.index_cast %swap3A_388 : i32 to index
      %swap3A_392 = arith.constant 0 : index
      %swap3A_393 = tpu.vector_load %arg10[%swap3A_389, %swap3A_390, %swap3A_391, %swap3A_392] {strides = array<i32>} : memref<8x4x8x128xf32, #tpu.memory_space<vmem>>, vector<16xf32>,
      tpu.vector_store %arg10[%swap3A_389, %swap3A_390, %swap3A_391, %swap3A_392], %gather3A_387 {strides = array<i32>} : memref<8x4x8x128xf32, #tpu.memory_space<vmem>>, vector<16xf32>,
      %add3A_394 = arith.constant 16 : i32
      %add3A_395 = vector.broadcast %add3A_394 : i32 to vector<16xi32>
      %add3A_396 = arith.addi %add3A_395, %iota3A : vector<16xi32>
      %gather3A_397 = arith.constant 0 : i32
      %gather3A_398 = arith.constant 0 : i32
      %gather3A_399 = arith.constant 0 : i32
      %gather3A_400 = tpu.memref_slice %arg9[%gather3A_397, %gather3A_398, %gather3A_399] : memref<2x128x64xf32, #tpu.memory_space<vmem>> -> memref<1x128x64xf32, #tpu.memory_space<vmem>>
      %gather3A_401 = tpu.memref_squeeze %gather3A_400 : memref<1x128x64xf32, #tpu.memory_space<vmem>> -> memref<128x64xf32, #tpu.memory_space<vmem>>
      %gather3A_402 = tpu.vector_load_idx %gather3A_401[%add3A_396, %add3A_378] : memref<128x64xf32, #tpu.memory_space<vmem>>[vector<16xi32>, vector<16xi32>], vector<16xf32>,
      %swap3A_403 = arith.constant 2 : i32
      %swap3A_404 = arith.index_cast %add3A_369 : i32 to index
      %swap3A_405 = arith.index_cast %select_n3A_101 : i32 to index
      %swap3A_406 = arith.index_cast %swap3A_403 : i32 to index
      %swap3A_407 = arith.constant 16 : index
      %swap3A_408 = tpu.vector_load %arg10[%swap3A_404, %swap3A_405, %swap3A_406, %swap3A_407] {strides = array<i32>} : memref<8x4x8x128xf32, #tpu.memory_space<vmem>>, vector<16xf32>,
      tpu.vector_store %arg10[%swap3A_404, %swap3A_405, %swap3A_406, %swap3A_407], %gather3A_402 {strides = array<i32>} : memref<8x4x8x128xf32, #tpu.memory_space<vmem>>, vector<16xf32>,
      %add3A_409 = arith.constant 32 : i32
      %add3A_410 = vector.broadcast %add3A_409 : i32 to vector<16xi32>
      %add3A_411 = arith.addi %add3A_410, %iota3A : vector<16xi32>
      %gather3A_412 = arith.constant 0 : i32
      %gather3A_413 = arith.constant 0 : i32
      %gather3A_414 = arith.constant 0 : i32
      %gather3A_415 = tpu.memref_slice %arg9[%gather3A_412, %gather3A_413, %gather3A_414] : memref<2x128x64xf32, #tpu.memory_space<vmem>> -> memref<1x128x64xf32, #tpu.memory_space<vmem>>
      %gather3A_416 = tpu.memref_squeeze %gather3A_415 : memref<1x128x64xf32, #tpu.memory_space<vmem>> -> memref<128x64xf32, #tpu.memory_space<vmem>>
      %gather3A_417 = tpu.vector_load_idx %gather3A_416[%add3A_411, %add3A_378] : memref<128x64xf32, #tpu.memory_space<vmem>>[vector<16xi32>, vector<16xi32>], vector<16xf32>,
      %swap3A_418 = arith.constant 2 : i32
      %swap3A_419 = arith.index_cast %add3A_369 : i32 to index
      %swap3A_420 = arith.index_cast %select_n3A_101 : i32 to index
      %swap3A_421 = arith.index_cast %swap3A_418 : i32 to index
      %swap3A_422 = arith.constant 32 : index
      %swap3A_423 = tpu.vector_load %arg10[%swap3A_419, %swap3A_420, %swap3A_421, %swap3A_422] {strides = array<i32>} : memref<8x4x8x128xf32, #tpu.memory_space<vmem>>, vector<16xf32>,
      tpu.vector_store %arg10[%swap3A_419, %swap3A_420, %swap3A_421, %swap3A_422], %gather3A_417 {strides = array<i32>} : memref<8x4x8x128xf32, #tpu.memory_space<vmem>>, vector<16xf32>,
      %add3A_424 = arith.constant 48 : i32
      %add3A_425 = vector.broadcast %add3A_424 : i32 to vector<16xi32>
      %add3A_426 = arith.addi %add3A_425, %iota3A : vector<16xi32>
      %gather3A_427 = arith.constant 0 : i32
      %gather3A_428 = arith.constant 0 : i32
      %gather3A_429 = arith.constant 0 : i32
      %gather3A_430 = tpu.memref_slice %arg9[%gather3A_427, %gather3A_428, %gather3A_429] : memref<2x128x64xf32, #tpu.memory_space<vmem>> -> memref<1x128x64xf32, #tpu.memory_space<vmem>>
      %gather3A_431 = tpu.memref_squeeze %gather3A_430 : memref<1x128x64xf32, #tpu.memory_space<vmem>> -> memref<128x64xf32, #tpu.memory_space<vmem>>
      %gather3A_432 = tpu.vector_load_idx %gather3A_431[%add3A_426, %add3A_378] : memref<128x64xf32, #tpu.memory_space<vmem>>[vector<16xi32>, vector<16xi32>], vector<16xf32>,
      %swap3A_433 = arith.constant 2 : i32
      %swap3A_434 = arith.index_cast %add3A_369 : i32 to index
      %swap3A_435 = arith.index_cast %select_n3A_101 : i32 to index
      %swap3A_436 = arith.index_cast %swap3A_433 : i32 to index
      %swap3A_437 = arith.constant 48 : index
      %swap3A_438 = tpu.vector_load %arg10[%swap3A_434, %swap3A_435, %swap3A_436, %swap3A_437] {strides = array<i32>} : memref<8x4x8x128xf32, #tpu.memory_space<vmem>>, vector<16xf32>,
      tpu.vector_store %arg10[%swap3A_434, %swap3A_435, %swap3A_436, %swap3A_437], %gather3A_432 {strides = array<i32>} : memref<8x4x8x128xf32, #tpu.memory_space<vmem>>, vector<16xf32>,
      %add3A_439 = arith.constant 64 : i32
      %add3A_440 = vector.broadcast %add3A_439 : i32 to vector<16xi32>
      %add3A_441 = arith.addi %add3A_440, %iota3A : vector<16xi32>
      %gather3A_442 = arith.constant 0 : i32
      %gather3A_443 = arith.constant 0 : i32
      %gather3A_444 = arith.constant 0 : i32
      %gather3A_445 = tpu.memref_slice %arg9[%gather3A_442, %gather3A_443, %gather3A_444] : memref<2x128x64xf32, #tpu.memory_space<vmem>> -> memref<1x128x64xf32, #tpu.memory_space<vmem>>
      %gather3A_446 = tpu.memref_squeeze %gather3A_445 : memref<1x128x64xf32, #tpu.memory_space<vmem>> -> memref<128x64xf32, #tpu.memory_space<vmem>>
      %gather3A_447 = tpu.vector_load_idx %gather3A_446[%add3A_441, %add3A_378] : memref<128x64xf32, #tpu.memory_space<vmem>>[vector<16xi32>, vector<16xi32>], vector<16xf32>,
      %swap3A_448 = arith.constant 2 : i32
      %swap3A_449 = arith.index_cast %add3A_369 : i32 to index
      %swap3A_450 = arith.index_cast %select_n3A_101 : i32 to index
      %swap3A_451 = arith.index_cast %swap3A_448 : i32 to index
      %swap3A_452 = arith.constant 64 : index
      %swap3A_453 = tpu.vector_load %arg10[%swap3A_449, %swap3A_450, %swap3A_451, %swap3A_452] {strides = array<i32>} : memref<8x4x8x128xf32, #tpu.memory_space<vmem>>, vector<16xf32>,
      tpu.vector_store %arg10[%swap3A_449, %swap3A_450, %swap3A_451, %swap3A_452], %gather3A_447 {strides = array<i32>} : memref<8x4x8x128xf32, #tpu.memory_space<vmem>>, vector<16xf32>,
      %add3A_454 = arith.constant 80 : i32
      %add3A_455 = vector.broadcast %add3A_454 : i32 to vector<16xi32>
      %add3A_456 = arith.addi %add3A_455, %iota3A : vector<16xi32>
      %gather3A_457 = arith.constant 0 : i32
      %gather3A_458 = arith.constant 0 : i32
      %gather3A_459 = arith.constant 0 : i32
      %gather3A_460 = tpu.memref_slice %arg9[%gather3A_457, %gather3A_458, %gather3A_459] : memref<2x128x64xf32, #tpu.memory_space<vmem>> -> memref<1x128x64xf32, #tpu.memory_space<vmem>>
      %gather3A_461 = tpu.memref_squeeze %gather3A_460 : memref<1x128x64xf32, #tpu.memory_space<vmem>> -> memref<128x64xf32, #tpu.memory_space<vmem>>
      %gather3A_462 = tpu.vector_load_idx %gather3A_461[%add3A_456, %add3A_378] : memref<128x64xf32, #tpu.memory_space<vmem>>[vector<16xi32>, vector<16xi32>], vector<16xf32>,
      %swap3A_463 = arith.constant 2 : i32
      %swap3A_464 = arith.index_cast %add3A_369 : i32 to index
      %swap3A_465 = arith.index_cast %select_n3A_101 : i32 to index
      %swap3A_466 = arith.index_cast %swap3A_463 : i32 to index
      %swap3A_467 = arith.constant 80 : index
      %swap3A_468 = tpu.vector_load %arg10[%swap3A_464, %swap3A_465, %swap3A_466, %swap3A_467] {strides = array<i32>} : memref<8x4x8x128xf32, #tpu.memory_space<vmem>>, vector<16xf32>,
      tpu.vector_store %arg10[%swap3A_464, %swap3A_465, %swap3A_466, %swap3A_467], %gather3A_462 {strides = array<i32>} : memref<8x4x8x128xf32, #tpu.memory_space<vmem>>, vector<16xf32>,
      %add3A_469 = arith.constant 96 : i32
      %add3A_470 = vector.broadcast %add3A_469 : i32 to vector<16xi32>
      %add3A_471 = arith.addi %add3A_470, %iota3A : vector<16xi32>
      %gather3A_472 = arith.constant 0 : i32
      %gather3A_473 = arith.constant 0 : i32
      %gather3A_474 = arith.constant 0 : i32
      %gather3A_475 = tpu.memref_slice %arg9[%gather3A_472, %gather3A_473, %gather3A_474] : memref<2x128x64xf32, #tpu.memory_space<vmem>> -> memref<1x128x64xf32, #tpu.memory_space<vmem>>
      %gather3A_476 = tpu.memref_squeeze %gather3A_475 : memref<1x128x64xf32, #tpu.memory_space<vmem>> -> memref<128x64xf32, #tpu.memory_space<vmem>>
      %gather3A_477 = tpu.vector_load_idx %gather3A_476[%add3A_471, %add3A_378] : memref<128x64xf32, #tpu.memory_space<vmem>>[vector<16xi32>, vector<16xi32>], vector<16xf32>,
      %swap3A_478 = arith.constant 2 : i32
      %swap3A_479 = arith.index_cast %add3A_369 : i32 to index
      %swap3A_480 = arith.index_cast %select_n3A_101 : i32 to index
      %swap3A_481 = arith.index_cast %swap3A_478 : i32 to index
      %swap3A_482 = arith.constant 96 : index
      %swap3A_483 = tpu.vector_load %arg10[%swap3A_479, %swap3A_480, %swap3A_481, %swap3A_482] {strides = array<i32>} : memref<8x4x8x128xf32, #tpu.memory_space<vmem>>, vector<16xf32>,
      tpu.vector_store %arg10[%swap3A_479, %swap3A_480, %swap3A_481, %swap3A_482], %gather3A_477 {strides = array<i32>} : memref<8x4x8x128xf32, #tpu.memory_space<vmem>>, vector<16xf32>,
      %add3A_484 = arith.constant 112 : i32
      %add3A_485 = vector.broadcast %add3A_484 : i32 to vector<16xi32>
      %add3A_486 = arith.addi %add3A_485, %iota3A : vector<16xi32>
      %gather3A_487 = arith.constant 0 : i32
      %gather3A_488 = arith.constant 0 : i32
      %gather3A_489 = arith.constant 0 : i32
      %gather3A_490 = tpu.memref_slice %arg9[%gather3A_487, %gather3A_488, %gather3A_489] : memref<2x128x64xf32, #tpu.memory_space<vmem>> -> memref<1x128x64xf32, #tpu.memory_space<vmem>>
      %gather3A_491 = tpu.memref_squeeze %gather3A_490 : memref<1x128x64xf32, #tpu.memory_space<vmem>> -> memref<128x64xf32, #tpu.memory_space<vmem>>
      %gather3A_492 = tpu.vector_load_idx %gather3A_491[%add3A_486, %add3A_378] : memref<128x64xf32, #tpu.memory_space<vmem>>[vector<16xi32>, vector<16xi32>], vector<16xf32>,
      %swap3A_493 = arith.constant 2 : i32
      %swap3A_494 = arith.index_cast %add3A_369 : i32 to index
      %swap3A_495 = arith.index_cast %select_n3A_101 : i32 to index
      %swap3A_496 = arith.index_cast %swap3A_493 : i32 to index
      %swap3A_497 = arith.constant 112 : index
      %swap3A_498 = tpu.vector_load %arg10[%swap3A_494, %swap3A_495, %swap3A_496, %swap3A_497] {strides = array<i32>} : memref<8x4x8x128xf32, #tpu.memory_space<vmem>>, vector<16xf32>,
      tpu.vector_store %arg10[%swap3A_494, %swap3A_495, %swap3A_496, %swap3A_497], %gather3A_492 {strides = array<i32>} : memref<8x4x8x128xf32, #tpu.memory_space<vmem>>, vector<16xf32>,
      %mul3A_499 = arith.constant 2 : i32
      %mul3A_500 = arith.muli %mul3A_499, %select_n3A : i32
      %add3A_501 = arith.constant 0 : i32
      %add3A_502 = arith.addi %mul3A_500, %add3A_501 : i32
      %mul3A_503 = arith.constant 0 : i32
      %mul3A_504 = vector.broadcast %mul3A_503 : i32 to vector<16xi32>
      %mul3A_505 = arith.muli %iota3A, %mul3A_504 : vector<16xi32>
      %mul3A_506 = arith.constant 16 : i32
      %mul3A_507 = arith.muli %select_n3A, %mul3A_506 : i32
      %add3A_508 = arith.constant 3 : i32
      %add3A_509 = arith.addi %mul3A_507, %add3A_508 : i32
      %add3A_510 = vector.broadcast %add3A_509 : i32 to vector<16xi32>
      %add3A_511 = arith.addi %mul3A_505, %add3A_510 : vector<16xi32>
      %add3A_512 = arith.constant 0 : i32
      %add3A_513 = vector.broadcast %add3A_512 : i32 to vector<16xi32>
      %add3A_514 = arith.addi %add3A_513, %iota3A : vector<16xi32>
      %gather3A_515 = arith.constant 0 : i32
      %gather3A_516 = arith.constant 0 : i32
      %gather3A_517 = arith.constant 0 : i32
      %gather3A_518 = tpu.memref_slice %arg9[%gather3A_515, %gather3A_516, %gather3A_517] : memref<2x128x64xf32, #tpu.memory_space<vmem>> -> memref<1x128x64xf32, #tpu.memory_space<vmem>>
      %gather3A_519 = tpu.memref_squeeze %gather3A_518 : memref<1x128x64xf32, #tpu.memory_space<vmem>> -> memref<128x64xf32, #tpu.memory_space<vmem>>
      %gather3A_520 = tpu.vector_load_idx %gather3A_519[%add3A_514, %add3A_511] : memref<128x64xf32, #tpu.memory_space<vmem>>[vector<16xi32>, vector<16xi32>], vector<16xf32>,
      %swap3A_521 = arith.constant 3 : i32
      %swap3A_522 = arith.index_cast %add3A_502 : i32 to index
      %swap3A_523 = arith.index_cast %select_n3A_101 : i32 to index
      %swap3A_524 = arith.index_cast %swap3A_521 : i32 to index
      %swap3A_525 = arith.constant 0 : index
      %swap3A_526 = tpu.vector_load %arg10[%swap3A_522, %swap3A_523, %swap3A_524, %swap3A_525] {strides = array<i32>} : memref<8x4x8x128xf32, #tpu.memory_space<vmem>>, vector<16xf32>,
      tpu.vector_store %arg10[%swap3A_522, %swap3A_523, %swap3A_524, %swap3A_525], %gather3A_520 {strides = array<i32>} : memref<8x4x8x128xf32, #tpu.memory_space<vmem>>, vector<16xf32>,
      %add3A_527 = arith.constant 16 : i32
      %add3A_528 = vector.broadcast %add3A_527 : i32 to vector<16xi32>
      %add3A_529 = arith.addi %add3A_528, %iota3A : vector<16xi32>
      %gather3A_530 = arith.constant 0 : i32
      %gather3A_531 = arith.constant 0 : i32
      %gather3A_532 = arith.constant 0 : i32
      %gather3A_533 = tpu.memref_slice %arg9[%gather3A_530, %gather3A_531, %gather3A_532] : memref<2x128x64xf32, #tpu.memory_space<vmem>> -> memref<1x128x64xf32, #tpu.memory_space<vmem>>
      %gather3A_534 = tpu.memref_squeeze %gather3A_533 : memref<1x128x64xf32, #tpu.memory_space<vmem>> -> memref<128x64xf32, #tpu.memory_space<vmem>>
      %gather3A_535 = tpu.vector_load_idx %gather3A_534[%add3A_529, %add3A_511] : memref<128x64xf32, #tpu.memory_space<vmem>>[vector<16xi32>, vector<16xi32>], vector<16xf32>,
      %swap3A_536 = arith.constant 3 : i32
      %swap3A_537 = arith.index_cast %add3A_502 : i32 to index
      %swap3A_538 = arith.index_cast %select_n3A_101 : i32 to index
      %swap3A_539 = arith.index_cast %swap3A_536 : i32 to index
      %swap3A_540 = arith.constant 16 : index
      %swap3A_541 = tpu.vector_load %arg10[%swap3A_537, %swap3A_538, %swap3A_539, %swap3A_540] {strides = array<i32>} : memref<8x4x8x128xf32, #tpu.memory_space<vmem>>, vector<16xf32>,
      tpu.vector_store %arg10[%swap3A_537, %swap3A_538, %swap3A_539, %swap3A_540], %gather3A_535 {strides = array<i32>} : memref<8x4x8x128xf32, #tpu.memory_space<vmem>>, vector<16xf32>,
      %add3A_542 = arith.constant 32 : i32
      %add3A_543 = vector.broadcast %add3A_542 : i32 to vector<16xi32>
      %add3A_544 = arith.addi %add3A_543, %iota3A : vector<16xi32>
      %gather3A_545 = arith.constant 0 : i32
      %gather3A_546 = arith.constant 0 : i32
      %gather3A_547 = arith.constant 0 : i32
      %gather3A_548 = tpu.memref_slice %arg9[%gather3A_545, %gather3A_546, %gather3A_547] : memref<2x128x64xf32, #tpu.memory_space<vmem>> -> memref<1x128x64xf32, #tpu.memory_space<vmem>>
      %gather3A_549 = tpu.memref_squeeze %gather3A_548 : memref<1x128x64xf32, #tpu.memory_space<vmem>> -> memref<128x64xf32, #tpu.memory_space<vmem>>
      %gather3A_550 = tpu.vector_load_idx %gather3A_549[%add3A_544, %add3A_511] : memref<128x64xf32, #tpu.memory_space<vmem>>[vector<16xi32>, vector<16xi32>], vector<16xf32>,
      %swap3A_551 = arith.constant 3 : i32
      %swap3A_552 = arith.index_cast %add3A_502 : i32 to index
      %swap3A_553 = arith.index_cast %select_n3A_101 : i32 to index
      %swap3A_554 = arith.index_cast %swap3A_551 : i32 to index
      %swap3A_555 = arith.constant 32 : index
      %swap3A_556 = tpu.vector_load %arg10[%swap3A_552, %swap3A_553, %swap3A_554, %swap3A_555] {strides = array<i32>} : memref<8x4x8x128xf32, #tpu.memory_space<vmem>>, vector<16xf32>,
      tpu.vector_store %arg10[%swap3A_552, %swap3A_553, %swap3A_554, %swap3A_555], %gather3A_550 {strides = array<i32>} : memref<8x4x8x128xf32, #tpu.memory_space<vmem>>, vector<16xf32>,
      %add3A_557 = arith.constant 48 : i32
      %add3A_558 = vector.broadcast %add3A_557 : i32 to vector<16xi32>
      %add3A_559 = arith.addi %add3A_558, %iota3A : vector<16xi32>
      %gather3A_560 = arith.constant 0 : i32
      %gather3A_561 = arith.constant 0 : i32
      %gather3A_562 = arith.constant 0 : i32
      %gather3A_563 = tpu.memref_slice %arg9[%gather3A_560, %gather3A_561, %gather3A_562] : memref<2x128x64xf32, #tpu.memory_space<vmem>> -> memref<1x128x64xf32, #tpu.memory_space<vmem>>
      %gather3A_564 = tpu.memref_squeeze %gather3A_563 : memref<1x128x64xf32, #tpu.memory_space<vmem>> -> memref<128x64xf32, #tpu.memory_space<vmem>>
      %gather3A_565 = tpu.vector_load_idx %gather3A_564[%add3A_559, %add3A_511] : memref<128x64xf32, #tpu.memory_space<vmem>>[vector<16xi32>, vector<16xi32>], vector<16xf32>,
      %swap3A_566 = arith.constant 3 : i32
      %swap3A_567 = arith.index_cast %add3A_502 : i32 to index
      %swap3A_568 = arith.index_cast %select_n3A_101 : i32 to index
      %swap3A_569 = arith.index_cast %swap3A_566 : i32 to index
      %swap3A_570 = arith.constant 48 : index
      %swap3A_571 = tpu.vector_load %arg10[%swap3A_567, %swap3A_568, %swap3A_569, %swap3A_570] {strides = array<i32>} : memref<8x4x8x128xf32, #tpu.memory_space<vmem>>, vector<16xf32>,
      tpu.vector_store %arg10[%swap3A_567, %swap3A_568, %swap3A_569, %swap3A_570], %gather3A_565 {strides = array<i32>} : memref<8x4x8x128xf32, #tpu.memory_space<vmem>>, vector<16xf32>,
      %add3A_572 = arith.constant 64 : i32
      %add3A_573 = vector.broadcast %add3A_572 : i32 to vector<16xi32>
      %add3A_574 = arith.addi %add3A_573, %iota3A : vector<16xi32>
      %gather3A_575 = arith.constant 0 : i32
      %gather3A_576 = arith.constant 0 : i32
      %gather3A_577 = arith.constant 0 : i32
      %gather3A_578 = tpu.memref_slice %arg9[%gather3A_575, %gather3A_576, %gather3A_577] : memref<2x128x64xf32, #tpu.memory_space<vmem>> -> memref<1x128x64xf32, #tpu.memory_space<vmem>>
      %gather3A_579 = tpu.memref_squeeze %gather3A_578 : memref<1x128x64xf32, #tpu.memory_space<vmem>> -> memref<128x64xf32, #tpu.memory_space<vmem>>
      %gather3A_580 = tpu.vector_load_idx %gather3A_579[%add3A_574, %add3A_511] : memref<128x64xf32, #tpu.memory_space<vmem>>[vector<16xi32>, vector<16xi32>], vector<16xf32>,
      %swap3A_581 = arith.constant 3 : i32
      %swap3A_582 = arith.index_cast %add3A_502 : i32 to index
      %swap3A_583 = arith.index_cast %select_n3A_101 : i32 to index
      %swap3A_584 = arith.index_cast %swap3A_581 : i32 to index
      %swap3A_585 = arith.constant 64 : index
      %swap3A_586 = tpu.vector_load %arg10[%swap3A_582, %swap3A_583, %swap3A_584, %swap3A_585] {strides = array<i32>} : memref<8x4x8x128xf32, #tpu.memory_space<vmem>>, vector<16xf32>,
      tpu.vector_store %arg10[%swap3A_582, %swap3A_583, %swap3A_584, %swap3A_585], %gather3A_580 {strides = array<i32>} : memref<8x4x8x128xf32, #tpu.memory_space<vmem>>, vector<16xf32>,
      %add3A_587 = arith.constant 80 : i32
      %add3A_588 = vector.broadcast %add3A_587 : i32 to vector<16xi32>
      %add3A_589 = arith.addi %add3A_588, %iota3A : vector<16xi32>
      %gather3A_590 = arith.constant 0 : i32
      %gather3A_591 = arith.constant 0 : i32
      %gather3A_592 = arith.constant 0 : i32
      %gather3A_593 = tpu.memref_slice %arg9[%gather3A_590, %gather3A_591, %gather3A_592] : memref<2x128x64xf32, #tpu.memory_space<vmem>> -> memref<1x128x64xf32, #tpu.memory_space<vmem>>
      %gather3A_594 = tpu.memref_squeeze %gather3A_593 : memref<1x128x64xf32, #tpu.memory_space<vmem>> -> memref<128x64xf32, #tpu.memory_space<vmem>>
      %gather3A_595 = tpu.vector_load_idx %gather3A_594[%add3A_589, %add3A_511] : memref<128x64xf32, #tpu.memory_space<vmem>>[vector<16xi32>, vector<16xi32>], vector<16xf32>,
      %swap3A_596 = arith.constant 3 : i32
      %swap3A_597 = arith.index_cast %add3A_502 : i32 to index
      %swap3A_598 = arith.index_cast %select_n3A_101 : i32 to index
      %swap3A_599 = arith.index_cast %swap3A_596 : i32 to index
      %swap3A_600 = arith.constant 80 : index
      %swap3A_601 = tpu.vector_load %arg10[%swap3A_597, %swap3A_598, %swap3A_599, %swap3A_600] {strides = array<i32>} : memref<8x4x8x128xf32, #tpu.memory_space<vmem>>, vector<16xf32>,
      tpu.vector_store %arg10[%swap3A_597, %swap3A_598, %swap3A_599, %swap3A_600], %gather3A_595 {strides = array<i32>} : memref<8x4x8x128xf32, #tpu.memory_space<vmem>>, vector<16xf32>,
      %add3A_602 = arith.constant 96 : i32
      %add3A_603 = vector.broadcast %add3A_602 : i32 to vector<16xi32>
      %add3A_604 = arith.addi %add3A_603, %iota3A : vector<16xi32>
      %gather3A_605 = arith.constant 0 : i32
      %gather3A_606 = arith.constant 0 : i32
      %gather3A_607 = arith.constant 0 : i32
      %gather3A_608 = tpu.memref_slice %arg9[%gather3A_605, %gather3A_606, %gather3A_607] : memref<2x128x64xf32, #tpu.memory_space<vmem>> -> memref<1x128x64xf32, #tpu.memory_space<vmem>>
      %gather3A_609 = tpu.memref_squeeze %gather3A_608 : memref<1x128x64xf32, #tpu.memory_space<vmem>> -> memref<128x64xf32, #tpu.memory_space<vmem>>
      %gather3A_610 = tpu.vector_load_idx %gather3A_609[%add3A_604, %add3A_511] : memref<128x64xf32, #tpu.memory_space<vmem>>[vector<16xi32>, vector<16xi32>], vector<16xf32>,
      %swap3A_611 = arith.constant 3 : i32
      %swap3A_612 = arith.index_cast %add3A_502 : i32 to index
      %swap3A_613 = arith.index_cast %select_n3A_101 : i32 to index
      %swap3A_614 = arith.index_cast %swap3A_611 : i32 to index
      %swap3A_615 = arith.constant 96 : index
      %swap3A_616 = tpu.vector_load %arg10[%swap3A_612, %swap3A_613, %swap3A_614, %swap3A_615] {strides = array<i32>} : memref<8x4x8x128xf32, #tpu.memory_space<vmem>>, vector<16xf32>,
      tpu.vector_store %arg10[%swap3A_612, %swap3A_613, %swap3A_614, %swap3A_615], %gather3A_610 {strides = array<i32>} : memref<8x4x8x128xf32, #tpu.memory_space<vmem>>, vector<16xf32>,
      %add3A_617 = arith.constant 112 : i32
      %add3A_618 = vector.broadcast %add3A_617 : i32 to vector<16xi32>
      %add3A_619 = arith.addi %add3A_618, %iota3A : vector<16xi32>
      %gather3A_620 = arith.constant 0 : i32
      %gather3A_621 = arith.constant 0 : i32
      %gather3A_622 = arith.constant 0 : i32
      %gather3A_623 = tpu.memref_slice %arg9[%gather3A_620, %gather3A_621, %gather3A_622] : memref<2x128x64xf32, #tpu.memory_space<vmem>> -> memref<1x128x64xf32, #tpu.memory_space<vmem>>
      %gather3A_624 = tpu.memref_squeeze %gather3A_623 : memref<1x128x64xf32, #tpu.memory_space<vmem>> -> memref<128x64xf32, #tpu.memory_space<vmem>>
      %gather3A_625 = tpu.vector_load_idx %gather3A_624[%add3A_619, %add3A_511] : memref<128x64xf32, #tpu.memory_space<vmem>>[vector<16xi32>, vector<16xi32>], vector<16xf32>,
      %swap3A_626 = arith.constant 3 : i32
      %swap3A_627 = arith.index_cast %add3A_502 : i32 to index
      %swap3A_628 = arith.index_cast %select_n3A_101 : i32 to index
      %swap3A_629 = arith.index_cast %swap3A_626 : i32 to index
      %swap3A_630 = arith.constant 112 : index
      %swap3A_631 = tpu.vector_load %arg10[%swap3A_627, %swap3A_628, %swap3A_629, %swap3A_630] {strides = array<i32>} : memref<8x4x8x128xf32, #tpu.memory_space<vmem>>, vector<16xf32>,
      tpu.vector_store %arg10[%swap3A_627, %swap3A_628, %swap3A_629, %swap3A_630], %gather3A_625 {strides = array<i32>} : memref<8x4x8x128xf32, #tpu.memory_space<vmem>>, vector<16xf32>,
      %mul3A_632 = arith.constant 2 : i32
      %mul3A_633 = arith.muli %mul3A_632, %select_n3A : i32
      %add3A_634 = arith.constant 0 : i32
      %add3A_635 = arith.addi %mul3A_633, %add3A_634 : i32
      %mul3A_636 = arith.constant 0 : i32
      %mul3A_637 = vector.broadcast %mul3A_636 : i32 to vector<16xi32>
      %mul3A_638 = arith.muli %iota3A, %mul3A_637 : vector<16xi32>
      %mul3A_639 = arith.constant 16 : i32
      %mul3A_640 = arith.muli %select_n3A, %mul3A_639 : i32
      %add3A_641 = arith.constant 4 : i32
      %add3A_642 = arith.addi %mul3A_640, %add3A_641 : i32
      %add3A_643 = vector.broadcast %add3A_642 : i32 to vector<16xi32>
      %add3A_644 = arith.addi %mul3A_638, %add3A_643 : vector<16xi32>
      %add3A_645 = arith.constant 0 : i32
      %add3A_646 = vector.broadcast %add3A_645 : i32 to vector<16xi32>
      %add3A_647 = arith.addi %add3A_646, %iota3A : vector<16xi32>
      %gather3A_648 = arith.constant 0 : i32
      %gather3A_649 = arith.constant 0 : i32
      %gather3A_650 = arith.constant 0 : i32
      %gather3A_651 = tpu.memref_slice %arg9[%gather3A_648, %gather3A_649, %gather3A_650] : memref<2x128x64xf32, #tpu.memory_space<vmem>> -> memref<1x128x64xf32, #tpu.memory_space<vmem>>
      %gather3A_652 = tpu.memref_squeeze %gather3A_651 : memref<1x128x64xf32, #tpu.memory_space<vmem>> -> memref<128x64xf32, #tpu.memory_space<vmem>>
      %gather3A_653 = tpu.vector_load_idx %gather3A_652[%add3A_647, %add3A_644] : memref<128x64xf32, #tpu.memory_space<vmem>>[vector<16xi32>, vector<16xi32>], vector<16xf32>,
      %swap3A_654 = arith.constant 4 : i32
      %swap3A_655 = arith.index_cast %add3A_635 : i32 to index
      %swap3A_656 = arith.index_cast %select_n3A_101 : i32 to index
      %swap3A_657 = arith.index_cast %swap3A_654 : i32 to index
      %swap3A_658 = arith.constant 0 : index
      %swap3A_659 = tpu.vector_load %arg10[%swap3A_655, %swap3A_656, %swap3A_657, %swap3A_658] {strides = array<i32>} : memref<8x4x8x128xf32, #tpu.memory_space<vmem>>, vector<16xf32>,
      tpu.vector_store %arg10[%swap3A_655, %swap3A_656, %swap3A_657, %swap3A_658], %gather3A_653 {strides = array<i32>} : memref<8x4x8x128xf32, #tpu.memory_space<vmem>>, vector<16xf32>,
      %add3A_660 = arith.constant 16 : i32
      %add3A_661 = vector.broadcast %add3A_660 : i32 to vector<16xi32>
      %add3A_662 = arith.addi %add3A_661, %iota3A : vector<16xi32>
      %gather3A_663 = arith.constant 0 : i32
      %gather3A_664 = arith.constant 0 : i32
      %gather3A_665 = arith.constant 0 : i32
      %gather3A_666 = tpu.memref_slice %arg9[%gather3A_663, %gather3A_664, %gather3A_665] : memref<2x128x64xf32, #tpu.memory_space<vmem>> -> memref<1x128x64xf32, #tpu.memory_space<vmem>>
      %gather3A_667 = tpu.memref_squeeze %gather3A_666 : memref<1x128x64xf32, #tpu.memory_space<vmem>> -> memref<128x64xf32, #tpu.memory_space<vmem>>
      %gather3A_668 = tpu.vector_load_idx %gather3A_667[%add3A_662, %add3A_644] : memref<128x64xf32, #tpu.memory_space<vmem>>[vector<16xi32>, vector<16xi32>], vector<16xf32>,
      %swap3A_669 = arith.constant 4 : i32
      %swap3A_670 = arith.index_cast %add3A_635 : i32 to index
      %swap3A_671 = arith.index_cast %select_n3A_101 : i32 to index
      %swap3A_672 = arith.index_cast %swap3A_669 : i32 to index
      %swap3A_673 = arith.constant 16 : index
      %swap3A_674 = tpu.vector_load %arg10[%swap3A_670, %swap3A_671, %swap3A_672, %swap3A_673] {strides = array<i32>} : memref<8x4x8x128xf32, #tpu.memory_space<vmem>>, vector<16xf32>,
      tpu.vector_store %arg10[%swap3A_670, %swap3A_671, %swap3A_672, %swap3A_673], %gather3A_668 {strides = array<i32>} : memref<8x4x8x128xf32, #tpu.memory_space<vmem>>, vector<16xf32>,
      %add3A_675 = arith.constant 32 : i32
      %add3A_676 = vector.broadcast %add3A_675 : i32 to vector<16xi32>
      %add3A_677 = arith.addi %add3A_676, %iota3A : vector<16xi32>
      %gather3A_678 = arith.constant 0 : i32
      %gather3A_679 = arith.constant 0 : i32
      %gather3A_680 = arith.constant 0 : i32
      %gather3A_681 = tpu.memref_slice %arg9[%gather3A_678, %gather3A_679, %gather3A_680] : memref<2x128x64xf32, #tpu.memory_space<vmem>> -> memref<1x128x64xf32, #tpu.memory_space<vmem>>
      %gather3A_682 = tpu.memref_squeeze %gather3A_681 : memref<1x128x64xf32, #tpu.memory_space<vmem>> -> memref<128x64xf32, #tpu.memory_space<vmem>>
      %gather3A_683 = tpu.vector_load_idx %gather3A_682[%add3A_677, %add3A_644] : memref<128x64xf32, #tpu.memory_space<vmem>>[vector<16xi32>, vector<16xi32>], vector<16xf32>,
      %swap3A_684 = arith.constant 4 : i32
      %swap3A_685 = arith.index_cast %add3A_635 : i32 to index
      %swap3A_686 = arith.index_cast %select_n3A_101 : i32 to index
      %swap3A_687 = arith.index_cast %swap3A_684 : i32 to index
      %swap3A_688 = arith.constant 32 : index
      %swap3A_689 = tpu.vector_load %arg10[%swap3A_685, %swap3A_686, %swap3A_687, %swap3A_688] {strides = array<i32>} : memref<8x4x8x128xf32, #tpu.memory_space<vmem>>, vector<16xf32>,
      tpu.vector_store %arg10[%swap3A_685, %swap3A_686, %swap3A_687, %swap3A_688], %gather3A_683 {strides = array<i32>} : memref<8x4x8x128xf32, #tpu.memory_space<vmem>>, vector<16xf32>,
      %add3A_690 = arith.constant 48 : i32
      %add3A_691 = vector.broadcast %add3A_690 : i32 to vector<16xi32>
      %add3A_692 = arith.addi %add3A_691, %iota3A : vector<16xi32>
      %gather3A_693 = arith.constant 0 : i32
      %gather3A_694 = arith.constant 0 : i32
      %gather3A_695 = arith.constant 0 : i32
      %gather3A_696 = tpu.memref_slice %arg9[%gather3A_693, %gather3A_694, %gather3A_695] : memref<2x128x64xf32, #tpu.memory_space<vmem>> -> memref<1x128x64xf32, #tpu.memory_space<vmem>>
      %gather3A_697 = tpu.memref_squeeze %gather3A_696 : memref<1x128x64xf32, #tpu.memory_space<vmem>> -> memref<128x64xf32, #tpu.memory_space<vmem>>
      %gather3A_698 = tpu.vector_load_idx %gather3A_697[%add3A_692, %add3A_644] : memref<128x64xf32, #tpu.memory_space<vmem>>[vector<16xi32>, vector<16xi32>], vector<16xf32>,
      %swap3A_699 = arith.constant 4 : i32
      %swap3A_700 = arith.index_cast %add3A_635 : i32 to index
      %swap3A_701 = arith.index_cast %select_n3A_101 : i32 to index
      %swap3A_702 = arith.index_cast %swap3A_699 : i32 to index
      %swap3A_703 = arith.constant 48 : index
      %swap3A_704 = tpu.vector_load %arg10[%swap3A_700, %swap3A_701, %swap3A_702, %swap3A_703] {strides = array<i32>} : memref<8x4x8x128xf32, #tpu.memory_space<vmem>>, vector<16xf32>,
      tpu.vector_store %arg10[%swap3A_700, %swap3A_701, %swap3A_702, %swap3A_703], %gather3A_698 {strides = array<i32>} : memref<8x4x8x128xf32, #tpu.memory_space<vmem>>, vector<16xf32>,
      %add3A_705 = arith.constant 64 : i32
      %add3A_706 = vector.broadcast %add3A_705 : i32 to vector<16xi32>
      %add3A_707 = arith.addi %add3A_706, %iota3A : vector<16xi32>
      %gather3A_708 = arith.constant 0 : i32
      %gather3A_709 = arith.constant 0 : i32
      %gather3A_710 = arith.constant 0 : i32
      %gather3A_711 = tpu.memref_slice %arg9[%gather3A_708, %gather3A_709, %gather3A_710] : memref<2x128x64xf32, #tpu.memory_space<vmem>> -> memref<1x128x64xf32, #tpu.memory_space<vmem>>
      %gather3A_712 = tpu.memref_squeeze %gather3A_711 : memref<1x128x64xf32, #tpu.memory_space<vmem>> -> memref<128x64xf32, #tpu.memory_space<vmem>>
      %gather3A_713 = tpu.vector_load_idx %gather3A_712[%add3A_707, %add3A_644] : memref<128x64xf32, #tpu.memory_space<vmem>>[vector<16xi32>, vector<16xi32>], vector<16xf32>,
      %swap3A_714 = arith.constant 4 : i32
      %swap3A_715 = arith.index_cast %add3A_635 : i32 to index
      %swap3A_716 = arith.index_cast %select_n3A_101 : i32 to index
      %swap3A_717 = arith.index_cast %swap3A_714 : i32 to index
      %swap3A_718 = arith.constant 64 : index
      %swap3A_719 = tpu.vector_load %arg10[%swap3A_715, %swap3A_716, %swap3A_717, %swap3A_718] {strides = array<i32>} : memref<8x4x8x128xf32, #tpu.memory_space<vmem>>, vector<16xf32>,
      tpu.vector_store %arg10[%swap3A_715, %swap3A_716, %swap3A_717, %swap3A_718], %gather3A_713 {strides = array<i32>} : memref<8x4x8x128xf32, #tpu.memory_space<vmem>>, vector<16xf32>,
      %add3A_720 = arith.constant 80 : i32
      %add3A_721 = vector.broadcast %add3A_720 : i32 to vector<16xi32>
      %add3A_722 = arith.addi %add3A_721, %iota3A : vector<16xi32>
      %gather3A_723 = arith.constant 0 : i32
      %gather3A_724 = arith.constant 0 : i32
      %gather3A_725 = arith.constant 0 : i32
      %gather3A_726 = tpu.memref_slice %arg9[%gather3A_723, %gather3A_724, %gather3A_725] : memref<2x128x64xf32, #tpu.memory_space<vmem>> -> memref<1x128x64xf32, #tpu.memory_space<vmem>>
      %gather3A_727 = tpu.memref_squeeze %gather3A_726 : memref<1x128x64xf32, #tpu.memory_space<vmem>> -> memref<128x64xf32, #tpu.memory_space<vmem>>
      %gather3A_728 = tpu.vector_load_idx %gather3A_727[%add3A_722, %add3A_644] : memref<128x64xf32, #tpu.memory_space<vmem>>[vector<16xi32>, vector<16xi32>], vector<16xf32>,
      %swap3A_729 = arith.constant 4 : i32
      %swap3A_730 = arith.index_cast %add3A_635 : i32 to index
      %swap3A_731 = arith.index_cast %select_n3A_101 : i32 to index
      %swap3A_732 = arith.index_cast %swap3A_729 : i32 to index
      %swap3A_733 = arith.constant 80 : index
      %swap3A_734 = tpu.vector_load %arg10[%swap3A_730, %swap3A_731, %swap3A_732, %swap3A_733] {strides = array<i32>} : memref<8x4x8x128xf32, #tpu.memory_space<vmem>>, vector<16xf32>,
      tpu.vector_store %arg10[%swap3A_730, %swap3A_731, %swap3A_732, %swap3A_733], %gather3A_728 {strides = array<i32>} : memref<8x4x8x128xf32, #tpu.memory_space<vmem>>, vector<16xf32>,
      %add3A_735 = arith.constant 96 : i32
      %add3A_736 = vector.broadcast %add3A_735 : i32 to vector<16xi32>
      %add3A_737 = arith.addi %add3A_736, %iota3A : vector<16xi32>
      %gather3A_738 = arith.constant 0 : i32
      %gather3A_739 = arith.constant 0 : i32
      %gather3A_740 = arith.constant 0 : i32
      %gather3A_741 = tpu.memref_slice %arg9[%gather3A_738, %gather3A_739, %gather3A_740] : memref<2x128x64xf32, #tpu.memory_space<vmem>> -> memref<1x128x64xf32, #tpu.memory_space<vmem>>
      %gather3A_742 = tpu.memref_squeeze %gather3A_741 : memref<1x128x64xf32, #tpu.memory_space<vmem>> -> memref<128x64xf32, #tpu.memory_space<vmem>>
      %gather3A_743 = tpu.vector_load_idx %gather3A_742[%add3A_737, %add3A_644] : memref<128x64xf32, #tpu.memory_space<vmem>>[vector<16xi32>, vector<16xi32>], vector<16xf32>,
      %swap3A_744 = arith.constant 4 : i32
      %swap3A_745 = arith.index_cast %add3A_635 : i32 to index
      %swap3A_746 = arith.index_cast %select_n3A_101 : i32 to index
      %swap3A_747 = arith.index_cast %swap3A_744 : i32 to index
      %swap3A_748 = arith.constant 96 : index
      %swap3A_749 = tpu.vector_load %arg10[%swap3A_745, %swap3A_746, %swap3A_747, %swap3A_748] {strides = array<i32>} : memref<8x4x8x128xf32, #tpu.memory_space<vmem>>, vector<16xf32>,
      tpu.vector_store %arg10[%swap3A_745, %swap3A_746, %swap3A_747, %swap3A_748], %gather3A_743 {strides = array<i32>} : memref<8x4x8x128xf32, #tpu.memory_space<vmem>>, vector<16xf32>,
      %add3A_750 = arith.constant 112 : i32
      %add3A_751 = vector.broadcast %add3A_750 : i32 to vector<16xi32>
      %add3A_752 = arith.addi %add3A_751, %iota3A : vector<16xi32>
      %gather3A_753 = arith.constant 0 : i32
      %gather3A_754 = arith.constant 0 : i32
      %gather3A_755 = arith.constant 0 : i32
      %gather3A_756 = tpu.memref_slice %arg9[%gather3A_753, %gather3A_754, %gather3A_755] : memref<2x128x64xf32, #tpu.memory_space<vmem>> -> memref<1x128x64xf32, #tpu.memory_space<vmem>>
      %gather3A_757 = tpu.memref_squeeze %gather3A_756 : memref<1x128x64xf32, #tpu.memory_space<vmem>> -> memref<128x64xf32, #tpu.memory_space<vmem>>
      %gather3A_758 = tpu.vector_load_idx %gather3A_757[%add3A_752, %add3A_644] : memref<128x64xf32, #tpu.memory_space<vmem>>[vector<16xi32>, vector<16xi32>], vector<16xf32>,
      %swap3A_759 = arith.constant 4 : i32
      %swap3A_760 = arith.index_cast %add3A_635 : i32 to index
      %swap3A_761 = arith.index_cast %select_n3A_101 : i32 to index
      %swap3A_762 = arith.index_cast %swap3A_759 : i32 to index
      %swap3A_763 = arith.constant 112 : index
      %swap3A_764 = tpu.vector_load %arg10[%swap3A_760, %swap3A_761, %swap3A_762, %swap3A_763] {strides = array<i32>} : memref<8x4x8x128xf32, #tpu.memory_space<vmem>>, vector<16xf32>,
      tpu.vector_store %arg10[%swap3A_760, %swap3A_761, %swap3A_762, %swap3A_763], %gather3A_758 {strides = array<i32>} : memref<8x4x8x128xf32, #tpu.memory_space<vmem>>, vector<16xf32>,
      %mul3A_765 = arith.constant 2 : i32
      %mul3A_766 = arith.muli %mul3A_765, %select_n3A : i32
      %add3A_767 = arith.constant 0 : i32
      %add3A_768 = arith.addi %mul3A_766, %add3A_767 : i32
      %mul3A_769 = arith.constant 0 : i32
      %mul3A_770 = vector.broadcast %mul3A_769 : i32 to vector<16xi32>
      %mul3A_771 = arith.muli %iota3A, %mul3A_770 : vector<16xi32>
      %mul3A_772 = arith.constant 16 : i32
      %mul3A_773 = arith.muli %select_n3A, %mul3A_772 : i32
      %add3A_774 = arith.constant 5 : i32
      %add3A_775 = arith.addi %mul3A_773, %add3A_774 : i32
      %add3A_776 = vector.broadcast %add3A_775 : i32 to vector<16xi32>
      %add3A_777 = arith.addi %mul3A_771, %add3A_776 : vector<16xi32>
      %add3A_778 = arith.constant 0 : i32
      %add3A_779 = vector.broadcast %add3A_778 : i32 to vector<16xi32>
      %add3A_780 = arith.addi %add3A_779, %iota3A : vector<16xi32>
      %gather3A_781 = arith.constant 0 : i32
      %gather3A_782 = arith.constant 0 : i32
      %gather3A_783 = arith.constant 0 : i32
      %gather3A_784 = tpu.memref_slice %arg9[%gather3A_781, %gather3A_782, %gather3A_783] : memref<2x128x64xf32, #tpu.memory_space<vmem>> -> memref<1x128x64xf32, #tpu.memory_space<vmem>>
      %gather3A_785 = tpu.memref_squeeze %gather3A_784 : memref<1x128x64xf32, #tpu.memory_space<vmem>> -> memref<128x64xf32, #tpu.memory_space<vmem>>
      %gather3A_786 = tpu.vector_load_idx %gather3A_785[%add3A_780, %add3A_777] : memref<128x64xf32, #tpu.memory_space<vmem>>[vector<16xi32>, vector<16xi32>], vector<16xf32>,
      %swap3A_787 = arith.constant 5 : i32
      %swap3A_788 = arith.index_cast %add3A_768 : i32 to index
      %swap3A_789 = arith.index_cast %select_n3A_101 : i32 to index
      %swap3A_790 = arith.index_cast %swap3A_787 : i32 to index
      %swap3A_791 = arith.constant 0 : index
      %swap3A_792 = tpu.vector_load %arg10[%swap3A_788, %swap3A_789, %swap3A_790, %swap3A_791] {strides = array<i32>} : memref<8x4x8x128xf32, #tpu.memory_space<vmem>>, vector<16xf32>,
      tpu.vector_store %arg10[%swap3A_788, %swap3A_789, %swap3A_790, %swap3A_791], %gather3A_786 {strides = array<i32>} : memref<8x4x8x128xf32, #tpu.memory_space<vmem>>, vector<16xf32>,
      %add3A_793 = arith.constant 16 : i32
      %add3A_794 = vector.broadcast %add3A_793 : i32 to vector<16xi32>
      %add3A_795 = arith.addi %add3A_794, %iota3A : vector<16xi32>
      %gather3A_796 = arith.constant 0 : i32
      %gather3A_797 = arith.constant 0 : i32
      %gather3A_798 = arith.constant 0 : i32
      %gather3A_799 = tpu.memref_slice %arg9[%gather3A_796, %gather3A_797, %gather3A_798] : memref<2x128x64xf32, #tpu.memory_space<vmem>> -> memref<1x128x64xf32, #tpu.memory_space<vmem>>
      %gather3A_800 = tpu.memref_squeeze %gather3A_799 : memref<1x128x64xf32, #tpu.memory_space<vmem>> -> memref<128x64xf32, #tpu.memory_space<vmem>>
      %gather3A_801 = tpu.vector_load_idx %gather3A_800[%add3A_795, %add3A_777] : memref<128x64xf32, #tpu.memory_space<vmem>>[vector<16xi32>, vector<16xi32>], vector<16xf32>,
      %swap3A_802 = arith.constant 5 : i32
      %swap3A_803 = arith.index_cast %add3A_768 : i32 to index
      %swap3A_804 = arith.index_cast %select_n3A_101 : i32 to index
      %swap3A_805 = arith.index_cast %swap3A_802 : i32 to index
      %swap3A_806 = arith.constant 16 : index
      %swap3A_807 = tpu.vector_load %arg10[%swap3A_803, %swap3A_804, %swap3A_805, %swap3A_806] {strides = array<i32>} : memref<8x4x8x128xf32, #tpu.memory_space<vmem>>, vector<16xf32>,
      tpu.vector_store %arg10[%swap3A_803, %swap3A_804, %swap3A_805, %swap3A_806], %gather3A_801 {strides = array<i32>} : memref<8x4x8x128xf32, #tpu.memory_space<vmem>>, vector<16xf32>,
      %add3A_808 = arith.constant 32 : i32
      %add3A_809 = vector.broadcast %add3A_808 : i32 to vector<16xi32>
      %add3A_810 = arith.addi %add3A_809, %iota3A : vector<16xi32>
      %gather3A_811 = arith.constant 0 : i32
      %gather3A_812 = arith.constant 0 : i32
      %gather3A_813 = arith.constant 0 : i32
      %gather3A_814 = tpu.memref_slice %arg9[%gather3A_811, %gather3A_812, %gather3A_813] : memref<2x128x64xf32, #tpu.memory_space<vmem>> -> memref<1x128x64xf32, #tpu.memory_space<vmem>>
      %gather3A_815 = tpu.memref_squeeze %gather3A_814 : memref<1x128x64xf32, #tpu.memory_space<vmem>> -> memref<128x64xf32, #tpu.memory_space<vmem>>
      %gather3A_816 = tpu.vector_load_idx %gather3A_815[%add3A_810, %add3A_777] : memref<128x64xf32, #tpu.memory_space<vmem>>[vector<16xi32>, vector<16xi32>], vector<16xf32>,
      %swap3A_817 = arith.constant 5 : i32
      %swap3A_818 = arith.index_cast %add3A_768 : i32 to index
      %swap3A_819 = arith.index_cast %select_n3A_101 : i32 to index
      %swap3A_820 = arith.index_cast %swap3A_817 : i32 to index
      %swap3A_821 = arith.constant 32 : index
      %swap3A_822 = tpu.vector_load %arg10[%swap3A_818, %swap3A_819, %swap3A_820, %swap3A_821] {strides = array<i32>} : memref<8x4x8x128xf32, #tpu.memory_space<vmem>>, vector<16xf32>,
      tpu.vector_store %arg10[%swap3A_818, %swap3A_819, %swap3A_820, %swap3A_821], %gather3A_816 {strides = array<i32>} : memref<8x4x8x128xf32, #tpu.memory_space<vmem>>, vector<16xf32>,
      %add3A_823 = arith.constant 48 : i32
      %add3A_824 = vector.broadcast %add3A_823 : i32 to vector<16xi32>
      %add3A_825 = arith.addi %add3A_824, %iota3A : vector<16xi32>
      %gather3A_826 = arith.constant 0 : i32
      %gather3A_827 = arith.constant 0 : i32
      %gather3A_828 = arith.constant 0 : i32
      %gather3A_829 = tpu.memref_slice %arg9[%gather3A_826, %gather3A_827, %gather3A_828] : memref<2x128x64xf32, #tpu.memory_space<vmem>> -> memref<1x128x64xf32, #tpu.memory_space<vmem>>
      %gather3A_830 = tpu.memref_squeeze %gather3A_829 : memref<1x128x64xf32, #tpu.memory_space<vmem>> -> memref<128x64xf32, #tpu.memory_space<vmem>>
      %gather3A_831 = tpu.vector_load_idx %gather3A_830[%add3A_825, %add3A_777] : memref<128x64xf32, #tpu.memory_space<vmem>>[vector<16xi32>, vector<16xi32>], vector<16xf32>,
      %swap3A_832 = arith.constant 5 : i32
      %swap3A_833 = arith.index_cast %add3A_768 : i32 to index
      %swap3A_834 = arith.index_cast %select_n3A_101 : i32 to index
      %swap3A_835 = arith.index_cast %swap3A_832 : i32 to index
      %swap3A_836 = arith.constant 48 : index
      %swap3A_837 = tpu.vector_load %arg10[%swap3A_833, %swap3A_834, %swap3A_835, %swap3A_836] {strides = array<i32>} : memref<8x4x8x128xf32, #tpu.memory_space<vmem>>, vector<16xf32>,
      tpu.vector_store %arg10[%swap3A_833, %swap3A_834, %swap3A_835, %swap3A_836], %gather3A_831 {strides = array<i32>} : memref<8x4x8x128xf32, #tpu.memory_space<vmem>>, vector<16xf32>,
      %add3A_838 = arith.constant 64 : i32
      %add3A_839 = vector.broadcast %add3A_838 : i32 to vector<16xi32>
      %add3A_840 = arith.addi %add3A_839, %iota3A : vector<16xi32>
      %gather3A_841 = arith.constant 0 : i32
      %gather3A_842 = arith.constant 0 : i32
      %gather3A_843 = arith.constant 0 : i32
      %gather3A_844 = tpu.memref_slice %arg9[%gather3A_841, %gather3A_842, %gather3A_843] : memref<2x128x64xf32, #tpu.memory_space<vmem>> -> memref<1x128x64xf32, #tpu.memory_space<vmem>>
      %gather3A_845 = tpu.memref_squeeze %gather3A_844 : memref<1x128x64xf32, #tpu.memory_space<vmem>> -> memref<128x64xf32, #tpu.memory_space<vmem>>
      %gather3A_846 = tpu.vector_load_idx %gather3A_845[%add3A_840, %add3A_777] : memref<128x64xf32, #tpu.memory_space<vmem>>[vector<16xi32>, vector<16xi32>], vector<16xf32>,
      %swap3A_847 = arith.constant 5 : i32
      %swap3A_848 = arith.index_cast %add3A_768 : i32 to index
      %swap3A_849 = arith.index_cast %select_n3A_101 : i32 to index
      %swap3A_850 = arith.index_cast %swap3A_847 : i32 to index
      %swap3A_851 = arith.constant 64 : index
      %swap3A_852 = tpu.vector_load %arg10[%swap3A_848, %swap3A_849, %swap3A_850, %swap3A_851] {strides = array<i32>} : memref<8x4x8x128xf32, #tpu.memory_space<vmem>>, vector<16xf32>,
      tpu.vector_store %arg10[%swap3A_848, %swap3A_849, %swap3A_850, %swap3A_851], %gather3A_846 {strides = array<i32>} : memref<8x4x8x128xf32, #tpu.memory_space<vmem>>, vector<16xf32>,
      %add3A_853 = arith.constant 80 : i32
      %add3A_854 = vector.broadcast %add3A_853 : i32 to vector<16xi32>
      %add3A_855 = arith.addi %add3A_854, %iota3A : vector<16xi32>
      %gather3A_856 = arith.constant 0 : i32
      %gather3A_857 = arith.constant 0 : i32
      %gather3A_858 = arith.constant 0 : i32
      %gather3A_859 = tpu.memref_slice %arg9[%gather3A_856, %gather3A_857, %gather3A_858] : memref<2x128x64xf32, #tpu.memory_space<vmem>> -> memref<1x128x64xf32, #tpu.memory_space<vmem>>
      %gather3A_860 = tpu.memref_squeeze %gather3A_859 : memref<1x128x64xf32, #tpu.memory_space<vmem>> -> memref<128x64xf32, #tpu.memory_space<vmem>>
      %gather3A_861 = tpu.vector_load_idx %gather3A_860[%add3A_855, %add3A_777] : memref<128x64xf32, #tpu.memory_space<vmem>>[vector<16xi32>, vector<16xi32>], vector<16xf32>,
      %swap3A_862 = arith.constant 5 : i32
      %swap3A_863 = arith.index_cast %add3A_768 : i32 to index
      %swap3A_864 = arith.index_cast %select_n3A_101 : i32 to index
      %swap3A_865 = arith.index_cast %swap3A_862 : i32 to index
      %swap3A_866 = arith.constant 80 : index
      %swap3A_867 = tpu.vector_load %arg10[%swap3A_863, %swap3A_864, %swap3A_865, %swap3A_866] {strides = array<i32>} : memref<8x4x8x128xf32, #tpu.memory_space<vmem>>, vector<16xf32>,
      tpu.vector_store %arg10[%swap3A_863, %swap3A_864, %swap3A_865, %swap3A_866], %gather3A_861 {strides = array<i32>} : memref<8x4x8x128xf32, #tpu.memory_space<vmem>>, vector<16xf32>,
      %add3A_868 = arith.constant 96 : i32
      %add3A_869 = vector.broadcast %add3A_868 : i32 to vector<16xi32>
      %add3A_870 = arith.addi %add3A_869, %iota3A : vector<16xi32>
      %gather3A_871 = arith.constant 0 : i32
      %gather3A_872 = arith.constant 0 : i32
      %gather3A_873 = arith.constant 0 : i32
      %gather3A_874 = tpu.memref_slice %arg9[%gather3A_871, %gather3A_872, %gather3A_873] : memref<2x128x64xf32, #tpu.memory_space<vmem>> -> memref<1x128x64xf32, #tpu.memory_space<vmem>>
      %gather3A_875 = tpu.memref_squeeze %gather3A_874 : memref<1x128x64xf32, #tpu.memory_space<vmem>> -> memref<128x64xf32, #tpu.memory_space<vmem>>
      %gather3A_876 = tpu.vector_load_idx %gather3A_875[%add3A_870, %add3A_777] : memref<128x64xf32, #tpu.memory_space<vmem>>[vector<16xi32>, vector<16xi32>], vector<16xf32>,
      %swap3A_877 = arith.constant 5 : i32
      %swap3A_878 = arith.index_cast %add3A_768 : i32 to index
      %swap3A_879 = arith.index_cast %select_n3A_101 : i32 to index
      %swap3A_880 = arith.index_cast %swap3A_877 : i32 to index
      %swap3A_881 = arith.constant 96 : index
      %swap3A_882 = tpu.vector_load %arg10[%swap3A_878, %swap3A_879, %swap3A_880, %swap3A_881] {strides = array<i32>} : memref<8x4x8x128xf32, #tpu.memory_space<vmem>>, vector<16xf32>,
      tpu.vector_store %arg10[%swap3A_878, %swap3A_879, %swap3A_880, %swap3A_881], %gather3A_876 {strides = array<i32>} : memref<8x4x8x128xf32, #tpu.memory_space<vmem>>, vector<16xf32>,
      %add3A_883 = arith.constant 112 : i32
      %add3A_884 = vector.broadcast %add3A_883 : i32 to vector<16xi32>
      %add3A_885 = arith.addi %add3A_884, %iota3A : vector<16xi32>
      %gather3A_886 = arith.constant 0 : i32
      %gather3A_887 = arith.constant 0 : i32
      %gather3A_888 = arith.constant 0 : i32
      %gather3A_889 = tpu.memref_slice %arg9[%gather3A_886, %gather3A_887, %gather3A_888] : memref<2x128x64xf32, #tpu.memory_space<vmem>> -> memref<1x128x64xf32, #tpu.memory_space<vmem>>
      %gather3A_890 = tpu.memref_squeeze %gather3A_889 : memref<1x128x64xf32, #tpu.memory_space<vmem>> -> memref<128x64xf32, #tpu.memory_space<vmem>>
      %gather3A_891 = tpu.vector_load_idx %gather3A_890[%add3A_885, %add3A_777] : memref<128x64xf32, #tpu.memory_space<vmem>>[vector<16xi32>, vector<16xi32>], vector<16xf32>,
      %swap3A_892 = arith.constant 5 : i32
      %swap3A_893 = arith.index_cast %add3A_768 : i32 to index
      %swap3A_894 = arith.index_cast %select_n3A_101 : i32 to index
      %swap3A_895 = arith.index_cast %swap3A_892 : i32 to index
      %swap3A_896 = arith.constant 112 : index
      %swap3A_897 = tpu.vector_load %arg10[%swap3A_893, %swap3A_894, %swap3A_895, %swap3A_896] {strides = array<i32>} : memref<8x4x8x128xf32, #tpu.memory_space<vmem>>, vector<16xf32>,
      tpu.vector_store %arg10[%swap3A_893, %swap3A_894, %swap3A_895, %swap3A_896], %gather3A_891 {strides = array<i32>} : memref<8x4x8x128xf32, #tpu.memory_space<vmem>>, vector<16xf32>,
      %mul3A_898 = arith.constant 2 : i32
      %mul3A_899 = arith.muli %mul3A_898, %select_n3A : i32
      %add3A_900 = arith.constant 0 : i32
      %add3A_901 = arith.addi %mul3A_899, %add3A_900 : i32
      %mul3A_902 = arith.constant 0 : i32
      %mul3A_903 = vector.broadcast %mul3A_902 : i32 to vector<16xi32>
      %mul3A_904 = arith.muli %iota3A, %mul3A_903 : vector<16xi32>
      %mul3A_905 = arith.constant 16 : i32
      %mul3A_906 = arith.muli %select_n3A, %mul3A_905 : i32
      %add3A_907 = arith.constant 6 : i32
      %add3A_908 = arith.addi %mul3A_906, %add3A_907 : i32
      %add3A_909 = vector.broadcast %add3A_908 : i32 to vector<16xi32>
      %add3A_910 = arith.addi %mul3A_904, %add3A_909 : vector<16xi32>
      %add3A_911 = arith.constant 0 : i32
      %add3A_912 = vector.broadcast %add3A_911 : i32 to vector<16xi32>
      %add3A_913 = arith.addi %add3A_912, %iota3A : vector<16xi32>
      %gather3A_914 = arith.constant 0 : i32
      %gather3A_915 = arith.constant 0 : i32
      %gather3A_916 = arith.constant 0 : i32
      %gather3A_917 = tpu.memref_slice %arg9[%gather3A_914, %gather3A_915, %gather3A_916] : memref<2x128x64xf32, #tpu.memory_space<vmem>> -> memref<1x128x64xf32, #tpu.memory_space<vmem>>
      %gather3A_918 = tpu.memref_squeeze %gather3A_917 : memref<1x128x64xf32, #tpu.memory_space<vmem>> -> memref<128x64xf32, #tpu.memory_space<vmem>>
      %gather3A_919 = tpu.vector_load_idx %gather3A_918[%add3A_913, %add3A_910] : memref<128x64xf32, #tpu.memory_space<vmem>>[vector<16xi32>, vector<16xi32>], vector<16xf32>,
      %swap3A_920 = arith.constant 6 : i32
      %swap3A_921 = arith.index_cast %add3A_901 : i32 to index
      %swap3A_922 = arith.index_cast %select_n3A_101 : i32 to index
      %swap3A_923 = arith.index_cast %swap3A_920 : i32 to index
      %swap3A_924 = arith.constant 0 : index
      %swap3A_925 = tpu.vector_load %arg10[%swap3A_921, %swap3A_922, %swap3A_923, %swap3A_924] {strides = array<i32>} : memref<8x4x8x128xf32, #tpu.memory_space<vmem>>, vector<16xf32>,
      tpu.vector_store %arg10[%swap3A_921, %swap3A_922, %swap3A_923, %swap3A_924], %gather3A_919 {strides = array<i32>} : memref<8x4x8x128xf32, #tpu.memory_space<vmem>>, vector<16xf32>,
      %add3A_926 = arith.constant 16 : i32
      %add3A_927 = vector.broadcast %add3A_926 : i32 to vector<16xi32>
      %add3A_928 = arith.addi %add3A_927, %iota3A : vector<16xi32>
      %gather3A_929 = arith.constant 0 : i32
      %gather3A_930 = arith.constant 0 : i32
      %gather3A_931 = arith.constant 0 : i32
      %gather3A_932 = tpu.memref_slice %arg9[%gather3A_929, %gather3A_930, %gather3A_931] : memref<2x128x64xf32, #tpu.memory_space<vmem>> -> memref<1x128x64xf32, #tpu.memory_space<vmem>>
      %gather3A_933 = tpu.memref_squeeze %gather3A_932 : memref<1x128x64xf32, #tpu.memory_space<vmem>> -> memref<128x64xf32, #tpu.memory_space<vmem>>
      %gather3A_934 = tpu.vector_load_idx %gather3A_933[%add3A_928, %add3A_910] : memref<128x64xf32, #tpu.memory_space<vmem>>[vector<16xi32>, vector<16xi32>], vector<16xf32>,
      %swap3A_935 = arith.constant 6 : i32
      %swap3A_936 = arith.index_cast %add3A_901 : i32 to index
      %swap3A_937 = arith.index_cast %select_n3A_101 : i32 to index
      %swap3A_938 = arith.index_cast %swap3A_935 : i32 to index
      %swap3A_939 = arith.constant 16 : index
      %swap3A_940 = tpu.vector_load %arg10[%swap3A_936, %swap3A_937, %swap3A_938, %swap3A_939] {strides = array<i32>} : memref<8x4x8x128xf32, #tpu.memory_space<vmem>>, vector<16xf32>,
      tpu.vector_store %arg10[%swap3A_936, %swap3A_937, %swap3A_938, %swap3A_939], %gather3A_934 {strides = array<i32>} : memref<8x4x8x128xf32, #tpu.memory_space<vmem>>, vector<16xf32>,
      %add3A_941 = arith.constant 32 : i32
      %add3A_942 = vector.broadcast %add3A_941 : i32 to vector<16xi32>
      %add3A_943 = arith.addi %add3A_942, %iota3A : vector<16xi32>
      %gather3A_944 = arith.constant 0 : i32
      %gather3A_945 = arith.constant 0 : i32
      %gather3A_946 = arith.constant 0 : i32
      %gather3A_947 = tpu.memref_slice %arg9[%gather3A_944, %gather3A_945, %gather3A_946] : memref<2x128x64xf32, #tpu.memory_space<vmem>> -> memref<1x128x64xf32, #tpu.memory_space<vmem>>
      %gather3A_948 = tpu.memref_squeeze %gather3A_947 : memref<1x128x64xf32, #tpu.memory_space<vmem>> -> memref<128x64xf32, #tpu.memory_space<vmem>>
      %gather3A_949 = tpu.vector_load_idx %gather3A_948[%add3A_943, %add3A_910] : memref<128x64xf32, #tpu.memory_space<vmem>>[vector<16xi32>, vector<16xi32>], vector<16xf32>,
      %swap3A_950 = arith.constant 6 : i32
      %swap3A_951 = arith.index_cast %add3A_901 : i32 to index
      %swap3A_952 = arith.index_cast %select_n3A_101 : i32 to index
      %swap3A_953 = arith.index_cast %swap3A_950 : i32 to index
      %swap3A_954 = arith.constant 32 : index
      %swap3A_955 = tpu.vector_load %arg10[%swap3A_951, %swap3A_952, %swap3A_953, %swap3A_954] {strides = array<i32>} : memref<8x4x8x128xf32, #tpu.memory_space<vmem>>, vector<16xf32>,
      tpu.vector_store %arg10[%swap3A_951, %swap3A_952, %swap3A_953, %swap3A_954], %gather3A_949 {strides = array<i32>} : memref<8x4x8x128xf32, #tpu.memory_space<vmem>>, vector<16xf32>,
      %add3A_956 = arith.constant 48 : i32
      %add3A_957 = vector.broadcast %add3A_956 : i32 to vector<16xi32>
      %add3A_958 = arith.addi %add3A_957, %iota3A : vector<16xi32>
      %gather3A_959 = arith.constant 0 : i32
      %gather3A_960 = arith.constant 0 : i32
      %gather3A_961 = arith.constant 0 : i32
      %gather3A_962 = tpu.memref_slice %arg9[%gather3A_959, %gather3A_960, %gather3A_961] : memref<2x128x64xf32, #tpu.memory_space<vmem>> -> memref<1x128x64xf32, #tpu.memory_space<vmem>>
      %gather3A_963 = tpu.memref_squeeze %gather3A_962 : memref<1x128x64xf32, #tpu.memory_space<vmem>> -> memref<128x64xf32, #tpu.memory_space<vmem>>
      %gather3A_964 = tpu.vector_load_idx %gather3A_963[%add3A_958, %add3A_910] : memref<128x64xf32, #tpu.memory_space<vmem>>[vector<16xi32>, vector<16xi32>], vector<16xf32>,
      %swap3A_965 = arith.constant 6 : i32
      %swap3A_966 = arith.index_cast %add3A_901 : i32 to index
      %swap3A_967 = arith.index_cast %select_n3A_101 : i32 to index
      %swap3A_968 = arith.index_cast %swap3A_965 : i32 to index
      %swap3A_969 = arith.constant 48 : index
      %swap3A_970 = tpu.vector_load %arg10[%swap3A_966, %swap3A_967, %swap3A_968, %swap3A_969] {strides = array<i32>} : memref<8x4x8x128xf32, #tpu.memory_space<vmem>>, vector<16xf32>,
      tpu.vector_store %arg10[%swap3A_966, %swap3A_967, %swap3A_968, %swap3A_969], %gather3A_964 {strides = array<i32>} : memref<8x4x8x128xf32, #tpu.memory_space<vmem>>, vector<16xf32>,
      %add3A_971 = arith.constant 64 : i32
      %add3A_972 = vector.broadcast %add3A_971 : i32 to vector<16xi32>
      %add3A_973 = arith.addi %add3A_972, %iota3A : vector<16xi32>
      %gather3A_974 = arith.constant 0 : i32
      %gather3A_975 = arith.constant 0 : i32
      %gather3A_976 = arith.constant 0 : i32
      %gather3A_977 = tpu.memref_slice %arg9[%gather3A_974, %gather3A_975, %gather3A_976] : memref<2x128x64xf32, #tpu.memory_space<vmem>> -> memref<1x128x64xf32, #tpu.memory_space<vmem>>
      %gather3A_978 = tpu.memref_squeeze %gather3A_977 : memref<1x128x64xf32, #tpu.memory_space<vmem>> -> memref<128x64xf32, #tpu.memory_space<vmem>>
      %gather3A_979 = tpu.vector_load_idx %gather3A_978[%add3A_973, %add3A_910] : memref<128x64xf32, #tpu.memory_space<vmem>>[vector<16xi32>, vector<16xi32>], vector<16xf32>,
      %swap3A_980 = arith.constant 6 : i32
      %swap3A_981 = arith.index_cast %add3A_901 : i32 to index
      %swap3A_982 = arith.index_cast %select_n3A_101 : i32 to index
      %swap3A_983 = arith.index_cast %swap3A_980 : i32 to index
      %swap3A_984 = arith.constant 64 : index
      %swap3A_985 = tpu.vector_load %arg10[%swap3A_981, %swap3A_982, %swap3A_983, %swap3A_984] {strides = array<i32>} : memref<8x4x8x128xf32, #tpu.memory_space<vmem>>, vector<16xf32>,
      tpu.vector_store %arg10[%swap3A_981, %swap3A_982, %swap3A_983, %swap3A_984], %gather3A_979 {strides = array<i32>} : memref<8x4x8x128xf32, #tpu.memory_space<vmem>>, vector<16xf32>,
      %add3A_986 = arith.constant 80 : i32
      %add3A_987 = vector.broadcast %add3A_986 : i32 to vector<16xi32>
      %add3A_988 = arith.addi %add3A_987, %iota3A : vector<16xi32>
      %gather3A_989 = arith.constant 0 : i32
      %gather3A_990 = arith.constant 0 : i32
      %gather3A_991 = arith.constant 0 : i32
      %gather3A_992 = tpu.memref_slice %arg9[%gather3A_989, %gather3A_990, %gather3A_991] : memref<2x128x64xf32, #tpu.memory_space<vmem>> -> memref<1x128x64xf32, #tpu.memory_space<vmem>>
      %gather3A_993 = tpu.memref_squeeze %gather3A_992 : memref<1x128x64xf32, #tpu.memory_space<vmem>> -> memref<128x64xf32, #tpu.memory_space<vmem>>
      %gather3A_994 = tpu.vector_load_idx %gather3A_993[%add3A_988, %add3A_910] : memref<128x64xf32, #tpu.memory_space<vmem>>[vector<16xi32>, vector<16xi32>], vector<16xf32>,
      %swap3A_995 = arith.constant 6 : i32
      %swap3A_996 = arith.index_cast %add3A_901 : i32 to index
      %swap3A_997 = arith.index_cast %select_n3A_101 : i32 to index
      %swap3A_998 = arith.index_cast %swap3A_995 : i32 to index
      %swap3A_999 = arith.constant 80 : index
      %swap3A_1000 = tpu.vector_load %arg10[%swap3A_996, %swap3A_997, %swap3A_998, %swap3A_999] {strides = array<i32>} : memref<8x4x8x128xf32, #tpu.memory_space<vmem>>, vector<16xf32>,
      tpu.vector_store %arg10[%swap3A_996, %swap3A_997, %swap3A_998, %swap3A_999], %gather3A_994 {strides = array<i32>} : memref<8x4x8x128xf32, #tpu.memory_space<vmem>>, vector<16xf32>,
      %add3A_1001 = arith.constant 96 : i32
      %add3A_1002 = vector.broadcast %add3A_1001 : i32 to vector<16xi32>
      %add3A_1003 = arith.addi %add3A_1002, %iota3A : vector<16xi32>
      %gather3A_1004 = arith.constant 0 : i32
      %gather3A_1005 = arith.constant 0 : i32
      %gather3A_1006 = arith.constant 0 : i32
      %gather3A_1007 = tpu.memref_slice %arg9[%gather3A_1004, %gather3A_1005, %gather3A_1006] : memref<2x128x64xf32, #tpu.memory_space<vmem>> -> memref<1x128x64xf32, #tpu.memory_space<vmem>>
      %gather3A_1008 = tpu.memref_squeeze %gather3A_1007 : memref<1x128x64xf32, #tpu.memory_space<vmem>> -> memref<128x64xf32, #tpu.memory_space<vmem>>
      %gather3A_1009 = tpu.vector_load_idx %gather3A_1008[%add3A_1003, %add3A_910] : memref<128x64xf32, #tpu.memory_space<vmem>>[vector<16xi32>, vector<16xi32>], vector<16xf32>,
      %swap3A_1010 = arith.constant 6 : i32
      %swap3A_1011 = arith.index_cast %add3A_901 : i32 to index
      %swap3A_1012 = arith.index_cast %select_n3A_101 : i32 to index
      %swap3A_1013 = arith.index_cast %swap3A_1010 : i32 to index
      %swap3A_1014 = arith.constant 96 : index
      %swap3A_1015 = tpu.vector_load %arg10[%swap3A_1011, %swap3A_1012, %swap3A_1013, %swap3A_1014] {strides = array<i32>} : memref<8x4x8x128xf32, #tpu.memory_space<vmem>>, vector<16xf32>,
      tpu.vector_store %arg10[%swap3A_1011, %swap3A_1012, %swap3A_1013, %swap3A_1014], %gather3A_1009 {strides = array<i32>} : memref<8x4x8x128xf32, #tpu.memory_space<vmem>>, vector<16xf32>,
      %add3A_1016 = arith.constant 112 : i32
      %add3A_1017 = vector.broadcast %add3A_1016 : i32 to vector<16xi32>
      %add3A_1018 = arith.addi %add3A_1017, %iota3A : vector<16xi32>
      %gather3A_1019 = arith.constant 0 : i32
      %gather3A_1020 = arith.constant 0 : i32
      %gather3A_1021 = arith.constant 0 : i32
      %gather3A_1022 = tpu.memref_slice %arg9[%gather3A_1019, %gather3A_1020, %gather3A_1021] : memref<2x128x64xf32, #tpu.memory_space<vmem>> -> memref<1x128x64xf32, #tpu.memory_space<vmem>>
      %gather3A_1023 = tpu.memref_squeeze %gather3A_1022 : memref<1x128x64xf32, #tpu.memory_space<vmem>> -> memref<128x64xf32, #tpu.memory_space<vmem>>
      %gather3A_1024 = tpu.vector_load_idx %gather3A_1023[%add3A_1018, %add3A_910] : memref<128x64xf32, #tpu.memory_space<vmem>>[vector<16xi32>, vector<16xi32>], vector<16xf32>,
      %swap3A_1025 = arith.constant 6 : i32
      %swap3A_1026 = arith.index_cast %add3A_901 : i32 to index
      %swap3A_1027 = arith.index_cast %select_n3A_101 : i32 to index
      %swap3A_1028 = arith.index_cast %swap3A_1025 : i32 to index
      %swap3A_1029 = arith.constant 112 : index
      %swap3A_1030 = tpu.vector_load %arg10[%swap3A_1026, %swap3A_1027, %swap3A_1028, %swap3A_1029] {strides = array<i32>} : memref<8x4x8x128xf32, #tpu.memory_space<vmem>>, vector<16xf32>,
      tpu.vector_store %arg10[%swap3A_1026, %swap3A_1027, %swap3A_1028, %swap3A_1029], %gather3A_1024 {strides = array<i32>} : memref<8x4x8x128xf32, #tpu.memory_space<vmem>>, vector<16xf32>,
      %mul3A_1031 = arith.constant 2 : i32
      %mul3A_1032 = arith.muli %mul3A_1031, %select_n3A : i32
      %add3A_1033 = arith.constant 0 : i32
      %add3A_1034 = arith.addi %mul3A_1032, %add3A_1033 : i32
      %mul3A_1035 = arith.constant 0 : i32
      %mul3A_1036 = vector.broadcast %mul3A_1035 : i32 to vector<16xi32>
      %mul3A_1037 = arith.muli %iota3A, %mul3A_1036 : vector<16xi32>
      %mul3A_1038 = arith.constant 16 : i32
      %mul3A_1039 = arith.muli %select_n3A, %mul3A_1038 : i32
      %add3A_1040 = arith.constant 7 : i32
      %add3A_1041 = arith.addi %mul3A_1039, %add3A_1040 : i32
      %add3A_1042 = vector.broadcast %add3A_1041 : i32 to vector<16xi32>
      %add3A_1043 = arith.addi %mul3A_1037, %add3A_1042 : vector<16xi32>
      %add3A_1044 = arith.constant 0 : i32
      %add3A_1045 = vector.broadcast %add3A_1044 : i32 to vector<16xi32>
      %add3A_1046 = arith.addi %add3A_1045, %iota3A : vector<16xi32>
      %gather3A_1047 = arith.constant 0 : i32
      %gather3A_1048 = arith.constant 0 : i32
      %gather3A_1049 = arith.constant 0 : i32
      %gather3A_1050 = tpu.memref_slice %arg9[%gather3A_1047, %gather3A_1048, %gather3A_1049] : memref<2x128x64xf32, #tpu.memory_space<vmem>> -> memref<1x128x64xf32, #tpu.memory_space<vmem>>
      %gather3A_1051 = tpu.memref_squeeze %gather3A_1050 : memref<1x128x64xf32, #tpu.memory_space<vmem>> -> memref<128x64xf32, #tpu.memory_space<vmem>>
      %gather3A_1052 = tpu.vector_load_idx %gather3A_1051[%add3A_1046, %add3A_1043] : memref<128x64xf32, #tpu.memory_space<vmem>>[vector<16xi32>, vector<16xi32>], vector<16xf32>,
      %swap3A_1053 = arith.constant 7 : i32
      %swap3A_1054 = arith.index_cast %add3A_1034 : i32 to index
      %swap3A_1055 = arith.index_cast %select_n3A_101 : i32 to index
      %swap3A_1056 = arith.index_cast %swap3A_1053 : i32 to index
      %swap3A_1057 = arith.constant 0 : index
      %swap3A_1058 = tpu.vector_load %arg10[%swap3A_1054, %swap3A_1055, %swap3A_1056, %swap3A_1057] {strides = array<i32>} : memref<8x4x8x128xf32, #tpu.memory_space<vmem>>, vector<16xf32>,
      tpu.vector_store %arg10[%swap3A_1054, %swap3A_1055, %swap3A_1056, %swap3A_1057], %gather3A_1052 {strides = array<i32>} : memref<8x4x8x128xf32, #tpu.memory_space<vmem>>, vector<16xf32>,
      %add3A_1059 = arith.constant 16 : i32
      %add3A_1060 = vector.broadcast %add3A_1059 : i32 to vector<16xi32>
      %add3A_1061 = arith.addi %add3A_1060, %iota3A : vector<16xi32>
      %gather3A_1062 = arith.constant 0 : i32
      %gather3A_1063 = arith.constant 0 : i32
      %gather3A_1064 = arith.constant 0 : i32
      %gather3A_1065 = tpu.memref_slice %arg9[%gather3A_1062, %gather3A_1063, %gather3A_1064] : memref<2x128x64xf32, #tpu.memory_space<vmem>> -> memref<1x128x64xf32, #tpu.memory_space<vmem>>
      %gather3A_1066 = tpu.memref_squeeze %gather3A_1065 : memref<1x128x64xf32, #tpu.memory_space<vmem>> -> memref<128x64xf32, #tpu.memory_space<vmem>>
      %gather3A_1067 = tpu.vector_load_idx %gather3A_1066[%add3A_1061, %add3A_1043] : memref<128x64xf32, #tpu.memory_space<vmem>>[vector<16xi32>, vector<16xi32>], vector<16xf32>,
      %swap3A_1068 = arith.constant 7 : i32
      %swap3A_1069 = arith.index_cast %add3A_1034 : i32 to index
      %swap3A_1070 = arith.index_cast %select_n3A_101 : i32 to index
      %swap3A_1071 = arith.index_cast %swap3A_1068 : i32 to index
      %swap3A_1072 = arith.constant 16 : index
      %swap3A_1073 = tpu.vector_load %arg10[%swap3A_1069, %swap3A_1070, %swap3A_1071, %swap3A_1072] {strides = array<i32>} : memref<8x4x8x128xf32, #tpu.memory_space<vmem>>, vector<16xf32>,
      tpu.vector_store %arg10[%swap3A_1069, %swap3A_1070, %swap3A_1071, %swap3A_1072], %gather3A_1067 {strides = array<i32>} : memref<8x4x8x128xf32, #tpu.memory_space<vmem>>, vector<16xf32>,
      %add3A_1074 = arith.constant 32 : i32
      %add3A_1075 = vector.broadcast %add3A_1074 : i32 to vector<16xi32>
      %add3A_1076 = arith.addi %add3A_1075, %iota3A : vector<16xi32>
      %gather3A_1077 = arith.constant 0 : i32
      %gather3A_1078 = arith.constant 0 : i32
      %gather3A_1079 = arith.constant 0 : i32
      %gather3A_1080 = tpu.memref_slice %arg9[%gather3A_1077, %gather3A_1078, %gather3A_1079] : memref<2x128x64xf32, #tpu.memory_space<vmem>> -> memref<1x128x64xf32, #tpu.memory_space<vmem>>
      %gather3A_1081 = tpu.memref_squeeze %gather3A_1080 : memref<1x128x64xf32, #tpu.memory_space<vmem>> -> memref<128x64xf32, #tpu.memory_space<vmem>>
      %gather3A_1082 = tpu.vector_load_idx %gather3A_1081[%add3A_1076, %add3A_1043] : memref<128x64xf32, #tpu.memory_space<vmem>>[vector<16xi32>, vector<16xi32>], vector<16xf32>,
      %swap3A_1083 = arith.constant 7 : i32
      %swap3A_1084 = arith.index_cast %add3A_1034 : i32 to index
      %swap3A_1085 = arith.index_cast %select_n3A_101 : i32 to index
      %swap3A_1086 = arith.index_cast %swap3A_1083 : i32 to index
      %swap3A_1087 = arith.constant 32 : index
      %swap3A_1088 = tpu.vector_load %arg10[%swap3A_1084, %swap3A_1085, %swap3A_1086, %swap3A_1087] {strides = array<i32>} : memref<8x4x8x128xf32, #tpu.memory_space<vmem>>, vector<16xf32>,
      tpu.vector_store %arg10[%swap3A_1084, %swap3A_1085, %swap3A_1086, %swap3A_1087], %gather3A_1082 {strides = array<i32>} : memref<8x4x8x128xf32, #tpu.memory_space<vmem>>, vector<16xf32>,
      %add3A_1089 = arith.constant 48 : i32
      %add3A_1090 = vector.broadcast %add3A_1089 : i32 to vector<16xi32>
      %add3A_1091 = arith.addi %add3A_1090, %iota3A : vector<16xi32>
      %gather3A_1092 = arith.constant 0 : i32
      %gather3A_1093 = arith.constant 0 : i32
      %gather3A_1094 = arith.constant 0 : i32
      %gather3A_1095 = tpu.memref_slice %arg9[%gather3A_1092, %gather3A_1093, %gather3A_1094] : memref<2x128x64xf32, #tpu.memory_space<vmem>> -> memref<1x128x64xf32, #tpu.memory_space<vmem>>
      %gather3A_1096 = tpu.memref_squeeze %gather3A_1095 : memref<1x128x64xf32, #tpu.memory_space<vmem>> -> memref<128x64xf32, #tpu.memory_space<vmem>>
      %gather3A_1097 = tpu.vector_load_idx %gather3A_1096[%add3A_1091, %add3A_1043] : memref<128x64xf32, #tpu.memory_space<vmem>>[vector<16xi32>, vector<16xi32>], vector<16xf32>,
      %swap3A_1098 = arith.constant 7 : i32
      %swap3A_1099 = arith.index_cast %add3A_1034 : i32 to index
      %swap3A_1100 = arith.index_cast %select_n3A_101 : i32 to index
      %swap3A_1101 = arith.index_cast %swap3A_1098 : i32 to index
      %swap3A_1102 = arith.constant 48 : index
      %swap3A_1103 = tpu.vector_load %arg10[%swap3A_1099, %swap3A_1100, %swap3A_1101, %swap3A_1102] {strides = array<i32>} : memref<8x4x8x128xf32, #tpu.memory_space<vmem>>, vector<16xf32>,
      tpu.vector_store %arg10[%swap3A_1099, %swap3A_1100, %swap3A_1101, %swap3A_1102], %gather3A_1097 {strides = array<i32>} : memref<8x4x8x128xf32, #tpu.memory_space<vmem>>, vector<16xf32>,
      %add3A_1104 = arith.constant 64 : i32
      %add3A_1105 = vector.broadcast %add3A_1104 : i32 to vector<16xi32>
      %add3A_1106 = arith.addi %add3A_1105, %iota3A : vector<16xi32>
      %gather3A_1107 = arith.constant 0 : i32
      %gather3A_1108 = arith.constant 0 : i32
      %gather3A_1109 = arith.constant 0 : i32
      %gather3A_1110 = tpu.memref_slice %arg9[%gather3A_1107, %gather3A_1108, %gather3A_1109] : memref<2x128x64xf32, #tpu.memory_space<vmem>> -> memref<1x128x64xf32, #tpu.memory_space<vmem>>
      %gather3A_1111 = tpu.memref_squeeze %gather3A_1110 : memref<1x128x64xf32, #tpu.memory_space<vmem>> -> memref<128x64xf32, #tpu.memory_space<vmem>>
      %gather3A_1112 = tpu.vector_load_idx %gather3A_1111[%add3A_1106, %add3A_1043] : memref<128x64xf32, #tpu.memory_space<vmem>>[vector<16xi32>, vector<16xi32>], vector<16xf32>,
      %swap3A_1113 = arith.constant 7 : i32
      %swap3A_1114 = arith.index_cast %add3A_1034 : i32 to index
      %swap3A_1115 = arith.index_cast %select_n3A_101 : i32 to index
      %swap3A_1116 = arith.index_cast %swap3A_1113 : i32 to index
      %swap3A_1117 = arith.constant 64 : index
      %swap3A_1118 = tpu.vector_load %arg10[%swap3A_1114, %swap3A_1115, %swap3A_1116, %swap3A_1117] {strides = array<i32>} : memref<8x4x8x128xf32, #tpu.memory_space<vmem>>, vector<16xf32>,
      tpu.vector_store %arg10[%swap3A_1114, %swap3A_1115, %swap3A_1116, %swap3A_1117], %gather3A_1112 {strides = array<i32>} : memref<8x4x8x128xf32, #tpu.memory_space<vmem>>, vector<16xf32>,
      %add3A_1119 = arith.constant 80 : i32
      %add3A_1120 = vector.broadcast %add3A_1119 : i32 to vector<16xi32>
      %add3A_1121 = arith.addi %add3A_1120, %iota3A : vector<16xi32>
      %gather3A_1122 = arith.constant 0 : i32
      %gather3A_1123 = arith.constant 0 : i32
      %gather3A_1124 = arith.constant 0 : i32
      %gather3A_1125 = tpu.memref_slice %arg9[%gather3A_1122, %gather3A_1123, %gather3A_1124] : memref<2x128x64xf32, #tpu.memory_space<vmem>> -> memref<1x128x64xf32, #tpu.memory_space<vmem>>
      %gather3A_1126 = tpu.memref_squeeze %gather3A_1125 : memref<1x128x64xf32, #tpu.memory_space<vmem>> -> memref<128x64xf32, #tpu.memory_space<vmem>>
      %gather3A_1127 = tpu.vector_load_idx %gather3A_1126[%add3A_1121, %add3A_1043] : memref<128x64xf32, #tpu.memory_space<vmem>>[vector<16xi32>, vector<16xi32>], vector<16xf32>,
      %swap3A_1128 = arith.constant 7 : i32
      %swap3A_1129 = arith.index_cast %add3A_1034 : i32 to index
      %swap3A_1130 = arith.index_cast %select_n3A_101 : i32 to index
      %swap3A_1131 = arith.index_cast %swap3A_1128 : i32 to index
      %swap3A_1132 = arith.constant 80 : index
      %swap3A_1133 = tpu.vector_load %arg10[%swap3A_1129, %swap3A_1130, %swap3A_1131, %swap3A_1132] {strides = array<i32>} : memref<8x4x8x128xf32, #tpu.memory_space<vmem>>, vector<16xf32>,
      tpu.vector_store %arg10[%swap3A_1129, %swap3A_1130, %swap3A_1131, %swap3A_1132], %gather3A_1127 {strides = array<i32>} : memref<8x4x8x128xf32, #tpu.memory_space<vmem>>, vector<16xf32>,
      %add3A_1134 = arith.constant 96 : i32
      %add3A_1135 = vector.broadcast %add3A_1134 : i32 to vector<16xi32>
      %add3A_1136 = arith.addi %add3A_1135, %iota3A : vector<16xi32>
      %gather3A_1137 = arith.constant 0 : i32
      %gather3A_1138 = arith.constant 0 : i32
      %gather3A_1139 = arith.constant 0 : i32
      %gather3A_1140 = tpu.memref_slice %arg9[%gather3A_1137, %gather3A_1138, %gather3A_1139] : memref<2x128x64xf32, #tpu.memory_space<vmem>> -> memref<1x128x64xf32, #tpu.memory_space<vmem>>
      %gather3A_1141 = tpu.memref_squeeze %gather3A_1140 : memref<1x128x64xf32, #tpu.memory_space<vmem>> -> memref<128x64xf32, #tpu.memory_space<vmem>>
      %gather3A_1142 = tpu.vector_load_idx %gather3A_1141[%add3A_1136, %add3A_1043] : memref<128x64xf32, #tpu.memory_space<vmem>>[vector<16xi32>, vector<16xi32>], vector<16xf32>,
      %swap3A_1143 = arith.constant 7 : i32
      %swap3A_1144 = arith.index_cast %add3A_1034 : i32 to index
      %swap3A_1145 = arith.index_cast %select_n3A_101 : i32 to index
      %swap3A_1146 = arith.index_cast %swap3A_1143 : i32 to index
      %swap3A_1147 = arith.constant 96 : index
      %swap3A_1148 = tpu.vector_load %arg10[%swap3A_1144, %swap3A_1145, %swap3A_1146, %swap3A_1147] {strides = array<i32>} : memref<8x4x8x128xf32, #tpu.memory_space<vmem>>, vector<16xf32>,
      tpu.vector_store %arg10[%swap3A_1144, %swap3A_1145, %swap3A_1146, %swap3A_1147], %gather3A_1142 {strides = array<i32>} : memref<8x4x8x128xf32, #tpu.memory_space<vmem>>, vector<16xf32>,
      %add3A_1149 = arith.constant 112 : i32
      %add3A_1150 = vector.broadcast %add3A_1149 : i32 to vector<16xi32>
      %add3A_1151 = arith.addi %add3A_1150, %iota3A : vector<16xi32>
      %gather3A_1152 = arith.constant 0 : i32
      %gather3A_1153 = arith.constant 0 : i32
      %gather3A_1154 = arith.constant 0 : i32
      %gather3A_1155 = tpu.memref_slice %arg9[%gather3A_1152, %gather3A_1153, %gather3A_1154] : memref<2x128x64xf32, #tpu.memory_space<vmem>> -> memref<1x128x64xf32, #tpu.memory_space<vmem>>
      %gather3A_1156 = tpu.memref_squeeze %gather3A_1155 : memref<1x128x64xf32, #tpu.memory_space<vmem>> -> memref<128x64xf32, #tpu.memory_space<vmem>>
      %gather3A_1157 = tpu.vector_load_idx %gather3A_1156[%add3A_1151, %add3A_1043] : memref<128x64xf32, #tpu.memory_space<vmem>>[vector<16xi32>, vector<16xi32>], vector<16xf32>,
      %swap3A_1158 = arith.constant 7 : i32
      %swap3A_1159 = arith.index_cast %add3A_1034 : i32 to index
      %swap3A_1160 = arith.index_cast %select_n3A_101 : i32 to index
      %swap3A_1161 = arith.index_cast %swap3A_1158 : i32 to index
      %swap3A_1162 = arith.constant 112 : index
      %swap3A_1163 = tpu.vector_load %arg10[%swap3A_1159, %swap3A_1160, %swap3A_1161, %swap3A_1162] {strides = array<i32>} : memref<8x4x8x128xf32, #tpu.memory_space<vmem>>, vector<16xf32>,
      tpu.vector_store %arg10[%swap3A_1159, %swap3A_1160, %swap3A_1161, %swap3A_1162], %gather3A_1157 {strides = array<i32>} : memref<8x4x8x128xf32, #tpu.memory_space<vmem>>, vector<16xf32>,
      %mul3A_1164 = arith.constant 2 : i32
      %mul3A_1165 = arith.muli %mul3A_1164, %select_n3A : i32
      %add3A_1166 = arith.constant 1 : i32
      %add3A_1167 = arith.addi %mul3A_1165, %add3A_1166 : i32
      %mul3A_1168 = arith.constant 0 : i32
      %mul3A_1169 = vector.broadcast %mul3A_1168 : i32 to vector<16xi32>
      %mul3A_1170 = arith.muli %iota3A, %mul3A_1169 : vector<16xi32>
      %mul3A_1171 = arith.constant 16 : i32
      %mul3A_1172 = arith.muli %select_n3A, %mul3A_1171 : i32
      %add3A_1173 = arith.constant 8 : i32
      %add3A_1174 = arith.addi %mul3A_1172, %add3A_1173 : i32
      %add3A_1175 = vector.broadcast %add3A_1174 : i32 to vector<16xi32>
      %add3A_1176 = arith.addi %mul3A_1170, %add3A_1175 : vector<16xi32>
      %add3A_1177 = arith.constant 0 : i32
      %add3A_1178 = vector.broadcast %add3A_1177 : i32 to vector<16xi32>
      %add3A_1179 = arith.addi %add3A_1178, %iota3A : vector<16xi32>
      %gather3A_1180 = arith.constant 0 : i32
      %gather3A_1181 = arith.constant 0 : i32
      %gather3A_1182 = arith.constant 0 : i32
      %gather3A_1183 = tpu.memref_slice %arg9[%gather3A_1180, %gather3A_1181, %gather3A_1182] : memref<2x128x64xf32, #tpu.memory_space<vmem>> -> memref<1x128x64xf32, #tpu.memory_space<vmem>>
      %gather3A_1184 = tpu.memref_squeeze %gather3A_1183 : memref<1x128x64xf32, #tpu.memory_space<vmem>> -> memref<128x64xf32, #tpu.memory_space<vmem>>
      %gather3A_1185 = tpu.vector_load_idx %gather3A_1184[%add3A_1179, %add3A_1176] : memref<128x64xf32, #tpu.memory_space<vmem>>[vector<16xi32>, vector<16xi32>], vector<16xf32>,
      %swap3A_1186 = arith.constant 0 : i32
      %swap3A_1187 = arith.index_cast %add3A_1167 : i32 to index
      %swap3A_1188 = arith.index_cast %select_n3A_101 : i32 to index
      %swap3A_1189 = arith.index_cast %swap3A_1186 : i32 to index
      %swap3A_1190 = arith.constant 0 : index
      %swap3A_1191 = tpu.vector_load %arg10[%swap3A_1187, %swap3A_1188, %swap3A_1189, %swap3A_1190] {strides = array<i32>} : memref<8x4x8x128xf32, #tpu.memory_space<vmem>>, vector<16xf32>,
      tpu.vector_store %arg10[%swap3A_1187, %swap3A_1188, %swap3A_1189, %swap3A_1190], %gather3A_1185 {strides = array<i32>} : memref<8x4x8x128xf32, #tpu.memory_space<vmem>>, vector<16xf32>,
      %add3A_1192 = arith.constant 16 : i32
      %add3A_1193 = vector.broadcast %add3A_1192 : i32 to vector<16xi32>
      %add3A_1194 = arith.addi %add3A_1193, %iota3A : vector<16xi32>
      %gather3A_1195 = arith.constant 0 : i32
      %gather3A_1196 = arith.constant 0 : i32
      %gather3A_1197 = arith.constant 0 : i32
      %gather3A_1198 = tpu.memref_slice %arg9[%gather3A_1195, %gather3A_1196, %gather3A_1197] : memref<2x128x64xf32, #tpu.memory_space<vmem>> -> memref<1x128x64xf32, #tpu.memory_space<vmem>>
      %gather3A_1199 = tpu.memref_squeeze %gather3A_1198 : memref<1x128x64xf32, #tpu.memory_space<vmem>> -> memref<128x64xf32, #tpu.memory_space<vmem>>
      %gather3A_1200 = tpu.vector_load_idx %gather3A_1199[%add3A_1194, %add3A_1176] : memref<128x64xf32, #tpu.memory_space<vmem>>[vector<16xi32>, vector<16xi32>], vector<16xf32>,
      %swap3A_1201 = arith.constant 0 : i32
      %swap3A_1202 = arith.index_cast %add3A_1167 : i32 to index
      %swap3A_1203 = arith.index_cast %select_n3A_101 : i32 to index
      %swap3A_1204 = arith.index_cast %swap3A_1201 : i32 to index
      %swap3A_1205 = arith.constant 16 : index
      %swap3A_1206 = tpu.vector_load %arg10[%swap3A_1202, %swap3A_1203, %swap3A_1204, %swap3A_1205] {strides = array<i32>} : memref<8x4x8x128xf32, #tpu.memory_space<vmem>>, vector<16xf32>,
      tpu.vector_store %arg10[%swap3A_1202, %swap3A_1203, %swap3A_1204, %swap3A_1205], %gather3A_1200 {strides = array<i32>} : memref<8x4x8x128xf32, #tpu.memory_space<vmem>>, vector<16xf32>,
      %add3A_1207 = arith.constant 32 : i32
      %add3A_1208 = vector.broadcast %add3A_1207 : i32 to vector<16xi32>
      %add3A_1209 = arith.addi %add3A_1208, %iota3A : vector<16xi32>
      %gather3A_1210 = arith.constant 0 : i32
      %gather3A_1211 = arith.constant 0 : i32
      %gather3A_1212 = arith.constant 0 : i32
      %gather3A_1213 = tpu.memref_slice %arg9[%gather3A_1210, %gather3A_1211, %gather3A_1212] : memref<2x128x64xf32, #tpu.memory_space<vmem>> -> memref<1x128x64xf32, #tpu.memory_space<vmem>>
      %gather3A_1214 = tpu.memref_squeeze %gather3A_1213 : memref<1x128x64xf32, #tpu.memory_space<vmem>> -> memref<128x64xf32, #tpu.memory_space<vmem>>
      %gather3A_1215 = tpu.vector_load_idx %gather3A_1214[%add3A_1209, %add3A_1176] : memref<128x64xf32, #tpu.memory_space<vmem>>[vector<16xi32>, vector<16xi32>], vector<16xf32>,
      %swap3A_1216 = arith.constant 0 : i32
      %swap3A_1217 = arith.index_cast %add3A_1167 : i32 to index
      %swap3A_1218 = arith.index_cast %select_n3A_101 : i32 to index
      %swap3A_1219 = arith.index_cast %swap3A_1216 : i32 to index
      %swap3A_1220 = arith.constant 32 : index
      %swap3A_1221 = tpu.vector_load %arg10[%swap3A_1217, %swap3A_1218, %swap3A_1219, %swap3A_1220] {strides = array<i32>} : memref<8x4x8x128xf32, #tpu.memory_space<vmem>>, vector<16xf32>,
      tpu.vector_store %arg10[%swap3A_1217, %swap3A_1218, %swap3A_1219, %swap3A_1220], %gather3A_1215 {strides = array<i32>} : memref<8x4x8x128xf32, #tpu.memory_space<vmem>>, vector<16xf32>,
      %add3A_1222 = arith.constant 48 : i32
      %add3A_1223 = vector.broadcast %add3A_1222 : i32 to vector<16xi32>
      %add3A_1224 = arith.addi %add3A_1223, %iota3A : vector<16xi32>
      %gather3A_1225 = arith.constant 0 : i32
      %gather3A_1226 = arith.constant 0 : i32
      %gather3A_1227 = arith.constant 0 : i32
      %gather3A_1228 = tpu.memref_slice %arg9[%gather3A_1225, %gather3A_1226, %gather3A_1227] : memref<2x128x64xf32, #tpu.memory_space<vmem>> -> memref<1x128x64xf32, #tpu.memory_space<vmem>>
      %gather3A_1229 = tpu.memref_squeeze %gather3A_1228 : memref<1x128x64xf32, #tpu.memory_space<vmem>> -> memref<128x64xf32, #tpu.memory_space<vmem>>
      %gather3A_1230 = tpu.vector_load_idx %gather3A_1229[%add3A_1224, %add3A_1176] : memref<128x64xf32, #tpu.memory_space<vmem>>[vector<16xi32>, vector<16xi32>], vector<16xf32>,
      %swap3A_1231 = arith.constant 0 : i32
      %swap3A_1232 = arith.index_cast %add3A_1167 : i32 to index
      %swap3A_1233 = arith.index_cast %select_n3A_101 : i32 to index
      %swap3A_1234 = arith.index_cast %swap3A_1231 : i32 to index
      %swap3A_1235 = arith.constant 48 : index
      %swap3A_1236 = tpu.vector_load %arg10[%swap3A_1232, %swap3A_1233, %swap3A_1234, %swap3A_1235] {strides = array<i32>} : memref<8x4x8x128xf32, #tpu.memory_space<vmem>>, vector<16xf32>,
      tpu.vector_store %arg10[%swap3A_1232, %swap3A_1233, %swap3A_1234, %swap3A_1235], %gather3A_1230 {strides = array<i32>} : memref<8x4x8x128xf32, #tpu.memory_space<vmem>>, vector<16xf32>,
      %add3A_1237 = arith.constant 64 : i32
      %add3A_1238 = vector.broadcast %add3A_1237 : i32 to vector<16xi32>
      %add3A_1239 = arith.addi %add3A_1238, %iota3A : vector<16xi32>
      %gather3A_1240 = arith.constant 0 : i32
      %gather3A_1241 = arith.constant 0 : i32
      %gather3A_1242 = arith.constant 0 : i32
      %gather3A_1243 = tpu.memref_slice %arg9[%gather3A_1240, %gather3A_1241, %gather3A_1242] : memref<2x128x64xf32, #tpu.memory_space<vmem>> -> memref<1x128x64xf32, #tpu.memory_space<vmem>>
      %gather3A_1244 = tpu.memref_squeeze %gather3A_1243 : memref<1x128x64xf32, #tpu.memory_space<vmem>> -> memref<128x64xf32, #tpu.memory_space<vmem>>
      %gather3A_1245 = tpu.vector_load_idx %gather3A_1244[%add3A_1239, %add3A_1176] : memref<128x64xf32, #tpu.memory_space<vmem>>[vector<16xi32>, vector<16xi32>], vector<16xf32>,
      %swap3A_1246 = arith.constant 0 : i32
      %swap3A_1247 = arith.index_cast %add3A_1167 : i32 to index
      %swap3A_1248 = arith.index_cast %select_n3A_101 : i32 to index
      %swap3A_1249 = arith.index_cast %swap3A_1246 : i32 to index
      %swap3A_1250 = arith.constant 64 : index
      %swap3A_1251 = tpu.vector_load %arg10[%swap3A_1247, %swap3A_1248, %swap3A_1249, %swap3A_1250] {strides = array<i32>} : memref<8x4x8x128xf32, #tpu.memory_space<vmem>>, vector<16xf32>,
      tpu.vector_store %arg10[%swap3A_1247, %swap3A_1248, %swap3A_1249, %swap3A_1250], %gather3A_1245 {strides = array<i32>} : memref<8x4x8x128xf32, #tpu.memory_space<vmem>>, vector<16xf32>,
      %add3A_1252 = arith.constant 80 : i32
      %add3A_1253 = vector.broadcast %add3A_1252 : i32 to vector<16xi32>
      %add3A_1254 = arith.addi %add3A_1253, %iota3A : vector<16xi32>
      %gather3A_1255 = arith.constant 0 : i32
      %gather3A_1256 = arith.constant 0 : i32
      %gather3A_1257 = arith.constant 0 : i32
      %gather3A_1258 = tpu.memref_slice %arg9[%gather3A_1255, %gather3A_1256, %gather3A_1257] : memref<2x128x64xf32, #tpu.memory_space<vmem>> -> memref<1x128x64xf32, #tpu.memory_space<vmem>>
      %gather3A_1259 = tpu.memref_squeeze %gather3A_1258 : memref<1x128x64xf32, #tpu.memory_space<vmem>> -> memref<128x64xf32, #tpu.memory_space<vmem>>
      %gather3A_1260 = tpu.vector_load_idx %gather3A_1259[%add3A_1254, %add3A_1176] : memref<128x64xf32, #tpu.memory_space<vmem>>[vector<16xi32>, vector<16xi32>], vector<16xf32>,
      %swap3A_1261 = arith.constant 0 : i32
      %swap3A_1262 = arith.index_cast %add3A_1167 : i32 to index
      %swap3A_1263 = arith.index_cast %select_n3A_101 : i32 to index
      %swap3A_1264 = arith.index_cast %swap3A_1261 : i32 to index
      %swap3A_1265 = arith.constant 80 : index
      %swap3A_1266 = tpu.vector_load %arg10[%swap3A_1262, %swap3A_1263, %swap3A_1264, %swap3A_1265] {strides = array<i32>} : memref<8x4x8x128xf32, #tpu.memory_space<vmem>>, vector<16xf32>,
      tpu.vector_store %arg10[%swap3A_1262, %swap3A_1263, %swap3A_1264, %swap3A_1265], %gather3A_1260 {strides = array<i32>} : memref<8x4x8x128xf32, #tpu.memory_space<vmem>>, vector<16xf32>,
      %add3A_1267 = arith.constant 96 : i32
      %add3A_1268 = vector.broadcast %add3A_1267 : i32 to vector<16xi32>
      %add3A_1269 = arith.addi %add3A_1268, %iota3A : vector<16xi32>
      %gather3A_1270 = arith.constant 0 : i32
      %gather3A_1271 = arith.constant 0 : i32
      %gather3A_1272 = arith.constant 0 : i32
      %gather3A_1273 = tpu.memref_slice %arg9[%gather3A_1270, %gather3A_1271, %gather3A_1272] : memref<2x128x64xf32, #tpu.memory_space<vmem>> -> memref<1x128x64xf32, #tpu.memory_space<vmem>>
      %gather3A_1274 = tpu.memref_squeeze %gather3A_1273 : memref<1x128x64xf32, #tpu.memory_space<vmem>> -> memref<128x64xf32, #tpu.memory_space<vmem>>
      %gather3A_1275 = tpu.vector_load_idx %gather3A_1274[%add3A_1269, %add3A_1176] : memref<128x64xf32, #tpu.memory_space<vmem>>[vector<16xi32>, vector<16xi32>], vector<16xf32>,
      %swap3A_1276 = arith.constant 0 : i32
      %swap3A_1277 = arith.index_cast %add3A_1167 : i32 to index
      %swap3A_1278 = arith.index_cast %select_n3A_101 : i32 to index
      %swap3A_1279 = arith.index_cast %swap3A_1276 : i32 to index
      %swap3A_1280 = arith.constant 96 : index
      %swap3A_1281 = tpu.vector_load %arg10[%swap3A_1277, %swap3A_1278, %swap3A_1279, %swap3A_1280] {strides = array<i32>} : memref<8x4x8x128xf32, #tpu.memory_space<vmem>>, vector<16xf32>,
      tpu.vector_store %arg10[%swap3A_1277, %swap3A_1278, %swap3A_1279, %swap3A_1280], %gather3A_1275 {strides = array<i32>} : memref<8x4x8x128xf32, #tpu.memory_space<vmem>>, vector<16xf32>,
      %add3A_1282 = arith.constant 112 : i32
      %add3A_1283 = vector.broadcast %add3A_1282 : i32 to vector<16xi32>
      %add3A_1284 = arith.addi %add3A_1283, %iota3A : vector<16xi32>
      %gather3A_1285 = arith.constant 0 : i32
      %gather3A_1286 = arith.constant 0 : i32
      %gather3A_1287 = arith.constant 0 : i32
      %gather3A_1288 = tpu.memref_slice %arg9[%gather3A_1285, %gather3A_1286, %gather3A_1287] : memref<2x128x64xf32, #tpu.memory_space<vmem>> -> memref<1x128x64xf32, #tpu.memory_space<vmem>>
      %gather3A_1289 = tpu.memref_squeeze %gather3A_1288 : memref<1x128x64xf32, #tpu.memory_space<vmem>> -> memref<128x64xf32, #tpu.memory_space<vmem>>
      %gather3A_1290 = tpu.vector_load_idx %gather3A_1289[%add3A_1284, %add3A_1176] : memref<128x64xf32, #tpu.memory_space<vmem>>[vector<16xi32>, vector<16xi32>], vector<16xf32>,
      %swap3A_1291 = arith.constant 0 : i32
      %swap3A_1292 = arith.index_cast %add3A_1167 : i32 to index
      %swap3A_1293 = arith.index_cast %select_n3A_101 : i32 to index
      %swap3A_1294 = arith.index_cast %swap3A_1291 : i32 to index
      %swap3A_1295 = arith.constant 112 : index
      %swap3A_1296 = tpu.vector_load %arg10[%swap3A_1292, %swap3A_1293, %swap3A_1294, %swap3A_1295] {strides = array<i32>} : memref<8x4x8x128xf32, #tpu.memory_space<vmem>>, vector<16xf32>,
      tpu.vector_store %arg10[%swap3A_1292, %swap3A_1293, %swap3A_1294, %swap3A_1295], %gather3A_1290 {strides = array<i32>} : memref<8x4x8x128xf32, #tpu.memory_space<vmem>>, vector<16xf32>,
      %mul3A_1297 = arith.constant 2 : i32
      %mul3A_1298 = arith.muli %mul3A_1297, %select_n3A : i32
      %add3A_1299 = arith.constant 1 : i32
      %add3A_1300 = arith.addi %mul3A_1298, %add3A_1299 : i32
      %mul3A_1301 = arith.constant 0 : i32
      %mul3A_1302 = vector.broadcast %mul3A_1301 : i32 to vector<16xi32>
      %mul3A_1303 = arith.muli %iota3A, %mul3A_1302 : vector<16xi32>
      %mul3A_1304 = arith.constant 16 : i32
      %mul3A_1305 = arith.muli %select_n3A, %mul3A_1304 : i32
      %add3A_1306 = arith.constant 9 : i32
      %add3A_1307 = arith.addi %mul3A_1305, %add3A_1306 : i32
      %add3A_1308 = vector.broadcast %add3A_1307 : i32 to vector<16xi32>
      %add3A_1309 = arith.addi %mul3A_1303, %add3A_1308 : vector<16xi32>
      %add3A_1310 = arith.constant 0 : i32
      %add3A_1311 = vector.broadcast %add3A_1310 : i32 to vector<16xi32>
      %add3A_1312 = arith.addi %add3A_1311, %iota3A : vector<16xi32>
      %gather3A_1313 = arith.constant 0 : i32
      %gather3A_1314 = arith.constant 0 : i32
      %gather3A_1315 = arith.constant 0 : i32
      %gather3A_1316 = tpu.memref_slice %arg9[%gather3A_1313, %gather3A_1314, %gather3A_1315] : memref<2x128x64xf32, #tpu.memory_space<vmem>> -> memref<1x128x64xf32, #tpu.memory_space<vmem>>
      %gather3A_1317 = tpu.memref_squeeze %gather3A_1316 : memref<1x128x64xf32, #tpu.memory_space<vmem>> -> memref<128x64xf32, #tpu.memory_space<vmem>>
      %gather3A_1318 = tpu.vector_load_idx %gather3A_1317[%add3A_1312, %add3A_1309] : memref<128x64xf32, #tpu.memory_space<vmem>>[vector<16xi32>, vector<16xi32>], vector<16xf32>,
      %swap3A_1319 = arith.constant 1 : i32
      %swap3A_1320 = arith.index_cast %add3A_1300 : i32 to index
      %swap3A_1321 = arith.index_cast %select_n3A_101 : i32 to index
      %swap3A_1322 = arith.index_cast %swap3A_1319 : i32 to index
      %swap3A_1323 = arith.constant 0 : index
      %swap3A_1324 = tpu.vector_load %arg10[%swap3A_1320, %swap3A_1321, %swap3A_1322, %swap3A_1323] {strides = array<i32>} : memref<8x4x8x128xf32, #tpu.memory_space<vmem>>, vector<16xf32>,
      tpu.vector_store %arg10[%swap3A_1320, %swap3A_1321, %swap3A_1322, %swap3A_1323], %gather3A_1318 {strides = array<i32>} : memref<8x4x8x128xf32, #tpu.memory_space<vmem>>, vector<16xf32>,
      %add3A_1325 = arith.constant 16 : i32
      %add3A_1326 = vector.broadcast %add3A_1325 : i32 to vector<16xi32>
      %add3A_1327 = arith.addi %add3A_1326, %iota3A : vector<16xi32>
      %gather3A_1328 = arith.constant 0 : i32
      %gather3A_1329 = arith.constant 0 : i32
      %gather3A_1330 = arith.constant 0 : i32
      %gather3A_1331 = tpu.memref_slice %arg9[%gather3A_1328, %gather3A_1329, %gather3A_1330] : memref<2x128x64xf32, #tpu.memory_space<vmem>> -> memref<1x128x64xf32, #tpu.memory_space<vmem>>
      %gather3A_1332 = tpu.memref_squeeze %gather3A_1331 : memref<1x128x64xf32, #tpu.memory_space<vmem>> -> memref<128x64xf32, #tpu.memory_space<vmem>>
      %gather3A_1333 = tpu.vector_load_idx %gather3A_1332[%add3A_1327, %add3A_1309] : memref<128x64xf32, #tpu.memory_space<vmem>>[vector<16xi32>, vector<16xi32>], vector<16xf32>,
      %swap3A_1334 = arith.constant 1 : i32
      %swap3A_1335 = arith.index_cast %add3A_1300 : i32 to index
      %swap3A_1336 = arith.index_cast %select_n3A_101 : i32 to index
      %swap3A_1337 = arith.index_cast %swap3A_1334 : i32 to index
      %swap3A_1338 = arith.constant 16 : index
      %swap3A_1339 = tpu.vector_load %arg10[%swap3A_1335, %swap3A_1336, %swap3A_1337, %swap3A_1338] {strides = array<i32>} : memref<8x4x8x128xf32, #tpu.memory_space<vmem>>, vector<16xf32>,
      tpu.vector_store %arg10[%swap3A_1335, %swap3A_1336, %swap3A_1337, %swap3A_1338], %gather3A_1333 {strides = array<i32>} : memref<8x4x8x128xf32, #tpu.memory_space<vmem>>, vector<16xf32>,
      %add3A_1340 = arith.constant 32 : i32
      %add3A_1341 = vector.broadcast %add3A_1340 : i32 to vector<16xi32>
      %add3A_1342 = arith.addi %add3A_1341, %iota3A : vector<16xi32>
      %gather3A_1343 = arith.constant 0 : i32
      %gather3A_1344 = arith.constant 0 : i32
      %gather3A_1345 = arith.constant 0 : i32
      %gather3A_1346 = tpu.memref_slice %arg9[%gather3A_1343, %gather3A_1344, %gather3A_1345] : memref<2x128x64xf32, #tpu.memory_space<vmem>> -> memref<1x128x64xf32, #tpu.memory_space<vmem>>
      %gather3A_1347 = tpu.memref_squeeze %gather3A_1346 : memref<1x128x64xf32, #tpu.memory_space<vmem>> -> memref<128x64xf32, #tpu.memory_space<vmem>>
      %gather3A_1348 = tpu.vector_load_idx %gather3A_1347[%add3A_1342, %add3A_1309] : memref<128x64xf32, #tpu.memory_space<vmem>>[vector<16xi32>, vector<16xi32>], vector<16xf32>,
      %swap3A_1349 = arith.constant 1 : i32
      %swap3A_1350 = arith.index_cast %add3A_1300 : i32 to index
      %swap3A_1351 = arith.index_cast %select_n3A_101 : i32 to index
      %swap3A_1352 = arith.index_cast %swap3A_1349 : i32 to index
      %swap3A_1353 = arith.constant 32 : index
      %swap3A_1354 = tpu.vector_load %arg10[%swap3A_1350, %swap3A_1351, %swap3A_1352, %swap3A_1353] {strides = array<i32>} : memref<8x4x8x128xf32, #tpu.memory_space<vmem>>, vector<16xf32>,
      tpu.vector_store %arg10[%swap3A_1350, %swap3A_1351, %swap3A_1352, %swap3A_1353], %gather3A_1348 {strides = array<i32>} : memref<8x4x8x128xf32, #tpu.memory_space<vmem>>, vector<16xf32>,
      %add3A_1355 = arith.constant 48 : i32
      %add3A_1356 = vector.broadcast %add3A_1355 : i32 to vector<16xi32>
      %add3A_1357 = arith.addi %add3A_1356, %iota3A : vector<16xi32>
      %gather3A_1358 = arith.constant 0 : i32
      %gather3A_1359 = arith.constant 0 : i32
      %gather3A_1360 = arith.constant 0 : i32
      %gather3A_1361 = tpu.memref_slice %arg9[%gather3A_1358, %gather3A_1359, %gather3A_1360] : memref<2x128x64xf32, #tpu.memory_space<vmem>> -> memref<1x128x64xf32, #tpu.memory_space<vmem>>
      %gather3A_1362 = tpu.memref_squeeze %gather3A_1361 : memref<1x128x64xf32, #tpu.memory_space<vmem>> -> memref<128x64xf32, #tpu.memory_space<vmem>>
      %gather3A_1363 = tpu.vector_load_idx %gather3A_1362[%add3A_1357, %add3A_1309] : memref<128x64xf32, #tpu.memory_space<vmem>>[vector<16xi32>, vector<16xi32>], vector<16xf32>,
      %swap3A_1364 = arith.constant 1 : i32
      %swap3A_1365 = arith.index_cast %add3A_1300 : i32 to index
      %swap3A_1366 = arith.index_cast %select_n3A_101 : i32 to index
      %swap3A_1367 = arith.index_cast %swap3A_1364 : i32 to index
      %swap3A_1368 = arith.constant 48 : index
      %swap3A_1369 = tpu.vector_load %arg10[%swap3A_1365, %swap3A_1366, %swap3A_1367, %swap3A_1368] {strides = array<i32>} : memref<8x4x8x128xf32, #tpu.memory_space<vmem>>, vector<16xf32>,
      tpu.vector_store %arg10[%swap3A_1365, %swap3A_1366, %swap3A_1367, %swap3A_1368], %gather3A_1363 {strides = array<i32>} : memref<8x4x8x128xf32, #tpu.memory_space<vmem>>, vector<16xf32>,
      %add3A_1370 = arith.constant 64 : i32
      %add3A_1371 = vector.broadcast %add3A_1370 : i32 to vector<16xi32>
      %add3A_1372 = arith.addi %add3A_1371, %iota3A : vector<16xi32>
      %gather3A_1373 = arith.constant 0 : i32
      %gather3A_1374 = arith.constant 0 : i32
      %gather3A_1375 = arith.constant 0 : i32
      %gather3A_1376 = tpu.memref_slice %arg9[%gather3A_1373, %gather3A_1374, %gather3A_1375] : memref<2x128x64xf32, #tpu.memory_space<vmem>> -> memref<1x128x64xf32, #tpu.memory_space<vmem>>
      %gather3A_1377 = tpu.memref_squeeze %gather3A_1376 : memref<1x128x64xf32, #tpu.memory_space<vmem>> -> memref<128x64xf32, #tpu.memory_space<vmem>>
      %gather3A_1378 = tpu.vector_load_idx %gather3A_1377[%add3A_1372, %add3A_1309] : memref<128x64xf32, #tpu.memory_space<vmem>>[vector<16xi32>, vector<16xi32>], vector<16xf32>,
      %swap3A_1379 = arith.constant 1 : i32
      %swap3A_1380 = arith.index_cast %add3A_1300 : i32 to index
      %swap3A_1381 = arith.index_cast %select_n3A_101 : i32 to index
      %swap3A_1382 = arith.index_cast %swap3A_1379 : i32 to index
      %swap3A_1383 = arith.constant 64 : index
      %swap3A_1384 = tpu.vector_load %arg10[%swap3A_1380, %swap3A_1381, %swap3A_1382, %swap3A_1383] {strides = array<i32>} : memref<8x4x8x128xf32, #tpu.memory_space<vmem>>, vector<16xf32>,
      tpu.vector_store %arg10[%swap3A_1380, %swap3A_1381, %swap3A_1382, %swap3A_1383], %gather3A_1378 {strides = array<i32>} : memref<8x4x8x128xf32, #tpu.memory_space<vmem>>, vector<16xf32>,
      %add3A_1385 = arith.constant 80 : i32
      %add3A_1386 = vector.broadcast %add3A_1385 : i32 to vector<16xi32>
      %add3A_1387 = arith.addi %add3A_1386, %iota3A : vector<16xi32>
      %gather3A_1388 = arith.constant 0 : i32
      %gather3A_1389 = arith.constant 0 : i32
      %gather3A_1390 = arith.constant 0 : i32
      %gather3A_1391 = tpu.memref_slice %arg9[%gather3A_1388, %gather3A_1389, %gather3A_1390] : memref<2x128x64xf32, #tpu.memory_space<vmem>> -> memref<1x128x64xf32, #tpu.memory_space<vmem>>
      %gather3A_1392 = tpu.memref_squeeze %gather3A_1391 : memref<1x128x64xf32, #tpu.memory_space<vmem>> -> memref<128x64xf32, #tpu.memory_space<vmem>>
      %gather3A_1393 = tpu.vector_load_idx %gather3A_1392[%add3A_1387, %add3A_1309] : memref<128x64xf32, #tpu.memory_space<vmem>>[vector<16xi32>, vector<16xi32>], vector<16xf32>,
      %swap3A_1394 = arith.constant 1 : i32
      %swap3A_1395 = arith.index_cast %add3A_1300 : i32 to index
      %swap3A_1396 = arith.index_cast %select_n3A_101 : i32 to index
      %swap3A_1397 = arith.index_cast %swap3A_1394 : i32 to index
      %swap3A_1398 = arith.constant 80 : index
      %swap3A_1399 = tpu.vector_load %arg10[%swap3A_1395, %swap3A_1396, %swap3A_1397, %swap3A_1398] {strides = array<i32>} : memref<8x4x8x128xf32, #tpu.memory_space<vmem>>, vector<16xf32>,
      tpu.vector_store %arg10[%swap3A_1395, %swap3A_1396, %swap3A_1397, %swap3A_1398], %gather3A_1393 {strides = array<i32>} : memref<8x4x8x128xf32, #tpu.memory_space<vmem>>, vector<16xf32>,
      %add3A_1400 = arith.constant 96 : i32
      %add3A_1401 = vector.broadcast %add3A_1400 : i32 to vector<16xi32>
      %add3A_1402 = arith.addi %add3A_1401, %iota3A : vector<16xi32>
      %gather3A_1403 = arith.constant 0 : i32
      %gather3A_1404 = arith.constant 0 : i32
      %gather3A_1405 = arith.constant 0 : i32
      %gather3A_1406 = tpu.memref_slice %arg9[%gather3A_1403, %gather3A_1404, %gather3A_1405] : memref<2x128x64xf32, #tpu.memory_space<vmem>> -> memref<1x128x64xf32, #tpu.memory_space<vmem>>
      %gather3A_1407 = tpu.memref_squeeze %gather3A_1406 : memref<1x128x64xf32, #tpu.memory_space<vmem>> -> memref<128x64xf32, #tpu.memory_space<vmem>>
      %gather3A_1408 = tpu.vector_load_idx %gather3A_1407[%add3A_1402, %add3A_1309] : memref<128x64xf32, #tpu.memory_space<vmem>>[vector<16xi32>, vector<16xi32>], vector<16xf32>,
      %swap3A_1409 = arith.constant 1 : i32
      %swap3A_1410 = arith.index_cast %add3A_1300 : i32 to index
      %swap3A_1411 = arith.index_cast %select_n3A_101 : i32 to index
      %swap3A_1412 = arith.index_cast %swap3A_1409 : i32 to index
      %swap3A_1413 = arith.constant 96 : index
      %swap3A_1414 = tpu.vector_load %arg10[%swap3A_1410, %swap3A_1411, %swap3A_1412, %swap3A_1413] {strides = array<i32>} : memref<8x4x8x128xf32, #tpu.memory_space<vmem>>, vector<16xf32>,
      tpu.vector_store %arg10[%swap3A_1410, %swap3A_1411, %swap3A_1412, %swap3A_1413], %gather3A_1408 {strides = array<i32>} : memref<8x4x8x128xf32, #tpu.memory_space<vmem>>, vector<16xf32>,
      %add3A_1415 = arith.constant 112 : i32
      %add3A_1416 = vector.broadcast %add3A_1415 : i32 to vector<16xi32>
      %add3A_1417 = arith.addi %add3A_1416, %iota3A : vector<16xi32>
      %gather3A_1418 = arith.constant 0 : i32
      %gather3A_1419 = arith.constant 0 : i32
      %gather3A_1420 = arith.constant 0 : i32
      %gather3A_1421 = tpu.memref_slice %arg9[%gather3A_1418, %gather3A_1419, %gather3A_1420] : memref<2x128x64xf32, #tpu.memory_space<vmem>> -> memref<1x128x64xf32, #tpu.memory_space<vmem>>
      %gather3A_1422 = tpu.memref_squeeze %gather3A_1421 : memref<1x128x64xf32, #tpu.memory_space<vmem>> -> memref<128x64xf32, #tpu.memory_space<vmem>>
      %gather3A_1423 = tpu.vector_load_idx %gather3A_1422[%add3A_1417, %add3A_1309] : memref<128x64xf32, #tpu.memory_space<vmem>>[vector<16xi32>, vector<16xi32>], vector<16xf32>,
      %swap3A_1424 = arith.constant 1 : i32
      %swap3A_1425 = arith.index_cast %add3A_1300 : i32 to index
      %swap3A_1426 = arith.index_cast %select_n3A_101 : i32 to index
      %swap3A_1427 = arith.index_cast %swap3A_1424 : i32 to index
      %swap3A_1428 = arith.constant 112 : index
      %swap3A_1429 = tpu.vector_load %arg10[%swap3A_1425, %swap3A_1426, %swap3A_1427, %swap3A_1428] {strides = array<i32>} : memref<8x4x8x128xf32, #tpu.memory_space<vmem>>, vector<16xf32>,
      tpu.vector_store %arg10[%swap3A_1425, %swap3A_1426, %swap3A_1427, %swap3A_1428], %gather3A_1423 {strides = array<i32>} : memref<8x4x8x128xf32, #tpu.memory_space<vmem>>, vector<16xf32>,
      %mul3A_1430 = arith.constant 2 : i32
      %mul3A_1431 = arith.muli %mul3A_1430, %select_n3A : i32
      %add3A_1432 = arith.constant 1 : i32
      %add3A_1433 = arith.addi %mul3A_1431, %add3A_1432 : i32
      %mul3A_1434 = arith.constant 0 : i32
      %mul3A_1435 = vector.broadcast %mul3A_1434 : i32 to vector<16xi32>
      %mul3A_1436 = arith.muli %iota3A, %mul3A_1435 : vector<16xi32>
      %mul3A_1437 = arith.constant 16 : i32
      %mul3A_1438 = arith.muli %select_n3A, %mul3A_1437 : i32
      %add3A_1439 = arith.constant 10 : i32
      %add3A_1440 = arith.addi %mul3A_1438, %add3A_1439 : i32
      %add3A_1441 = vector.broadcast %add3A_1440 : i32 to vector<16xi32>
      %add3A_1442 = arith.addi %mul3A_1436, %add3A_1441 : vector<16xi32>
      %add3A_1443 = arith.constant 0 : i32
      %add3A_1444 = vector.broadcast %add3A_1443 : i32 to vector<16xi32>
      %add3A_1445 = arith.addi %add3A_1444, %iota3A : vector<16xi32>
      %gather3A_1446 = arith.constant 0 : i32
      %gather3A_1447 = arith.constant 0 : i32
      %gather3A_1448 = arith.constant 0 : i32
      %gather3A_1449 = tpu.memref_slice %arg9[%gather3A_1446, %gather3A_1447, %gather3A_1448] : memref<2x128x64xf32, #tpu.memory_space<vmem>> -> memref<1x128x64xf32, #tpu.memory_space<vmem>>
      %gather3A_1450 = tpu.memref_squeeze %gather3A_1449 : memref<1x128x64xf32, #tpu.memory_space<vmem>> -> memref<128x64xf32, #tpu.memory_space<vmem>>
      %gather3A_1451 = tpu.vector_load_idx %gather3A_1450[%add3A_1445, %add3A_1442] : memref<128x64xf32, #tpu.memory_space<vmem>>[vector<16xi32>, vector<16xi32>], vector<16xf32>,
      %swap3A_1452 = arith.constant 2 : i32
      %swap3A_1453 = arith.index_cast %add3A_1433 : i32 to index
      %swap3A_1454 = arith.index_cast %select_n3A_101 : i32 to index
      %swap3A_1455 = arith.index_cast %swap3A_1452 : i32 to index
      %swap3A_1456 = arith.constant 0 : index
      %swap3A_1457 = tpu.vector_load %arg10[%swap3A_1453, %swap3A_1454, %swap3A_1455, %swap3A_1456] {strides = array<i32>} : memref<8x4x8x128xf32, #tpu.memory_space<vmem>>, vector<16xf32>,
      tpu.vector_store %arg10[%swap3A_1453, %swap3A_1454, %swap3A_1455, %swap3A_1456], %gather3A_1451 {strides = array<i32>} : memref<8x4x8x128xf32, #tpu.memory_space<vmem>>, vector<16xf32>,
      %add3A_1458 = arith.constant 16 : i32
      %add3A_1459 = vector.broadcast %add3A_1458 : i32 to vector<16xi32>
      %add3A_1460 = arith.addi %add3A_1459, %iota3A : vector<16xi32>
      %gather3A_1461 = arith.constant 0 : i32
      %gather3A_1462 = arith.constant 0 : i32
      %gather3A_1463 = arith.constant 0 : i32
      %gather3A_1464 = tpu.memref_slice %arg9[%gather3A_1461, %gather3A_1462, %gather3A_1463] : memref<2x128x64xf32, #tpu.memory_space<vmem>> -> memref<1x128x64xf32, #tpu.memory_space<vmem>>
      %gather3A_1465 = tpu.memref_squeeze %gather3A_1464 : memref<1x128x64xf32, #tpu.memory_space<vmem>> -> memref<128x64xf32, #tpu.memory_space<vmem>>
      %gather3A_1466 = tpu.vector_load_idx %gather3A_1465[%add3A_1460, %add3A_1442] : memref<128x64xf32, #tpu.memory_space<vmem>>[vector<16xi32>, vector<16xi32>], vector<16xf32>,
      %swap3A_1467 = arith.constant 2 : i32
      %swap3A_1468 = arith.index_cast %add3A_1433 : i32 to index
      %swap3A_1469 = arith.index_cast %select_n3A_101 : i32 to index
      %swap3A_1470 = arith.index_cast %swap3A_1467 : i32 to index
      %swap3A_1471 = arith.constant 16 : index
      %swap3A_1472 = tpu.vector_load %arg10[%swap3A_1468, %swap3A_1469, %swap3A_1470, %swap3A_1471] {strides = array<i32>} : memref<8x4x8x128xf32, #tpu.memory_space<vmem>>, vector<16xf32>,
      tpu.vector_store %arg10[%swap3A_1468, %swap3A_1469, %swap3A_1470, %swap3A_1471], %gather3A_1466 {strides = array<i32>} : memref<8x4x8x128xf32, #tpu.memory_space<vmem>>, vector<16xf32>,
      %add3A_1473 = arith.constant 32 : i32
      %add3A_1474 = vector.broadcast %add3A_1473 : i32 to vector<16xi32>
      %add3A_1475 = arith.addi %add3A_1474, %iota3A : vector<16xi32>
      %gather3A_1476 = arith.constant 0 : i32
      %gather3A_1477 = arith.constant 0 : i32
      %gather3A_1478 = arith.constant 0 : i32
      %gather3A_1479 = tpu.memref_slice %arg9[%gather3A_1476, %gather3A_1477, %gather3A_1478] : memref<2x128x64xf32, #tpu.memory_space<vmem>> -> memref<1x128x64xf32, #tpu.memory_space<vmem>>
      %gather3A_1480 = tpu.memref_squeeze %gather3A_1479 : memref<1x128x64xf32, #tpu.memory_space<vmem>> -> memref<128x64xf32, #tpu.memory_space<vmem>>
      %gather3A_1481 = tpu.vector_load_idx %gather3A_1480[%add3A_1475, %add3A_1442] : memref<128x64xf32, #tpu.memory_space<vmem>>[vector<16xi32>, vector<16xi32>], vector<16xf32>,
      %swap3A_1482 = arith.constant 2 : i32
      %swap3A_1483 = arith.index_cast %add3A_1433 : i32 to index
      %swap3A_1484 = arith.index_cast %select_n3A_101 : i32 to index
      %swap3A_1485 = arith.index_cast %swap3A_1482 : i32 to index
      %swap3A_1486 = arith.constant 32 : index
      %swap3A_1487 = tpu.vector_load %arg10[%swap3A_1483, %swap3A_1484, %swap3A_1485, %swap3A_1486] {strides = array<i32>} : memref<8x4x8x128xf32, #tpu.memory_space<vmem>>, vector<16xf32>,
      tpu.vector_store %arg10[%swap3A_1483, %swap3A_1484, %swap3A_1485, %swap3A_1486], %gather3A_1481 {strides = array<i32>} : memref<8x4x8x128xf32, #tpu.memory_space<vmem>>, vector<16xf32>,
      %add3A_1488 = arith.constant 48 : i32
      %add3A_1489 = vector.broadcast %add3A_1488 : i32 to vector<16xi32>
      %add3A_1490 = arith.addi %add3A_1489, %iota3A : vector<16xi32>
      %gather3A_1491 = arith.constant 0 : i32
      %gather3A_1492 = arith.constant 0 : i32
      %gather3A_1493 = arith.constant 0 : i32
      %gather3A_1494 = tpu.memref_slice %arg9[%gather3A_1491, %gather3A_1492, %gather3A_1493] : memref<2x128x64xf32, #tpu.memory_space<vmem>> -> memref<1x128x64xf32, #tpu.memory_space<vmem>>
      %gather3A_1495 = tpu.memref_squeeze %gather3A_1494 : memref<1x128x64xf32, #tpu.memory_space<vmem>> -> memref<128x64xf32, #tpu.memory_space<vmem>>
      %gather3A_1496 = tpu.vector_load_idx %gather3A_1495[%add3A_1490, %add3A_1442] : memref<128x64xf32, #tpu.memory_space<vmem>>[vector<16xi32>, vector<16xi32>], vector<16xf32>,
      %swap3A_1497 = arith.constant 2 : i32
      %swap3A_1498 = arith.index_cast %add3A_1433 : i32 to index
      %swap3A_1499 = arith.index_cast %select_n3A_101 : i32 to index
      %swap3A_1500 = arith.index_cast %swap3A_1497 : i32 to index
      %swap3A_1501 = arith.constant 48 : index
      %swap3A_1502 = tpu.vector_load %arg10[%swap3A_1498, %swap3A_1499, %swap3A_1500, %swap3A_1501] {strides = array<i32>} : memref<8x4x8x128xf32, #tpu.memory_space<vmem>>, vector<16xf32>,
      tpu.vector_store %arg10[%swap3A_1498, %swap3A_1499, %swap3A_1500, %swap3A_1501], %gather3A_1496 {strides = array<i32>} : memref<8x4x8x128xf32, #tpu.memory_space<vmem>>, vector<16xf32>,
      %add3A_1503 = arith.constant 64 : i32
      %add3A_1504 = vector.broadcast %add3A_1503 : i32 to vector<16xi32>
      %add3A_1505 = arith.addi %add3A_1504, %iota3A : vector<16xi32>
      %gather3A_1506 = arith.constant 0 : i32
      %gather3A_1507 = arith.constant 0 : i32
      %gather3A_1508 = arith.constant 0 : i32
      %gather3A_1509 = tpu.memref_slice %arg9[%gather3A_1506, %gather3A_1507, %gather3A_1508] : memref<2x128x64xf32, #tpu.memory_space<vmem>> -> memref<1x128x64xf32, #tpu.memory_space<vmem>>
      %gather3A_1510 = tpu.memref_squeeze %gather3A_1509 : memref<1x128x64xf32, #tpu.memory_space<vmem>> -> memref<128x64xf32, #tpu.memory_space<vmem>>
      %gather3A_1511 = tpu.vector_load_idx %gather3A_1510[%add3A_1505, %add3A_1442] : memref<128x64xf32, #tpu.memory_space<vmem>>[vector<16xi32>, vector<16xi32>], vector<16xf32>,
      %swap3A_1512 = arith.constant 2 : i32
      %swap3A_1513 = arith.index_cast %add3A_1433 : i32 to index
      %swap3A_1514 = arith.index_cast %select_n3A_101 : i32 to index
      %swap3A_1515 = arith.index_cast %swap3A_1512 : i32 to index
      %swap3A_1516 = arith.constant 64 : index
      %swap3A_1517 = tpu.vector_load %arg10[%swap3A_1513, %swap3A_1514, %swap3A_1515, %swap3A_1516] {strides = array<i32>} : memref<8x4x8x128xf32, #tpu.memory_space<vmem>>, vector<16xf32>,
      tpu.vector_store %arg10[%swap3A_1513, %swap3A_1514, %swap3A_1515, %swap3A_1516], %gather3A_1511 {strides = array<i32>} : memref<8x4x8x128xf32, #tpu.memory_space<vmem>>, vector<16xf32>,
      %add3A_1518 = arith.constant 80 : i32
      %add3A_1519 = vector.broadcast %add3A_1518 : i32 to vector<16xi32>
      %add3A_1520 = arith.addi %add3A_1519, %iota3A : vector<16xi32>
      %gather3A_1521 = arith.constant 0 : i32
      %gather3A_1522 = arith.constant 0 : i32
      %gather3A_1523 = arith.constant 0 : i32
      %gather3A_1524 = tpu.memref_slice %arg9[%gather3A_1521, %gather3A_1522, %gather3A_1523] : memref<2x128x64xf32, #tpu.memory_space<vmem>> -> memref<1x128x64xf32, #tpu.memory_space<vmem>>
      %gather3A_1525 = tpu.memref_squeeze %gather3A_1524 : memref<1x128x64xf32, #tpu.memory_space<vmem>> -> memref<128x64xf32, #tpu.memory_space<vmem>>
      %gather3A_1526 = tpu.vector_load_idx %gather3A_1525[%add3A_1520, %add3A_1442] : memref<128x64xf32, #tpu.memory_space<vmem>>[vector<16xi32>, vector<16xi32>], vector<16xf32>,
      %swap3A_1527 = arith.constant 2 : i32
      %swap3A_1528 = arith.index_cast %add3A_1433 : i32 to index
      %swap3A_1529 = arith.index_cast %select_n3A_101 : i32 to index
      %swap3A_1530 = arith.index_cast %swap3A_1527 : i32 to index
      %swap3A_1531 = arith.constant 80 : index
      %swap3A_1532 = tpu.vector_load %arg10[%swap3A_1528, %swap3A_1529, %swap3A_1530, %swap3A_1531] {strides = array<i32>} : memref<8x4x8x128xf32, #tpu.memory_space<vmem>>, vector<16xf32>,
      tpu.vector_store %arg10[%swap3A_1528, %swap3A_1529, %swap3A_1530, %swap3A_1531], %gather3A_1526 {strides = array<i32>} : memref<8x4x8x128xf32, #tpu.memory_space<vmem>>, vector<16xf32>,
      %add3A_1533 = arith.constant 96 : i32
      %add3A_1534 = vector.broadcast %add3A_1533 : i32 to vector<16xi32>
      %add3A_1535 = arith.addi %add3A_1534, %iota3A : vector<16xi32>
      %gather3A_1536 = arith.constant 0 : i32
      %gather3A_1537 = arith.constant 0 : i32
      %gather3A_1538 = arith.constant 0 : i32
      %gather3A_1539 = tpu.memref_slice %arg9[%gather3A_1536, %gather3A_1537, %gather3A_1538] : memref<2x128x64xf32, #tpu.memory_space<vmem>> -> memref<1x128x64xf32, #tpu.memory_space<vmem>>
      %gather3A_1540 = tpu.memref_squeeze %gather3A_1539 : memref<1x128x64xf32, #tpu.memory_space<vmem>> -> memref<128x64xf32, #tpu.memory_space<vmem>>
      %gather3A_1541 = tpu.vector_load_idx %gather3A_1540[%add3A_1535, %add3A_1442] : memref<128x64xf32, #tpu.memory_space<vmem>>[vector<16xi32>, vector<16xi32>], vector<16xf32>,
      %swap3A_1542 = arith.constant 2 : i32
      %swap3A_1543 = arith.index_cast %add3A_1433 : i32 to index
      %swap3A_1544 = arith.index_cast %select_n3A_101 : i32 to index
      %swap3A_1545 = arith.index_cast %swap3A_1542 : i32 to index
      %swap3A_1546 = arith.constant 96 : index
      %swap3A_1547 = tpu.vector_load %arg10[%swap3A_1543, %swap3A_1544, %swap3A_1545, %swap3A_1546] {strides = array<i32>} : memref<8x4x8x128xf32, #tpu.memory_space<vmem>>, vector<16xf32>,
      tpu.vector_store %arg10[%swap3A_1543, %swap3A_1544, %swap3A_1545, %swap3A_1546], %gather3A_1541 {strides = array<i32>} : memref<8x4x8x128xf32, #tpu.memory_space<vmem>>, vector<16xf32>,
      %add3A_1548 = arith.constant 112 : i32
      %add3A_1549 = vector.broadcast %add3A_1548 : i32 to vector<16xi32>
      %add3A_1550 = arith.addi %add3A_1549, %iota3A : vector<16xi32>
      %gather3A_1551 = arith.constant 0 : i32
      %gather3A_1552 = arith.constant 0 : i32
      %gather3A_1553 = arith.constant 0 : i32
      %gather3A_1554 = tpu.memref_slice %arg9[%gather3A_1551, %gather3A_1552, %gather3A_1553] : memref<2x128x64xf32, #tpu.memory_space<vmem>> -> memref<1x128x64xf32, #tpu.memory_space<vmem>>
      %gather3A_1555 = tpu.memref_squeeze %gather3A_1554 : memref<1x128x64xf32, #tpu.memory_space<vmem>> -> memref<128x64xf32, #tpu.memory_space<vmem>>
      %gather3A_1556 = tpu.vector_load_idx %gather3A_1555[%add3A_1550, %add3A_1442] : memref<128x64xf32, #tpu.memory_space<vmem>>[vector<16xi32>, vector<16xi32>], vector<16xf32>,
      %swap3A_1557 = arith.constant 2 : i32
      %swap3A_1558 = arith.index_cast %add3A_1433 : i32 to index
      %swap3A_1559 = arith.index_cast %select_n3A_101 : i32 to index
      %swap3A_1560 = arith.index_cast %swap3A_1557 : i32 to index
      %swap3A_1561 = arith.constant 112 : index
      %swap3A_1562 = tpu.vector_load %arg10[%swap3A_1558, %swap3A_1559, %swap3A_1560, %swap3A_1561] {strides = array<i32>} : memref<8x4x8x128xf32, #tpu.memory_space<vmem>>, vector<16xf32>,
      tpu.vector_store %arg10[%swap3A_1558, %swap3A_1559, %swap3A_1560, %swap3A_1561], %gather3A_1556 {strides = array<i32>} : memref<8x4x8x128xf32, #tpu.memory_space<vmem>>, vector<16xf32>,
      %mul3A_1563 = arith.constant 2 : i32
      %mul3A_1564 = arith.muli %mul3A_1563, %select_n3A : i32
      %add3A_1565 = arith.constant 1 : i32
      %add3A_1566 = arith.addi %mul3A_1564, %add3A_1565 : i32
      %mul3A_1567 = arith.constant 0 : i32
      %mul3A_1568 = vector.broadcast %mul3A_1567 : i32 to vector<16xi32>
      %mul3A_1569 = arith.muli %iota3A, %mul3A_1568 : vector<16xi32>
      %mul3A_1570 = arith.constant 16 : i32
      %mul3A_1571 = arith.muli %select_n3A, %mul3A_1570 : i32
      %add3A_1572 = arith.constant 11 : i32
      %add3A_1573 = arith.addi %mul3A_1571, %add3A_1572 : i32
      %add3A_1574 = vector.broadcast %add3A_1573 : i32 to vector<16xi32>
      %add3A_1575 = arith.addi %mul3A_1569, %add3A_1574 : vector<16xi32>
      %add3A_1576 = arith.constant 0 : i32
      %add3A_1577 = vector.broadcast %add3A_1576 : i32 to vector<16xi32>
      %add3A_1578 = arith.addi %add3A_1577, %iota3A : vector<16xi32>
      %gather3A_1579 = arith.constant 0 : i32
      %gather3A_1580 = arith.constant 0 : i32
      %gather3A_1581 = arith.constant 0 : i32
      %gather3A_1582 = tpu.memref_slice %arg9[%gather3A_1579, %gather3A_1580, %gather3A_1581] : memref<2x128x64xf32, #tpu.memory_space<vmem>> -> memref<1x128x64xf32, #tpu.memory_space<vmem>>
      %gather3A_1583 = tpu.memref_squeeze %gather3A_1582 : memref<1x128x64xf32, #tpu.memory_space<vmem>> -> memref<128x64xf32, #tpu.memory_space<vmem>>
      %gather3A_1584 = tpu.vector_load_idx %gather3A_1583[%add3A_1578, %add3A_1575] : memref<128x64xf32, #tpu.memory_space<vmem>>[vector<16xi32>, vector<16xi32>], vector<16xf32>,
      %swap3A_1585 = arith.constant 3 : i32
      %swap3A_1586 = arith.index_cast %add3A_1566 : i32 to index
      %swap3A_1587 = arith.index_cast %select_n3A_101 : i32 to index
      %swap3A_1588 = arith.index_cast %swap3A_1585 : i32 to index
      %swap3A_1589 = arith.constant 0 : index
      %swap3A_1590 = tpu.vector_load %arg10[%swap3A_1586, %swap3A_1587, %swap3A_1588, %swap3A_1589] {strides = array<i32>} : memref<8x4x8x128xf32, #tpu.memory_space<vmem>>, vector<16xf32>,
      tpu.vector_store %arg10[%swap3A_1586, %swap3A_1587, %swap3A_1588, %swap3A_1589], %gather3A_1584 {strides = array<i32>} : memref<8x4x8x128xf32, #tpu.memory_space<vmem>>, vector<16xf32>,
      %add3A_1591 = arith.constant 16 : i32
      %add3A_1592 = vector.broadcast %add3A_1591 : i32 to vector<16xi32>
      %add3A_1593 = arith.addi %add3A_1592, %iota3A : vector<16xi32>
      %gather3A_1594 = arith.constant 0 : i32
      %gather3A_1595 = arith.constant 0 : i32
      %gather3A_1596 = arith.constant 0 : i32
      %gather3A_1597 = tpu.memref_slice %arg9[%gather3A_1594, %gather3A_1595, %gather3A_1596] : memref<2x128x64xf32, #tpu.memory_space<vmem>> -> memref<1x128x64xf32, #tpu.memory_space<vmem>>
      %gather3A_1598 = tpu.memref_squeeze %gather3A_1597 : memref<1x128x64xf32, #tpu.memory_space<vmem>> -> memref<128x64xf32, #tpu.memory_space<vmem>>
      %gather3A_1599 = tpu.vector_load_idx %gather3A_1598[%add3A_1593, %add3A_1575] : memref<128x64xf32, #tpu.memory_space<vmem>>[vector<16xi32>, vector<16xi32>], vector<16xf32>,
      %swap3A_1600 = arith.constant 3 : i32
      %swap3A_1601 = arith.index_cast %add3A_1566 : i32 to index
      %swap3A_1602 = arith.index_cast %select_n3A_101 : i32 to index
      %swap3A_1603 = arith.index_cast %swap3A_1600 : i32 to index
      %swap3A_1604 = arith.constant 16 : index
      %swap3A_1605 = tpu.vector_load %arg10[%swap3A_1601, %swap3A_1602, %swap3A_1603, %swap3A_1604] {strides = array<i32>} : memref<8x4x8x128xf32, #tpu.memory_space<vmem>>, vector<16xf32>,
      tpu.vector_store %arg10[%swap3A_1601, %swap3A_1602, %swap3A_1603, %swap3A_1604], %gather3A_1599 {strides = array<i32>} : memref<8x4x8x128xf32, #tpu.memory_space<vmem>>, vector<16xf32>,
      %add3A_1606 = arith.constant 32 : i32
      %add3A_1607 = vector.broadcast %add3A_1606 : i32 to vector<16xi32>
      %add3A_1608 = arith.addi %add3A_1607, %iota3A : vector<16xi32>
      %gather3A_1609 = arith.constant 0 : i32
      %gather3A_1610 = arith.constant 0 : i32
      %gather3A_1611 = arith.constant 0 : i32
      %gather3A_1612 = tpu.memref_slice %arg9[%gather3A_1609, %gather3A_1610, %gather3A_1611] : memref<2x128x64xf32, #tpu.memory_space<vmem>> -> memref<1x128x64xf32, #tpu.memory_space<vmem>>
      %gather3A_1613 = tpu.memref_squeeze %gather3A_1612 : memref<1x128x64xf32, #tpu.memory_space<vmem>> -> memref<128x64xf32, #tpu.memory_space<vmem>>
      %gather3A_1614 = tpu.vector_load_idx %gather3A_1613[%add3A_1608, %add3A_1575] : memref<128x64xf32, #tpu.memory_space<vmem>>[vector<16xi32>, vector<16xi32>], vector<16xf32>,
      %swap3A_1615 = arith.constant 3 : i32
      %swap3A_1616 = arith.index_cast %add3A_1566 : i32 to index
      %swap3A_1617 = arith.index_cast %select_n3A_101 : i32 to index
      %swap3A_1618 = arith.index_cast %swap3A_1615 : i32 to index
      %swap3A_1619 = arith.constant 32 : index
      %swap3A_1620 = tpu.vector_load %arg10[%swap3A_1616, %swap3A_1617, %swap3A_1618, %swap3A_1619] {strides = array<i32>} : memref<8x4x8x128xf32, #tpu.memory_space<vmem>>, vector<16xf32>,
      tpu.vector_store %arg10[%swap3A_1616, %swap3A_1617, %swap3A_1618, %swap3A_1619], %gather3A_1614 {strides = array<i32>} : memref<8x4x8x128xf32, #tpu.memory_space<vmem>>, vector<16xf32>,
      %add3A_1621 = arith.constant 48 : i32
      %add3A_1622 = vector.broadcast %add3A_1621 : i32 to vector<16xi32>
      %add3A_1623 = arith.addi %add3A_1622, %iota3A : vector<16xi32>
      %gather3A_1624 = arith.constant 0 : i32
      %gather3A_1625 = arith.constant 0 : i32
      %gather3A_1626 = arith.constant 0 : i32
      %gather3A_1627 = tpu.memref_slice %arg9[%gather3A_1624, %gather3A_1625, %gather3A_1626] : memref<2x128x64xf32, #tpu.memory_space<vmem>> -> memref<1x128x64xf32, #tpu.memory_space<vmem>>
      %gather3A_1628 = tpu.memref_squeeze %gather3A_1627 : memref<1x128x64xf32, #tpu.memory_space<vmem>> -> memref<128x64xf32, #tpu.memory_space<vmem>>
      %gather3A_1629 = tpu.vector_load_idx %gather3A_1628[%add3A_1623, %add3A_1575] : memref<128x64xf32, #tpu.memory_space<vmem>>[vector<16xi32>, vector<16xi32>], vector<16xf32>,
      %swap3A_1630 = arith.constant 3 : i32
      %swap3A_1631 = arith.index_cast %add3A_1566 : i32 to index
      %swap3A_1632 = arith.index_cast %select_n3A_101 : i32 to index
      %swap3A_1633 = arith.index_cast %swap3A_1630 : i32 to index
      %swap3A_1634 = arith.constant 48 : index
      %swap3A_1635 = tpu.vector_load %arg10[%swap3A_1631, %swap3A_1632, %swap3A_1633, %swap3A_1634] {strides = array<i32>} : memref<8x4x8x128xf32, #tpu.memory_space<vmem>>, vector<16xf32>,
      tpu.vector_store %arg10[%swap3A_1631, %swap3A_1632, %swap3A_1633, %swap3A_1634], %gather3A_1629 {strides = array<i32>} : memref<8x4x8x128xf32, #tpu.memory_space<vmem>>, vector<16xf32>,
      %add3A_1636 = arith.constant 64 : i32
      %add3A_1637 = vector.broadcast %add3A_1636 : i32 to vector<16xi32>
      %add3A_1638 = arith.addi %add3A_1637, %iota3A : vector<16xi32>
      %gather3A_1639 = arith.constant 0 : i32
      %gather3A_1640 = arith.constant 0 : i32
      %gather3A_1641 = arith.constant 0 : i32
      %gather3A_1642 = tpu.memref_slice %arg9[%gather3A_1639, %gather3A_1640, %gather3A_1641] : memref<2x128x64xf32, #tpu.memory_space<vmem>> -> memref<1x128x64xf32, #tpu.memory_space<vmem>>
      %gather3A_1643 = tpu.memref_squeeze %gather3A_1642 : memref<1x128x64xf32, #tpu.memory_space<vmem>> -> memref<128x64xf32, #tpu.memory_space<vmem>>
      %gather3A_1644 = tpu.vector_load_idx %gather3A_1643[%add3A_1638, %add3A_1575] : memref<128x64xf32, #tpu.memory_space<vmem>>[vector<16xi32>, vector<16xi32>], vector<16xf32>,
      %swap3A_1645 = arith.constant 3 : i32
      %swap3A_1646 = arith.index_cast %add3A_1566 : i32 to index
      %swap3A_1647 = arith.index_cast %select_n3A_101 : i32 to index
      %swap3A_1648 = arith.index_cast %swap3A_1645 : i32 to index
      %swap3A_1649 = arith.constant 64 : index
      %swap3A_1650 = tpu.vector_load %arg10[%swap3A_1646, %swap3A_1647, %swap3A_1648, %swap3A_1649] {strides = array<i32>} : memref<8x4x8x128xf32, #tpu.memory_space<vmem>>, vector<16xf32>,
      tpu.vector_store %arg10[%swap3A_1646, %swap3A_1647, %swap3A_1648, %swap3A_1649], %gather3A_1644 {strides = array<i32>} : memref<8x4x8x128xf32, #tpu.memory_space<vmem>>, vector<16xf32>,
      %add3A_1651 = arith.constant 80 : i32
      %add3A_1652 = vector.broadcast %add3A_1651 : i32 to vector<16xi32>
      %add3A_1653 = arith.addi %add3A_1652, %iota3A : vector<16xi32>
      %gather3A_1654 = arith.constant 0 : i32
      %gather3A_1655 = arith.constant 0 : i32
      %gather3A_1656 = arith.constant 0 : i32
      %gather3A_1657 = tpu.memref_slice %arg9[%gather3A_1654, %gather3A_1655, %gather3A_1656] : memref<2x128x64xf32, #tpu.memory_space<vmem>> -> memref<1x128x64xf32, #tpu.memory_space<vmem>>
      %gather3A_1658 = tpu.memref_squeeze %gather3A_1657 : memref<1x128x64xf32, #tpu.memory_space<vmem>> -> memref<128x64xf32, #tpu.memory_space<vmem>>
      %gather3A_1659 = tpu.vector_load_idx %gather3A_1658[%add3A_1653, %add3A_1575] : memref<128x64xf32, #tpu.memory_space<vmem>>[vector<16xi32>, vector<16xi32>], vector<16xf32>,
      %swap3A_1660 = arith.constant 3 : i32
      %swap3A_1661 = arith.index_cast %add3A_1566 : i32 to index
      %swap3A_1662 = arith.index_cast %select_n3A_101 : i32 to index
      %swap3A_1663 = arith.index_cast %swap3A_1660 : i32 to index
      %swap3A_1664 = arith.constant 80 : index
      %swap3A_1665 = tpu.vector_load %arg10[%swap3A_1661, %swap3A_1662, %swap3A_1663, %swap3A_1664] {strides = array<i32>} : memref<8x4x8x128xf32, #tpu.memory_space<vmem>>, vector<16xf32>,
      tpu.vector_store %arg10[%swap3A_1661, %swap3A_1662, %swap3A_1663, %swap3A_1664], %gather3A_1659 {strides = array<i32>} : memref<8x4x8x128xf32, #tpu.memory_space<vmem>>, vector<16xf32>,
      %add3A_1666 = arith.constant 96 : i32
      %add3A_1667 = vector.broadcast %add3A_1666 : i32 to vector<16xi32>
      %add3A_1668 = arith.addi %add3A_1667, %iota3A : vector<16xi32>
      %gather3A_1669 = arith.constant 0 : i32
      %gather3A_1670 = arith.constant 0 : i32
      %gather3A_1671 = arith.constant 0 : i32
      %gather3A_1672 = tpu.memref_slice %arg9[%gather3A_1669, %gather3A_1670, %gather3A_1671] : memref<2x128x64xf32, #tpu.memory_space<vmem>> -> memref<1x128x64xf32, #tpu.memory_space<vmem>>
      %gather3A_1673 = tpu.memref_squeeze %gather3A_1672 : memref<1x128x64xf32, #tpu.memory_space<vmem>> -> memref<128x64xf32, #tpu.memory_space<vmem>>
      %gather3A_1674 = tpu.vector_load_idx %gather3A_1673[%add3A_1668, %add3A_1575] : memref<128x64xf32, #tpu.memory_space<vmem>>[vector<16xi32>, vector<16xi32>], vector<16xf32>,
      %swap3A_1675 = arith.constant 3 : i32
      %swap3A_1676 = arith.index_cast %add3A_1566 : i32 to index
      %swap3A_1677 = arith.index_cast %select_n3A_101 : i32 to index
      %swap3A_1678 = arith.index_cast %swap3A_1675 : i32 to index
      %swap3A_1679 = arith.constant 96 : index
      %swap3A_1680 = tpu.vector_load %arg10[%swap3A_1676, %swap3A_1677, %swap3A_1678, %swap3A_1679] {strides = array<i32>} : memref<8x4x8x128xf32, #tpu.memory_space<vmem>>, vector<16xf32>,
      tpu.vector_store %arg10[%swap3A_1676, %swap3A_1677, %swap3A_1678, %swap3A_1679], %gather3A_1674 {strides = array<i32>} : memref<8x4x8x128xf32, #tpu.memory_space<vmem>>, vector<16xf32>,
      %add3A_1681 = arith.constant 112 : i32
      %add3A_1682 = vector.broadcast %add3A_1681 : i32 to vector<16xi32>
      %add3A_1683 = arith.addi %add3A_1682, %iota3A : vector<16xi32>
      %gather3A_1684 = arith.constant 0 : i32
      %gather3A_1685 = arith.constant 0 : i32
      %gather3A_1686 = arith.constant 0 : i32
      %gather3A_1687 = tpu.memref_slice %arg9[%gather3A_1684, %gather3A_1685, %gather3A_1686] : memref<2x128x64xf32, #tpu.memory_space<vmem>> -> memref<1x128x64xf32, #tpu.memory_space<vmem>>
      %gather3A_1688 = tpu.memref_squeeze %gather3A_1687 : memref<1x128x64xf32, #tpu.memory_space<vmem>> -> memref<128x64xf32, #tpu.memory_space<vmem>>
      %gather3A_1689 = tpu.vector_load_idx %gather3A_1688[%add3A_1683, %add3A_1575] : memref<128x64xf32, #tpu.memory_space<vmem>>[vector<16xi32>, vector<16xi32>], vector<16xf32>,
      %swap3A_1690 = arith.constant 3 : i32
      %swap3A_1691 = arith.index_cast %add3A_1566 : i32 to index
      %swap3A_1692 = arith.index_cast %select_n3A_101 : i32 to index
      %swap3A_1693 = arith.index_cast %swap3A_1690 : i32 to index
      %swap3A_1694 = arith.constant 112 : index
      %swap3A_1695 = tpu.vector_load %arg10[%swap3A_1691, %swap3A_1692, %swap3A_1693, %swap3A_1694] {strides = array<i32>} : memref<8x4x8x128xf32, #tpu.memory_space<vmem>>, vector<16xf32>,
      tpu.vector_store %arg10[%swap3A_1691, %swap3A_1692, %swap3A_1693, %swap3A_1694], %gather3A_1689 {strides = array<i32>} : memref<8x4x8x128xf32, #tpu.memory_space<vmem>>, vector<16xf32>,
      %mul3A_1696 = arith.constant 2 : i32
      %mul3A_1697 = arith.muli %mul3A_1696, %select_n3A : i32
      %add3A_1698 = arith.constant 1 : i32
      %add3A_1699 = arith.addi %mul3A_1697, %add3A_1698 : i32
      %mul3A_1700 = arith.constant 0 : i32
      %mul3A_1701 = vector.broadcast %mul3A_1700 : i32 to vector<16xi32>
      %mul3A_1702 = arith.muli %iota3A, %mul3A_1701 : vector<16xi32>
      %mul3A_1703 = arith.constant 16 : i32
      %mul3A_1704 = arith.muli %select_n3A, %mul3A_1703 : i32
      %add3A_1705 = arith.constant 12 : i32
      %add3A_1706 = arith.addi %mul3A_1704, %add3A_1705 : i32
      %add3A_1707 = vector.broadcast %add3A_1706 : i32 to vector<16xi32>
      %add3A_1708 = arith.addi %mul3A_1702, %add3A_1707 : vector<16xi32>
      %add3A_1709 = arith.constant 0 : i32
      %add3A_1710 = vector.broadcast %add3A_1709 : i32 to vector<16xi32>
      %add3A_1711 = arith.addi %add3A_1710, %iota3A : vector<16xi32>
      %gather3A_1712 = arith.constant 0 : i32
      %gather3A_1713 = arith.constant 0 : i32
      %gather3A_1714 = arith.constant 0 : i32
      %gather3A_1715 = tpu.memref_slice %arg9[%gather3A_1712, %gather3A_1713, %gather3A_1714] : memref<2x128x64xf32, #tpu.memory_space<vmem>> -> memref<1x128x64xf32, #tpu.memory_space<vmem>>
      %gather3A_1716 = tpu.memref_squeeze %gather3A_1715 : memref<1x128x64xf32, #tpu.memory_space<vmem>> -> memref<128x64xf32, #tpu.memory_space<vmem>>
      %gather3A_1717 = tpu.vector_load_idx %gather3A_1716[%add3A_1711, %add3A_1708] : memref<128x64xf32, #tpu.memory_space<vmem>>[vector<16xi32>, vector<16xi32>], vector<16xf32>,
      %swap3A_1718 = arith.constant 4 : i32
      %swap3A_1719 = arith.index_cast %add3A_1699 : i32 to index
      %swap3A_1720 = arith.index_cast %select_n3A_101 : i32 to index
      %swap3A_1721 = arith.index_cast %swap3A_1718 : i32 to index
      %swap3A_1722 = arith.constant 0 : index
      %swap3A_1723 = tpu.vector_load %arg10[%swap3A_1719, %swap3A_1720, %swap3A_1721, %swap3A_1722] {strides = array<i32>} : memref<8x4x8x128xf32, #tpu.memory_space<vmem>>, vector<16xf32>,
      tpu.vector_store %arg10[%swap3A_1719, %swap3A_1720, %swap3A_1721, %swap3A_1722], %gather3A_1717 {strides = array<i32>} : memref<8x4x8x128xf32, #tpu.memory_space<vmem>>, vector<16xf32>,
      %add3A_1724 = arith.constant 16 : i32
      %add3A_1725 = vector.broadcast %add3A_1724 : i32 to vector<16xi32>
      %add3A_1726 = arith.addi %add3A_1725, %iota3A : vector<16xi32>
      %gather3A_1727 = arith.constant 0 : i32
      %gather3A_1728 = arith.constant 0 : i32
      %gather3A_1729 = arith.constant 0 : i32
      %gather3A_1730 = tpu.memref_slice %arg9[%gather3A_1727, %gather3A_1728, %gather3A_1729] : memref<2x128x64xf32, #tpu.memory_space<vmem>> -> memref<1x128x64xf32, #tpu.memory_space<vmem>>
      %gather3A_1731 = tpu.memref_squeeze %gather3A_1730 : memref<1x128x64xf32, #tpu.memory_space<vmem>> -> memref<128x64xf32, #tpu.memory_space<vmem>>
      %gather3A_1732 = tpu.vector_load_idx %gather3A_1731[%add3A_1726, %add3A_1708] : memref<128x64xf32, #tpu.memory_space<vmem>>[vector<16xi32>, vector<16xi32>], vector<16xf32>,
      %swap3A_1733 = arith.constant 4 : i32
      %swap3A_1734 = arith.index_cast %add3A_1699 : i32 to index
      %swap3A_1735 = arith.index_cast %select_n3A_101 : i32 to index
      %swap3A_1736 = arith.index_cast %swap3A_1733 : i32 to index
      %swap3A_1737 = arith.constant 16 : index
      %swap3A_1738 = tpu.vector_load %arg10[%swap3A_1734, %swap3A_1735, %swap3A_1736, %swap3A_1737] {strides = array<i32>} : memref<8x4x8x128xf32, #tpu.memory_space<vmem>>, vector<16xf32>,
      tpu.vector_store %arg10[%swap3A_1734, %swap3A_1735, %swap3A_1736, %swap3A_1737], %gather3A_1732 {strides = array<i32>} : memref<8x4x8x128xf32, #tpu.memory_space<vmem>>, vector<16xf32>,
      %add3A_1739 = arith.constant 32 : i32
      %add3A_1740 = vector.broadcast %add3A_1739 : i32 to vector<16xi32>
      %add3A_1741 = arith.addi %add3A_1740, %iota3A : vector<16xi32>
      %gather3A_1742 = arith.constant 0 : i32
      %gather3A_1743 = arith.constant 0 : i32
      %gather3A_1744 = arith.constant 0 : i32
      %gather3A_1745 = tpu.memref_slice %arg9[%gather3A_1742, %gather3A_1743, %gather3A_1744] : memref<2x128x64xf32, #tpu.memory_space<vmem>> -> memref<1x128x64xf32, #tpu.memory_space<vmem>>
      %gather3A_1746 = tpu.memref_squeeze %gather3A_1745 : memref<1x128x64xf32, #tpu.memory_space<vmem>> -> memref<128x64xf32, #tpu.memory_space<vmem>>
      %gather3A_1747 = tpu.vector_load_idx %gather3A_1746[%add3A_1741, %add3A_1708] : memref<128x64xf32, #tpu.memory_space<vmem>>[vector<16xi32>, vector<16xi32>], vector<16xf32>,
      %swap3A_1748 = arith.constant 4 : i32
      %swap3A_1749 = arith.index_cast %add3A_1699 : i32 to index
      %swap3A_1750 = arith.index_cast %select_n3A_101 : i32 to index
      %swap3A_1751 = arith.index_cast %swap3A_1748 : i32 to index
      %swap3A_1752 = arith.constant 32 : index
      %swap3A_1753 = tpu.vector_load %arg10[%swap3A_1749, %swap3A_1750, %swap3A_1751, %swap3A_1752] {strides = array<i32>} : memref<8x4x8x128xf32, #tpu.memory_space<vmem>>, vector<16xf32>,
      tpu.vector_store %arg10[%swap3A_1749, %swap3A_1750, %swap3A_1751, %swap3A_1752], %gather3A_1747 {strides = array<i32>} : memref<8x4x8x128xf32, #tpu.memory_space<vmem>>, vector<16xf32>,
      %add3A_1754 = arith.constant 48 : i32
      %add3A_1755 = vector.broadcast %add3A_1754 : i32 to vector<16xi32>
      %add3A_1756 = arith.addi %add3A_1755, %iota3A : vector<16xi32>
      %gather3A_1757 = arith.constant 0 : i32
      %gather3A_1758 = arith.constant 0 : i32
      %gather3A_1759 = arith.constant 0 : i32
      %gather3A_1760 = tpu.memref_slice %arg9[%gather3A_1757, %gather3A_1758, %gather3A_1759] : memref<2x128x64xf32, #tpu.memory_space<vmem>> -> memref<1x128x64xf32, #tpu.memory_space<vmem>>
      %gather3A_1761 = tpu.memref_squeeze %gather3A_1760 : memref<1x128x64xf32, #tpu.memory_space<vmem>> -> memref<128x64xf32, #tpu.memory_space<vmem>>
      %gather3A_1762 = tpu.vector_load_idx %gather3A_1761[%add3A_1756, %add3A_1708] : memref<128x64xf32, #tpu.memory_space<vmem>>[vector<16xi32>, vector<16xi32>], vector<16xf32>,
      %swap3A_1763 = arith.constant 4 : i32
      %swap3A_1764 = arith.index_cast %add3A_1699 : i32 to index
      %swap3A_1765 = arith.index_cast %select_n3A_101 : i32 to index
      %swap3A_1766 = arith.index_cast %swap3A_1763 : i32 to index
      %swap3A_1767 = arith.constant 48 : index
      %swap3A_1768 = tpu.vector_load %arg10[%swap3A_1764, %swap3A_1765, %swap3A_1766, %swap3A_1767] {strides = array<i32>} : memref<8x4x8x128xf32, #tpu.memory_space<vmem>>, vector<16xf32>,
      tpu.vector_store %arg10[%swap3A_1764, %swap3A_1765, %swap3A_1766, %swap3A_1767], %gather3A_1762 {strides = array<i32>} : memref<8x4x8x128xf32, #tpu.memory_space<vmem>>, vector<16xf32>,
      %add3A_1769 = arith.constant 64 : i32
      %add3A_1770 = vector.broadcast %add3A_1769 : i32 to vector<16xi32>
      %add3A_1771 = arith.addi %add3A_1770, %iota3A : vector<16xi32>
      %gather3A_1772 = arith.constant 0 : i32
      %gather3A_1773 = arith.constant 0 : i32
      %gather3A_1774 = arith.constant 0 : i32
      %gather3A_1775 = tpu.memref_slice %arg9[%gather3A_1772, %gather3A_1773, %gather3A_1774] : memref<2x128x64xf32, #tpu.memory_space<vmem>> -> memref<1x128x64xf32, #tpu.memory_space<vmem>>
      %gather3A_1776 = tpu.memref_squeeze %gather3A_1775 : memref<1x128x64xf32, #tpu.memory_space<vmem>> -> memref<128x64xf32, #tpu.memory_space<vmem>>
      %gather3A_1777 = tpu.vector_load_idx %gather3A_1776[%add3A_1771, %add3A_1708] : memref<128x64xf32, #tpu.memory_space<vmem>>[vector<16xi32>, vector<16xi32>], vector<16xf32>,
      %swap3A_1778 = arith.constant 4 : i32
      %swap3A_1779 = arith.index_cast %add3A_1699 : i32 to index
      %swap3A_1780 = arith.index_cast %select_n3A_101 : i32 to index
      %swap3A_1781 = arith.index_cast %swap3A_1778 : i32 to index
      %swap3A_1782 = arith.constant 64 : index
      %swap3A_1783 = tpu.vector_load %arg10[%swap3A_1779, %swap3A_1780, %swap3A_1781, %swap3A_1782] {strides = array<i32>} : memref<8x4x8x128xf32, #tpu.memory_space<vmem>>, vector<16xf32>,
      tpu.vector_store %arg10[%swap3A_1779, %swap3A_1780, %swap3A_1781, %swap3A_1782], %gather3A_1777 {strides = array<i32>} : memref<8x4x8x128xf32, #tpu.memory_space<vmem>>, vector<16xf32>,
      %add3A_1784 = arith.constant 80 : i32
      %add3A_1785 = vector.broadcast %add3A_1784 : i32 to vector<16xi32>
      %add3A_1786 = arith.addi %add3A_1785, %iota3A : vector<16xi32>
      %gather3A_1787 = arith.constant 0 : i32
      %gather3A_1788 = arith.constant 0 : i32
      %gather3A_1789 = arith.constant 0 : i32
      %gather3A_1790 = tpu.memref_slice %arg9[%gather3A_1787, %gather3A_1788, %gather3A_1789] : memref<2x128x64xf32, #tpu.memory_space<vmem>> -> memref<1x128x64xf32, #tpu.memory_space<vmem>>
      %gather3A_1791 = tpu.memref_squeeze %gather3A_1790 : memref<1x128x64xf32, #tpu.memory_space<vmem>> -> memref<128x64xf32, #tpu.memory_space<vmem>>
      %gather3A_1792 = tpu.vector_load_idx %gather3A_1791[%add3A_1786, %add3A_1708] : memref<128x64xf32, #tpu.memory_space<vmem>>[vector<16xi32>, vector<16xi32>], vector<16xf32>,
      %swap3A_1793 = arith.constant 4 : i32
      %swap3A_1794 = arith.index_cast %add3A_1699 : i32 to index
      %swap3A_1795 = arith.index_cast %select_n3A_101 : i32 to index
      %swap3A_1796 = arith.index_cast %swap3A_1793 : i32 to index
      %swap3A_1797 = arith.constant 80 : index
      %swap3A_1798 = tpu.vector_load %arg10[%swap3A_1794, %swap3A_1795, %swap3A_1796, %swap3A_1797] {strides = array<i32>} : memref<8x4x8x128xf32, #tpu.memory_space<vmem>>, vector<16xf32>,
      tpu.vector_store %arg10[%swap3A_1794, %swap3A_1795, %swap3A_1796, %swap3A_1797], %gather3A_1792 {strides = array<i32>} : memref<8x4x8x128xf32, #tpu.memory_space<vmem>>, vector<16xf32>,
      %add3A_1799 = arith.constant 96 : i32
      %add3A_1800 = vector.broadcast %add3A_1799 : i32 to vector<16xi32>
      %add3A_1801 = arith.addi %add3A_1800, %iota3A : vector<16xi32>
      %gather3A_1802 = arith.constant 0 : i32
      %gather3A_1803 = arith.constant 0 : i32
      %gather3A_1804 = arith.constant 0 : i32
      %gather3A_1805 = tpu.memref_slice %arg9[%gather3A_1802, %gather3A_1803, %gather3A_1804] : memref<2x128x64xf32, #tpu.memory_space<vmem>> -> memref<1x128x64xf32, #tpu.memory_space<vmem>>
      %gather3A_1806 = tpu.memref_squeeze %gather3A_1805 : memref<1x128x64xf32, #tpu.memory_space<vmem>> -> memref<128x64xf32, #tpu.memory_space<vmem>>
      %gather3A_1807 = tpu.vector_load_idx %gather3A_1806[%add3A_1801, %add3A_1708] : memref<128x64xf32, #tpu.memory_space<vmem>>[vector<16xi32>, vector<16xi32>], vector<16xf32>,
      %swap3A_1808 = arith.constant 4 : i32
      %swap3A_1809 = arith.index_cast %add3A_1699 : i32 to index
      %swap3A_1810 = arith.index_cast %select_n3A_101 : i32 to index
      %swap3A_1811 = arith.index_cast %swap3A_1808 : i32 to index
      %swap3A_1812 = arith.constant 96 : index
      %swap3A_1813 = tpu.vector_load %arg10[%swap3A_1809, %swap3A_1810, %swap3A_1811, %swap3A_1812] {strides = array<i32>} : memref<8x4x8x128xf32, #tpu.memory_space<vmem>>, vector<16xf32>,
      tpu.vector_store %arg10[%swap3A_1809, %swap3A_1810, %swap3A_1811, %swap3A_1812], %gather3A_1807 {strides = array<i32>} : memref<8x4x8x128xf32, #tpu.memory_space<vmem>>, vector<16xf32>,
      %add3A_1814 = arith.constant 112 : i32
      %add3A_1815 = vector.broadcast %add3A_1814 : i32 to vector<16xi32>
      %add3A_1816 = arith.addi %add3A_1815, %iota3A : vector<16xi32>
      %gather3A_1817 = arith.constant 0 : i32
      %gather3A_1818 = arith.constant 0 : i32
      %gather3A_1819 = arith.constant 0 : i32
      %gather3A_1820 = tpu.memref_slice %arg9[%gather3A_1817, %gather3A_1818, %gather3A_1819] : memref<2x128x64xf32, #tpu.memory_space<vmem>> -> memref<1x128x64xf32, #tpu.memory_space<vmem>>
      %gather3A_1821 = tpu.memref_squeeze %gather3A_1820 : memref<1x128x64xf32, #tpu.memory_space<vmem>> -> memref<128x64xf32, #tpu.memory_space<vmem>>
      %gather3A_1822 = tpu.vector_load_idx %gather3A_1821[%add3A_1816, %add3A_1708] : memref<128x64xf32, #tpu.memory_space<vmem>>[vector<16xi32>, vector<16xi32>], vector<16xf32>,
      %swap3A_1823 = arith.constant 4 : i32
      %swap3A_1824 = arith.index_cast %add3A_1699 : i32 to index
      %swap3A_1825 = arith.index_cast %select_n3A_101 : i32 to index
      %swap3A_1826 = arith.index_cast %swap3A_1823 : i32 to index
      %swap3A_1827 = arith.constant 112 : index
      %swap3A_1828 = tpu.vector_load %arg10[%swap3A_1824, %swap3A_1825, %swap3A_1826, %swap3A_1827] {strides = array<i32>} : memref<8x4x8x128xf32, #tpu.memory_space<vmem>>, vector<16xf32>,
      tpu.vector_store %arg10[%swap3A_1824, %swap3A_1825, %swap3A_1826, %swap3A_1827], %gather3A_1822 {strides = array<i32>} : memref<8x4x8x128xf32, #tpu.memory_space<vmem>>, vector<16xf32>,
      %mul3A_1829 = arith.constant 2 : i32
      %mul3A_1830 = arith.muli %mul3A_1829, %select_n3A : i32
      %add3A_1831 = arith.constant 1 : i32
      %add3A_1832 = arith.addi %mul3A_1830, %add3A_1831 : i32
      %mul3A_1833 = arith.constant 0 : i32
      %mul3A_1834 = vector.broadcast %mul3A_1833 : i32 to vector<16xi32>
      %mul3A_1835 = arith.muli %iota3A, %mul3A_1834 : vector<16xi32>
      %mul3A_1836 = arith.constant 16 : i32
      %mul3A_1837 = arith.muli %select_n3A, %mul3A_1836 : i32
      %add3A_1838 = arith.constant 13 : i32
      %add3A_1839 = arith.addi %mul3A_1837, %add3A_1838 : i32
      %add3A_1840 = vector.broadcast %add3A_1839 : i32 to vector<16xi32>
      %add3A_1841 = arith.addi %mul3A_1835, %add3A_1840 : vector<16xi32>
      %add3A_1842 = arith.constant 0 : i32
      %add3A_1843 = vector.broadcast %add3A_1842 : i32 to vector<16xi32>
      %add3A_1844 = arith.addi %add3A_1843, %iota3A : vector<16xi32>
      %gather3A_1845 = arith.constant 0 : i32
      %gather3A_1846 = arith.constant 0 : i32
      %gather3A_1847 = arith.constant 0 : i32
      %gather3A_1848 = tpu.memref_slice %arg9[%gather3A_1845, %gather3A_1846, %gather3A_1847] : memref<2x128x64xf32, #tpu.memory_space<vmem>> -> memref<1x128x64xf32, #tpu.memory_space<vmem>>
      %gather3A_1849 = tpu.memref_squeeze %gather3A_1848 : memref<1x128x64xf32, #tpu.memory_space<vmem>> -> memref<128x64xf32, #tpu.memory_space<vmem>>
      %gather3A_1850 = tpu.vector_load_idx %gather3A_1849[%add3A_1844, %add3A_1841] : memref<128x64xf32, #tpu.memory_space<vmem>>[vector<16xi32>, vector<16xi32>], vector<16xf32>,
      %swap3A_1851 = arith.constant 5 : i32
      %swap3A_1852 = arith.index_cast %add3A_1832 : i32 to index
      %swap3A_1853 = arith.index_cast %select_n3A_101 : i32 to index
      %swap3A_1854 = arith.index_cast %swap3A_1851 : i32 to index
      %swap3A_1855 = arith.constant 0 : index
      %swap3A_1856 = tpu.vector_load %arg10[%swap3A_1852, %swap3A_1853, %swap3A_1854, %swap3A_1855] {strides = array<i32>} : memref<8x4x8x128xf32, #tpu.memory_space<vmem>>, vector<16xf32>,
      tpu.vector_store %arg10[%swap3A_1852, %swap3A_1853, %swap3A_1854, %swap3A_1855], %gather3A_1850 {strides = array<i32>} : memref<8x4x8x128xf32, #tpu.memory_space<vmem>>, vector<16xf32>,
      %add3A_1857 = arith.constant 16 : i32
      %add3A_1858 = vector.broadcast %add3A_1857 : i32 to vector<16xi32>
      %add3A_1859 = arith.addi %add3A_1858, %iota3A : vector<16xi32>
      %gather3A_1860 = arith.constant 0 : i32
      %gather3A_1861 = arith.constant 0 : i32
      %gather3A_1862 = arith.constant 0 : i32
      %gather3A_1863 = tpu.memref_slice %arg9[%gather3A_1860, %gather3A_1861, %gather3A_1862] : memref<2x128x64xf32, #tpu.memory_space<vmem>> -> memref<1x128x64xf32, #tpu.memory_space<vmem>>
      %gather3A_1864 = tpu.memref_squeeze %gather3A_1863 : memref<1x128x64xf32, #tpu.memory_space<vmem>> -> memref<128x64xf32, #tpu.memory_space<vmem>>
      %gather3A_1865 = tpu.vector_load_idx %gather3A_1864[%add3A_1859, %add3A_1841] : memref<128x64xf32, #tpu.memory_space<vmem>>[vector<16xi32>, vector<16xi32>], vector<16xf32>,
      %swap3A_1866 = arith.constant 5 : i32
      %swap3A_1867 = arith.index_cast %add3A_1832 : i32 to index
      %swap3A_1868 = arith.index_cast %select_n3A_101 : i32 to index
      %swap3A_1869 = arith.index_cast %swap3A_1866 : i32 to index
      %swap3A_1870 = arith.constant 16 : index
      %swap3A_1871 = tpu.vector_load %arg10[%swap3A_1867, %swap3A_1868, %swap3A_1869, %swap3A_1870] {strides = array<i32>} : memref<8x4x8x128xf32, #tpu.memory_space<vmem>>, vector<16xf32>,
      tpu.vector_store %arg10[%swap3A_1867, %swap3A_1868, %swap3A_1869, %swap3A_1870], %gather3A_1865 {strides = array<i32>} : memref<8x4x8x128xf32, #tpu.memory_space<vmem>>, vector<16xf32>,
      %add3A_1872 = arith.constant 32 : i32
      %add3A_1873 = vector.broadcast %add3A_1872 : i32 to vector<16xi32>
      %add3A_1874 = arith.addi %add3A_1873, %iota3A : vector<16xi32>
      %gather3A_1875 = arith.constant 0 : i32
      %gather3A_1876 = arith.constant 0 : i32
      %gather3A_1877 = arith.constant 0 : i32
      %gather3A_1878 = tpu.memref_slice %arg9[%gather3A_1875, %gather3A_1876, %gather3A_1877] : memref<2x128x64xf32, #tpu.memory_space<vmem>> -> memref<1x128x64xf32, #tpu.memory_space<vmem>>
      %gather3A_1879 = tpu.memref_squeeze %gather3A_1878 : memref<1x128x64xf32, #tpu.memory_space<vmem>> -> memref<128x64xf32, #tpu.memory_space<vmem>>
      %gather3A_1880 = tpu.vector_load_idx %gather3A_1879[%add3A_1874, %add3A_1841] : memref<128x64xf32, #tpu.memory_space<vmem>>[vector<16xi32>, vector<16xi32>], vector<16xf32>,
      %swap3A_1881 = arith.constant 5 : i32
      %swap3A_1882 = arith.index_cast %add3A_1832 : i32 to index
      %swap3A_1883 = arith.index_cast %select_n3A_101 : i32 to index
      %swap3A_1884 = arith.index_cast %swap3A_1881 : i32 to index
      %swap3A_1885 = arith.constant 32 : index
      %swap3A_1886 = tpu.vector_load %arg10[%swap3A_1882, %swap3A_1883, %swap3A_1884, %swap3A_1885] {strides = array<i32>} : memref<8x4x8x128xf32, #tpu.memory_space<vmem>>, vector<16xf32>,
      tpu.vector_store %arg10[%swap3A_1882, %swap3A_1883, %swap3A_1884, %swap3A_1885], %gather3A_1880 {strides = array<i32>} : memref<8x4x8x128xf32, #tpu.memory_space<vmem>>, vector<16xf32>,
      %add3A_1887 = arith.constant 48 : i32
      %add3A_1888 = vector.broadcast %add3A_1887 : i32 to vector<16xi32>
      %add3A_1889 = arith.addi %add3A_1888, %iota3A : vector<16xi32>
      %gather3A_1890 = arith.constant 0 : i32
      %gather3A_1891 = arith.constant 0 : i32
      %gather3A_1892 = arith.constant 0 : i32
      %gather3A_1893 = tpu.memref_slice %arg9[%gather3A_1890, %gather3A_1891, %gather3A_1892] : memref<2x128x64xf32, #tpu.memory_space<vmem>> -> memref<1x128x64xf32, #tpu.memory_space<vmem>>
      %gather3A_1894 = tpu.memref_squeeze %gather3A_1893 : memref<1x128x64xf32, #tpu.memory_space<vmem>> -> memref<128x64xf32, #tpu.memory_space<vmem>>
      %gather3A_1895 = tpu.vector_load_idx %gather3A_1894[%add3A_1889, %add3A_1841] : memref<128x64xf32, #tpu.memory_space<vmem>>[vector<16xi32>, vector<16xi32>], vector<16xf32>,
      %swap3A_1896 = arith.constant 5 : i32
      %swap3A_1897 = arith.index_cast %add3A_1832 : i32 to index
      %swap3A_1898 = arith.index_cast %select_n3A_101 : i32 to index
      %swap3A_1899 = arith.index_cast %swap3A_1896 : i32 to index
      %swap3A_1900 = arith.constant 48 : index
      %swap3A_1901 = tpu.vector_load %arg10[%swap3A_1897, %swap3A_1898, %swap3A_1899, %swap3A_1900] {strides = array<i32>} : memref<8x4x8x128xf32, #tpu.memory_space<vmem>>, vector<16xf32>,
      tpu.vector_store %arg10[%swap3A_1897, %swap3A_1898, %swap3A_1899, %swap3A_1900], %gather3A_1895 {strides = array<i32>} : memref<8x4x8x128xf32, #tpu.memory_space<vmem>>, vector<16xf32>,
      %add3A_1902 = arith.constant 64 : i32
      %add3A_1903 = vector.broadcast %add3A_1902 : i32 to vector<16xi32>
      %add3A_1904 = arith.addi %add3A_1903, %iota3A : vector<16xi32>
      %gather3A_1905 = arith.constant 0 : i32
      %gather3A_1906 = arith.constant 0 : i32
      %gather3A_1907 = arith.constant 0 : i32
      %gather3A_1908 = tpu.memref_slice %arg9[%gather3A_1905, %gather3A_1906, %gather3A_1907] : memref<2x128x64xf32, #tpu.memory_space<vmem>> -> memref<1x128x64xf32, #tpu.memory_space<vmem>>
      %gather3A_1909 = tpu.memref_squeeze %gather3A_1908 : memref<1x128x64xf32, #tpu.memory_space<vmem>> -> memref<128x64xf32, #tpu.memory_space<vmem>>
      %gather3A_1910 = tpu.vector_load_idx %gather3A_1909[%add3A_1904, %add3A_1841] : memref<128x64xf32, #tpu.memory_space<vmem>>[vector<16xi32>, vector<16xi32>], vector<16xf32>,
      %swap3A_1911 = arith.constant 5 : i32
      %swap3A_1912 = arith.index_cast %add3A_1832 : i32 to index
      %swap3A_1913 = arith.index_cast %select_n3A_101 : i32 to index
      %swap3A_1914 = arith.index_cast %swap3A_1911 : i32 to index
      %swap3A_1915 = arith.constant 64 : index
      %swap3A_1916 = tpu.vector_load %arg10[%swap3A_1912, %swap3A_1913, %swap3A_1914, %swap3A_1915] {strides = array<i32>} : memref<8x4x8x128xf32, #tpu.memory_space<vmem>>, vector<16xf32>,
      tpu.vector_store %arg10[%swap3A_1912, %swap3A_1913, %swap3A_1914, %swap3A_1915], %gather3A_1910 {strides = array<i32>} : memref<8x4x8x128xf32, #tpu.memory_space<vmem>>, vector<16xf32>,
      %add3A_1917 = arith.constant 80 : i32
      %add3A_1918 = vector.broadcast %add3A_1917 : i32 to vector<16xi32>
      %add3A_1919 = arith.addi %add3A_1918, %iota3A : vector<16xi32>
      %gather3A_1920 = arith.constant 0 : i32
      %gather3A_1921 = arith.constant 0 : i32
      %gather3A_1922 = arith.constant 0 : i32
      %gather3A_1923 = tpu.memref_slice %arg9[%gather3A_1920, %gather3A_1921, %gather3A_1922] : memref<2x128x64xf32, #tpu.memory_space<vmem>> -> memref<1x128x64xf32, #tpu.memory_space<vmem>>
      %gather3A_1924 = tpu.memref_squeeze %gather3A_1923 : memref<1x128x64xf32, #tpu.memory_space<vmem>> -> memref<128x64xf32, #tpu.memory_space<vmem>>
      %gather3A_1925 = tpu.vector_load_idx %gather3A_1924[%add3A_1919, %add3A_1841] : memref<128x64xf32, #tpu.memory_space<vmem>>[vector<16xi32>, vector<16xi32>], vector<16xf32>,
      %swap3A_1926 = arith.constant 5 : i32
      %swap3A_1927 = arith.index_cast %add3A_1832 : i32 to index
      %swap3A_1928 = arith.index_cast %select_n3A_101 : i32 to index
      %swap3A_1929 = arith.index_cast %swap3A_1926 : i32 to index
      %swap3A_1930 = arith.constant 80 : index
      %swap3A_1931 = tpu.vector_load %arg10[%swap3A_1927, %swap3A_1928, %swap3A_1929, %swap3A_1930] {strides = array<i32>} : memref<8x4x8x128xf32, #tpu.memory_space<vmem>>, vector<16xf32>,
      tpu.vector_store %arg10[%swap3A_1927, %swap3A_1928, %swap3A_1929, %swap3A_1930], %gather3A_1925 {strides = array<i32>} : memref<8x4x8x128xf32, #tpu.memory_space<vmem>>, vector<16xf32>,
      %add3A_1932 = arith.constant 96 : i32
      %add3A_1933 = vector.broadcast %add3A_1932 : i32 to vector<16xi32>
      %add3A_1934 = arith.addi %add3A_1933, %iota3A : vector<16xi32>
      %gather3A_1935 = arith.constant 0 : i32
      %gather3A_1936 = arith.constant 0 : i32
      %gather3A_1937 = arith.constant 0 : i32
      %gather3A_1938 = tpu.memref_slice %arg9[%gather3A_1935, %gather3A_1936, %gather3A_1937] : memref<2x128x64xf32, #tpu.memory_space<vmem>> -> memref<1x128x64xf32, #tpu.memory_space<vmem>>
      %gather3A_1939 = tpu.memref_squeeze %gather3A_1938 : memref<1x128x64xf32, #tpu.memory_space<vmem>> -> memref<128x64xf32, #tpu.memory_space<vmem>>
      %gather3A_1940 = tpu.vector_load_idx %gather3A_1939[%add3A_1934, %add3A_1841] : memref<128x64xf32, #tpu.memory_space<vmem>>[vector<16xi32>, vector<16xi32>], vector<16xf32>,
      %swap3A_1941 = arith.constant 5 : i32
      %swap3A_1942 = arith.index_cast %add3A_1832 : i32 to index
      %swap3A_1943 = arith.index_cast %select_n3A_101 : i32 to index
      %swap3A_1944 = arith.index_cast %swap3A_1941 : i32 to index
      %swap3A_1945 = arith.constant 96 : index
      %swap3A_1946 = tpu.vector_load %arg10[%swap3A_1942, %swap3A_1943, %swap3A_1944, %swap3A_1945] {strides = array<i32>} : memref<8x4x8x128xf32, #tpu.memory_space<vmem>>, vector<16xf32>,
      tpu.vector_store %arg10[%swap3A_1942, %swap3A_1943, %swap3A_1944, %swap3A_1945], %gather3A_1940 {strides = array<i32>} : memref<8x4x8x128xf32, #tpu.memory_space<vmem>>, vector<16xf32>,
      %add3A_1947 = arith.constant 112 : i32
      %add3A_1948 = vector.broadcast %add3A_1947 : i32 to vector<16xi32>
      %add3A_1949 = arith.addi %add3A_1948, %iota3A : vector<16xi32>
      %gather3A_1950 = arith.constant 0 : i32
      %gather3A_1951 = arith.constant 0 : i32
      %gather3A_1952 = arith.constant 0 : i32
      %gather3A_1953 = tpu.memref_slice %arg9[%gather3A_1950, %gather3A_1951, %gather3A_1952] : memref<2x128x64xf32, #tpu.memory_space<vmem>> -> memref<1x128x64xf32, #tpu.memory_space<vmem>>
      %gather3A_1954 = tpu.memref_squeeze %gather3A_1953 : memref<1x128x64xf32, #tpu.memory_space<vmem>> -> memref<128x64xf32, #tpu.memory_space<vmem>>
      %gather3A_1955 = tpu.vector_load_idx %gather3A_1954[%add3A_1949, %add3A_1841] : memref<128x64xf32, #tpu.memory_space<vmem>>[vector<16xi32>, vector<16xi32>], vector<16xf32>,
      %swap3A_1956 = arith.constant 5 : i32
      %swap3A_1957 = arith.index_cast %add3A_1832 : i32 to index
      %swap3A_1958 = arith.index_cast %select_n3A_101 : i32 to index
      %swap3A_1959 = arith.index_cast %swap3A_1956 : i32 to index
      %swap3A_1960 = arith.constant 112 : index
      %swap3A_1961 = tpu.vector_load %arg10[%swap3A_1957, %swap3A_1958, %swap3A_1959, %swap3A_1960] {strides = array<i32>} : memref<8x4x8x128xf32, #tpu.memory_space<vmem>>, vector<16xf32>,
      tpu.vector_store %arg10[%swap3A_1957, %swap3A_1958, %swap3A_1959, %swap3A_1960], %gather3A_1955 {strides = array<i32>} : memref<8x4x8x128xf32, #tpu.memory_space<vmem>>, vector<16xf32>,
      %mul3A_1962 = arith.constant 2 : i32
      %mul3A_1963 = arith.muli %mul3A_1962, %select_n3A : i32
      %add3A_1964 = arith.constant 1 : i32
      %add3A_1965 = arith.addi %mul3A_1963, %add3A_1964 : i32
      %mul3A_1966 = arith.constant 0 : i32
      %mul3A_1967 = vector.broadcast %mul3A_1966 : i32 to vector<16xi32>
      %mul3A_1968 = arith.muli %iota3A, %mul3A_1967 : vector<16xi32>
      %mul3A_1969 = arith.constant 16 : i32
      %mul3A_1970 = arith.muli %select_n3A, %mul3A_1969 : i32
      %add3A_1971 = arith.constant 14 : i32
      %add3A_1972 = arith.addi %mul3A_1970, %add3A_1971 : i32
      %add3A_1973 = vector.broadcast %add3A_1972 : i32 to vector<16xi32>
      %add3A_1974 = arith.addi %mul3A_1968, %add3A_1973 : vector<16xi32>
      %add3A_1975 = arith.constant 0 : i32
      %add3A_1976 = vector.broadcast %add3A_1975 : i32 to vector<16xi32>
      %add3A_1977 = arith.addi %add3A_1976, %iota3A : vector<16xi32>
      %gather3A_1978 = arith.constant 0 : i32
      %gather3A_1979 = arith.constant 0 : i32
      %gather3A_1980 = arith.constant 0 : i32
      %gather3A_1981 = tpu.memref_slice %arg9[%gather3A_1978, %gather3A_1979, %gather3A_1980] : memref<2x128x64xf32, #tpu.memory_space<vmem>> -> memref<1x128x64xf32, #tpu.memory_space<vmem>>
      %gather3A_1982 = tpu.memref_squeeze %gather3A_1981 : memref<1x128x64xf32, #tpu.memory_space<vmem>> -> memref<128x64xf32, #tpu.memory_space<vmem>>
      %gather3A_1983 = tpu.vector_load_idx %gather3A_1982[%add3A_1977, %add3A_1974] : memref<128x64xf32, #tpu.memory_space<vmem>>[vector<16xi32>, vector<16xi32>], vector<16xf32>,
      %swap3A_1984 = arith.constant 6 : i32
      %swap3A_1985 = arith.index_cast %add3A_1965 : i32 to index
      %swap3A_1986 = arith.index_cast %select_n3A_101 : i32 to index
      %swap3A_1987 = arith.index_cast %swap3A_1984 : i32 to index
      %swap3A_1988 = arith.constant 0 : index
      %swap3A_1989 = tpu.vector_load %arg10[%swap3A_1985, %swap3A_1986, %swap3A_1987, %swap3A_1988] {strides = array<i32>} : memref<8x4x8x128xf32, #tpu.memory_space<vmem>>, vector<16xf32>,
      tpu.vector_store %arg10[%swap3A_1985, %swap3A_1986, %swap3A_1987, %swap3A_1988], %gather3A_1983 {strides = array<i32>} : memref<8x4x8x128xf32, #tpu.memory_space<vmem>>, vector<16xf32>,
      %add3A_1990 = arith.constant 16 : i32
      %add3A_1991 = vector.broadcast %add3A_1990 : i32 to vector<16xi32>
      %add3A_1992 = arith.addi %add3A_1991, %iota3A : vector<16xi32>
      %gather3A_1993 = arith.constant 0 : i32
      %gather3A_1994 = arith.constant 0 : i32
      %gather3A_1995 = arith.constant 0 : i32
      %gather3A_1996 = tpu.memref_slice %arg9[%gather3A_1993, %gather3A_1994, %gather3A_1995] : memref<2x128x64xf32, #tpu.memory_space<vmem>> -> memref<1x128x64xf32, #tpu.memory_space<vmem>>
      %gather3A_1997 = tpu.memref_squeeze %gather3A_1996 : memref<1x128x64xf32, #tpu.memory_space<vmem>> -> memref<128x64xf32, #tpu.memory_space<vmem>>
      %gather3A_1998 = tpu.vector_load_idx %gather3A_1997[%add3A_1992, %add3A_1974] : memref<128x64xf32, #tpu.memory_space<vmem>>[vector<16xi32>, vector<16xi32>], vector<16xf32>,
      %swap3A_1999 = arith.constant 6 : i32
      %swap3A_2000 = arith.index_cast %add3A_1965 : i32 to index
      %swap3A_2001 = arith.index_cast %select_n3A_101 : i32 to index
      %swap3A_2002 = arith.index_cast %swap3A_1999 : i32 to index
      %swap3A_2003 = arith.constant 16 : index
      %swap3A_2004 = tpu.vector_load %arg10[%swap3A_2000, %swap3A_2001, %swap3A_2002, %swap3A_2003] {strides = array<i32>} : memref<8x4x8x128xf32, #tpu.memory_space<vmem>>, vector<16xf32>,
      tpu.vector_store %arg10[%swap3A_2000, %swap3A_2001, %swap3A_2002, %swap3A_2003], %gather3A_1998 {strides = array<i32>} : memref<8x4x8x128xf32, #tpu.memory_space<vmem>>, vector<16xf32>,
      %add3A_2005 = arith.constant 32 : i32
      %add3A_2006 = vector.broadcast %add3A_2005 : i32 to vector<16xi32>
      %add3A_2007 = arith.addi %add3A_2006, %iota3A : vector<16xi32>
      %gather3A_2008 = arith.constant 0 : i32
      %gather3A_2009 = arith.constant 0 : i32
      %gather3A_2010 = arith.constant 0 : i32
      %gather3A_2011 = tpu.memref_slice %arg9[%gather3A_2008, %gather3A_2009, %gather3A_2010] : memref<2x128x64xf32, #tpu.memory_space<vmem>> -> memref<1x128x64xf32, #tpu.memory_space<vmem>>
      %gather3A_2012 = tpu.memref_squeeze %gather3A_2011 : memref<1x128x64xf32, #tpu.memory_space<vmem>> -> memref<128x64xf32, #tpu.memory_space<vmem>>
      %gather3A_2013 = tpu.vector_load_idx %gather3A_2012[%add3A_2007, %add3A_1974] : memref<128x64xf32, #tpu.memory_space<vmem>>[vector<16xi32>, vector<16xi32>], vector<16xf32>,
      %swap3A_2014 = arith.constant 6 : i32
      %swap3A_2015 = arith.index_cast %add3A_1965 : i32 to index
      %swap3A_2016 = arith.index_cast %select_n3A_101 : i32 to index
      %swap3A_2017 = arith.index_cast %swap3A_2014 : i32 to index
      %swap3A_2018 = arith.constant 32 : index
      %swap3A_2019 = tpu.vector_load %arg10[%swap3A_2015, %swap3A_2016, %swap3A_2017, %swap3A_2018] {strides = array<i32>} : memref<8x4x8x128xf32, #tpu.memory_space<vmem>>, vector<16xf32>,
      tpu.vector_store %arg10[%swap3A_2015, %swap3A_2016, %swap3A_2017, %swap3A_2018], %gather3A_2013 {strides = array<i32>} : memref<8x4x8x128xf32, #tpu.memory_space<vmem>>, vector<16xf32>,
      %add3A_2020 = arith.constant 48 : i32
      %add3A_2021 = vector.broadcast %add3A_2020 : i32 to vector<16xi32>
      %add3A_2022 = arith.addi %add3A_2021, %iota3A : vector<16xi32>
      %gather3A_2023 = arith.constant 0 : i32
      %gather3A_2024 = arith.constant 0 : i32
      %gather3A_2025 = arith.constant 0 : i32
      %gather3A_2026 = tpu.memref_slice %arg9[%gather3A_2023, %gather3A_2024, %gather3A_2025] : memref<2x128x64xf32, #tpu.memory_space<vmem>> -> memref<1x128x64xf32, #tpu.memory_space<vmem>>
      %gather3A_2027 = tpu.memref_squeeze %gather3A_2026 : memref<1x128x64xf32, #tpu.memory_space<vmem>> -> memref<128x64xf32, #tpu.memory_space<vmem>>
      %gather3A_2028 = tpu.vector_load_idx %gather3A_2027[%add3A_2022, %add3A_1974] : memref<128x64xf32, #tpu.memory_space<vmem>>[vector<16xi32>, vector<16xi32>], vector<16xf32>,
      %swap3A_2029 = arith.constant 6 : i32
      %swap3A_2030 = arith.index_cast %add3A_1965 : i32 to index
      %swap3A_2031 = arith.index_cast %select_n3A_101 : i32 to index
      %swap3A_2032 = arith.index_cast %swap3A_2029 : i32 to index
      %swap3A_2033 = arith.constant 48 : index
      %swap3A_2034 = tpu.vector_load %arg10[%swap3A_2030, %swap3A_2031, %swap3A_2032, %swap3A_2033] {strides = array<i32>} : memref<8x4x8x128xf32, #tpu.memory_space<vmem>>, vector<16xf32>,
      tpu.vector_store %arg10[%swap3A_2030, %swap3A_2031, %swap3A_2032, %swap3A_2033], %gather3A_2028 {strides = array<i32>} : memref<8x4x8x128xf32, #tpu.memory_space<vmem>>, vector<16xf32>,
      %add3A_2035 = arith.constant 64 : i32
      %add3A_2036 = vector.broadcast %add3A_2035 : i32 to vector<16xi32>
      %add3A_2037 = arith.addi %add3A_2036, %iota3A : vector<16xi32>
      %gather3A_2038 = arith.constant 0 : i32
      %gather3A_2039 = arith.constant 0 : i32
      %gather3A_2040 = arith.constant 0 : i32
      %gather3A_2041 = tpu.memref_slice %arg9[%gather3A_2038, %gather3A_2039, %gather3A_2040] : memref<2x128x64xf32, #tpu.memory_space<vmem>> -> memref<1x128x64xf32, #tpu.memory_space<vmem>>
      %gather3A_2042 = tpu.memref_squeeze %gather3A_2041 : memref<1x128x64xf32, #tpu.memory_space<vmem>> -> memref<128x64xf32, #tpu.memory_space<vmem>>
      %gather3A_2043 = tpu.vector_load_idx %gather3A_2042[%add3A_2037, %add3A_1974] : memref<128x64xf32, #tpu.memory_space<vmem>>[vector<16xi32>, vector<16xi32>], vector<16xf32>,
      %swap3A_2044 = arith.constant 6 : i32
      %swap3A_2045 = arith.index_cast %add3A_1965 : i32 to index
      %swap3A_2046 = arith.index_cast %select_n3A_101 : i32 to index
      %swap3A_2047 = arith.index_cast %swap3A_2044 : i32 to index
      %swap3A_2048 = arith.constant 64 : index
      %swap3A_2049 = tpu.vector_load %arg10[%swap3A_2045, %swap3A_2046, %swap3A_2047, %swap3A_2048] {strides = array<i32>} : memref<8x4x8x128xf32, #tpu.memory_space<vmem>>, vector<16xf32>,
      tpu.vector_store %arg10[%swap3A_2045, %swap3A_2046, %swap3A_2047, %swap3A_2048], %gather3A_2043 {strides = array<i32>} : memref<8x4x8x128xf32, #tpu.memory_space<vmem>>, vector<16xf32>,
      %add3A_2050 = arith.constant 80 : i32
      %add3A_2051 = vector.broadcast %add3A_2050 : i32 to vector<16xi32>
      %add3A_2052 = arith.addi %add3A_2051, %iota3A : vector<16xi32>
      %gather3A_2053 = arith.constant 0 : i32
      %gather3A_2054 = arith.constant 0 : i32
      %gather3A_2055 = arith.constant 0 : i32
      %gather3A_2056 = tpu.memref_slice %arg9[%gather3A_2053, %gather3A_2054, %gather3A_2055] : memref<2x128x64xf32, #tpu.memory_space<vmem>> -> memref<1x128x64xf32, #tpu.memory_space<vmem>>
      %gather3A_2057 = tpu.memref_squeeze %gather3A_2056 : memref<1x128x64xf32, #tpu.memory_space<vmem>> -> memref<128x64xf32, #tpu.memory_space<vmem>>
      %gather3A_2058 = tpu.vector_load_idx %gather3A_2057[%add3A_2052, %add3A_1974] : memref<128x64xf32, #tpu.memory_space<vmem>>[vector<16xi32>, vector<16xi32>], vector<16xf32>,
      %swap3A_2059 = arith.constant 6 : i32
      %swap3A_2060 = arith.index_cast %add3A_1965 : i32 to index
      %swap3A_2061 = arith.index_cast %select_n3A_101 : i32 to index
      %swap3A_2062 = arith.index_cast %swap3A_2059 : i32 to index
      %swap3A_2063 = arith.constant 80 : index
      %swap3A_2064 = tpu.vector_load %arg10[%swap3A_2060, %swap3A_2061, %swap3A_2062, %swap3A_2063] {strides = array<i32>} : memref<8x4x8x128xf32, #tpu.memory_space<vmem>>, vector<16xf32>,
      tpu.vector_store %arg10[%swap3A_2060, %swap3A_2061, %swap3A_2062, %swap3A_2063], %gather3A_2058 {strides = array<i32>} : memref<8x4x8x128xf32, #tpu.memory_space<vmem>>, vector<16xf32>,
      %add3A_2065 = arith.constant 96 : i32
      %add3A_2066 = vector.broadcast %add3A_2065 : i32 to vector<16xi32>
      %add3A_2067 = arith.addi %add3A_2066, %iota3A : vector<16xi32>
      %gather3A_2068 = arith.constant 0 : i32
      %gather3A_2069 = arith.constant 0 : i32
      %gather3A_2070 = arith.constant 0 : i32
      %gather3A_2071 = tpu.memref_slice %arg9[%gather3A_2068, %gather3A_2069, %gather3A_2070] : memref<2x128x64xf32, #tpu.memory_space<vmem>> -> memref<1x128x64xf32, #tpu.memory_space<vmem>>
      %gather3A_2072 = tpu.memref_squeeze %gather3A_2071 : memref<1x128x64xf32, #tpu.memory_space<vmem>> -> memref<128x64xf32, #tpu.memory_space<vmem>>
      %gather3A_2073 = tpu.vector_load_idx %gather3A_2072[%add3A_2067, %add3A_1974] : memref<128x64xf32, #tpu.memory_space<vmem>>[vector<16xi32>, vector<16xi32>], vector<16xf32>,
      %swap3A_2074 = arith.constant 6 : i32
      %swap3A_2075 = arith.index_cast %add3A_1965 : i32 to index
      %swap3A_2076 = arith.index_cast %select_n3A_101 : i32 to index
      %swap3A_2077 = arith.index_cast %swap3A_2074 : i32 to index
      %swap3A_2078 = arith.constant 96 : index
      %swap3A_2079 = tpu.vector_load %arg10[%swap3A_2075, %swap3A_2076, %swap3A_2077, %swap3A_2078] {strides = array<i32>} : memref<8x4x8x128xf32, #tpu.memory_space<vmem>>, vector<16xf32>,
      tpu.vector_store %arg10[%swap3A_2075, %swap3A_2076, %swap3A_2077, %swap3A_2078], %gather3A_2073 {strides = array<i32>} : memref<8x4x8x128xf32, #tpu.memory_space<vmem>>, vector<16xf32>,
      %add3A_2080 = arith.constant 112 : i32
      %add3A_2081 = vector.broadcast %add3A_2080 : i32 to vector<16xi32>
      %add3A_2082 = arith.addi %add3A_2081, %iota3A : vector<16xi32>
      %gather3A_2083 = arith.constant 0 : i32
      %gather3A_2084 = arith.constant 0 : i32
      %gather3A_2085 = arith.constant 0 : i32
      %gather3A_2086 = tpu.memref_slice %arg9[%gather3A_2083, %gather3A_2084, %gather3A_2085] : memref<2x128x64xf32, #tpu.memory_space<vmem>> -> memref<1x128x64xf32, #tpu.memory_space<vmem>>
      %gather3A_2087 = tpu.memref_squeeze %gather3A_2086 : memref<1x128x64xf32, #tpu.memory_space<vmem>> -> memref<128x64xf32, #tpu.memory_space<vmem>>
      %gather3A_2088 = tpu.vector_load_idx %gather3A_2087[%add3A_2082, %add3A_1974] : memref<128x64xf32, #tpu.memory_space<vmem>>[vector<16xi32>, vector<16xi32>], vector<16xf32>,
      %swap3A_2089 = arith.constant 6 : i32
      %swap3A_2090 = arith.index_cast %add3A_1965 : i32 to index
      %swap3A_2091 = arith.index_cast %select_n3A_101 : i32 to index
      %swap3A_2092 = arith.index_cast %swap3A_2089 : i32 to index
      %swap3A_2093 = arith.constant 112 : index
      %swap3A_2094 = tpu.vector_load %arg10[%swap3A_2090, %swap3A_2091, %swap3A_2092, %swap3A_2093] {strides = array<i32>} : memref<8x4x8x128xf32, #tpu.memory_space<vmem>>, vector<16xf32>,
      tpu.vector_store %arg10[%swap3A_2090, %swap3A_2091, %swap3A_2092, %swap3A_2093], %gather3A_2088 {strides = array<i32>} : memref<8x4x8x128xf32, #tpu.memory_space<vmem>>, vector<16xf32>,
      %mul3A_2095 = arith.constant 2 : i32
      %mul3A_2096 = arith.muli %mul3A_2095, %select_n3A : i32
      %add3A_2097 = arith.constant 1 : i32
      %add3A_2098 = arith.addi %mul3A_2096, %add3A_2097 : i32
      %mul3A_2099 = arith.constant 0 : i32
      %mul3A_2100 = vector.broadcast %mul3A_2099 : i32 to vector<16xi32>
      %mul3A_2101 = arith.muli %iota3A, %mul3A_2100 : vector<16xi32>
      %mul3A_2102 = arith.constant 16 : i32
      %mul3A_2103 = arith.muli %select_n3A, %mul3A_2102 : i32
      %add3A_2104 = arith.constant 15 : i32
      %add3A_2105 = arith.addi %mul3A_2103, %add3A_2104 : i32
      %add3A_2106 = vector.broadcast %add3A_2105 : i32 to vector<16xi32>
      %add3A_2107 = arith.addi %mul3A_2101, %add3A_2106 : vector<16xi32>
      %add3A_2108 = arith.constant 0 : i32
      %add3A_2109 = vector.broadcast %add3A_2108 : i32 to vector<16xi32>
      %add3A_2110 = arith.addi %add3A_2109, %iota3A : vector<16xi32>
      %gather3A_2111 = arith.constant 0 : i32
      %gather3A_2112 = arith.constant 0 : i32
      %gather3A_2113 = arith.constant 0 : i32
      %gather3A_2114 = tpu.memref_slice %arg9[%gather3A_2111, %gather3A_2112, %gather3A_2113] : memref<2x128x64xf32, #tpu.memory_space<vmem>> -> memref<1x128x64xf32, #tpu.memory_space<vmem>>
      %gather3A_2115 = tpu.memref_squeeze %gather3A_2114 : memref<1x128x64xf32, #tpu.memory_space<vmem>> -> memref<128x64xf32, #tpu.memory_space<vmem>>
      %gather3A_2116 = tpu.vector_load_idx %gather3A_2115[%add3A_2110, %add3A_2107] : memref<128x64xf32, #tpu.memory_space<vmem>>[vector<16xi32>, vector<16xi32>], vector<16xf32>,
      %swap3A_2117 = arith.constant 7 : i32
      %swap3A_2118 = arith.index_cast %add3A_2098 : i32 to index
      %swap3A_2119 = arith.index_cast %select_n3A_101 : i32 to index
      %swap3A_2120 = arith.index_cast %swap3A_2117 : i32 to index
      %swap3A_2121 = arith.constant 0 : index
      %swap3A_2122 = tpu.vector_load %arg10[%swap3A_2118, %swap3A_2119, %swap3A_2120, %swap3A_2121] {strides = array<i32>} : memref<8x4x8x128xf32, #tpu.memory_space<vmem>>, vector<16xf32>,
      tpu.vector_store %arg10[%swap3A_2118, %swap3A_2119, %swap3A_2120, %swap3A_2121], %gather3A_2116 {strides = array<i32>} : memref<8x4x8x128xf32, #tpu.memory_space<vmem>>, vector<16xf32>,
      %add3A_2123 = arith.constant 16 : i32
      %add3A_2124 = vector.broadcast %add3A_2123 : i32 to vector<16xi32>
      %add3A_2125 = arith.addi %add3A_2124, %iota3A : vector<16xi32>
      %gather3A_2126 = arith.constant 0 : i32
      %gather3A_2127 = arith.constant 0 : i32
      %gather3A_2128 = arith.constant 0 : i32
      %gather3A_2129 = tpu.memref_slice %arg9[%gather3A_2126, %gather3A_2127, %gather3A_2128] : memref<2x128x64xf32, #tpu.memory_space<vmem>> -> memref<1x128x64xf32, #tpu.memory_space<vmem>>
      %gather3A_2130 = tpu.memref_squeeze %gather3A_2129 : memref<1x128x64xf32, #tpu.memory_space<vmem>> -> memref<128x64xf32, #tpu.memory_space<vmem>>
      %gather3A_2131 = tpu.vector_load_idx %gather3A_2130[%add3A_2125, %add3A_2107] : memref<128x64xf32, #tpu.memory_space<vmem>>[vector<16xi32>, vector<16xi32>], vector<16xf32>,
      %swap3A_2132 = arith.constant 7 : i32
      %swap3A_2133 = arith.index_cast %add3A_2098 : i32 to index
      %swap3A_2134 = arith.index_cast %select_n3A_101 : i32 to index
      %swap3A_2135 = arith.index_cast %swap3A_2132 : i32 to index
      %swap3A_2136 = arith.constant 16 : index
      %swap3A_2137 = tpu.vector_load %arg10[%swap3A_2133, %swap3A_2134, %swap3A_2135, %swap3A_2136] {strides = array<i32>} : memref<8x4x8x128xf32, #tpu.memory_space<vmem>>, vector<16xf32>,
      tpu.vector_store %arg10[%swap3A_2133, %swap3A_2134, %swap3A_2135, %swap3A_2136], %gather3A_2131 {strides = array<i32>} : memref<8x4x8x128xf32, #tpu.memory_space<vmem>>, vector<16xf32>,
      %add3A_2138 = arith.constant 32 : i32
      %add3A_2139 = vector.broadcast %add3A_2138 : i32 to vector<16xi32>
      %add3A_2140 = arith.addi %add3A_2139, %iota3A : vector<16xi32>
      %gather3A_2141 = arith.constant 0 : i32
      %gather3A_2142 = arith.constant 0 : i32
      %gather3A_2143 = arith.constant 0 : i32
      %gather3A_2144 = tpu.memref_slice %arg9[%gather3A_2141, %gather3A_2142, %gather3A_2143] : memref<2x128x64xf32, #tpu.memory_space<vmem>> -> memref<1x128x64xf32, #tpu.memory_space<vmem>>
      %gather3A_2145 = tpu.memref_squeeze %gather3A_2144 : memref<1x128x64xf32, #tpu.memory_space<vmem>> -> memref<128x64xf32, #tpu.memory_space<vmem>>
      %gather3A_2146 = tpu.vector_load_idx %gather3A_2145[%add3A_2140, %add3A_2107] : memref<128x64xf32, #tpu.memory_space<vmem>>[vector<16xi32>, vector<16xi32>], vector<16xf32>,
      %swap3A_2147 = arith.constant 7 : i32
      %swap3A_2148 = arith.index_cast %add3A_2098 : i32 to index
      %swap3A_2149 = arith.index_cast %select_n3A_101 : i32 to index
      %swap3A_2150 = arith.index_cast %swap3A_2147 : i32 to index
      %swap3A_2151 = arith.constant 32 : index
      %swap3A_2152 = tpu.vector_load %arg10[%swap3A_2148, %swap3A_2149, %swap3A_2150, %swap3A_2151] {strides = array<i32>} : memref<8x4x8x128xf32, #tpu.memory_space<vmem>>, vector<16xf32>,
      tpu.vector_store %arg10[%swap3A_2148, %swap3A_2149, %swap3A_2150, %swap3A_2151], %gather3A_2146 {strides = array<i32>} : memref<8x4x8x128xf32, #tpu.memory_space<vmem>>, vector<16xf32>,
      %add3A_2153 = arith.constant 48 : i32
      %add3A_2154 = vector.broadcast %add3A_2153 : i32 to vector<16xi32>
      %add3A_2155 = arith.addi %add3A_2154, %iota3A : vector<16xi32>
      %gather3A_2156 = arith.constant 0 : i32
      %gather3A_2157 = arith.constant 0 : i32
      %gather3A_2158 = arith.constant 0 : i32
      %gather3A_2159 = tpu.memref_slice %arg9[%gather3A_2156, %gather3A_2157, %gather3A_2158] : memref<2x128x64xf32, #tpu.memory_space<vmem>> -> memref<1x128x64xf32, #tpu.memory_space<vmem>>
      %gather3A_2160 = tpu.memref_squeeze %gather3A_2159 : memref<1x128x64xf32, #tpu.memory_space<vmem>> -> memref<128x64xf32, #tpu.memory_space<vmem>>
      %gather3A_2161 = tpu.vector_load_idx %gather3A_2160[%add3A_2155, %add3A_2107] : memref<128x64xf32, #tpu.memory_space<vmem>>[vector<16xi32>, vector<16xi32>], vector<16xf32>,
      %swap3A_2162 = arith.constant 7 : i32
      %swap3A_2163 = arith.index_cast %add3A_2098 : i32 to index
      %swap3A_2164 = arith.index_cast %select_n3A_101 : i32 to index
      %swap3A_2165 = arith.index_cast %swap3A_2162 : i32 to index
      %swap3A_2166 = arith.constant 48 : index
      %swap3A_2167 = tpu.vector_load %arg10[%swap3A_2163, %swap3A_2164, %swap3A_2165, %swap3A_2166] {strides = array<i32>} : memref<8x4x8x128xf32, #tpu.memory_space<vmem>>, vector<16xf32>,
      tpu.vector_store %arg10[%swap3A_2163, %swap3A_2164, %swap3A_2165, %swap3A_2166], %gather3A_2161 {strides = array<i32>} : memref<8x4x8x128xf32, #tpu.memory_space<vmem>>, vector<16xf32>,
      %add3A_2168 = arith.constant 64 : i32
      %add3A_2169 = vector.broadcast %add3A_2168 : i32 to vector<16xi32>
      %add3A_2170 = arith.addi %add3A_2169, %iota3A : vector<16xi32>
      %gather3A_2171 = arith.constant 0 : i32
      %gather3A_2172 = arith.constant 0 : i32
      %gather3A_2173 = arith.constant 0 : i32
      %gather3A_2174 = tpu.memref_slice %arg9[%gather3A_2171, %gather3A_2172, %gather3A_2173] : memref<2x128x64xf32, #tpu.memory_space<vmem>> -> memref<1x128x64xf32, #tpu.memory_space<vmem>>
      %gather3A_2175 = tpu.memref_squeeze %gather3A_2174 : memref<1x128x64xf32, #tpu.memory_space<vmem>> -> memref<128x64xf32, #tpu.memory_space<vmem>>
      %gather3A_2176 = tpu.vector_load_idx %gather3A_2175[%add3A_2170, %add3A_2107] : memref<128x64xf32, #tpu.memory_space<vmem>>[vector<16xi32>, vector<16xi32>], vector<16xf32>,
      %swap3A_2177 = arith.constant 7 : i32
      %swap3A_2178 = arith.index_cast %add3A_2098 : i32 to index
      %swap3A_2179 = arith.index_cast %select_n3A_101 : i32 to index
      %swap3A_2180 = arith.index_cast %swap3A_2177 : i32 to index
      %swap3A_2181 = arith.constant 64 : index
      %swap3A_2182 = tpu.vector_load %arg10[%swap3A_2178, %swap3A_2179, %swap3A_2180, %swap3A_2181] {strides = array<i32>} : memref<8x4x8x128xf32, #tpu.memory_space<vmem>>, vector<16xf32>,
      tpu.vector_store %arg10[%swap3A_2178, %swap3A_2179, %swap3A_2180, %swap3A_2181], %gather3A_2176 {strides = array<i32>} : memref<8x4x8x128xf32, #tpu.memory_space<vmem>>, vector<16xf32>,
      %add3A_2183 = arith.constant 80 : i32
      %add3A_2184 = vector.broadcast %add3A_2183 : i32 to vector<16xi32>
      %add3A_2185 = arith.addi %add3A_2184, %iota3A : vector<16xi32>
      %gather3A_2186 = arith.constant 0 : i32
      %gather3A_2187 = arith.constant 0 : i32
      %gather3A_2188 = arith.constant 0 : i32
      %gather3A_2189 = tpu.memref_slice %arg9[%gather3A_2186, %gather3A_2187, %gather3A_2188] : memref<2x128x64xf32, #tpu.memory_space<vmem>> -> memref<1x128x64xf32, #tpu.memory_space<vmem>>
      %gather3A_2190 = tpu.memref_squeeze %gather3A_2189 : memref<1x128x64xf32, #tpu.memory_space<vmem>> -> memref<128x64xf32, #tpu.memory_space<vmem>>
      %gather3A_2191 = tpu.vector_load_idx %gather3A_2190[%add3A_2185, %add3A_2107] : memref<128x64xf32, #tpu.memory_space<vmem>>[vector<16xi32>, vector<16xi32>], vector<16xf32>,
      %swap3A_2192 = arith.constant 7 : i32
      %swap3A_2193 = arith.index_cast %add3A_2098 : i32 to index
      %swap3A_2194 = arith.index_cast %select_n3A_101 : i32 to index
      %swap3A_2195 = arith.index_cast %swap3A_2192 : i32 to index
      %swap3A_2196 = arith.constant 80 : index
      %swap3A_2197 = tpu.vector_load %arg10[%swap3A_2193, %swap3A_2194, %swap3A_2195, %swap3A_2196] {strides = array<i32>} : memref<8x4x8x128xf32, #tpu.memory_space<vmem>>, vector<16xf32>,
      tpu.vector_store %arg10[%swap3A_2193, %swap3A_2194, %swap3A_2195, %swap3A_2196], %gather3A_2191 {strides = array<i32>} : memref<8x4x8x128xf32, #tpu.memory_space<vmem>>, vector<16xf32>,
      %add3A_2198 = arith.constant 96 : i32
      %add3A_2199 = vector.broadcast %add3A_2198 : i32 to vector<16xi32>
      %add3A_2200 = arith.addi %add3A_2199, %iota3A : vector<16xi32>
      %gather3A_2201 = arith.constant 0 : i32
      %gather3A_2202 = arith.constant 0 : i32
      %gather3A_2203 = arith.constant 0 : i32
      %gather3A_2204 = tpu.memref_slice %arg9[%gather3A_2201, %gather3A_2202, %gather3A_2203] : memref<2x128x64xf32, #tpu.memory_space<vmem>> -> memref<1x128x64xf32, #tpu.memory_space<vmem>>
      %gather3A_2205 = tpu.memref_squeeze %gather3A_2204 : memref<1x128x64xf32, #tpu.memory_space<vmem>> -> memref<128x64xf32, #tpu.memory_space<vmem>>
      %gather3A_2206 = tpu.vector_load_idx %gather3A_2205[%add3A_2200, %add3A_2107] : memref<128x64xf32, #tpu.memory_space<vmem>>[vector<16xi32>, vector<16xi32>], vector<16xf32>,
      %swap3A_2207 = arith.constant 7 : i32
      %swap3A_2208 = arith.index_cast %add3A_2098 : i32 to index
      %swap3A_2209 = arith.index_cast %select_n3A_101 : i32 to index
      %swap3A_2210 = arith.index_cast %swap3A_2207 : i32 to index
      %swap3A_2211 = arith.constant 96 : index
      %swap3A_2212 = tpu.vector_load %arg10[%swap3A_2208, %swap3A_2209, %swap3A_2210, %swap3A_2211] {strides = array<i32>} : memref<8x4x8x128xf32, #tpu.memory_space<vmem>>, vector<16xf32>,
      tpu.vector_store %arg10[%swap3A_2208, %swap3A_2209, %swap3A_2210, %swap3A_2211], %gather3A_2206 {strides = array<i32>} : memref<8x4x8x128xf32, #tpu.memory_space<vmem>>, vector<16xf32>,
      %add3A_2213 = arith.constant 112 : i32
      %add3A_2214 = vector.broadcast %add3A_2213 : i32 to vector<16xi32>
      %add3A_2215 = arith.addi %add3A_2214, %iota3A : vector<16xi32>
      %gather3A_2216 = arith.constant 0 : i32
      %gather3A_2217 = arith.constant 0 : i32
      %gather3A_2218 = arith.constant 0 : i32
      %gather3A_2219 = tpu.memref_slice %arg9[%gather3A_2216, %gather3A_2217, %gather3A_2218] : memref<2x128x64xf32, #tpu.memory_space<vmem>> -> memref<1x128x64xf32, #tpu.memory_space<vmem>>
      %gather3A_2220 = tpu.memref_squeeze %gather3A_2219 : memref<1x128x64xf32, #tpu.memory_space<vmem>> -> memref<128x64xf32, #tpu.memory_space<vmem>>
      %gather3A_2221 = tpu.vector_load_idx %gather3A_2220[%add3A_2215, %add3A_2107] : memref<128x64xf32, #tpu.memory_space<vmem>>[vector<16xi32>, vector<16xi32>], vector<16xf32>,
      %swap3A_2222 = arith.constant 7 : i32
      %swap3A_2223 = arith.index_cast %add3A_2098 : i32 to index
      %swap3A_2224 = arith.index_cast %select_n3A_101 : i32 to index
      %swap3A_2225 = arith.index_cast %swap3A_2222 : i32 to index
      %swap3A_2226 = arith.constant 112 : index
      %swap3A_2227 = tpu.vector_load %arg10[%swap3A_2223, %swap3A_2224, %swap3A_2225, %swap3A_2226] {strides = array<i32>} : memref<8x4x8x128xf32, #tpu.memory_space<vmem>>, vector<16xf32>,
      tpu.vector_store %arg10[%swap3A_2223, %swap3A_2224, %swap3A_2225, %swap3A_2226], %gather3A_2221 {strides = array<i32>} : memref<8x4x8x128xf32, #tpu.memory_space<vmem>>, vector<16xf32>,
      %add3A_2228 = arith.constant 2 : i32
      %add3A_2229 = arith.addi %mul3A_56, %add3A_2228 : i32
      %lt3A_2230 = arith.constant 16 : i32
      %lt3A_2231 = arith.cmpi slt, %add3A_2229, %lt3A_2230 : i32
      %convert_element_type3A = arith.extui %lt3A_2231 : i1 to i32
      %cond3A = arith.constant 0 : i32
      %cond3A_2232 = arith.cmpi ne, %convert_element_type3A, %cond3A : i32
      scf.if %cond3A_2232 {
        %add3A_4425 = arith.constant 2 : i32
        %add3A_4426 = arith.addi %mul3A_56, %add3A_4425 : i32
        %jit3A_4427 = arith.constant 4 : i32
        %div3A_4428 = arith.divsi %add3A_4426, %jit3A_4427 : i32
        %sign3A_4429 = arith.constant 0 : i32
        %sign3A_4430 = arith.cmpi sgt, %add3A_4426, %sign3A_4429 : i32
        %sign3A_4431 = arith.extui %sign3A_4430 : i1 to i32
        %sign3A_4432 = arith.constant 0 : i32
        %sign3A_4433 = arith.cmpi slt, %add3A_4426, %sign3A_4432 : i32
        %sign3A_4434 = arith.extui %sign3A_4433 : i1 to i32
        %sign3A_4435 = arith.subi %sign3A_4431, %sign3A_4434 : i32
        %sign3A_4436 = arith.constant 0 : i32
        %sign3A_4437 = arith.cmpi sgt, %jit3A_4427, %sign3A_4436 : i32
        %sign3A_4438 = arith.extui %sign3A_4437 : i1 to i32
        %sign3A_4439 = arith.constant 0 : i32
        %sign3A_4440 = arith.cmpi slt, %jit3A_4427, %sign3A_4439 : i32
        %sign3A_4441 = arith.extui %sign3A_4440 : i1 to i32
        %sign3A_4442 = arith.subi %sign3A_4438, %sign3A_4441 : i32
        %ne3A_4443 = arith.cmpi ne, %sign3A_4435, %sign3A_4442 : i32
        %rem3A_4444 = arith.remsi %add3A_4426, %jit3A_4427 : i32
        %ne3A_4445 = arith.constant 0 : i32
        %ne3A_4446 = arith.cmpi ne, %rem3A_4444, %ne3A_4445 : i32
        %and3A_4447 = arith.andi %ne3A_4443, %ne3A_4446 : i1
        %sub3A_4448 = arith.constant 1 : i32
        %sub3A_4449 = arith.subi %div3A_4428, %sub3A_4448 : i32
        %select_n3A_4450 = arith.select %and3A_4447, %sub3A_4449, %div3A_4428 : i32
        %jit3A_4451 = arith.constant 4 : i32
        %eq3A_4452 = arith.constant 0 : i32
        %eq3A_4453 = arith.cmpi eq, %jit3A_4451, %eq3A_4452 : i32
        %jit3A_4454 = arith.constant 1 : i32
        %select_n3A_4455 = arith.select %eq3A_4453, %jit3A_4454, %jit3A_4451 : i32
        %rem3A_4456 = arith.remsi %add3A_4426, %select_n3A_4455 : i32
        %ne3A_4457 = arith.constant 0 : i32
        %ne3A_4458 = arith.cmpi ne, %rem3A_4456, %ne3A_4457 : i32
        %lt3A_4459 = arith.constant 0 : i32
        %lt3A_4460 = arith.cmpi slt, %rem3A_4456, %lt3A_4459 : i32
        %lt3A_4461 = arith.constant 0 : i32
        %lt3A_4462 = arith.cmpi slt, %select_n3A_4455, %lt3A_4461 : i32
        %ne3A_4463 = arith.xori %lt3A_4460, %lt3A_4462 : i1
        %and3A_4464 = arith.andi %ne3A_4463, %ne3A_4458 : i1
        %add3A_4465 = arith.addi %rem3A_4456, %select_n3A_4455 : i32
        %select_n3A_4466 = arith.select %and3A_4464, %add3A_4465, %rem3A_4456 : i32
        %mul3A_4467 = arith.constant 128 : i32
        %mul3A_4468 = arith.muli %select_n3A_4466, %mul3A_4467 : i32
        %dma_start3A_4469 = arith.constant 0 : i32
        %dma_start3A_4470 = arith.constant 0 : i32
        %dma_start3A_4471 = arith.constant 0 : i32
        %dma_start3A_4472 = tpu.memref_slice %arg9[%dma_start3A_4469, %dma_start3A_4470, %dma_start3A_4471] : memref<2x128x64xf32, #tpu.memory_space<vmem>> -> memref<1x128x64xf32, #tpu.memory_space<vmem>>
        %dma_start3A_4473 = tpu.memref_squeeze %dma_start3A_4472 : memref<1x128x64xf32, #tpu.memory_space<vmem>> -> memref<128x64xf32, #tpu.memory_space<vmem>>
        %dma_start3A_4474 = tpu.memref_slice %arg8[%select_n3A_4450, %mul3A_4468] : memref<4x512xi32, #tpu.memory_space<vmem>> -> memref<1x128xi32, #tpu.memory_space<vmem>>
        %dma_start3A_4475 = tpu.memref_squeeze %dma_start3A_4474 : memref<1x128xi32, #tpu.memory_space<vmem>> -> memref<128xi32, #tpu.memory_space<vmem>>
        %dma_start3A_4476 = arith.constant 0 : i32
        %dma_start3A_4477 = arith.constant 0 : i32
        %dma_start3A_4478 = tpu.memref_slice %arg2[%dma_start3A_4476, %dma_start3A_4477] : memref<1000000x64xf32, #tpu.memory_space<hbm>> -> memref<1000000x64xf32, #tpu.memory_space<hbm>>
        tpu.enqueue_indirect_dma source(%dma_start3A_4478 : memref<1000000x64xf32, #tpu.memory_space<hbm>>) target(%dma_start3A_4473 : memref<128x64xf32, #tpu.memory_space<vmem>>) offsets(%dma_start3A_4475 : memref<128xi32, #tpu.memory_space<vmem>>) semaphore(%arg11 : memref<!tpu.dma_semaphore, #tpu.memory_space<semaphore_mem>>)
      } else {
      }
      %dma_wait3A_2233 = arith.constant 0 : i32
      %dma_wait3A_2234 = arith.constant 0 : i32
      %dma_wait3A_2235 = arith.constant 0 : i32
      %dma_wait3A_2236 = tpu.memref_slice %arg9[%dma_wait3A_2233, %dma_wait3A_2234, %dma_wait3A_2235] : memref<2x128x64xf32, #tpu.memory_space<vmem>> -> memref<1x128x64xf32, #tpu.memory_space<vmem>>
      %dma_wait3A_2237 = tpu.memref_squeeze %dma_wait3A_2236 : memref<1x128x64xf32, #tpu.memory_space<vmem>> -> memref<128x64xf32, #tpu.memory_space<vmem>>
      %dma_wait3A_2238 = arith.constant 0 : i32
      %dma_wait3A_2239 = arith.constant 0 : i32
      %dma_wait3A_2240 = tpu.memref_slice %arg2[%dma_wait3A_2238, %dma_wait3A_2239] : memref<1000000x64xf32, #tpu.memory_space<hbm>> -> memref<128x64xf32, #tpu.memory_space<hbm>>
      %dma_wait3A_2241 = arith.constant 0 : i32
      %dma_wait3A_2242 = arith.constant 0 : i32
      %dma_wait3A_2243 = tpu.memref_slice %arg9[%dma_wait3A_2233, %dma_wait3A_2241, %dma_wait3A_2242] : memref<2x128x64xf32, #tpu.memory_space<vmem>> -> memref<1x128x64xf32, #tpu.memory_space<vmem>>
      %dma_wait3A_2244 = tpu.memref_squeeze %dma_wait3A_2243 : memref<1x128x64xf32, #tpu.memory_space<vmem>> -> memref<128x64xf32, #tpu.memory_space<vmem>>
      %dma_wait3A_2245 = arith.constant 0 : i32
      %dma_wait3A_2246 = arith.constant 0 : i32
      %dma_wait3A_2247 = tpu.memref_slice %arg2[%dma_wait3A_2245, %dma_wait3A_2246] : memref<1000000x64xf32, #tpu.memory_space<hbm>> -> memref<128x64xf32, #tpu.memory_space<hbm>>
      tpu.wait_dma2 semaphore(%arg12 : memref<!tpu.dma_semaphore, #tpu.memory_space<semaphore_mem>>) src(%dma_wait3A_2247 : memref<128x64xf32, #tpu.memory_space<hbm>>) dst(%dma_wait3A_2244 : memref<128x64xf32, #tpu.memory_space<vmem>>)
      %add3A_2248 = arith.constant 1 : i32
      %add3A_2249 = arith.addi %mul3A_56, %add3A_2248 : i32
      %jit3A_2250 = arith.constant 4 : i32
      %div3A_2251 = arith.divsi %add3A_2249, %jit3A_2250 : i32
      %sign3A_2252 = arith.constant 0 : i32
      %sign3A_2253 = arith.cmpi sgt, %add3A_2249, %sign3A_2252 : i32
      %sign3A_2254 = arith.extui %sign3A_2253 : i1 to i32
      %sign3A_2255 = arith.constant 0 : i32
      %sign3A_2256 = arith.cmpi slt, %add3A_2249, %sign3A_2255 : i32
      %sign3A_2257 = arith.extui %sign3A_2256 : i1 to i32
      %sign3A_2258 = arith.subi %sign3A_2254, %sign3A_2257 : i32
      %sign3A_2259 = arith.constant 0 : i32
      %sign3A_2260 = arith.cmpi sgt, %jit3A_2250, %sign3A_2259 : i32
      %sign3A_2261 = arith.extui %sign3A_2260 : i1 to i32
      %sign3A_2262 = arith.constant 0 : i32
      %sign3A_2263 = arith.cmpi slt, %jit3A_2250, %sign3A_2262 : i32
      %sign3A_2264 = arith.extui %sign3A_2263 : i1 to i32
      %sign3A_2265 = arith.subi %sign3A_2261, %sign3A_2264 : i32
      %ne3A_2266 = arith.cmpi ne, %sign3A_2258, %sign3A_2265 : i32
      %rem3A_2267 = arith.remsi %add3A_2249, %jit3A_2250 : i32
      %ne3A_2268 = arith.constant 0 : i32
      %ne3A_2269 = arith.cmpi ne, %rem3A_2267, %ne3A_2268 : i32
      %and3A_2270 = arith.andi %ne3A_2266, %ne3A_2269 : i1
      %sub3A_2271 = arith.constant 1 : i32
      %sub3A_2272 = arith.subi %div3A_2251, %sub3A_2271 : i32
      %select_n3A_2273 = arith.select %and3A_2270, %sub3A_2272, %div3A_2251 : i32
      %jit3A_2274 = arith.constant 4 : i32
      %eq3A_2275 = arith.constant 0 : i32
      %eq3A_2276 = arith.cmpi eq, %jit3A_2274, %eq3A_2275 : i32
      %jit3A_2277 = arith.constant 1 : i32
      %select_n3A_2278 = arith.select %eq3A_2276, %jit3A_2277, %jit3A_2274 : i32
      %rem3A_2279 = arith.remsi %add3A_2249, %select_n3A_2278 : i32
      %ne3A_2280 = arith.constant 0 : i32
      %ne3A_2281 = arith.cmpi ne, %rem3A_2279, %ne3A_2280 : i32
      %lt3A_2282 = arith.constant 0 : i32
      %lt3A_2283 = arith.cmpi slt, %rem3A_2279, %lt3A_2282 : i32
      %lt3A_2284 = arith.constant 0 : i32
      %lt3A_2285 = arith.cmpi slt, %select_n3A_2278, %lt3A_2284 : i32
      %ne3A_2286 = arith.xori %lt3A_2283, %lt3A_2285 : i1
      %and3A_2287 = arith.andi %ne3A_2286, %ne3A_2281 : i1
      %add3A_2288 = arith.addi %rem3A_2279, %select_n3A_2278 : i32
      %select_n3A_2289 = arith.select %and3A_2287, %add3A_2288, %rem3A_2279 : i32
      %mul3A_2290 = arith.constant 2 : i32
      %mul3A_2291 = arith.muli %mul3A_2290, %select_n3A_2273 : i32
      %add3A_2292 = arith.constant 0 : i32
      %add3A_2293 = arith.addi %mul3A_2291, %add3A_2292 : i32
      %mul3A_2294 = arith.constant 0 : i32
      %mul3A_2295 = vector.broadcast %mul3A_2294 : i32 to vector<16xi32>
      %mul3A_2296 = arith.muli %iota3A, %mul3A_2295 : vector<16xi32>
      %mul3A_2297 = arith.constant 16 : i32
      %mul3A_2298 = arith.muli %select_n3A_2273, %mul3A_2297 : i32
      %add3A_2299 = arith.constant 0 : i32
      %add3A_2300 = arith.addi %mul3A_2298, %add3A_2299 : i32
      %add3A_2301 = vector.broadcast %add3A_2300 : i32 to vector<16xi32>
      %add3A_2302 = arith.addi %mul3A_2296, %add3A_2301 : vector<16xi32>
      %add3A_2303 = arith.constant 0 : i32
      %add3A_2304 = vector.broadcast %add3A_2303 : i32 to vector<16xi32>
      %add3A_2305 = arith.addi %add3A_2304, %iota3A : vector<16xi32>
      %gather3A_2306 = arith.constant 1 : i32
      %gather3A_2307 = arith.constant 0 : i32
      %gather3A_2308 = arith.constant 0 : i32
      %gather3A_2309 = tpu.memref_slice %arg9[%gather3A_2306, %gather3A_2307, %gather3A_2308] : memref<2x128x64xf32, #tpu.memory_space<vmem>> -> memref<1x128x64xf32, #tpu.memory_space<vmem>>
      %gather3A_2310 = tpu.memref_squeeze %gather3A_2309 : memref<1x128x64xf32, #tpu.memory_space<vmem>> -> memref<128x64xf32, #tpu.memory_space<vmem>>
      %gather3A_2311 = tpu.vector_load_idx %gather3A_2310[%add3A_2305, %add3A_2302] : memref<128x64xf32, #tpu.memory_space<vmem>>[vector<16xi32>, vector<16xi32>], vector<16xf32>,
      %swap3A_2312 = arith.constant 0 : i32
      %swap3A_2313 = arith.index_cast %add3A_2293 : i32 to index
      %swap3A_2314 = arith.index_cast %select_n3A_2289 : i32 to index
      %swap3A_2315 = arith.index_cast %swap3A_2312 : i32 to index
      %swap3A_2316 = arith.constant 0 : index
      %swap3A_2317 = tpu.vector_load %arg10[%swap3A_2313, %swap3A_2314, %swap3A_2315, %swap3A_2316] {strides = array<i32>} : memref<8x4x8x128xf32, #tpu.memory_space<vmem>>, vector<16xf32>,
      tpu.vector_store %arg10[%swap3A_2313, %swap3A_2314, %swap3A_2315, %swap3A_2316], %gather3A_2311 {strides = array<i32>} : memref<8x4x8x128xf32, #tpu.memory_space<vmem>>, vector<16xf32>,
      %add3A_2318 = arith.constant 16 : i32
      %add3A_2319 = vector.broadcast %add3A_2318 : i32 to vector<16xi32>
      %add3A_2320 = arith.addi %add3A_2319, %iota3A : vector<16xi32>
      %gather3A_2321 = arith.constant 1 : i32
      %gather3A_2322 = arith.constant 0 : i32
      %gather3A_2323 = arith.constant 0 : i32
      %gather3A_2324 = tpu.memref_slice %arg9[%gather3A_2321, %gather3A_2322, %gather3A_2323] : memref<2x128x64xf32, #tpu.memory_space<vmem>> -> memref<1x128x64xf32, #tpu.memory_space<vmem>>
      %gather3A_2325 = tpu.memref_squeeze %gather3A_2324 : memref<1x128x64xf32, #tpu.memory_space<vmem>> -> memref<128x64xf32, #tpu.memory_space<vmem>>
      %gather3A_2326 = tpu.vector_load_idx %gather3A_2325[%add3A_2320, %add3A_2302] : memref<128x64xf32, #tpu.memory_space<vmem>>[vector<16xi32>, vector<16xi32>], vector<16xf32>,
      %swap3A_2327 = arith.constant 0 : i32
      %swap3A_2328 = arith.index_cast %add3A_2293 : i32 to index
      %swap3A_2329 = arith.index_cast %select_n3A_2289 : i32 to index
      %swap3A_2330 = arith.index_cast %swap3A_2327 : i32 to index
      %swap3A_2331 = arith.constant 16 : index
      %swap3A_2332 = tpu.vector_load %arg10[%swap3A_2328, %swap3A_2329, %swap3A_2330, %swap3A_2331] {strides = array<i32>} : memref<8x4x8x128xf32, #tpu.memory_space<vmem>>, vector<16xf32>,
      tpu.vector_store %arg10[%swap3A_2328, %swap3A_2329, %swap3A_2330, %swap3A_2331], %gather3A_2326 {strides = array<i32>} : memref<8x4x8x128xf32, #tpu.memory_space<vmem>>, vector<16xf32>,
      %add3A_2333 = arith.constant 32 : i32
      %add3A_2334 = vector.broadcast %add3A_2333 : i32 to vector<16xi32>
      %add3A_2335 = arith.addi %add3A_2334, %iota3A : vector<16xi32>
      %gather3A_2336 = arith.constant 1 : i32
      %gather3A_2337 = arith.constant 0 : i32
      %gather3A_2338 = arith.constant 0 : i32
      %gather3A_2339 = tpu.memref_slice %arg9[%gather3A_2336, %gather3A_2337, %gather3A_2338] : memref<2x128x64xf32, #tpu.memory_space<vmem>> -> memref<1x128x64xf32, #tpu.memory_space<vmem>>
      %gather3A_2340 = tpu.memref_squeeze %gather3A_2339 : memref<1x128x64xf32, #tpu.memory_space<vmem>> -> memref<128x64xf32, #tpu.memory_space<vmem>>
      %gather3A_2341 = tpu.vector_load_idx %gather3A_2340[%add3A_2335, %add3A_2302] : memref<128x64xf32, #tpu.memory_space<vmem>>[vector<16xi32>, vector<16xi32>], vector<16xf32>,
      %swap3A_2342 = arith.constant 0 : i32
      %swap3A_2343 = arith.index_cast %add3A_2293 : i32 to index
      %swap3A_2344 = arith.index_cast %select_n3A_2289 : i32 to index
      %swap3A_2345 = arith.index_cast %swap3A_2342 : i32 to index
      %swap3A_2346 = arith.constant 32 : index
      %swap3A_2347 = tpu.vector_load %arg10[%swap3A_2343, %swap3A_2344, %swap3A_2345, %swap3A_2346] {strides = array<i32>} : memref<8x4x8x128xf32, #tpu.memory_space<vmem>>, vector<16xf32>,
      tpu.vector_store %arg10[%swap3A_2343, %swap3A_2344, %swap3A_2345, %swap3A_2346], %gather3A_2341 {strides = array<i32>} : memref<8x4x8x128xf32, #tpu.memory_space<vmem>>, vector<16xf32>,
      %add3A_2348 = arith.constant 48 : i32
      %add3A_2349 = vector.broadcast %add3A_2348 : i32 to vector<16xi32>
      %add3A_2350 = arith.addi %add3A_2349, %iota3A : vector<16xi32>
      %gather3A_2351 = arith.constant 1 : i32
      %gather3A_2352 = arith.constant 0 : i32
      %gather3A_2353 = arith.constant 0 : i32
      %gather3A_2354 = tpu.memref_slice %arg9[%gather3A_2351, %gather3A_2352, %gather3A_2353] : memref<2x128x64xf32, #tpu.memory_space<vmem>> -> memref<1x128x64xf32, #tpu.memory_space<vmem>>
      %gather3A_2355 = tpu.memref_squeeze %gather3A_2354 : memref<1x128x64xf32, #tpu.memory_space<vmem>> -> memref<128x64xf32, #tpu.memory_space<vmem>>
      %gather3A_2356 = tpu.vector_load_idx %gather3A_2355[%add3A_2350, %add3A_2302] : memref<128x64xf32, #tpu.memory_space<vmem>>[vector<16xi32>, vector<16xi32>], vector<16xf32>,
      %swap3A_2357 = arith.constant 0 : i32
      %swap3A_2358 = arith.index_cast %add3A_2293 : i32 to index
      %swap3A_2359 = arith.index_cast %select_n3A_2289 : i32 to index
      %swap3A_2360 = arith.index_cast %swap3A_2357 : i32 to index
      %swap3A_2361 = arith.constant 48 : index
      %swap3A_2362 = tpu.vector_load %arg10[%swap3A_2358, %swap3A_2359, %swap3A_2360, %swap3A_2361] {strides = array<i32>} : memref<8x4x8x128xf32, #tpu.memory_space<vmem>>, vector<16xf32>,
      tpu.vector_store %arg10[%swap3A_2358, %swap3A_2359, %swap3A_2360, %swap3A_2361], %gather3A_2356 {strides = array<i32>} : memref<8x4x8x128xf32, #tpu.memory_space<vmem>>, vector<16xf32>,
      %add3A_2363 = arith.constant 64 : i32
      %add3A_2364 = vector.broadcast %add3A_2363 : i32 to vector<16xi32>
      %add3A_2365 = arith.addi %add3A_2364, %iota3A : vector<16xi32>
      %gather3A_2366 = arith.constant 1 : i32
      %gather3A_2367 = arith.constant 0 : i32
      %gather3A_2368 = arith.constant 0 : i32
      %gather3A_2369 = tpu.memref_slice %arg9[%gather3A_2366, %gather3A_2367, %gather3A_2368] : memref<2x128x64xf32, #tpu.memory_space<vmem>> -> memref<1x128x64xf32, #tpu.memory_space<vmem>>
      %gather3A_2370 = tpu.memref_squeeze %gather3A_2369 : memref<1x128x64xf32, #tpu.memory_space<vmem>> -> memref<128x64xf32, #tpu.memory_space<vmem>>
      %gather3A_2371 = tpu.vector_load_idx %gather3A_2370[%add3A_2365, %add3A_2302] : memref<128x64xf32, #tpu.memory_space<vmem>>[vector<16xi32>, vector<16xi32>], vector<16xf32>,
      %swap3A_2372 = arith.constant 0 : i32
      %swap3A_2373 = arith.index_cast %add3A_2293 : i32 to index
      %swap3A_2374 = arith.index_cast %select_n3A_2289 : i32 to index
      %swap3A_2375 = arith.index_cast %swap3A_2372 : i32 to index
      %swap3A_2376 = arith.constant 64 : index
      %swap3A_2377 = tpu.vector_load %arg10[%swap3A_2373, %swap3A_2374, %swap3A_2375, %swap3A_2376] {strides = array<i32>} : memref<8x4x8x128xf32, #tpu.memory_space<vmem>>, vector<16xf32>,
      tpu.vector_store %arg10[%swap3A_2373, %swap3A_2374, %swap3A_2375, %swap3A_2376], %gather3A_2371 {strides = array<i32>} : memref<8x4x8x128xf32, #tpu.memory_space<vmem>>, vector<16xf32>,
      %add3A_2378 = arith.constant 80 : i32
      %add3A_2379 = vector.broadcast %add3A_2378 : i32 to vector<16xi32>
      %add3A_2380 = arith.addi %add3A_2379, %iota3A : vector<16xi32>
      %gather3A_2381 = arith.constant 1 : i32
      %gather3A_2382 = arith.constant 0 : i32
      %gather3A_2383 = arith.constant 0 : i32
      %gather3A_2384 = tpu.memref_slice %arg9[%gather3A_2381, %gather3A_2382, %gather3A_2383] : memref<2x128x64xf32, #tpu.memory_space<vmem>> -> memref<1x128x64xf32, #tpu.memory_space<vmem>>
      %gather3A_2385 = tpu.memref_squeeze %gather3A_2384 : memref<1x128x64xf32, #tpu.memory_space<vmem>> -> memref<128x64xf32, #tpu.memory_space<vmem>>
      %gather3A_2386 = tpu.vector_load_idx %gather3A_2385[%add3A_2380, %add3A_2302] : memref<128x64xf32, #tpu.memory_space<vmem>>[vector<16xi32>, vector<16xi32>], vector<16xf32>,
      %swap3A_2387 = arith.constant 0 : i32
      %swap3A_2388 = arith.index_cast %add3A_2293 : i32 to index
      %swap3A_2389 = arith.index_cast %select_n3A_2289 : i32 to index
      %swap3A_2390 = arith.index_cast %swap3A_2387 : i32 to index
      %swap3A_2391 = arith.constant 80 : index
      %swap3A_2392 = tpu.vector_load %arg10[%swap3A_2388, %swap3A_2389, %swap3A_2390, %swap3A_2391] {strides = array<i32>} : memref<8x4x8x128xf32, #tpu.memory_space<vmem>>, vector<16xf32>,
      tpu.vector_store %arg10[%swap3A_2388, %swap3A_2389, %swap3A_2390, %swap3A_2391], %gather3A_2386 {strides = array<i32>} : memref<8x4x8x128xf32, #tpu.memory_space<vmem>>, vector<16xf32>,
      %add3A_2393 = arith.constant 96 : i32
      %add3A_2394 = vector.broadcast %add3A_2393 : i32 to vector<16xi32>
      %add3A_2395 = arith.addi %add3A_2394, %iota3A : vector<16xi32>
      %gather3A_2396 = arith.constant 1 : i32
      %gather3A_2397 = arith.constant 0 : i32
      %gather3A_2398 = arith.constant 0 : i32
      %gather3A_2399 = tpu.memref_slice %arg9[%gather3A_2396, %gather3A_2397, %gather3A_2398] : memref<2x128x64xf32, #tpu.memory_space<vmem>> -> memref<1x128x64xf32, #tpu.memory_space<vmem>>
      %gather3A_2400 = tpu.memref_squeeze %gather3A_2399 : memref<1x128x64xf32, #tpu.memory_space<vmem>> -> memref<128x64xf32, #tpu.memory_space<vmem>>
      %gather3A_2401 = tpu.vector_load_idx %gather3A_2400[%add3A_2395, %add3A_2302] : memref<128x64xf32, #tpu.memory_space<vmem>>[vector<16xi32>, vector<16xi32>], vector<16xf32>,
      %swap3A_2402 = arith.constant 0 : i32
      %swap3A_2403 = arith.index_cast %add3A_2293 : i32 to index
      %swap3A_2404 = arith.index_cast %select_n3A_2289 : i32 to index
      %swap3A_2405 = arith.index_cast %swap3A_2402 : i32 to index
      %swap3A_2406 = arith.constant 96 : index
      %swap3A_2407 = tpu.vector_load %arg10[%swap3A_2403, %swap3A_2404, %swap3A_2405, %swap3A_2406] {strides = array<i32>} : memref<8x4x8x128xf32, #tpu.memory_space<vmem>>, vector<16xf32>,
      tpu.vector_store %arg10[%swap3A_2403, %swap3A_2404, %swap3A_2405, %swap3A_2406], %gather3A_2401 {strides = array<i32>} : memref<8x4x8x128xf32, #tpu.memory_space<vmem>>, vector<16xf32>,
      %add3A_2408 = arith.constant 112 : i32
      %add3A_2409 = vector.broadcast %add3A_2408 : i32 to vector<16xi32>
      %add3A_2410 = arith.addi %add3A_2409, %iota3A : vector<16xi32>
      %gather3A_2411 = arith.constant 1 : i32
      %gather3A_2412 = arith.constant 0 : i32
      %gather3A_2413 = arith.constant 0 : i32
      %gather3A_2414 = tpu.memref_slice %arg9[%gather3A_2411, %gather3A_2412, %gather3A_2413] : memref<2x128x64xf32, #tpu.memory_space<vmem>> -> memref<1x128x64xf32, #tpu.memory_space<vmem>>
      %gather3A_2415 = tpu.memref_squeeze %gather3A_2414 : memref<1x128x64xf32, #tpu.memory_space<vmem>> -> memref<128x64xf32, #tpu.memory_space<vmem>>
      %gather3A_2416 = tpu.vector_load_idx %gather3A_2415[%add3A_2410, %add3A_2302] : memref<128x64xf32, #tpu.memory_space<vmem>>[vector<16xi32>, vector<16xi32>], vector<16xf32>,
      %swap3A_2417 = arith.constant 0 : i32
      %swap3A_2418 = arith.index_cast %add3A_2293 : i32 to index
      %swap3A_2419 = arith.index_cast %select_n3A_2289 : i32 to index
      %swap3A_2420 = arith.index_cast %swap3A_2417 : i32 to index
      %swap3A_2421 = arith.constant 112 : index
      %swap3A_2422 = tpu.vector_load %arg10[%swap3A_2418, %swap3A_2419, %swap3A_2420, %swap3A_2421] {strides = array<i32>} : memref<8x4x8x128xf32, #tpu.memory_space<vmem>>, vector<16xf32>,
      tpu.vector_store %arg10[%swap3A_2418, %swap3A_2419, %swap3A_2420, %swap3A_2421], %gather3A_2416 {strides = array<i32>} : memref<8x4x8x128xf32, #tpu.memory_space<vmem>>, vector<16xf32>,
      %mul3A_2423 = arith.constant 2 : i32
      %mul3A_2424 = arith.muli %mul3A_2423, %select_n3A_2273 : i32
      %add3A_2425 = arith.constant 0 : i32
      %add3A_2426 = arith.addi %mul3A_2424, %add3A_2425 : i32
      %mul3A_2427 = arith.constant 0 : i32
      %mul3A_2428 = vector.broadcast %mul3A_2427 : i32 to vector<16xi32>
      %mul3A_2429 = arith.muli %iota3A, %mul3A_2428 : vector<16xi32>
      %mul3A_2430 = arith.constant 16 : i32
      %mul3A_2431 = arith.muli %select_n3A_2273, %mul3A_2430 : i32
      %add3A_2432 = arith.constant 1 : i32
      %add3A_2433 = arith.addi %mul3A_2431, %add3A_2432 : i32
      %add3A_2434 = vector.broadcast %add3A_2433 : i32 to vector<16xi32>
      %add3A_2435 = arith.addi %mul3A_2429, %add3A_2434 : vector<16xi32>
      %add3A_2436 = arith.constant 0 : i32
      %add3A_2437 = vector.broadcast %add3A_2436 : i32 to vector<16xi32>
      %add3A_2438 = arith.addi %add3A_2437, %iota3A : vector<16xi32>
      %gather3A_2439 = arith.constant 1 : i32
      %gather3A_2440 = arith.constant 0 : i32
      %gather3A_2441 = arith.constant 0 : i32
      %gather3A_2442 = tpu.memref_slice %arg9[%gather3A_2439, %gather3A_2440, %gather3A_2441] : memref<2x128x64xf32, #tpu.memory_space<vmem>> -> memref<1x128x64xf32, #tpu.memory_space<vmem>>
      %gather3A_2443 = tpu.memref_squeeze %gather3A_2442 : memref<1x128x64xf32, #tpu.memory_space<vmem>> -> memref<128x64xf32, #tpu.memory_space<vmem>>
      %gather3A_2444 = tpu.vector_load_idx %gather3A_2443[%add3A_2438, %add3A_2435] : memref<128x64xf32, #tpu.memory_space<vmem>>[vector<16xi32>, vector<16xi32>], vector<16xf32>,
      %swap3A_2445 = arith.constant 1 : i32
      %swap3A_2446 = arith.index_cast %add3A_2426 : i32 to index
      %swap3A_2447 = arith.index_cast %select_n3A_2289 : i32 to index
      %swap3A_2448 = arith.index_cast %swap3A_2445 : i32 to index
      %swap3A_2449 = arith.constant 0 : index
      %swap3A_2450 = tpu.vector_load %arg10[%swap3A_2446, %swap3A_2447, %swap3A_2448, %swap3A_2449] {strides = array<i32>} : memref<8x4x8x128xf32, #tpu.memory_space<vmem>>, vector<16xf32>,
      tpu.vector_store %arg10[%swap3A_2446, %swap3A_2447, %swap3A_2448, %swap3A_2449], %gather3A_2444 {strides = array<i32>} : memref<8x4x8x128xf32, #tpu.memory_space<vmem>>, vector<16xf32>,
      %add3A_2451 = arith.constant 16 : i32
      %add3A_2452 = vector.broadcast %add3A_2451 : i32 to vector<16xi32>
      %add3A_2453 = arith.addi %add3A_2452, %iota3A : vector<16xi32>
      %gather3A_2454 = arith.constant 1 : i32
      %gather3A_2455 = arith.constant 0 : i32
      %gather3A_2456 = arith.constant 0 : i32
      %gather3A_2457 = tpu.memref_slice %arg9[%gather3A_2454, %gather3A_2455, %gather3A_2456] : memref<2x128x64xf32, #tpu.memory_space<vmem>> -> memref<1x128x64xf32, #tpu.memory_space<vmem>>
      %gather3A_2458 = tpu.memref_squeeze %gather3A_2457 : memref<1x128x64xf32, #tpu.memory_space<vmem>> -> memref<128x64xf32, #tpu.memory_space<vmem>>
      %gather3A_2459 = tpu.vector_load_idx %gather3A_2458[%add3A_2453, %add3A_2435] : memref<128x64xf32, #tpu.memory_space<vmem>>[vector<16xi32>, vector<16xi32>], vector<16xf32>,
      %swap3A_2460 = arith.constant 1 : i32
      %swap3A_2461 = arith.index_cast %add3A_2426 : i32 to index
      %swap3A_2462 = arith.index_cast %select_n3A_2289 : i32 to index
      %swap3A_2463 = arith.index_cast %swap3A_2460 : i32 to index
      %swap3A_2464 = arith.constant 16 : index
      %swap3A_2465 = tpu.vector_load %arg10[%swap3A_2461, %swap3A_2462, %swap3A_2463, %swap3A_2464] {strides = array<i32>} : memref<8x4x8x128xf32, #tpu.memory_space<vmem>>, vector<16xf32>,
      tpu.vector_store %arg10[%swap3A_2461, %swap3A_2462, %swap3A_2463, %swap3A_2464], %gather3A_2459 {strides = array<i32>} : memref<8x4x8x128xf32, #tpu.memory_space<vmem>>, vector<16xf32>,
      %add3A_2466 = arith.constant 32 : i32
      %add3A_2467 = vector.broadcast %add3A_2466 : i32 to vector<16xi32>
      %add3A_2468 = arith.addi %add3A_2467, %iota3A : vector<16xi32>
      %gather3A_2469 = arith.constant 1 : i32
      %gather3A_2470 = arith.constant 0 : i32
      %gather3A_2471 = arith.constant 0 : i32
      %gather3A_2472 = tpu.memref_slice %arg9[%gather3A_2469, %gather3A_2470, %gather3A_2471] : memref<2x128x64xf32, #tpu.memory_space<vmem>> -> memref<1x128x64xf32, #tpu.memory_space<vmem>>
      %gather3A_2473 = tpu.memref_squeeze %gather3A_2472 : memref<1x128x64xf32, #tpu.memory_space<vmem>> -> memref<128x64xf32, #tpu.memory_space<vmem>>
      %gather3A_2474 = tpu.vector_load_idx %gather3A_2473[%add3A_2468, %add3A_2435] : memref<128x64xf32, #tpu.memory_space<vmem>>[vector<16xi32>, vector<16xi32>], vector<16xf32>,
      %swap3A_2475 = arith.constant 1 : i32
      %swap3A_2476 = arith.index_cast %add3A_2426 : i32 to index
      %swap3A_2477 = arith.index_cast %select_n3A_2289 : i32 to index
      %swap3A_2478 = arith.index_cast %swap3A_2475 : i32 to index
      %swap3A_2479 = arith.constant 32 : index
      %swap3A_2480 = tpu.vector_load %arg10[%swap3A_2476, %swap3A_2477, %swap3A_2478, %swap3A_2479] {strides = array<i32>} : memref<8x4x8x128xf32, #tpu.memory_space<vmem>>, vector<16xf32>,
      tpu.vector_store %arg10[%swap3A_2476, %swap3A_2477, %swap3A_2478, %swap3A_2479], %gather3A_2474 {strides = array<i32>} : memref<8x4x8x128xf32, #tpu.memory_space<vmem>>, vector<16xf32>,
      %add3A_2481 = arith.constant 48 : i32
      %add3A_2482 = vector.broadcast %add3A_2481 : i32 to vector<16xi32>
      %add3A_2483 = arith.addi %add3A_2482, %iota3A : vector<16xi32>
      %gather3A_2484 = arith.constant 1 : i32
      %gather3A_2485 = arith.constant 0 : i32
      %gather3A_2486 = arith.constant 0 : i32
      %gather3A_2487 = tpu.memref_slice %arg9[%gather3A_2484, %gather3A_2485, %gather3A_2486] : memref<2x128x64xf32, #tpu.memory_space<vmem>> -> memref<1x128x64xf32, #tpu.memory_space<vmem>>
      %gather3A_2488 = tpu.memref_squeeze %gather3A_2487 : memref<1x128x64xf32, #tpu.memory_space<vmem>> -> memref<128x64xf32, #tpu.memory_space<vmem>>
      %gather3A_2489 = tpu.vector_load_idx %gather3A_2488[%add3A_2483, %add3A_2435] : memref<128x64xf32, #tpu.memory_space<vmem>>[vector<16xi32>, vector<16xi32>], vector<16xf32>,
      %swap3A_2490 = arith.constant 1 : i32
      %swap3A_2491 = arith.index_cast %add3A_2426 : i32 to index
      %swap3A_2492 = arith.index_cast %select_n3A_2289 : i32 to index
      %swap3A_2493 = arith.index_cast %swap3A_2490 : i32 to index
      %swap3A_2494 = arith.constant 48 : index
      %swap3A_2495 = tpu.vector_load %arg10[%swap3A_2491, %swap3A_2492, %swap3A_2493, %swap3A_2494] {strides = array<i32>} : memref<8x4x8x128xf32, #tpu.memory_space<vmem>>, vector<16xf32>,
      tpu.vector_store %arg10[%swap3A_2491, %swap3A_2492, %swap3A_2493, %swap3A_2494], %gather3A_2489 {strides = array<i32>} : memref<8x4x8x128xf32, #tpu.memory_space<vmem>>, vector<16xf32>,
      %add3A_2496 = arith.constant 64 : i32
      %add3A_2497 = vector.broadcast %add3A_2496 : i32 to vector<16xi32>
      %add3A_2498 = arith.addi %add3A_2497, %iota3A : vector<16xi32>
      %gather3A_2499 = arith.constant 1 : i32
      %gather3A_2500 = arith.constant 0 : i32
      %gather3A_2501 = arith.constant 0 : i32
      %gather3A_2502 = tpu.memref_slice %arg9[%gather3A_2499, %gather3A_2500, %gather3A_2501] : memref<2x128x64xf32, #tpu.memory_space<vmem>> -> memref<1x128x64xf32, #tpu.memory_space<vmem>>
      %gather3A_2503 = tpu.memref_squeeze %gather3A_2502 : memref<1x128x64xf32, #tpu.memory_space<vmem>> -> memref<128x64xf32, #tpu.memory_space<vmem>>
      %gather3A_2504 = tpu.vector_load_idx %gather3A_2503[%add3A_2498, %add3A_2435] : memref<128x64xf32, #tpu.memory_space<vmem>>[vector<16xi32>, vector<16xi32>], vector<16xf32>,
      %swap3A_2505 = arith.constant 1 : i32
      %swap3A_2506 = arith.index_cast %add3A_2426 : i32 to index
      %swap3A_2507 = arith.index_cast %select_n3A_2289 : i32 to index
      %swap3A_2508 = arith.index_cast %swap3A_2505 : i32 to index
      %swap3A_2509 = arith.constant 64 : index
      %swap3A_2510 = tpu.vector_load %arg10[%swap3A_2506, %swap3A_2507, %swap3A_2508, %swap3A_2509] {strides = array<i32>} : memref<8x4x8x128xf32, #tpu.memory_space<vmem>>, vector<16xf32>,
      tpu.vector_store %arg10[%swap3A_2506, %swap3A_2507, %swap3A_2508, %swap3A_2509], %gather3A_2504 {strides = array<i32>} : memref<8x4x8x128xf32, #tpu.memory_space<vmem>>, vector<16xf32>,
      %add3A_2511 = arith.constant 80 : i32
      %add3A_2512 = vector.broadcast %add3A_2511 : i32 to vector<16xi32>
      %add3A_2513 = arith.addi %add3A_2512, %iota3A : vector<16xi32>
      %gather3A_2514 = arith.constant 1 : i32
      %gather3A_2515 = arith.constant 0 : i32
      %gather3A_2516 = arith.constant 0 : i32
      %gather3A_2517 = tpu.memref_slice %arg9[%gather3A_2514, %gather3A_2515, %gather3A_2516] : memref<2x128x64xf32, #tpu.memory_space<vmem>> -> memref<1x128x64xf32, #tpu.memory_space<vmem>>
      %gather3A_2518 = tpu.memref_squeeze %gather3A_2517 : memref<1x128x64xf32, #tpu.memory_space<vmem>> -> memref<128x64xf32, #tpu.memory_space<vmem>>
      %gather3A_2519 = tpu.vector_load_idx %gather3A_2518[%add3A_2513, %add3A_2435] : memref<128x64xf32, #tpu.memory_space<vmem>>[vector<16xi32>, vector<16xi32>], vector<16xf32>,
      %swap3A_2520 = arith.constant 1 : i32
      %swap3A_2521 = arith.index_cast %add3A_2426 : i32 to index
      %swap3A_2522 = arith.index_cast %select_n3A_2289 : i32 to index
      %swap3A_2523 = arith.index_cast %swap3A_2520 : i32 to index
      %swap3A_2524 = arith.constant 80 : index
      %swap3A_2525 = tpu.vector_load %arg10[%swap3A_2521, %swap3A_2522, %swap3A_2523, %swap3A_2524] {strides = array<i32>} : memref<8x4x8x128xf32, #tpu.memory_space<vmem>>, vector<16xf32>,
      tpu.vector_store %arg10[%swap3A_2521, %swap3A_2522, %swap3A_2523, %swap3A_2524], %gather3A_2519 {strides = array<i32>} : memref<8x4x8x128xf32, #tpu.memory_space<vmem>>, vector<16xf32>,
      %add3A_2526 = arith.constant 96 : i32
      %add3A_2527 = vector.broadcast %add3A_2526 : i32 to vector<16xi32>
      %add3A_2528 = arith.addi %add3A_2527, %iota3A : vector<16xi32>
      %gather3A_2529 = arith.constant 1 : i32
      %gather3A_2530 = arith.constant 0 : i32
      %gather3A_2531 = arith.constant 0 : i32
      %gather3A_2532 = tpu.memref_slice %arg9[%gather3A_2529, %gather3A_2530, %gather3A_2531] : memref<2x128x64xf32, #tpu.memory_space<vmem>> -> memref<1x128x64xf32, #tpu.memory_space<vmem>>
      %gather3A_2533 = tpu.memref_squeeze %gather3A_2532 : memref<1x128x64xf32, #tpu.memory_space<vmem>> -> memref<128x64xf32, #tpu.memory_space<vmem>>
      %gather3A_2534 = tpu.vector_load_idx %gather3A_2533[%add3A_2528, %add3A_2435] : memref<128x64xf32, #tpu.memory_space<vmem>>[vector<16xi32>, vector<16xi32>], vector<16xf32>,
      %swap3A_2535 = arith.constant 1 : i32
      %swap3A_2536 = arith.index_cast %add3A_2426 : i32 to index
      %swap3A_2537 = arith.index_cast %select_n3A_2289 : i32 to index
      %swap3A_2538 = arith.index_cast %swap3A_2535 : i32 to index
      %swap3A_2539 = arith.constant 96 : index
      %swap3A_2540 = tpu.vector_load %arg10[%swap3A_2536, %swap3A_2537, %swap3A_2538, %swap3A_2539] {strides = array<i32>} : memref<8x4x8x128xf32, #tpu.memory_space<vmem>>, vector<16xf32>,
      tpu.vector_store %arg10[%swap3A_2536, %swap3A_2537, %swap3A_2538, %swap3A_2539], %gather3A_2534 {strides = array<i32>} : memref<8x4x8x128xf32, #tpu.memory_space<vmem>>, vector<16xf32>,
      %add3A_2541 = arith.constant 112 : i32
      %add3A_2542 = vector.broadcast %add3A_2541 : i32 to vector<16xi32>
      %add3A_2543 = arith.addi %add3A_2542, %iota3A : vector<16xi32>
      %gather3A_2544 = arith.constant 1 : i32
      %gather3A_2545 = arith.constant 0 : i32
      %gather3A_2546 = arith.constant 0 : i32
      %gather3A_2547 = tpu.memref_slice %arg9[%gather3A_2544, %gather3A_2545, %gather3A_2546] : memref<2x128x64xf32, #tpu.memory_space<vmem>> -> memref<1x128x64xf32, #tpu.memory_space<vmem>>
      %gather3A_2548 = tpu.memref_squeeze %gather3A_2547 : memref<1x128x64xf32, #tpu.memory_space<vmem>> -> memref<128x64xf32, #tpu.memory_space<vmem>>
      %gather3A_2549 = tpu.vector_load_idx %gather3A_2548[%add3A_2543, %add3A_2435] : memref<128x64xf32, #tpu.memory_space<vmem>>[vector<16xi32>, vector<16xi32>], vector<16xf32>,
      %swap3A_2550 = arith.constant 1 : i32
      %swap3A_2551 = arith.index_cast %add3A_2426 : i32 to index
      %swap3A_2552 = arith.index_cast %select_n3A_2289 : i32 to index
      %swap3A_2553 = arith.index_cast %swap3A_2550 : i32 to index
      %swap3A_2554 = arith.constant 112 : index
      %swap3A_2555 = tpu.vector_load %arg10[%swap3A_2551, %swap3A_2552, %swap3A_2553, %swap3A_2554] {strides = array<i32>} : memref<8x4x8x128xf32, #tpu.memory_space<vmem>>, vector<16xf32>,
      tpu.vector_store %arg10[%swap3A_2551, %swap3A_2552, %swap3A_2553, %swap3A_2554], %gather3A_2549 {strides = array<i32>} : memref<8x4x8x128xf32, #tpu.memory_space<vmem>>, vector<16xf32>,
      %mul3A_2556 = arith.constant 2 : i32
      %mul3A_2557 = arith.muli %mul3A_2556, %select_n3A_2273 : i32
      %add3A_2558 = arith.constant 0 : i32
      %add3A_2559 = arith.addi %mul3A_2557, %add3A_2558 : i32
      %mul3A_2560 = arith.constant 0 : i32
      %mul3A_2561 = vector.broadcast %mul3A_2560 : i32 to vector<16xi32>
      %mul3A_2562 = arith.muli %iota3A, %mul3A_2561 : vector<16xi32>
      %mul3A_2563 = arith.constant 16 : i32
      %mul3A_2564 = arith.muli %select_n3A_2273, %mul3A_2563 : i32
      %add3A_2565 = arith.constant 2 : i32
      %add3A_2566 = arith.addi %mul3A_2564, %add3A_2565 : i32
      %add3A_2567 = vector.broadcast %add3A_2566 : i32 to vector<16xi32>
      %add3A_2568 = arith.addi %mul3A_2562, %add3A_2567 : vector<16xi32>
      %add3A_2569 = arith.constant 0 : i32
      %add3A_2570 = vector.broadcast %add3A_2569 : i32 to vector<16xi32>
      %add3A_2571 = arith.addi %add3A_2570, %iota3A : vector<16xi32>
      %gather3A_2572 = arith.constant 1 : i32
      %gather3A_2573 = arith.constant 0 : i32
      %gather3A_2574 = arith.constant 0 : i32
      %gather3A_2575 = tpu.memref_slice %arg9[%gather3A_2572, %gather3A_2573, %gather3A_2574] : memref<2x128x64xf32, #tpu.memory_space<vmem>> -> memref<1x128x64xf32, #tpu.memory_space<vmem>>
      %gather3A_2576 = tpu.memref_squeeze %gather3A_2575 : memref<1x128x64xf32, #tpu.memory_space<vmem>> -> memref<128x64xf32, #tpu.memory_space<vmem>>
      %gather3A_2577 = tpu.vector_load_idx %gather3A_2576[%add3A_2571, %add3A_2568] : memref<128x64xf32, #tpu.memory_space<vmem>>[vector<16xi32>, vector<16xi32>], vector<16xf32>,
      %swap3A_2578 = arith.constant 2 : i32
      %swap3A_2579 = arith.index_cast %add3A_2559 : i32 to index
      %swap3A_2580 = arith.index_cast %select_n3A_2289 : i32 to index
      %swap3A_2581 = arith.index_cast %swap3A_2578 : i32 to index
      %swap3A_2582 = arith.constant 0 : index
      %swap3A_2583 = tpu.vector_load %arg10[%swap3A_2579, %swap3A_2580, %swap3A_2581, %swap3A_2582] {strides = array<i32>} : memref<8x4x8x128xf32, #tpu.memory_space<vmem>>, vector<16xf32>,
      tpu.vector_store %arg10[%swap3A_2579, %swap3A_2580, %swap3A_2581, %swap3A_2582], %gather3A_2577 {strides = array<i32>} : memref<8x4x8x128xf32, #tpu.memory_space<vmem>>, vector<16xf32>,
      %add3A_2584 = arith.constant 16 : i32
      %add3A_2585 = vector.broadcast %add3A_2584 : i32 to vector<16xi32>
      %add3A_2586 = arith.addi %add3A_2585, %iota3A : vector<16xi32>
      %gather3A_2587 = arith.constant 1 : i32
      %gather3A_2588 = arith.constant 0 : i32
      %gather3A_2589 = arith.constant 0 : i32
      %gather3A_2590 = tpu.memref_slice %arg9[%gather3A_2587, %gather3A_2588, %gather3A_2589] : memref<2x128x64xf32, #tpu.memory_space<vmem>> -> memref<1x128x64xf32, #tpu.memory_space<vmem>>
      %gather3A_2591 = tpu.memref_squeeze %gather3A_2590 : memref<1x128x64xf32, #tpu.memory_space<vmem>> -> memref<128x64xf32, #tpu.memory_space<vmem>>
      %gather3A_2592 = tpu.vector_load_idx %gather3A_2591[%add3A_2586, %add3A_2568] : memref<128x64xf32, #tpu.memory_space<vmem>>[vector<16xi32>, vector<16xi32>], vector<16xf32>,
      %swap3A_2593 = arith.constant 2 : i32
      %swap3A_2594 = arith.index_cast %add3A_2559 : i32 to index
      %swap3A_2595 = arith.index_cast %select_n3A_2289 : i32 to index
      %swap3A_2596 = arith.index_cast %swap3A_2593 : i32 to index
      %swap3A_2597 = arith.constant 16 : index
      %swap3A_2598 = tpu.vector_load %arg10[%swap3A_2594, %swap3A_2595, %swap3A_2596, %swap3A_2597] {strides = array<i32>} : memref<8x4x8x128xf32, #tpu.memory_space<vmem>>, vector<16xf32>,
      tpu.vector_store %arg10[%swap3A_2594, %swap3A_2595, %swap3A_2596, %swap3A_2597], %gather3A_2592 {strides = array<i32>} : memref<8x4x8x128xf32, #tpu.memory_space<vmem>>, vector<16xf32>,
      %add3A_2599 = arith.constant 32 : i32
      %add3A_2600 = vector.broadcast %add3A_2599 : i32 to vector<16xi32>
      %add3A_2601 = arith.addi %add3A_2600, %iota3A : vector<16xi32>
      %gather3A_2602 = arith.constant 1 : i32
      %gather3A_2603 = arith.constant 0 : i32
      %gather3A_2604 = arith.constant 0 : i32
      %gather3A_2605 = tpu.memref_slice %arg9[%gather3A_2602, %gather3A_2603, %gather3A_2604] : memref<2x128x64xf32, #tpu.memory_space<vmem>> -> memref<1x128x64xf32, #tpu.memory_space<vmem>>
      %gather3A_2606 = tpu.memref_squeeze %gather3A_2605 : memref<1x128x64xf32, #tpu.memory_space<vmem>> -> memref<128x64xf32, #tpu.memory_space<vmem>>
      %gather3A_2607 = tpu.vector_load_idx %gather3A_2606[%add3A_2601, %add3A_2568] : memref<128x64xf32, #tpu.memory_space<vmem>>[vector<16xi32>, vector<16xi32>], vector<16xf32>,
      %swap3A_2608 = arith.constant 2 : i32
      %swap3A_2609 = arith.index_cast %add3A_2559 : i32 to index
      %swap3A_2610 = arith.index_cast %select_n3A_2289 : i32 to index
      %swap3A_2611 = arith.index_cast %swap3A_2608 : i32 to index
      %swap3A_2612 = arith.constant 32 : index
      %swap3A_2613 = tpu.vector_load %arg10[%swap3A_2609, %swap3A_2610, %swap3A_2611, %swap3A_2612] {strides = array<i32>} : memref<8x4x8x128xf32, #tpu.memory_space<vmem>>, vector<16xf32>,
      tpu.vector_store %arg10[%swap3A_2609, %swap3A_2610, %swap3A_2611, %swap3A_2612], %gather3A_2607 {strides = array<i32>} : memref<8x4x8x128xf32, #tpu.memory_space<vmem>>, vector<16xf32>,
      %add3A_2614 = arith.constant 48 : i32
      %add3A_2615 = vector.broadcast %add3A_2614 : i32 to vector<16xi32>
      %add3A_2616 = arith.addi %add3A_2615, %iota3A : vector<16xi32>
      %gather3A_2617 = arith.constant 1 : i32
      %gather3A_2618 = arith.constant 0 : i32
      %gather3A_2619 = arith.constant 0 : i32
      %gather3A_2620 = tpu.memref_slice %arg9[%gather3A_2617, %gather3A_2618, %gather3A_2619] : memref<2x128x64xf32, #tpu.memory_space<vmem>> -> memref<1x128x64xf32, #tpu.memory_space<vmem>>
      %gather3A_2621 = tpu.memref_squeeze %gather3A_2620 : memref<1x128x64xf32, #tpu.memory_space<vmem>> -> memref<128x64xf32, #tpu.memory_space<vmem>>
      %gather3A_2622 = tpu.vector_load_idx %gather3A_2621[%add3A_2616, %add3A_2568] : memref<128x64xf32, #tpu.memory_space<vmem>>[vector<16xi32>, vector<16xi32>], vector<16xf32>,
      %swap3A_2623 = arith.constant 2 : i32
      %swap3A_2624 = arith.index_cast %add3A_2559 : i32 to index
      %swap3A_2625 = arith.index_cast %select_n3A_2289 : i32 to index
      %swap3A_2626 = arith.index_cast %swap3A_2623 : i32 to index
      %swap3A_2627 = arith.constant 48 : index
      %swap3A_2628 = tpu.vector_load %arg10[%swap3A_2624, %swap3A_2625, %swap3A_2626, %swap3A_2627] {strides = array<i32>} : memref<8x4x8x128xf32, #tpu.memory_space<vmem>>, vector<16xf32>,
      tpu.vector_store %arg10[%swap3A_2624, %swap3A_2625, %swap3A_2626, %swap3A_2627], %gather3A_2622 {strides = array<i32>} : memref<8x4x8x128xf32, #tpu.memory_space<vmem>>, vector<16xf32>,
      %add3A_2629 = arith.constant 64 : i32
      %add3A_2630 = vector.broadcast %add3A_2629 : i32 to vector<16xi32>
      %add3A_2631 = arith.addi %add3A_2630, %iota3A : vector<16xi32>
      %gather3A_2632 = arith.constant 1 : i32
      %gather3A_2633 = arith.constant 0 : i32
      %gather3A_2634 = arith.constant 0 : i32
      %gather3A_2635 = tpu.memref_slice %arg9[%gather3A_2632, %gather3A_2633, %gather3A_2634] : memref<2x128x64xf32, #tpu.memory_space<vmem>> -> memref<1x128x64xf32, #tpu.memory_space<vmem>>
      %gather3A_2636 = tpu.memref_squeeze %gather3A_2635 : memref<1x128x64xf32, #tpu.memory_space<vmem>> -> memref<128x64xf32, #tpu.memory_space<vmem>>
      %gather3A_2637 = tpu.vector_load_idx %gather3A_2636[%add3A_2631, %add3A_2568] : memref<128x64xf32, #tpu.memory_space<vmem>>[vector<16xi32>, vector<16xi32>], vector<16xf32>,
      %swap3A_2638 = arith.constant 2 : i32
      %swap3A_2639 = arith.index_cast %add3A_2559 : i32 to index
      %swap3A_2640 = arith.index_cast %select_n3A_2289 : i32 to index
      %swap3A_2641 = arith.index_cast %swap3A_2638 : i32 to index
      %swap3A_2642 = arith.constant 64 : index
      %swap3A_2643 = tpu.vector_load %arg10[%swap3A_2639, %swap3A_2640, %swap3A_2641, %swap3A_2642] {strides = array<i32>} : memref<8x4x8x128xf32, #tpu.memory_space<vmem>>, vector<16xf32>,
      tpu.vector_store %arg10[%swap3A_2639, %swap3A_2640, %swap3A_2641, %swap3A_2642], %gather3A_2637 {strides = array<i32>} : memref<8x4x8x128xf32, #tpu.memory_space<vmem>>, vector<16xf32>,
      %add3A_2644 = arith.constant 80 : i32
      %add3A_2645 = vector.broadcast %add3A_2644 : i32 to vector<16xi32>
      %add3A_2646 = arith.addi %add3A_2645, %iota3A : vector<16xi32>
      %gather3A_2647 = arith.constant 1 : i32
      %gather3A_2648 = arith.constant 0 : i32
      %gather3A_2649 = arith.constant 0 : i32
      %gather3A_2650 = tpu.memref_slice %arg9[%gather3A_2647, %gather3A_2648, %gather3A_2649] : memref<2x128x64xf32, #tpu.memory_space<vmem>> -> memref<1x128x64xf32, #tpu.memory_space<vmem>>
      %gather3A_2651 = tpu.memref_squeeze %gather3A_2650 : memref<1x128x64xf32, #tpu.memory_space<vmem>> -> memref<128x64xf32, #tpu.memory_space<vmem>>
      %gather3A_2652 = tpu.vector_load_idx %gather3A_2651[%add3A_2646, %add3A_2568] : memref<128x64xf32, #tpu.memory_space<vmem>>[vector<16xi32>, vector<16xi32>], vector<16xf32>,
      %swap3A_2653 = arith.constant 2 : i32
      %swap3A_2654 = arith.index_cast %add3A_2559 : i32 to index
      %swap3A_2655 = arith.index_cast %select_n3A_2289 : i32 to index
      %swap3A_2656 = arith.index_cast %swap3A_2653 : i32 to index
      %swap3A_2657 = arith.constant 80 : index
      %swap3A_2658 = tpu.vector_load %arg10[%swap3A_2654, %swap3A_2655, %swap3A_2656, %swap3A_2657] {strides = array<i32>} : memref<8x4x8x128xf32, #tpu.memory_space<vmem>>, vector<16xf32>,
      tpu.vector_store %arg10[%swap3A_2654, %swap3A_2655, %swap3A_2656, %swap3A_2657], %gather3A_2652 {strides = array<i32>} : memref<8x4x8x128xf32, #tpu.memory_space<vmem>>, vector<16xf32>,
      %add3A_2659 = arith.constant 96 : i32
      %add3A_2660 = vector.broadcast %add3A_2659 : i32 to vector<16xi32>
      %add3A_2661 = arith.addi %add3A_2660, %iota3A : vector<16xi32>
      %gather3A_2662 = arith.constant 1 : i32
      %gather3A_2663 = arith.constant 0 : i32
      %gather3A_2664 = arith.constant 0 : i32
      %gather3A_2665 = tpu.memref_slice %arg9[%gather3A_2662, %gather3A_2663, %gather3A_2664] : memref<2x128x64xf32, #tpu.memory_space<vmem>> -> memref<1x128x64xf32, #tpu.memory_space<vmem>>
      %gather3A_2666 = tpu.memref_squeeze %gather3A_2665 : memref<1x128x64xf32, #tpu.memory_space<vmem>> -> memref<128x64xf32, #tpu.memory_space<vmem>>
      %gather3A_2667 = tpu.vector_load_idx %gather3A_2666[%add3A_2661, %add3A_2568] : memref<128x64xf32, #tpu.memory_space<vmem>>[vector<16xi32>, vector<16xi32>], vector<16xf32>,
      %swap3A_2668 = arith.constant 2 : i32
      %swap3A_2669 = arith.index_cast %add3A_2559 : i32 to index
      %swap3A_2670 = arith.index_cast %select_n3A_2289 : i32 to index
      %swap3A_2671 = arith.index_cast %swap3A_2668 : i32 to index
      %swap3A_2672 = arith.constant 96 : index
      %swap3A_2673 = tpu.vector_load %arg10[%swap3A_2669, %swap3A_2670, %swap3A_2671, %swap3A_2672] {strides = array<i32>} : memref<8x4x8x128xf32, #tpu.memory_space<vmem>>, vector<16xf32>,
      tpu.vector_store %arg10[%swap3A_2669, %swap3A_2670, %swap3A_2671, %swap3A_2672], %gather3A_2667 {strides = array<i32>} : memref<8x4x8x128xf32, #tpu.memory_space<vmem>>, vector<16xf32>,
      %add3A_2674 = arith.constant 112 : i32
      %add3A_2675 = vector.broadcast %add3A_2674 : i32 to vector<16xi32>
      %add3A_2676 = arith.addi %add3A_2675, %iota3A : vector<16xi32>
      %gather3A_2677 = arith.constant 1 : i32
      %gather3A_2678 = arith.constant 0 : i32
      %gather3A_2679 = arith.constant 0 : i32
      %gather3A_2680 = tpu.memref_slice %arg9[%gather3A_2677, %gather3A_2678, %gather3A_2679] : memref<2x128x64xf32, #tpu.memory_space<vmem>> -> memref<1x128x64xf32, #tpu.memory_space<vmem>>
      %gather3A_2681 = tpu.memref_squeeze %gather3A_2680 : memref<1x128x64xf32, #tpu.memory_space<vmem>> -> memref<128x64xf32, #tpu.memory_space<vmem>>
      %gather3A_2682 = tpu.vector_load_idx %gather3A_2681[%add3A_2676, %add3A_2568] : memref<128x64xf32, #tpu.memory_space<vmem>>[vector<16xi32>, vector<16xi32>], vector<16xf32>,
      %swap3A_2683 = arith.constant 2 : i32
      %swap3A_2684 = arith.index_cast %add3A_2559 : i32 to index
      %swap3A_2685 = arith.index_cast %select_n3A_2289 : i32 to index
      %swap3A_2686 = arith.index_cast %swap3A_2683 : i32 to index
      %swap3A_2687 = arith.constant 112 : index
      %swap3A_2688 = tpu.vector_load %arg10[%swap3A_2684, %swap3A_2685, %swap3A_2686, %swap3A_2687] {strides = array<i32>} : memref<8x4x8x128xf32, #tpu.memory_space<vmem>>, vector<16xf32>,
      tpu.vector_store %arg10[%swap3A_2684, %swap3A_2685, %swap3A_2686, %swap3A_2687], %gather3A_2682 {strides = array<i32>} : memref<8x4x8x128xf32, #tpu.memory_space<vmem>>, vector<16xf32>,
      %mul3A_2689 = arith.constant 2 : i32
      %mul3A_2690 = arith.muli %mul3A_2689, %select_n3A_2273 : i32
      %add3A_2691 = arith.constant 0 : i32
      %add3A_2692 = arith.addi %mul3A_2690, %add3A_2691 : i32
      %mul3A_2693 = arith.constant 0 : i32
      %mul3A_2694 = vector.broadcast %mul3A_2693 : i32 to vector<16xi32>
      %mul3A_2695 = arith.muli %iota3A, %mul3A_2694 : vector<16xi32>
      %mul3A_2696 = arith.constant 16 : i32
      %mul3A_2697 = arith.muli %select_n3A_2273, %mul3A_2696 : i32
      %add3A_2698 = arith.constant 3 : i32
      %add3A_2699 = arith.addi %mul3A_2697, %add3A_2698 : i32
      %add3A_2700 = vector.broadcast %add3A_2699 : i32 to vector<16xi32>
      %add3A_2701 = arith.addi %mul3A_2695, %add3A_2700 : vector<16xi32>
      %add3A_2702 = arith.constant 0 : i32
      %add3A_2703 = vector.broadcast %add3A_2702 : i32 to vector<16xi32>
      %add3A_2704 = arith.addi %add3A_2703, %iota3A : vector<16xi32>
      %gather3A_2705 = arith.constant 1 : i32
      %gather3A_2706 = arith.constant 0 : i32
      %gather3A_2707 = arith.constant 0 : i32
      %gather3A_2708 = tpu.memref_slice %arg9[%gather3A_2705, %gather3A_2706, %gather3A_2707] : memref<2x128x64xf32, #tpu.memory_space<vmem>> -> memref<1x128x64xf32, #tpu.memory_space<vmem>>
      %gather3A_2709 = tpu.memref_squeeze %gather3A_2708 : memref<1x128x64xf32, #tpu.memory_space<vmem>> -> memref<128x64xf32, #tpu.memory_space<vmem>>
      %gather3A_2710 = tpu.vector_load_idx %gather3A_2709[%add3A_2704, %add3A_2701] : memref<128x64xf32, #tpu.memory_space<vmem>>[vector<16xi32>, vector<16xi32>], vector<16xf32>,
      %swap3A_2711 = arith.constant 3 : i32
      %swap3A_2712 = arith.index_cast %add3A_2692 : i32 to index
      %swap3A_2713 = arith.index_cast %select_n3A_2289 : i32 to index
      %swap3A_2714 = arith.index_cast %swap3A_2711 : i32 to index
      %swap3A_2715 = arith.constant 0 : index
      %swap3A_2716 = tpu.vector_load %arg10[%swap3A_2712, %swap3A_2713, %swap3A_2714, %swap3A_2715] {strides = array<i32>} : memref<8x4x8x128xf32, #tpu.memory_space<vmem>>, vector<16xf32>,
      tpu.vector_store %arg10[%swap3A_2712, %swap3A_2713, %swap3A_2714, %swap3A_2715], %gather3A_2710 {strides = array<i32>} : memref<8x4x8x128xf32, #tpu.memory_space<vmem>>, vector<16xf32>,
      %add3A_2717 = arith.constant 16 : i32
      %add3A_2718 = vector.broadcast %add3A_2717 : i32 to vector<16xi32>
      %add3A_2719 = arith.addi %add3A_2718, %iota3A : vector<16xi32>
      %gather3A_2720 = arith.constant 1 : i32
      %gather3A_2721 = arith.constant 0 : i32
      %gather3A_2722 = arith.constant 0 : i32
      %gather3A_2723 = tpu.memref_slice %arg9[%gather3A_2720, %gather3A_2721, %gather3A_2722] : memref<2x128x64xf32, #tpu.memory_space<vmem>> -> memref<1x128x64xf32, #tpu.memory_space<vmem>>
      %gather3A_2724 = tpu.memref_squeeze %gather3A_2723 : memref<1x128x64xf32, #tpu.memory_space<vmem>> -> memref<128x64xf32, #tpu.memory_space<vmem>>
      %gather3A_2725 = tpu.vector_load_idx %gather3A_2724[%add3A_2719, %add3A_2701] : memref<128x64xf32, #tpu.memory_space<vmem>>[vector<16xi32>, vector<16xi32>], vector<16xf32>,
      %swap3A_2726 = arith.constant 3 : i32
      %swap3A_2727 = arith.index_cast %add3A_2692 : i32 to index
      %swap3A_2728 = arith.index_cast %select_n3A_2289 : i32 to index
      %swap3A_2729 = arith.index_cast %swap3A_2726 : i32 to index
      %swap3A_2730 = arith.constant 16 : index
      %swap3A_2731 = tpu.vector_load %arg10[%swap3A_2727, %swap3A_2728, %swap3A_2729, %swap3A_2730] {strides = array<i32>} : memref<8x4x8x128xf32, #tpu.memory_space<vmem>>, vector<16xf32>,
      tpu.vector_store %arg10[%swap3A_2727, %swap3A_2728, %swap3A_2729, %swap3A_2730], %gather3A_2725 {strides = array<i32>} : memref<8x4x8x128xf32, #tpu.memory_space<vmem>>, vector<16xf32>,
      %add3A_2732 = arith.constant 32 : i32
      %add3A_2733 = vector.broadcast %add3A_2732 : i32 to vector<16xi32>
      %add3A_2734 = arith.addi %add3A_2733, %iota3A : vector<16xi32>
      %gather3A_2735 = arith.constant 1 : i32
      %gather3A_2736 = arith.constant 0 : i32
      %gather3A_2737 = arith.constant 0 : i32
      %gather3A_2738 = tpu.memref_slice %arg9[%gather3A_2735, %gather3A_2736, %gather3A_2737] : memref<2x128x64xf32, #tpu.memory_space<vmem>> -> memref<1x128x64xf32, #tpu.memory_space<vmem>>
      %gather3A_2739 = tpu.memref_squeeze %gather3A_2738 : memref<1x128x64xf32, #tpu.memory_space<vmem>> -> memref<128x64xf32, #tpu.memory_space<vmem>>
      %gather3A_2740 = tpu.vector_load_idx %gather3A_2739[%add3A_2734, %add3A_2701] : memref<128x64xf32, #tpu.memory_space<vmem>>[vector<16xi32>, vector<16xi32>], vector<16xf32>,
      %swap3A_2741 = arith.constant 3 : i32
      %swap3A_2742 = arith.index_cast %add3A_2692 : i32 to index
      %swap3A_2743 = arith.index_cast %select_n3A_2289 : i32 to index
      %swap3A_2744 = arith.index_cast %swap3A_2741 : i32 to index
      %swap3A_2745 = arith.constant 32 : index
      %swap3A_2746 = tpu.vector_load %arg10[%swap3A_2742, %swap3A_2743, %swap3A_2744, %swap3A_2745] {strides = array<i32>} : memref<8x4x8x128xf32, #tpu.memory_space<vmem>>, vector<16xf32>,
      tpu.vector_store %arg10[%swap3A_2742, %swap3A_2743, %swap3A_2744, %swap3A_2745], %gather3A_2740 {strides = array<i32>} : memref<8x4x8x128xf32, #tpu.memory_space<vmem>>, vector<16xf32>,
      %add3A_2747 = arith.constant 48 : i32
      %add3A_2748 = vector.broadcast %add3A_2747 : i32 to vector<16xi32>
      %add3A_2749 = arith.addi %add3A_2748, %iota3A : vector<16xi32>
      %gather3A_2750 = arith.constant 1 : i32
      %gather3A_2751 = arith.constant 0 : i32
      %gather3A_2752 = arith.constant 0 : i32
      %gather3A_2753 = tpu.memref_slice %arg9[%gather3A_2750, %gather3A_2751, %gather3A_2752] : memref<2x128x64xf32, #tpu.memory_space<vmem>> -> memref<1x128x64xf32, #tpu.memory_space<vmem>>
      %gather3A_2754 = tpu.memref_squeeze %gather3A_2753 : memref<1x128x64xf32, #tpu.memory_space<vmem>> -> memref<128x64xf32, #tpu.memory_space<vmem>>
      %gather3A_2755 = tpu.vector_load_idx %gather3A_2754[%add3A_2749, %add3A_2701] : memref<128x64xf32, #tpu.memory_space<vmem>>[vector<16xi32>, vector<16xi32>], vector<16xf32>,
      %swap3A_2756 = arith.constant 3 : i32
      %swap3A_2757 = arith.index_cast %add3A_2692 : i32 to index
      %swap3A_2758 = arith.index_cast %select_n3A_2289 : i32 to index
      %swap3A_2759 = arith.index_cast %swap3A_2756 : i32 to index
      %swap3A_2760 = arith.constant 48 : index
      %swap3A_2761 = tpu.vector_load %arg10[%swap3A_2757, %swap3A_2758, %swap3A_2759, %swap3A_2760] {strides = array<i32>} : memref<8x4x8x128xf32, #tpu.memory_space<vmem>>, vector<16xf32>,
      tpu.vector_store %arg10[%swap3A_2757, %swap3A_2758, %swap3A_2759, %swap3A_2760], %gather3A_2755 {strides = array<i32>} : memref<8x4x8x128xf32, #tpu.memory_space<vmem>>, vector<16xf32>,
      %add3A_2762 = arith.constant 64 : i32
      %add3A_2763 = vector.broadcast %add3A_2762 : i32 to vector<16xi32>
      %add3A_2764 = arith.addi %add3A_2763, %iota3A : vector<16xi32>
      %gather3A_2765 = arith.constant 1 : i32
      %gather3A_2766 = arith.constant 0 : i32
      %gather3A_2767 = arith.constant 0 : i32
      %gather3A_2768 = tpu.memref_slice %arg9[%gather3A_2765, %gather3A_2766, %gather3A_2767] : memref<2x128x64xf32, #tpu.memory_space<vmem>> -> memref<1x128x64xf32, #tpu.memory_space<vmem>>
      %gather3A_2769 = tpu.memref_squeeze %gather3A_2768 : memref<1x128x64xf32, #tpu.memory_space<vmem>> -> memref<128x64xf32, #tpu.memory_space<vmem>>
      %gather3A_2770 = tpu.vector_load_idx %gather3A_2769[%add3A_2764, %add3A_2701] : memref<128x64xf32, #tpu.memory_space<vmem>>[vector<16xi32>, vector<16xi32>], vector<16xf32>,
      %swap3A_2771 = arith.constant 3 : i32
      %swap3A_2772 = arith.index_cast %add3A_2692 : i32 to index
      %swap3A_2773 = arith.index_cast %select_n3A_2289 : i32 to index
      %swap3A_2774 = arith.index_cast %swap3A_2771 : i32 to index
      %swap3A_2775 = arith.constant 64 : index
      %swap3A_2776 = tpu.vector_load %arg10[%swap3A_2772, %swap3A_2773, %swap3A_2774, %swap3A_2775] {strides = array<i32>} : memref<8x4x8x128xf32, #tpu.memory_space<vmem>>, vector<16xf32>,
      tpu.vector_store %arg10[%swap3A_2772, %swap3A_2773, %swap3A_2774, %swap3A_2775], %gather3A_2770 {strides = array<i32>} : memref<8x4x8x128xf32, #tpu.memory_space<vmem>>, vector<16xf32>,
      %add3A_2777 = arith.constant 80 : i32
      %add3A_2778 = vector.broadcast %add3A_2777 : i32 to vector<16xi32>
      %add3A_2779 = arith.addi %add3A_2778, %iota3A : vector<16xi32>
      %gather3A_2780 = arith.constant 1 : i32
      %gather3A_2781 = arith.constant 0 : i32
      %gather3A_2782 = arith.constant 0 : i32
      %gather3A_2783 = tpu.memref_slice %arg9[%gather3A_2780, %gather3A_2781, %gather3A_2782] : memref<2x128x64xf32, #tpu.memory_space<vmem>> -> memref<1x128x64xf32, #tpu.memory_space<vmem>>
      %gather3A_2784 = tpu.memref_squeeze %gather3A_2783 : memref<1x128x64xf32, #tpu.memory_space<vmem>> -> memref<128x64xf32, #tpu.memory_space<vmem>>
      %gather3A_2785 = tpu.vector_load_idx %gather3A_2784[%add3A_2779, %add3A_2701] : memref<128x64xf32, #tpu.memory_space<vmem>>[vector<16xi32>, vector<16xi32>], vector<16xf32>,
      %swap3A_2786 = arith.constant 3 : i32
      %swap3A_2787 = arith.index_cast %add3A_2692 : i32 to index
      %swap3A_2788 = arith.index_cast %select_n3A_2289 : i32 to index
      %swap3A_2789 = arith.index_cast %swap3A_2786 : i32 to index
      %swap3A_2790 = arith.constant 80 : index
      %swap3A_2791 = tpu.vector_load %arg10[%swap3A_2787, %swap3A_2788, %swap3A_2789, %swap3A_2790] {strides = array<i32>} : memref<8x4x8x128xf32, #tpu.memory_space<vmem>>, vector<16xf32>,
      tpu.vector_store %arg10[%swap3A_2787, %swap3A_2788, %swap3A_2789, %swap3A_2790], %gather3A_2785 {strides = array<i32>} : memref<8x4x8x128xf32, #tpu.memory_space<vmem>>, vector<16xf32>,
      %add3A_2792 = arith.constant 96 : i32
      %add3A_2793 = vector.broadcast %add3A_2792 : i32 to vector<16xi32>
      %add3A_2794 = arith.addi %add3A_2793, %iota3A : vector<16xi32>
      %gather3A_2795 = arith.constant 1 : i32
      %gather3A_2796 = arith.constant 0 : i32
      %gather3A_2797 = arith.constant 0 : i32
      %gather3A_2798 = tpu.memref_slice %arg9[%gather3A_2795, %gather3A_2796, %gather3A_2797] : memref<2x128x64xf32, #tpu.memory_space<vmem>> -> memref<1x128x64xf32, #tpu.memory_space<vmem>>
      %gather3A_2799 = tpu.memref_squeeze %gather3A_2798 : memref<1x128x64xf32, #tpu.memory_space<vmem>> -> memref<128x64xf32, #tpu.memory_space<vmem>>
      %gather3A_2800 = tpu.vector_load_idx %gather3A_2799[%add3A_2794, %add3A_2701] : memref<128x64xf32, #tpu.memory_space<vmem>>[vector<16xi32>, vector<16xi32>], vector<16xf32>,
      %swap3A_2801 = arith.constant 3 : i32
      %swap3A_2802 = arith.index_cast %add3A_2692 : i32 to index
      %swap3A_2803 = arith.index_cast %select_n3A_2289 : i32 to index
      %swap3A_2804 = arith.index_cast %swap3A_2801 : i32 to index
      %swap3A_2805 = arith.constant 96 : index
      %swap3A_2806 = tpu.vector_load %arg10[%swap3A_2802, %swap3A_2803, %swap3A_2804, %swap3A_2805] {strides = array<i32>} : memref<8x4x8x128xf32, #tpu.memory_space<vmem>>, vector<16xf32>,
      tpu.vector_store %arg10[%swap3A_2802, %swap3A_2803, %swap3A_2804, %swap3A_2805], %gather3A_2800 {strides = array<i32>} : memref<8x4x8x128xf32, #tpu.memory_space<vmem>>, vector<16xf32>,
      %add3A_2807 = arith.constant 112 : i32
      %add3A_2808 = vector.broadcast %add3A_2807 : i32 to vector<16xi32>
      %add3A_2809 = arith.addi %add3A_2808, %iota3A : vector<16xi32>
      %gather3A_2810 = arith.constant 1 : i32
      %gather3A_2811 = arith.constant 0 : i32
      %gather3A_2812 = arith.constant 0 : i32
      %gather3A_2813 = tpu.memref_slice %arg9[%gather3A_2810, %gather3A_2811, %gather3A_2812] : memref<2x128x64xf32, #tpu.memory_space<vmem>> -> memref<1x128x64xf32, #tpu.memory_space<vmem>>
      %gather3A_2814 = tpu.memref_squeeze %gather3A_2813 : memref<1x128x64xf32, #tpu.memory_space<vmem>> -> memref<128x64xf32, #tpu.memory_space<vmem>>
      %gather3A_2815 = tpu.vector_load_idx %gather3A_2814[%add3A_2809, %add3A_2701] : memref<128x64xf32, #tpu.memory_space<vmem>>[vector<16xi32>, vector<16xi32>], vector<16xf32>,
      %swap3A_2816 = arith.constant 3 : i32
      %swap3A_2817 = arith.index_cast %add3A_2692 : i32 to index
      %swap3A_2818 = arith.index_cast %select_n3A_2289 : i32 to index
      %swap3A_2819 = arith.index_cast %swap3A_2816 : i32 to index
      %swap3A_2820 = arith.constant 112 : index
      %swap3A_2821 = tpu.vector_load %arg10[%swap3A_2817, %swap3A_2818, %swap3A_2819, %swap3A_2820] {strides = array<i32>} : memref<8x4x8x128xf32, #tpu.memory_space<vmem>>, vector<16xf32>,
      tpu.vector_store %arg10[%swap3A_2817, %swap3A_2818, %swap3A_2819, %swap3A_2820], %gather3A_2815 {strides = array<i32>} : memref<8x4x8x128xf32, #tpu.memory_space<vmem>>, vector<16xf32>,
      %mul3A_2822 = arith.constant 2 : i32
      %mul3A_2823 = arith.muli %mul3A_2822, %select_n3A_2273 : i32
      %add3A_2824 = arith.constant 0 : i32
      %add3A_2825 = arith.addi %mul3A_2823, %add3A_2824 : i32
      %mul3A_2826 = arith.constant 0 : i32
      %mul3A_2827 = vector.broadcast %mul3A_2826 : i32 to vector<16xi32>
      %mul3A_2828 = arith.muli %iota3A, %mul3A_2827 : vector<16xi32>
      %mul3A_2829 = arith.constant 16 : i32
      %mul3A_2830 = arith.muli %select_n3A_2273, %mul3A_2829 : i32
      %add3A_2831 = arith.constant 4 : i32
      %add3A_2832 = arith.addi %mul3A_2830, %add3A_2831 : i32
      %add3A_2833 = vector.broadcast %add3A_2832 : i32 to vector<16xi32>
      %add3A_2834 = arith.addi %mul3A_2828, %add3A_2833 : vector<16xi32>
      %add3A_2835 = arith.constant 0 : i32
      %add3A_2836 = vector.broadcast %add3A_2835 : i32 to vector<16xi32>
      %add3A_2837 = arith.addi %add3A_2836, %iota3A : vector<16xi32>
      %gather3A_2838 = arith.constant 1 : i32
      %gather3A_2839 = arith.constant 0 : i32
      %gather3A_2840 = arith.constant 0 : i32
      %gather3A_2841 = tpu.memref_slice %arg9[%gather3A_2838, %gather3A_2839, %gather3A_2840] : memref<2x128x64xf32, #tpu.memory_space<vmem>> -> memref<1x128x64xf32, #tpu.memory_space<vmem>>
      %gather3A_2842 = tpu.memref_squeeze %gather3A_2841 : memref<1x128x64xf32, #tpu.memory_space<vmem>> -> memref<128x64xf32, #tpu.memory_space<vmem>>
      %gather3A_2843 = tpu.vector_load_idx %gather3A_2842[%add3A_2837, %add3A_2834] : memref<128x64xf32, #tpu.memory_space<vmem>>[vector<16xi32>, vector<16xi32>], vector<16xf32>,
      %swap3A_2844 = arith.constant 4 : i32
      %swap3A_2845 = arith.index_cast %add3A_2825 : i32 to index
      %swap3A_2846 = arith.index_cast %select_n3A_2289 : i32 to index
      %swap3A_2847 = arith.index_cast %swap3A_2844 : i32 to index
      %swap3A_2848 = arith.constant 0 : index
      %swap3A_2849 = tpu.vector_load %arg10[%swap3A_2845, %swap3A_2846, %swap3A_2847, %swap3A_2848] {strides = array<i32>} : memref<8x4x8x128xf32, #tpu.memory_space<vmem>>, vector<16xf32>,
      tpu.vector_store %arg10[%swap3A_2845, %swap3A_2846, %swap3A_2847, %swap3A_2848], %gather3A_2843 {strides = array<i32>} : memref<8x4x8x128xf32, #tpu.memory_space<vmem>>, vector<16xf32>,
      %add3A_2850 = arith.constant 16 : i32
      %add3A_2851 = vector.broadcast %add3A_2850 : i32 to vector<16xi32>
      %add3A_2852 = arith.addi %add3A_2851, %iota3A : vector<16xi32>
      %gather3A_2853 = arith.constant 1 : i32
      %gather3A_2854 = arith.constant 0 : i32
      %gather3A_2855 = arith.constant 0 : i32
      %gather3A_2856 = tpu.memref_slice %arg9[%gather3A_2853, %gather3A_2854, %gather3A_2855] : memref<2x128x64xf32, #tpu.memory_space<vmem>> -> memref<1x128x64xf32, #tpu.memory_space<vmem>>
      %gather3A_2857 = tpu.memref_squeeze %gather3A_2856 : memref<1x128x64xf32, #tpu.memory_space<vmem>> -> memref<128x64xf32, #tpu.memory_space<vmem>>
      %gather3A_2858 = tpu.vector_load_idx %gather3A_2857[%add3A_2852, %add3A_2834] : memref<128x64xf32, #tpu.memory_space<vmem>>[vector<16xi32>, vector<16xi32>], vector<16xf32>,
      %swap3A_2859 = arith.constant 4 : i32
      %swap3A_2860 = arith.index_cast %add3A_2825 : i32 to index
      %swap3A_2861 = arith.index_cast %select_n3A_2289 : i32 to index
      %swap3A_2862 = arith.index_cast %swap3A_2859 : i32 to index
      %swap3A_2863 = arith.constant 16 : index
      %swap3A_2864 = tpu.vector_load %arg10[%swap3A_2860, %swap3A_2861, %swap3A_2862, %swap3A_2863] {strides = array<i32>} : memref<8x4x8x128xf32, #tpu.memory_space<vmem>>, vector<16xf32>,
      tpu.vector_store %arg10[%swap3A_2860, %swap3A_2861, %swap3A_2862, %swap3A_2863], %gather3A_2858 {strides = array<i32>} : memref<8x4x8x128xf32, #tpu.memory_space<vmem>>, vector<16xf32>,
      %add3A_2865 = arith.constant 32 : i32
      %add3A_2866 = vector.broadcast %add3A_2865 : i32 to vector<16xi32>
      %add3A_2867 = arith.addi %add3A_2866, %iota3A : vector<16xi32>
      %gather3A_2868 = arith.constant 1 : i32
      %gather3A_2869 = arith.constant 0 : i32
      %gather3A_2870 = arith.constant 0 : i32
      %gather3A_2871 = tpu.memref_slice %arg9[%gather3A_2868, %gather3A_2869, %gather3A_2870] : memref<2x128x64xf32, #tpu.memory_space<vmem>> -> memref<1x128x64xf32, #tpu.memory_space<vmem>>
      %gather3A_2872 = tpu.memref_squeeze %gather3A_2871 : memref<1x128x64xf32, #tpu.memory_space<vmem>> -> memref<128x64xf32, #tpu.memory_space<vmem>>
      %gather3A_2873 = tpu.vector_load_idx %gather3A_2872[%add3A_2867, %add3A_2834] : memref<128x64xf32, #tpu.memory_space<vmem>>[vector<16xi32>, vector<16xi32>], vector<16xf32>,
      %swap3A_2874 = arith.constant 4 : i32
      %swap3A_2875 = arith.index_cast %add3A_2825 : i32 to index
      %swap3A_2876 = arith.index_cast %select_n3A_2289 : i32 to index
      %swap3A_2877 = arith.index_cast %swap3A_2874 : i32 to index
      %swap3A_2878 = arith.constant 32 : index
      %swap3A_2879 = tpu.vector_load %arg10[%swap3A_2875, %swap3A_2876, %swap3A_2877, %swap3A_2878] {strides = array<i32>} : memref<8x4x8x128xf32, #tpu.memory_space<vmem>>, vector<16xf32>,
      tpu.vector_store %arg10[%swap3A_2875, %swap3A_2876, %swap3A_2877, %swap3A_2878], %gather3A_2873 {strides = array<i32>} : memref<8x4x8x128xf32, #tpu.memory_space<vmem>>, vector<16xf32>,
      %add3A_2880 = arith.constant 48 : i32
      %add3A_2881 = vector.broadcast %add3A_2880 : i32 to vector<16xi32>
      %add3A_2882 = arith.addi %add3A_2881, %iota3A : vector<16xi32>
      %gather3A_2883 = arith.constant 1 : i32
      %gather3A_2884 = arith.constant 0 : i32
      %gather3A_2885 = arith.constant 0 : i32
      %gather3A_2886 = tpu.memref_slice %arg9[%gather3A_2883, %gather3A_2884, %gather3A_2885] : memref<2x128x64xf32, #tpu.memory_space<vmem>> -> memref<1x128x64xf32, #tpu.memory_space<vmem>>
      %gather3A_2887 = tpu.memref_squeeze %gather3A_2886 : memref<1x128x64xf32, #tpu.memory_space<vmem>> -> memref<128x64xf32, #tpu.memory_space<vmem>>
      %gather3A_2888 = tpu.vector_load_idx %gather3A_2887[%add3A_2882, %add3A_2834] : memref<128x64xf32, #tpu.memory_space<vmem>>[vector<16xi32>, vector<16xi32>], vector<16xf32>,
      %swap3A_2889 = arith.constant 4 : i32
      %swap3A_2890 = arith.index_cast %add3A_2825 : i32 to index
      %swap3A_2891 = arith.index_cast %select_n3A_2289 : i32 to index
      %swap3A_2892 = arith.index_cast %swap3A_2889 : i32 to index
      %swap3A_2893 = arith.constant 48 : index
      %swap3A_2894 = tpu.vector_load %arg10[%swap3A_2890, %swap3A_2891, %swap3A_2892, %swap3A_2893] {strides = array<i32>} : memref<8x4x8x128xf32, #tpu.memory_space<vmem>>, vector<16xf32>,
      tpu.vector_store %arg10[%swap3A_2890, %swap3A_2891, %swap3A_2892, %swap3A_2893], %gather3A_2888 {strides = array<i32>} : memref<8x4x8x128xf32, #tpu.memory_space<vmem>>, vector<16xf32>,
      %add3A_2895 = arith.constant 64 : i32
      %add3A_2896 = vector.broadcast %add3A_2895 : i32 to vector<16xi32>
      %add3A_2897 = arith.addi %add3A_2896, %iota3A : vector<16xi32>
      %gather3A_2898 = arith.constant 1 : i32
      %gather3A_2899 = arith.constant 0 : i32
      %gather3A_2900 = arith.constant 0 : i32
      %gather3A_2901 = tpu.memref_slice %arg9[%gather3A_2898, %gather3A_2899, %gather3A_2900] : memref<2x128x64xf32, #tpu.memory_space<vmem>> -> memref<1x128x64xf32, #tpu.memory_space<vmem>>
      %gather3A_2902 = tpu.memref_squeeze %gather3A_2901 : memref<1x128x64xf32, #tpu.memory_space<vmem>> -> memref<128x64xf32, #tpu.memory_space<vmem>>
      %gather3A_2903 = tpu.vector_load_idx %gather3A_2902[%add3A_2897, %add3A_2834] : memref<128x64xf32, #tpu.memory_space<vmem>>[vector<16xi32>, vector<16xi32>], vector<16xf32>,
      %swap3A_2904 = arith.constant 4 : i32
      %swap3A_2905 = arith.index_cast %add3A_2825 : i32 to index
      %swap3A_2906 = arith.index_cast %select_n3A_2289 : i32 to index
      %swap3A_2907 = arith.index_cast %swap3A_2904 : i32 to index
      %swap3A_2908 = arith.constant 64 : index
      %swap3A_2909 = tpu.vector_load %arg10[%swap3A_2905, %swap3A_2906, %swap3A_2907, %swap3A_2908] {strides = array<i32>} : memref<8x4x8x128xf32, #tpu.memory_space<vmem>>, vector<16xf32>,
      tpu.vector_store %arg10[%swap3A_2905, %swap3A_2906, %swap3A_2907, %swap3A_2908], %gather3A_2903 {strides = array<i32>} : memref<8x4x8x128xf32, #tpu.memory_space<vmem>>, vector<16xf32>,
      %add3A_2910 = arith.constant 80 : i32
      %add3A_2911 = vector.broadcast %add3A_2910 : i32 to vector<16xi32>
      %add3A_2912 = arith.addi %add3A_2911, %iota3A : vector<16xi32>
      %gather3A_2913 = arith.constant 1 : i32
      %gather3A_2914 = arith.constant 0 : i32
      %gather3A_2915 = arith.constant 0 : i32
      %gather3A_2916 = tpu.memref_slice %arg9[%gather3A_2913, %gather3A_2914, %gather3A_2915] : memref<2x128x64xf32, #tpu.memory_space<vmem>> -> memref<1x128x64xf32, #tpu.memory_space<vmem>>
      %gather3A_2917 = tpu.memref_squeeze %gather3A_2916 : memref<1x128x64xf32, #tpu.memory_space<vmem>> -> memref<128x64xf32, #tpu.memory_space<vmem>>
      %gather3A_2918 = tpu.vector_load_idx %gather3A_2917[%add3A_2912, %add3A_2834] : memref<128x64xf32, #tpu.memory_space<vmem>>[vector<16xi32>, vector<16xi32>], vector<16xf32>,
      %swap3A_2919 = arith.constant 4 : i32
      %swap3A_2920 = arith.index_cast %add3A_2825 : i32 to index
      %swap3A_2921 = arith.index_cast %select_n3A_2289 : i32 to index
      %swap3A_2922 = arith.index_cast %swap3A_2919 : i32 to index
      %swap3A_2923 = arith.constant 80 : index
      %swap3A_2924 = tpu.vector_load %arg10[%swap3A_2920, %swap3A_2921, %swap3A_2922, %swap3A_2923] {strides = array<i32>} : memref<8x4x8x128xf32, #tpu.memory_space<vmem>>, vector<16xf32>,
      tpu.vector_store %arg10[%swap3A_2920, %swap3A_2921, %swap3A_2922, %swap3A_2923], %gather3A_2918 {strides = array<i32>} : memref<8x4x8x128xf32, #tpu.memory_space<vmem>>, vector<16xf32>,
      %add3A_2925 = arith.constant 96 : i32
      %add3A_2926 = vector.broadcast %add3A_2925 : i32 to vector<16xi32>
      %add3A_2927 = arith.addi %add3A_2926, %iota3A : vector<16xi32>
      %gather3A_2928 = arith.constant 1 : i32
      %gather3A_2929 = arith.constant 0 : i32
      %gather3A_2930 = arith.constant 0 : i32
      %gather3A_2931 = tpu.memref_slice %arg9[%gather3A_2928, %gather3A_2929, %gather3A_2930] : memref<2x128x64xf32, #tpu.memory_space<vmem>> -> memref<1x128x64xf32, #tpu.memory_space<vmem>>
      %gather3A_2932 = tpu.memref_squeeze %gather3A_2931 : memref<1x128x64xf32, #tpu.memory_space<vmem>> -> memref<128x64xf32, #tpu.memory_space<vmem>>
      %gather3A_2933 = tpu.vector_load_idx %gather3A_2932[%add3A_2927, %add3A_2834] : memref<128x64xf32, #tpu.memory_space<vmem>>[vector<16xi32>, vector<16xi32>], vector<16xf32>,
      %swap3A_2934 = arith.constant 4 : i32
      %swap3A_2935 = arith.index_cast %add3A_2825 : i32 to index
      %swap3A_2936 = arith.index_cast %select_n3A_2289 : i32 to index
      %swap3A_2937 = arith.index_cast %swap3A_2934 : i32 to index
      %swap3A_2938 = arith.constant 96 : index
      %swap3A_2939 = tpu.vector_load %arg10[%swap3A_2935, %swap3A_2936, %swap3A_2937, %swap3A_2938] {strides = array<i32>} : memref<8x4x8x128xf32, #tpu.memory_space<vmem>>, vector<16xf32>,
      tpu.vector_store %arg10[%swap3A_2935, %swap3A_2936, %swap3A_2937, %swap3A_2938], %gather3A_2933 {strides = array<i32>} : memref<8x4x8x128xf32, #tpu.memory_space<vmem>>, vector<16xf32>,
      %add3A_2940 = arith.constant 112 : i32
      %add3A_2941 = vector.broadcast %add3A_2940 : i32 to vector<16xi32>
      %add3A_2942 = arith.addi %add3A_2941, %iota3A : vector<16xi32>
      %gather3A_2943 = arith.constant 1 : i32
      %gather3A_2944 = arith.constant 0 : i32
      %gather3A_2945 = arith.constant 0 : i32
      %gather3A_2946 = tpu.memref_slice %arg9[%gather3A_2943, %gather3A_2944, %gather3A_2945] : memref<2x128x64xf32, #tpu.memory_space<vmem>> -> memref<1x128x64xf32, #tpu.memory_space<vmem>>
      %gather3A_2947 = tpu.memref_squeeze %gather3A_2946 : memref<1x128x64xf32, #tpu.memory_space<vmem>> -> memref<128x64xf32, #tpu.memory_space<vmem>>
      %gather3A_2948 = tpu.vector_load_idx %gather3A_2947[%add3A_2942, %add3A_2834] : memref<128x64xf32, #tpu.memory_space<vmem>>[vector<16xi32>, vector<16xi32>], vector<16xf32>,
      %swap3A_2949 = arith.constant 4 : i32
      %swap3A_2950 = arith.index_cast %add3A_2825 : i32 to index
      %swap3A_2951 = arith.index_cast %select_n3A_2289 : i32 to index
      %swap3A_2952 = arith.index_cast %swap3A_2949 : i32 to index
      %swap3A_2953 = arith.constant 112 : index
      %swap3A_2954 = tpu.vector_load %arg10[%swap3A_2950, %swap3A_2951, %swap3A_2952, %swap3A_2953] {strides = array<i32>} : memref<8x4x8x128xf32, #tpu.memory_space<vmem>>, vector<16xf32>,
      tpu.vector_store %arg10[%swap3A_2950, %swap3A_2951, %swap3A_2952, %swap3A_2953], %gather3A_2948 {strides = array<i32>} : memref<8x4x8x128xf32, #tpu.memory_space<vmem>>, vector<16xf32>,
      %mul3A_2955 = arith.constant 2 : i32
      %mul3A_2956 = arith.muli %mul3A_2955, %select_n3A_2273 : i32
      %add3A_2957 = arith.constant 0 : i32
      %add3A_2958 = arith.addi %mul3A_2956, %add3A_2957 : i32
      %mul3A_2959 = arith.constant 0 : i32
      %mul3A_2960 = vector.broadcast %mul3A_2959 : i32 to vector<16xi32>
      %mul3A_2961 = arith.muli %iota3A, %mul3A_2960 : vector<16xi32>
      %mul3A_2962 = arith.constant 16 : i32
      %mul3A_2963 = arith.muli %select_n3A_2273, %mul3A_2962 : i32
      %add3A_2964 = arith.constant 5 : i32
      %add3A_2965 = arith.addi %mul3A_2963, %add3A_2964 : i32
      %add3A_2966 = vector.broadcast %add3A_2965 : i32 to vector<16xi32>
      %add3A_2967 = arith.addi %mul3A_2961, %add3A_2966 : vector<16xi32>
      %add3A_2968 = arith.constant 0 : i32
      %add3A_2969 = vector.broadcast %add3A_2968 : i32 to vector<16xi32>
      %add3A_2970 = arith.addi %add3A_2969, %iota3A : vector<16xi32>
      %gather3A_2971 = arith.constant 1 : i32
      %gather3A_2972 = arith.constant 0 : i32
      %gather3A_2973 = arith.constant 0 : i32
      %gather3A_2974 = tpu.memref_slice %arg9[%gather3A_2971, %gather3A_2972, %gather3A_2973] : memref<2x128x64xf32, #tpu.memory_space<vmem>> -> memref<1x128x64xf32, #tpu.memory_space<vmem>>
      %gather3A_2975 = tpu.memref_squeeze %gather3A_2974 : memref<1x128x64xf32, #tpu.memory_space<vmem>> -> memref<128x64xf32, #tpu.memory_space<vmem>>
      %gather3A_2976 = tpu.vector_load_idx %gather3A_2975[%add3A_2970, %add3A_2967] : memref<128x64xf32, #tpu.memory_space<vmem>>[vector<16xi32>, vector<16xi32>], vector<16xf32>,
      %swap3A_2977 = arith.constant 5 : i32
      %swap3A_2978 = arith.index_cast %add3A_2958 : i32 to index
      %swap3A_2979 = arith.index_cast %select_n3A_2289 : i32 to index
      %swap3A_2980 = arith.index_cast %swap3A_2977 : i32 to index
      %swap3A_2981 = arith.constant 0 : index
      %swap3A_2982 = tpu.vector_load %arg10[%swap3A_2978, %swap3A_2979, %swap3A_2980, %swap3A_2981] {strides = array<i32>} : memref<8x4x8x128xf32, #tpu.memory_space<vmem>>, vector<16xf32>,
      tpu.vector_store %arg10[%swap3A_2978, %swap3A_2979, %swap3A_2980, %swap3A_2981], %gather3A_2976 {strides = array<i32>} : memref<8x4x8x128xf32, #tpu.memory_space<vmem>>, vector<16xf32>,
      %add3A_2983 = arith.constant 16 : i32
      %add3A_2984 = vector.broadcast %add3A_2983 : i32 to vector<16xi32>
      %add3A_2985 = arith.addi %add3A_2984, %iota3A : vector<16xi32>
      %gather3A_2986 = arith.constant 1 : i32
      %gather3A_2987 = arith.constant 0 : i32
      %gather3A_2988 = arith.constant 0 : i32
      %gather3A_2989 = tpu.memref_slice %arg9[%gather3A_2986, %gather3A_2987, %gather3A_2988] : memref<2x128x64xf32, #tpu.memory_space<vmem>> -> memref<1x128x64xf32, #tpu.memory_space<vmem>>
      %gather3A_2990 = tpu.memref_squeeze %gather3A_2989 : memref<1x128x64xf32, #tpu.memory_space<vmem>> -> memref<128x64xf32, #tpu.memory_space<vmem>>
      %gather3A_2991 = tpu.vector_load_idx %gather3A_2990[%add3A_2985, %add3A_2967] : memref<128x64xf32, #tpu.memory_space<vmem>>[vector<16xi32>, vector<16xi32>], vector<16xf32>,
      %swap3A_2992 = arith.constant 5 : i32
      %swap3A_2993 = arith.index_cast %add3A_2958 : i32 to index
      %swap3A_2994 = arith.index_cast %select_n3A_2289 : i32 to index
      %swap3A_2995 = arith.index_cast %swap3A_2992 : i32 to index
      %swap3A_2996 = arith.constant 16 : index
      %swap3A_2997 = tpu.vector_load %arg10[%swap3A_2993, %swap3A_2994, %swap3A_2995, %swap3A_2996] {strides = array<i32>} : memref<8x4x8x128xf32, #tpu.memory_space<vmem>>, vector<16xf32>,
      tpu.vector_store %arg10[%swap3A_2993, %swap3A_2994, %swap3A_2995, %swap3A_2996], %gather3A_2991 {strides = array<i32>} : memref<8x4x8x128xf32, #tpu.memory_space<vmem>>, vector<16xf32>,
      %add3A_2998 = arith.constant 32 : i32
      %add3A_2999 = vector.broadcast %add3A_2998 : i32 to vector<16xi32>
      %add3A_3000 = arith.addi %add3A_2999, %iota3A : vector<16xi32>
      %gather3A_3001 = arith.constant 1 : i32
      %gather3A_3002 = arith.constant 0 : i32
      %gather3A_3003 = arith.constant 0 : i32
      %gather3A_3004 = tpu.memref_slice %arg9[%gather3A_3001, %gather3A_3002, %gather3A_3003] : memref<2x128x64xf32, #tpu.memory_space<vmem>> -> memref<1x128x64xf32, #tpu.memory_space<vmem>>
      %gather3A_3005 = tpu.memref_squeeze %gather3A_3004 : memref<1x128x64xf32, #tpu.memory_space<vmem>> -> memref<128x64xf32, #tpu.memory_space<vmem>>
      %gather3A_3006 = tpu.vector_load_idx %gather3A_3005[%add3A_3000, %add3A_2967] : memref<128x64xf32, #tpu.memory_space<vmem>>[vector<16xi32>, vector<16xi32>], vector<16xf32>,
      %swap3A_3007 = arith.constant 5 : i32
      %swap3A_3008 = arith.index_cast %add3A_2958 : i32 to index
      %swap3A_3009 = arith.index_cast %select_n3A_2289 : i32 to index
      %swap3A_3010 = arith.index_cast %swap3A_3007 : i32 to index
      %swap3A_3011 = arith.constant 32 : index
      %swap3A_3012 = tpu.vector_load %arg10[%swap3A_3008, %swap3A_3009, %swap3A_3010, %swap3A_3011] {strides = array<i32>} : memref<8x4x8x128xf32, #tpu.memory_space<vmem>>, vector<16xf32>,
      tpu.vector_store %arg10[%swap3A_3008, %swap3A_3009, %swap3A_3010, %swap3A_3011], %gather3A_3006 {strides = array<i32>} : memref<8x4x8x128xf32, #tpu.memory_space<vmem>>, vector<16xf32>,
      %add3A_3013 = arith.constant 48 : i32
      %add3A_3014 = vector.broadcast %add3A_3013 : i32 to vector<16xi32>
      %add3A_3015 = arith.addi %add3A_3014, %iota3A : vector<16xi32>
      %gather3A_3016 = arith.constant 1 : i32
      %gather3A_3017 = arith.constant 0 : i32
      %gather3A_3018 = arith.constant 0 : i32
      %gather3A_3019 = tpu.memref_slice %arg9[%gather3A_3016, %gather3A_3017, %gather3A_3018] : memref<2x128x64xf32, #tpu.memory_space<vmem>> -> memref<1x128x64xf32, #tpu.memory_space<vmem>>
      %gather3A_3020 = tpu.memref_squeeze %gather3A_3019 : memref<1x128x64xf32, #tpu.memory_space<vmem>> -> memref<128x64xf32, #tpu.memory_space<vmem>>
      %gather3A_3021 = tpu.vector_load_idx %gather3A_3020[%add3A_3015, %add3A_2967] : memref<128x64xf32, #tpu.memory_space<vmem>>[vector<16xi32>, vector<16xi32>], vector<16xf32>,
      %swap3A_3022 = arith.constant 5 : i32
      %swap3A_3023 = arith.index_cast %add3A_2958 : i32 to index
      %swap3A_3024 = arith.index_cast %select_n3A_2289 : i32 to index
      %swap3A_3025 = arith.index_cast %swap3A_3022 : i32 to index
      %swap3A_3026 = arith.constant 48 : index
      %swap3A_3027 = tpu.vector_load %arg10[%swap3A_3023, %swap3A_3024, %swap3A_3025, %swap3A_3026] {strides = array<i32>} : memref<8x4x8x128xf32, #tpu.memory_space<vmem>>, vector<16xf32>,
      tpu.vector_store %arg10[%swap3A_3023, %swap3A_3024, %swap3A_3025, %swap3A_3026], %gather3A_3021 {strides = array<i32>} : memref<8x4x8x128xf32, #tpu.memory_space<vmem>>, vector<16xf32>,
      %add3A_3028 = arith.constant 64 : i32
      %add3A_3029 = vector.broadcast %add3A_3028 : i32 to vector<16xi32>
      %add3A_3030 = arith.addi %add3A_3029, %iota3A : vector<16xi32>
      %gather3A_3031 = arith.constant 1 : i32
      %gather3A_3032 = arith.constant 0 : i32
      %gather3A_3033 = arith.constant 0 : i32
      %gather3A_3034 = tpu.memref_slice %arg9[%gather3A_3031, %gather3A_3032, %gather3A_3033] : memref<2x128x64xf32, #tpu.memory_space<vmem>> -> memref<1x128x64xf32, #tpu.memory_space<vmem>>
      %gather3A_3035 = tpu.memref_squeeze %gather3A_3034 : memref<1x128x64xf32, #tpu.memory_space<vmem>> -> memref<128x64xf32, #tpu.memory_space<vmem>>
      %gather3A_3036 = tpu.vector_load_idx %gather3A_3035[%add3A_3030, %add3A_2967] : memref<128x64xf32, #tpu.memory_space<vmem>>[vector<16xi32>, vector<16xi32>], vector<16xf32>,
      %swap3A_3037 = arith.constant 5 : i32
      %swap3A_3038 = arith.index_cast %add3A_2958 : i32 to index
      %swap3A_3039 = arith.index_cast %select_n3A_2289 : i32 to index
      %swap3A_3040 = arith.index_cast %swap3A_3037 : i32 to index
      %swap3A_3041 = arith.constant 64 : index
      %swap3A_3042 = tpu.vector_load %arg10[%swap3A_3038, %swap3A_3039, %swap3A_3040, %swap3A_3041] {strides = array<i32>} : memref<8x4x8x128xf32, #tpu.memory_space<vmem>>, vector<16xf32>,
      tpu.vector_store %arg10[%swap3A_3038, %swap3A_3039, %swap3A_3040, %swap3A_3041], %gather3A_3036 {strides = array<i32>} : memref<8x4x8x128xf32, #tpu.memory_space<vmem>>, vector<16xf32>,
      %add3A_3043 = arith.constant 80 : i32
      %add3A_3044 = vector.broadcast %add3A_3043 : i32 to vector<16xi32>
      %add3A_3045 = arith.addi %add3A_3044, %iota3A : vector<16xi32>
      %gather3A_3046 = arith.constant 1 : i32
      %gather3A_3047 = arith.constant 0 : i32
      %gather3A_3048 = arith.constant 0 : i32
      %gather3A_3049 = tpu.memref_slice %arg9[%gather3A_3046, %gather3A_3047, %gather3A_3048] : memref<2x128x64xf32, #tpu.memory_space<vmem>> -> memref<1x128x64xf32, #tpu.memory_space<vmem>>
      %gather3A_3050 = tpu.memref_squeeze %gather3A_3049 : memref<1x128x64xf32, #tpu.memory_space<vmem>> -> memref<128x64xf32, #tpu.memory_space<vmem>>
      %gather3A_3051 = tpu.vector_load_idx %gather3A_3050[%add3A_3045, %add3A_2967] : memref<128x64xf32, #tpu.memory_space<vmem>>[vector<16xi32>, vector<16xi32>], vector<16xf32>,
      %swap3A_3052 = arith.constant 5 : i32
      %swap3A_3053 = arith.index_cast %add3A_2958 : i32 to index
      %swap3A_3054 = arith.index_cast %select_n3A_2289 : i32 to index
      %swap3A_3055 = arith.index_cast %swap3A_3052 : i32 to index
      %swap3A_3056 = arith.constant 80 : index
      %swap3A_3057 = tpu.vector_load %arg10[%swap3A_3053, %swap3A_3054, %swap3A_3055, %swap3A_3056] {strides = array<i32>} : memref<8x4x8x128xf32, #tpu.memory_space<vmem>>, vector<16xf32>,
      tpu.vector_store %arg10[%swap3A_3053, %swap3A_3054, %swap3A_3055, %swap3A_3056], %gather3A_3051 {strides = array<i32>} : memref<8x4x8x128xf32, #tpu.memory_space<vmem>>, vector<16xf32>,
      %add3A_3058 = arith.constant 96 : i32
      %add3A_3059 = vector.broadcast %add3A_3058 : i32 to vector<16xi32>
      %add3A_3060 = arith.addi %add3A_3059, %iota3A : vector<16xi32>
      %gather3A_3061 = arith.constant 1 : i32
      %gather3A_3062 = arith.constant 0 : i32
      %gather3A_3063 = arith.constant 0 : i32
      %gather3A_3064 = tpu.memref_slice %arg9[%gather3A_3061, %gather3A_3062, %gather3A_3063] : memref<2x128x64xf32, #tpu.memory_space<vmem>> -> memref<1x128x64xf32, #tpu.memory_space<vmem>>
      %gather3A_3065 = tpu.memref_squeeze %gather3A_3064 : memref<1x128x64xf32, #tpu.memory_space<vmem>> -> memref<128x64xf32, #tpu.memory_space<vmem>>
      %gather3A_3066 = tpu.vector_load_idx %gather3A_3065[%add3A_3060, %add3A_2967] : memref<128x64xf32, #tpu.memory_space<vmem>>[vector<16xi32>, vector<16xi32>], vector<16xf32>,
      %swap3A_3067 = arith.constant 5 : i32
      %swap3A_3068 = arith.index_cast %add3A_2958 : i32 to index
      %swap3A_3069 = arith.index_cast %select_n3A_2289 : i32 to index
      %swap3A_3070 = arith.index_cast %swap3A_3067 : i32 to index
      %swap3A_3071 = arith.constant 96 : index
      %swap3A_3072 = tpu.vector_load %arg10[%swap3A_3068, %swap3A_3069, %swap3A_3070, %swap3A_3071] {strides = array<i32>} : memref<8x4x8x128xf32, #tpu.memory_space<vmem>>, vector<16xf32>,
      tpu.vector_store %arg10[%swap3A_3068, %swap3A_3069, %swap3A_3070, %swap3A_3071], %gather3A_3066 {strides = array<i32>} : memref<8x4x8x128xf32, #tpu.memory_space<vmem>>, vector<16xf32>,
      %add3A_3073 = arith.constant 112 : i32
      %add3A_3074 = vector.broadcast %add3A_3073 : i32 to vector<16xi32>
      %add3A_3075 = arith.addi %add3A_3074, %iota3A : vector<16xi32>
      %gather3A_3076 = arith.constant 1 : i32
      %gather3A_3077 = arith.constant 0 : i32
      %gather3A_3078 = arith.constant 0 : i32
      %gather3A_3079 = tpu.memref_slice %arg9[%gather3A_3076, %gather3A_3077, %gather3A_3078] : memref<2x128x64xf32, #tpu.memory_space<vmem>> -> memref<1x128x64xf32, #tpu.memory_space<vmem>>
      %gather3A_3080 = tpu.memref_squeeze %gather3A_3079 : memref<1x128x64xf32, #tpu.memory_space<vmem>> -> memref<128x64xf32, #tpu.memory_space<vmem>>
      %gather3A_3081 = tpu.vector_load_idx %gather3A_3080[%add3A_3075, %add3A_2967] : memref<128x64xf32, #tpu.memory_space<vmem>>[vector<16xi32>, vector<16xi32>], vector<16xf32>,
      %swap3A_3082 = arith.constant 5 : i32
      %swap3A_3083 = arith.index_cast %add3A_2958 : i32 to index
      %swap3A_3084 = arith.index_cast %select_n3A_2289 : i32 to index
      %swap3A_3085 = arith.index_cast %swap3A_3082 : i32 to index
      %swap3A_3086 = arith.constant 112 : index
      %swap3A_3087 = tpu.vector_load %arg10[%swap3A_3083, %swap3A_3084, %swap3A_3085, %swap3A_3086] {strides = array<i32>} : memref<8x4x8x128xf32, #tpu.memory_space<vmem>>, vector<16xf32>,
      tpu.vector_store %arg10[%swap3A_3083, %swap3A_3084, %swap3A_3085, %swap3A_3086], %gather3A_3081 {strides = array<i32>} : memref<8x4x8x128xf32, #tpu.memory_space<vmem>>, vector<16xf32>,
      %mul3A_3088 = arith.constant 2 : i32
      %mul3A_3089 = arith.muli %mul3A_3088, %select_n3A_2273 : i32
      %add3A_3090 = arith.constant 0 : i32
      %add3A_3091 = arith.addi %mul3A_3089, %add3A_3090 : i32
      %mul3A_3092 = arith.constant 0 : i32
      %mul3A_3093 = vector.broadcast %mul3A_3092 : i32 to vector<16xi32>
      %mul3A_3094 = arith.muli %iota3A, %mul3A_3093 : vector<16xi32>
      %mul3A_3095 = arith.constant 16 : i32
      %mul3A_3096 = arith.muli %select_n3A_2273, %mul3A_3095 : i32
      %add3A_3097 = arith.constant 6 : i32
      %add3A_3098 = arith.addi %mul3A_3096, %add3A_3097 : i32
      %add3A_3099 = vector.broadcast %add3A_3098 : i32 to vector<16xi32>
      %add3A_3100 = arith.addi %mul3A_3094, %add3A_3099 : vector<16xi32>
      %add3A_3101 = arith.constant 0 : i32
      %add3A_3102 = vector.broadcast %add3A_3101 : i32 to vector<16xi32>
      %add3A_3103 = arith.addi %add3A_3102, %iota3A : vector<16xi32>
      %gather3A_3104 = arith.constant 1 : i32
      %gather3A_3105 = arith.constant 0 : i32
      %gather3A_3106 = arith.constant 0 : i32
      %gather3A_3107 = tpu.memref_slice %arg9[%gather3A_3104, %gather3A_3105, %gather3A_3106] : memref<2x128x64xf32, #tpu.memory_space<vmem>> -> memref<1x128x64xf32, #tpu.memory_space<vmem>>
      %gather3A_3108 = tpu.memref_squeeze %gather3A_3107 : memref<1x128x64xf32, #tpu.memory_space<vmem>> -> memref<128x64xf32, #tpu.memory_space<vmem>>
      %gather3A_3109 = tpu.vector_load_idx %gather3A_3108[%add3A_3103, %add3A_3100] : memref<128x64xf32, #tpu.memory_space<vmem>>[vector<16xi32>, vector<16xi32>], vector<16xf32>,
      %swap3A_3110 = arith.constant 6 : i32
      %swap3A_3111 = arith.index_cast %add3A_3091 : i32 to index
      %swap3A_3112 = arith.index_cast %select_n3A_2289 : i32 to index
      %swap3A_3113 = arith.index_cast %swap3A_3110 : i32 to index
      %swap3A_3114 = arith.constant 0 : index
      %swap3A_3115 = tpu.vector_load %arg10[%swap3A_3111, %swap3A_3112, %swap3A_3113, %swap3A_3114] {strides = array<i32>} : memref<8x4x8x128xf32, #tpu.memory_space<vmem>>, vector<16xf32>,
      tpu.vector_store %arg10[%swap3A_3111, %swap3A_3112, %swap3A_3113, %swap3A_3114], %gather3A_3109 {strides = array<i32>} : memref<8x4x8x128xf32, #tpu.memory_space<vmem>>, vector<16xf32>,
      %add3A_3116 = arith.constant 16 : i32
      %add3A_3117 = vector.broadcast %add3A_3116 : i32 to vector<16xi32>
      %add3A_3118 = arith.addi %add3A_3117, %iota3A : vector<16xi32>
      %gather3A_3119 = arith.constant 1 : i32
      %gather3A_3120 = arith.constant 0 : i32
      %gather3A_3121 = arith.constant 0 : i32
      %gather3A_3122 = tpu.memref_slice %arg9[%gather3A_3119, %gather3A_3120, %gather3A_3121] : memref<2x128x64xf32, #tpu.memory_space<vmem>> -> memref<1x128x64xf32, #tpu.memory_space<vmem>>
      %gather3A_3123 = tpu.memref_squeeze %gather3A_3122 : memref<1x128x64xf32, #tpu.memory_space<vmem>> -> memref<128x64xf32, #tpu.memory_space<vmem>>
      %gather3A_3124 = tpu.vector_load_idx %gather3A_3123[%add3A_3118, %add3A_3100] : memref<128x64xf32, #tpu.memory_space<vmem>>[vector<16xi32>, vector<16xi32>], vector<16xf32>,
      %swap3A_3125 = arith.constant 6 : i32
      %swap3A_3126 = arith.index_cast %add3A_3091 : i32 to index
      %swap3A_3127 = arith.index_cast %select_n3A_2289 : i32 to index
      %swap3A_3128 = arith.index_cast %swap3A_3125 : i32 to index
      %swap3A_3129 = arith.constant 16 : index
      %swap3A_3130 = tpu.vector_load %arg10[%swap3A_3126, %swap3A_3127, %swap3A_3128, %swap3A_3129] {strides = array<i32>} : memref<8x4x8x128xf32, #tpu.memory_space<vmem>>, vector<16xf32>,
      tpu.vector_store %arg10[%swap3A_3126, %swap3A_3127, %swap3A_3128, %swap3A_3129], %gather3A_3124 {strides = array<i32>} : memref<8x4x8x128xf32, #tpu.memory_space<vmem>>, vector<16xf32>,
      %add3A_3131 = arith.constant 32 : i32
      %add3A_3132 = vector.broadcast %add3A_3131 : i32 to vector<16xi32>
      %add3A_3133 = arith.addi %add3A_3132, %iota3A : vector<16xi32>
      %gather3A_3134 = arith.constant 1 : i32
      %gather3A_3135 = arith.constant 0 : i32
      %gather3A_3136 = arith.constant 0 : i32
      %gather3A_3137 = tpu.memref_slice %arg9[%gather3A_3134, %gather3A_3135, %gather3A_3136] : memref<2x128x64xf32, #tpu.memory_space<vmem>> -> memref<1x128x64xf32, #tpu.memory_space<vmem>>
      %gather3A_3138 = tpu.memref_squeeze %gather3A_3137 : memref<1x128x64xf32, #tpu.memory_space<vmem>> -> memref<128x64xf32, #tpu.memory_space<vmem>>
      %gather3A_3139 = tpu.vector_load_idx %gather3A_3138[%add3A_3133, %add3A_3100] : memref<128x64xf32, #tpu.memory_space<vmem>>[vector<16xi32>, vector<16xi32>], vector<16xf32>,
      %swap3A_3140 = arith.constant 6 : i32
      %swap3A_3141 = arith.index_cast %add3A_3091 : i32 to index
      %swap3A_3142 = arith.index_cast %select_n3A_2289 : i32 to index
      %swap3A_3143 = arith.index_cast %swap3A_3140 : i32 to index
      %swap3A_3144 = arith.constant 32 : index
      %swap3A_3145 = tpu.vector_load %arg10[%swap3A_3141, %swap3A_3142, %swap3A_3143, %swap3A_3144] {strides = array<i32>} : memref<8x4x8x128xf32, #tpu.memory_space<vmem>>, vector<16xf32>,
      tpu.vector_store %arg10[%swap3A_3141, %swap3A_3142, %swap3A_3143, %swap3A_3144], %gather3A_3139 {strides = array<i32>} : memref<8x4x8x128xf32, #tpu.memory_space<vmem>>, vector<16xf32>,
      %add3A_3146 = arith.constant 48 : i32
      %add3A_3147 = vector.broadcast %add3A_3146 : i32 to vector<16xi32>
      %add3A_3148 = arith.addi %add3A_3147, %iota3A : vector<16xi32>
      %gather3A_3149 = arith.constant 1 : i32
      %gather3A_3150 = arith.constant 0 : i32
      %gather3A_3151 = arith.constant 0 : i32
      %gather3A_3152 = tpu.memref_slice %arg9[%gather3A_3149, %gather3A_3150, %gather3A_3151] : memref<2x128x64xf32, #tpu.memory_space<vmem>> -> memref<1x128x64xf32, #tpu.memory_space<vmem>>
      %gather3A_3153 = tpu.memref_squeeze %gather3A_3152 : memref<1x128x64xf32, #tpu.memory_space<vmem>> -> memref<128x64xf32, #tpu.memory_space<vmem>>
      %gather3A_3154 = tpu.vector_load_idx %gather3A_3153[%add3A_3148, %add3A_3100] : memref<128x64xf32, #tpu.memory_space<vmem>>[vector<16xi32>, vector<16xi32>], vector<16xf32>,
      %swap3A_3155 = arith.constant 6 : i32
      %swap3A_3156 = arith.index_cast %add3A_3091 : i32 to index
      %swap3A_3157 = arith.index_cast %select_n3A_2289 : i32 to index
      %swap3A_3158 = arith.index_cast %swap3A_3155 : i32 to index
      %swap3A_3159 = arith.constant 48 : index
      %swap3A_3160 = tpu.vector_load %arg10[%swap3A_3156, %swap3A_3157, %swap3A_3158, %swap3A_3159] {strides = array<i32>} : memref<8x4x8x128xf32, #tpu.memory_space<vmem>>, vector<16xf32>,
      tpu.vector_store %arg10[%swap3A_3156, %swap3A_3157, %swap3A_3158, %swap3A_3159], %gather3A_3154 {strides = array<i32>} : memref<8x4x8x128xf32, #tpu.memory_space<vmem>>, vector<16xf32>,
      %add3A_3161 = arith.constant 64 : i32
      %add3A_3162 = vector.broadcast %add3A_3161 : i32 to vector<16xi32>
      %add3A_3163 = arith.addi %add3A_3162, %iota3A : vector<16xi32>
      %gather3A_3164 = arith.constant 1 : i32
      %gather3A_3165 = arith.constant 0 : i32
      %gather3A_3166 = arith.constant 0 : i32
      %gather3A_3167 = tpu.memref_slice %arg9[%gather3A_3164, %gather3A_3165, %gather3A_3166] : memref<2x128x64xf32, #tpu.memory_space<vmem>> -> memref<1x128x64xf32, #tpu.memory_space<vmem>>
      %gather3A_3168 = tpu.memref_squeeze %gather3A_3167 : memref<1x128x64xf32, #tpu.memory_space<vmem>> -> memref<128x64xf32, #tpu.memory_space<vmem>>
      %gather3A_3169 = tpu.vector_load_idx %gather3A_3168[%add3A_3163, %add3A_3100] : memref<128x64xf32, #tpu.memory_space<vmem>>[vector<16xi32>, vector<16xi32>], vector<16xf32>,
      %swap3A_3170 = arith.constant 6 : i32
      %swap3A_3171 = arith.index_cast %add3A_3091 : i32 to index
      %swap3A_3172 = arith.index_cast %select_n3A_2289 : i32 to index
      %swap3A_3173 = arith.index_cast %swap3A_3170 : i32 to index
      %swap3A_3174 = arith.constant 64 : index
      %swap3A_3175 = tpu.vector_load %arg10[%swap3A_3171, %swap3A_3172, %swap3A_3173, %swap3A_3174] {strides = array<i32>} : memref<8x4x8x128xf32, #tpu.memory_space<vmem>>, vector<16xf32>,
      tpu.vector_store %arg10[%swap3A_3171, %swap3A_3172, %swap3A_3173, %swap3A_3174], %gather3A_3169 {strides = array<i32>} : memref<8x4x8x128xf32, #tpu.memory_space<vmem>>, vector<16xf32>,
      %add3A_3176 = arith.constant 80 : i32
      %add3A_3177 = vector.broadcast %add3A_3176 : i32 to vector<16xi32>
      %add3A_3178 = arith.addi %add3A_3177, %iota3A : vector<16xi32>
      %gather3A_3179 = arith.constant 1 : i32
      %gather3A_3180 = arith.constant 0 : i32
      %gather3A_3181 = arith.constant 0 : i32
      %gather3A_3182 = tpu.memref_slice %arg9[%gather3A_3179, %gather3A_3180, %gather3A_3181] : memref<2x128x64xf32, #tpu.memory_space<vmem>> -> memref<1x128x64xf32, #tpu.memory_space<vmem>>
      %gather3A_3183 = tpu.memref_squeeze %gather3A_3182 : memref<1x128x64xf32, #tpu.memory_space<vmem>> -> memref<128x64xf32, #tpu.memory_space<vmem>>
      %gather3A_3184 = tpu.vector_load_idx %gather3A_3183[%add3A_3178, %add3A_3100] : memref<128x64xf32, #tpu.memory_space<vmem>>[vector<16xi32>, vector<16xi32>], vector<16xf32>,
      %swap3A_3185 = arith.constant 6 : i32
      %swap3A_3186 = arith.index_cast %add3A_3091 : i32 to index
      %swap3A_3187 = arith.index_cast %select_n3A_2289 : i32 to index
      %swap3A_3188 = arith.index_cast %swap3A_3185 : i32 to index
      %swap3A_3189 = arith.constant 80 : index
      %swap3A_3190 = tpu.vector_load %arg10[%swap3A_3186, %swap3A_3187, %swap3A_3188, %swap3A_3189] {strides = array<i32>} : memref<8x4x8x128xf32, #tpu.memory_space<vmem>>, vector<16xf32>,
      tpu.vector_store %arg10[%swap3A_3186, %swap3A_3187, %swap3A_3188, %swap3A_3189], %gather3A_3184 {strides = array<i32>} : memref<8x4x8x128xf32, #tpu.memory_space<vmem>>, vector<16xf32>,
      %add3A_3191 = arith.constant 96 : i32
      %add3A_3192 = vector.broadcast %add3A_3191 : i32 to vector<16xi32>
      %add3A_3193 = arith.addi %add3A_3192, %iota3A : vector<16xi32>
      %gather3A_3194 = arith.constant 1 : i32
      %gather3A_3195 = arith.constant 0 : i32
      %gather3A_3196 = arith.constant 0 : i32
      %gather3A_3197 = tpu.memref_slice %arg9[%gather3A_3194, %gather3A_3195, %gather3A_3196] : memref<2x128x64xf32, #tpu.memory_space<vmem>> -> memref<1x128x64xf32, #tpu.memory_space<vmem>>
      %gather3A_3198 = tpu.memref_squeeze %gather3A_3197 : memref<1x128x64xf32, #tpu.memory_space<vmem>> -> memref<128x64xf32, #tpu.memory_space<vmem>>
      %gather3A_3199 = tpu.vector_load_idx %gather3A_3198[%add3A_3193, %add3A_3100] : memref<128x64xf32, #tpu.memory_space<vmem>>[vector<16xi32>, vector<16xi32>], vector<16xf32>,
      %swap3A_3200 = arith.constant 6 : i32
      %swap3A_3201 = arith.index_cast %add3A_3091 : i32 to index
      %swap3A_3202 = arith.index_cast %select_n3A_2289 : i32 to index
      %swap3A_3203 = arith.index_cast %swap3A_3200 : i32 to index
      %swap3A_3204 = arith.constant 96 : index
      %swap3A_3205 = tpu.vector_load %arg10[%swap3A_3201, %swap3A_3202, %swap3A_3203, %swap3A_3204] {strides = array<i32>} : memref<8x4x8x128xf32, #tpu.memory_space<vmem>>, vector<16xf32>,
      tpu.vector_store %arg10[%swap3A_3201, %swap3A_3202, %swap3A_3203, %swap3A_3204], %gather3A_3199 {strides = array<i32>} : memref<8x4x8x128xf32, #tpu.memory_space<vmem>>, vector<16xf32>,
      %add3A_3206 = arith.constant 112 : i32
      %add3A_3207 = vector.broadcast %add3A_3206 : i32 to vector<16xi32>
      %add3A_3208 = arith.addi %add3A_3207, %iota3A : vector<16xi32>
      %gather3A_3209 = arith.constant 1 : i32
      %gather3A_3210 = arith.constant 0 : i32
      %gather3A_3211 = arith.constant 0 : i32
      %gather3A_3212 = tpu.memref_slice %arg9[%gather3A_3209, %gather3A_3210, %gather3A_3211] : memref<2x128x64xf32, #tpu.memory_space<vmem>> -> memref<1x128x64xf32, #tpu.memory_space<vmem>>
      %gather3A_3213 = tpu.memref_squeeze %gather3A_3212 : memref<1x128x64xf32, #tpu.memory_space<vmem>> -> memref<128x64xf32, #tpu.memory_space<vmem>>
      %gather3A_3214 = tpu.vector_load_idx %gather3A_3213[%add3A_3208, %add3A_3100] : memref<128x64xf32, #tpu.memory_space<vmem>>[vector<16xi32>, vector<16xi32>], vector<16xf32>,
      %swap3A_3215 = arith.constant 6 : i32
      %swap3A_3216 = arith.index_cast %add3A_3091 : i32 to index
      %swap3A_3217 = arith.index_cast %select_n3A_2289 : i32 to index
      %swap3A_3218 = arith.index_cast %swap3A_3215 : i32 to index
      %swap3A_3219 = arith.constant 112 : index
      %swap3A_3220 = tpu.vector_load %arg10[%swap3A_3216, %swap3A_3217, %swap3A_3218, %swap3A_3219] {strides = array<i32>} : memref<8x4x8x128xf32, #tpu.memory_space<vmem>>, vector<16xf32>,
      tpu.vector_store %arg10[%swap3A_3216, %swap3A_3217, %swap3A_3218, %swap3A_3219], %gather3A_3214 {strides = array<i32>} : memref<8x4x8x128xf32, #tpu.memory_space<vmem>>, vector<16xf32>,
      %mul3A_3221 = arith.constant 2 : i32
      %mul3A_3222 = arith.muli %mul3A_3221, %select_n3A_2273 : i32
      %add3A_3223 = arith.constant 0 : i32
      %add3A_3224 = arith.addi %mul3A_3222, %add3A_3223 : i32
      %mul3A_3225 = arith.constant 0 : i32
      %mul3A_3226 = vector.broadcast %mul3A_3225 : i32 to vector<16xi32>
      %mul3A_3227 = arith.muli %iota3A, %mul3A_3226 : vector<16xi32>
      %mul3A_3228 = arith.constant 16 : i32
      %mul3A_3229 = arith.muli %select_n3A_2273, %mul3A_3228 : i32
      %add3A_3230 = arith.constant 7 : i32
      %add3A_3231 = arith.addi %mul3A_3229, %add3A_3230 : i32
      %add3A_3232 = vector.broadcast %add3A_3231 : i32 to vector<16xi32>
      %add3A_3233 = arith.addi %mul3A_3227, %add3A_3232 : vector<16xi32>
      %add3A_3234 = arith.constant 0 : i32
      %add3A_3235 = vector.broadcast %add3A_3234 : i32 to vector<16xi32>
      %add3A_3236 = arith.addi %add3A_3235, %iota3A : vector<16xi32>
      %gather3A_3237 = arith.constant 1 : i32
      %gather3A_3238 = arith.constant 0 : i32
      %gather3A_3239 = arith.constant 0 : i32
      %gather3A_3240 = tpu.memref_slice %arg9[%gather3A_3237, %gather3A_3238, %gather3A_3239] : memref<2x128x64xf32, #tpu.memory_space<vmem>> -> memref<1x128x64xf32, #tpu.memory_space<vmem>>
      %gather3A_3241 = tpu.memref_squeeze %gather3A_3240 : memref<1x128x64xf32, #tpu.memory_space<vmem>> -> memref<128x64xf32, #tpu.memory_space<vmem>>
      %gather3A_3242 = tpu.vector_load_idx %gather3A_3241[%add3A_3236, %add3A_3233] : memref<128x64xf32, #tpu.memory_space<vmem>>[vector<16xi32>, vector<16xi32>], vector<16xf32>,
      %swap3A_3243 = arith.constant 7 : i32
      %swap3A_3244 = arith.index_cast %add3A_3224 : i32 to index
      %swap3A_3245 = arith.index_cast %select_n3A_2289 : i32 to index
      %swap3A_3246 = arith.index_cast %swap3A_3243 : i32 to index
      %swap3A_3247 = arith.constant 0 : index
      %swap3A_3248 = tpu.vector_load %arg10[%swap3A_3244, %swap3A_3245, %swap3A_3246, %swap3A_3247] {strides = array<i32>} : memref<8x4x8x128xf32, #tpu.memory_space<vmem>>, vector<16xf32>,
      tpu.vector_store %arg10[%swap3A_3244, %swap3A_3245, %swap3A_3246, %swap3A_3247], %gather3A_3242 {strides = array<i32>} : memref<8x4x8x128xf32, #tpu.memory_space<vmem>>, vector<16xf32>,
      %add3A_3249 = arith.constant 16 : i32
      %add3A_3250 = vector.broadcast %add3A_3249 : i32 to vector<16xi32>
      %add3A_3251 = arith.addi %add3A_3250, %iota3A : vector<16xi32>
      %gather3A_3252 = arith.constant 1 : i32
      %gather3A_3253 = arith.constant 0 : i32
      %gather3A_3254 = arith.constant 0 : i32
      %gather3A_3255 = tpu.memref_slice %arg9[%gather3A_3252, %gather3A_3253, %gather3A_3254] : memref<2x128x64xf32, #tpu.memory_space<vmem>> -> memref<1x128x64xf32, #tpu.memory_space<vmem>>
      %gather3A_3256 = tpu.memref_squeeze %gather3A_3255 : memref<1x128x64xf32, #tpu.memory_space<vmem>> -> memref<128x64xf32, #tpu.memory_space<vmem>>
      %gather3A_3257 = tpu.vector_load_idx %gather3A_3256[%add3A_3251, %add3A_3233] : memref<128x64xf32, #tpu.memory_space<vmem>>[vector<16xi32>, vector<16xi32>], vector<16xf32>,
      %swap3A_3258 = arith.constant 7 : i32
      %swap3A_3259 = arith.index_cast %add3A_3224 : i32 to index
      %swap3A_3260 = arith.index_cast %select_n3A_2289 : i32 to index
      %swap3A_3261 = arith.index_cast %swap3A_3258 : i32 to index
      %swap3A_3262 = arith.constant 16 : index
      %swap3A_3263 = tpu.vector_load %arg10[%swap3A_3259, %swap3A_3260, %swap3A_3261, %swap3A_3262] {strides = array<i32>} : memref<8x4x8x128xf32, #tpu.memory_space<vmem>>, vector<16xf32>,
      tpu.vector_store %arg10[%swap3A_3259, %swap3A_3260, %swap3A_3261, %swap3A_3262], %gather3A_3257 {strides = array<i32>} : memref<8x4x8x128xf32, #tpu.memory_space<vmem>>, vector<16xf32>,
      %add3A_3264 = arith.constant 32 : i32
      %add3A_3265 = vector.broadcast %add3A_3264 : i32 to vector<16xi32>
      %add3A_3266 = arith.addi %add3A_3265, %iota3A : vector<16xi32>
      %gather3A_3267 = arith.constant 1 : i32
      %gather3A_3268 = arith.constant 0 : i32
      %gather3A_3269 = arith.constant 0 : i32
      %gather3A_3270 = tpu.memref_slice %arg9[%gather3A_3267, %gather3A_3268, %gather3A_3269] : memref<2x128x64xf32, #tpu.memory_space<vmem>> -> memref<1x128x64xf32, #tpu.memory_space<vmem>>
      %gather3A_3271 = tpu.memref_squeeze %gather3A_3270 : memref<1x128x64xf32, #tpu.memory_space<vmem>> -> memref<128x64xf32, #tpu.memory_space<vmem>>
      %gather3A_3272 = tpu.vector_load_idx %gather3A_3271[%add3A_3266, %add3A_3233] : memref<128x64xf32, #tpu.memory_space<vmem>>[vector<16xi32>, vector<16xi32>], vector<16xf32>,
      %swap3A_3273 = arith.constant 7 : i32
      %swap3A_3274 = arith.index_cast %add3A_3224 : i32 to index
      %swap3A_3275 = arith.index_cast %select_n3A_2289 : i32 to index
      %swap3A_3276 = arith.index_cast %swap3A_3273 : i32 to index
      %swap3A_3277 = arith.constant 32 : index
      %swap3A_3278 = tpu.vector_load %arg10[%swap3A_3274, %swap3A_3275, %swap3A_3276, %swap3A_3277] {strides = array<i32>} : memref<8x4x8x128xf32, #tpu.memory_space<vmem>>, vector<16xf32>,
      tpu.vector_store %arg10[%swap3A_3274, %swap3A_3275, %swap3A_3276, %swap3A_3277], %gather3A_3272 {strides = array<i32>} : memref<8x4x8x128xf32, #tpu.memory_space<vmem>>, vector<16xf32>,
      %add3A_3279 = arith.constant 48 : i32
      %add3A_3280 = vector.broadcast %add3A_3279 : i32 to vector<16xi32>
      %add3A_3281 = arith.addi %add3A_3280, %iota3A : vector<16xi32>
      %gather3A_3282 = arith.constant 1 : i32
      %gather3A_3283 = arith.constant 0 : i32
      %gather3A_3284 = arith.constant 0 : i32
      %gather3A_3285 = tpu.memref_slice %arg9[%gather3A_3282, %gather3A_3283, %gather3A_3284] : memref<2x128x64xf32, #tpu.memory_space<vmem>> -> memref<1x128x64xf32, #tpu.memory_space<vmem>>
      %gather3A_3286 = tpu.memref_squeeze %gather3A_3285 : memref<1x128x64xf32, #tpu.memory_space<vmem>> -> memref<128x64xf32, #tpu.memory_space<vmem>>
      %gather3A_3287 = tpu.vector_load_idx %gather3A_3286[%add3A_3281, %add3A_3233] : memref<128x64xf32, #tpu.memory_space<vmem>>[vector<16xi32>, vector<16xi32>], vector<16xf32>,
      %swap3A_3288 = arith.constant 7 : i32
      %swap3A_3289 = arith.index_cast %add3A_3224 : i32 to index
      %swap3A_3290 = arith.index_cast %select_n3A_2289 : i32 to index
      %swap3A_3291 = arith.index_cast %swap3A_3288 : i32 to index
      %swap3A_3292 = arith.constant 48 : index
      %swap3A_3293 = tpu.vector_load %arg10[%swap3A_3289, %swap3A_3290, %swap3A_3291, %swap3A_3292] {strides = array<i32>} : memref<8x4x8x128xf32, #tpu.memory_space<vmem>>, vector<16xf32>,
      tpu.vector_store %arg10[%swap3A_3289, %swap3A_3290, %swap3A_3291, %swap3A_3292], %gather3A_3287 {strides = array<i32>} : memref<8x4x8x128xf32, #tpu.memory_space<vmem>>, vector<16xf32>,
      %add3A_3294 = arith.constant 64 : i32
      %add3A_3295 = vector.broadcast %add3A_3294 : i32 to vector<16xi32>
      %add3A_3296 = arith.addi %add3A_3295, %iota3A : vector<16xi32>
      %gather3A_3297 = arith.constant 1 : i32
      %gather3A_3298 = arith.constant 0 : i32
      %gather3A_3299 = arith.constant 0 : i32
      %gather3A_3300 = tpu.memref_slice %arg9[%gather3A_3297, %gather3A_3298, %gather3A_3299] : memref<2x128x64xf32, #tpu.memory_space<vmem>> -> memref<1x128x64xf32, #tpu.memory_space<vmem>>
      %gather3A_3301 = tpu.memref_squeeze %gather3A_3300 : memref<1x128x64xf32, #tpu.memory_space<vmem>> -> memref<128x64xf32, #tpu.memory_space<vmem>>
      %gather3A_3302 = tpu.vector_load_idx %gather3A_3301[%add3A_3296, %add3A_3233] : memref<128x64xf32, #tpu.memory_space<vmem>>[vector<16xi32>, vector<16xi32>], vector<16xf32>,
      %swap3A_3303 = arith.constant 7 : i32
      %swap3A_3304 = arith.index_cast %add3A_3224 : i32 to index
      %swap3A_3305 = arith.index_cast %select_n3A_2289 : i32 to index
      %swap3A_3306 = arith.index_cast %swap3A_3303 : i32 to index
      %swap3A_3307 = arith.constant 64 : index
      %swap3A_3308 = tpu.vector_load %arg10[%swap3A_3304, %swap3A_3305, %swap3A_3306, %swap3A_3307] {strides = array<i32>} : memref<8x4x8x128xf32, #tpu.memory_space<vmem>>, vector<16xf32>,
      tpu.vector_store %arg10[%swap3A_3304, %swap3A_3305, %swap3A_3306, %swap3A_3307], %gather3A_3302 {strides = array<i32>} : memref<8x4x8x128xf32, #tpu.memory_space<vmem>>, vector<16xf32>,
      %add3A_3309 = arith.constant 80 : i32
      %add3A_3310 = vector.broadcast %add3A_3309 : i32 to vector<16xi32>
      %add3A_3311 = arith.addi %add3A_3310, %iota3A : vector<16xi32>
      %gather3A_3312 = arith.constant 1 : i32
      %gather3A_3313 = arith.constant 0 : i32
      %gather3A_3314 = arith.constant 0 : i32
      %gather3A_3315 = tpu.memref_slice %arg9[%gather3A_3312, %gather3A_3313, %gather3A_3314] : memref<2x128x64xf32, #tpu.memory_space<vmem>> -> memref<1x128x64xf32, #tpu.memory_space<vmem>>
      %gather3A_3316 = tpu.memref_squeeze %gather3A_3315 : memref<1x128x64xf32, #tpu.memory_space<vmem>> -> memref<128x64xf32, #tpu.memory_space<vmem>>
      %gather3A_3317 = tpu.vector_load_idx %gather3A_3316[%add3A_3311, %add3A_3233] : memref<128x64xf32, #tpu.memory_space<vmem>>[vector<16xi32>, vector<16xi32>], vector<16xf32>,
      %swap3A_3318 = arith.constant 7 : i32
      %swap3A_3319 = arith.index_cast %add3A_3224 : i32 to index
      %swap3A_3320 = arith.index_cast %select_n3A_2289 : i32 to index
      %swap3A_3321 = arith.index_cast %swap3A_3318 : i32 to index
      %swap3A_3322 = arith.constant 80 : index
      %swap3A_3323 = tpu.vector_load %arg10[%swap3A_3319, %swap3A_3320, %swap3A_3321, %swap3A_3322] {strides = array<i32>} : memref<8x4x8x128xf32, #tpu.memory_space<vmem>>, vector<16xf32>,
      tpu.vector_store %arg10[%swap3A_3319, %swap3A_3320, %swap3A_3321, %swap3A_3322], %gather3A_3317 {strides = array<i32>} : memref<8x4x8x128xf32, #tpu.memory_space<vmem>>, vector<16xf32>,
      %add3A_3324 = arith.constant 96 : i32
      %add3A_3325 = vector.broadcast %add3A_3324 : i32 to vector<16xi32>
      %add3A_3326 = arith.addi %add3A_3325, %iota3A : vector<16xi32>
      %gather3A_3327 = arith.constant 1 : i32
      %gather3A_3328 = arith.constant 0 : i32
      %gather3A_3329 = arith.constant 0 : i32
      %gather3A_3330 = tpu.memref_slice %arg9[%gather3A_3327, %gather3A_3328, %gather3A_3329] : memref<2x128x64xf32, #tpu.memory_space<vmem>> -> memref<1x128x64xf32, #tpu.memory_space<vmem>>
      %gather3A_3331 = tpu.memref_squeeze %gather3A_3330 : memref<1x128x64xf32, #tpu.memory_space<vmem>> -> memref<128x64xf32, #tpu.memory_space<vmem>>
      %gather3A_3332 = tpu.vector_load_idx %gather3A_3331[%add3A_3326, %add3A_3233] : memref<128x64xf32, #tpu.memory_space<vmem>>[vector<16xi32>, vector<16xi32>], vector<16xf32>,
      %swap3A_3333 = arith.constant 7 : i32
      %swap3A_3334 = arith.index_cast %add3A_3224 : i32 to index
      %swap3A_3335 = arith.index_cast %select_n3A_2289 : i32 to index
      %swap3A_3336 = arith.index_cast %swap3A_3333 : i32 to index
      %swap3A_3337 = arith.constant 96 : index
      %swap3A_3338 = tpu.vector_load %arg10[%swap3A_3334, %swap3A_3335, %swap3A_3336, %swap3A_3337] {strides = array<i32>} : memref<8x4x8x128xf32, #tpu.memory_space<vmem>>, vector<16xf32>,
      tpu.vector_store %arg10[%swap3A_3334, %swap3A_3335, %swap3A_3336, %swap3A_3337], %gather3A_3332 {strides = array<i32>} : memref<8x4x8x128xf32, #tpu.memory_space<vmem>>, vector<16xf32>,
      %add3A_3339 = arith.constant 112 : i32
      %add3A_3340 = vector.broadcast %add3A_3339 : i32 to vector<16xi32>
      %add3A_3341 = arith.addi %add3A_3340, %iota3A : vector<16xi32>
      %gather3A_3342 = arith.constant 1 : i32
      %gather3A_3343 = arith.constant 0 : i32
      %gather3A_3344 = arith.constant 0 : i32
      %gather3A_3345 = tpu.memref_slice %arg9[%gather3A_3342, %gather3A_3343, %gather3A_3344] : memref<2x128x64xf32, #tpu.memory_space<vmem>> -> memref<1x128x64xf32, #tpu.memory_space<vmem>>
      %gather3A_3346 = tpu.memref_squeeze %gather3A_3345 : memref<1x128x64xf32, #tpu.memory_space<vmem>> -> memref<128x64xf32, #tpu.memory_space<vmem>>
      %gather3A_3347 = tpu.vector_load_idx %gather3A_3346[%add3A_3341, %add3A_3233] : memref<128x64xf32, #tpu.memory_space<vmem>>[vector<16xi32>, vector<16xi32>], vector<16xf32>,
      %swap3A_3348 = arith.constant 7 : i32
      %swap3A_3349 = arith.index_cast %add3A_3224 : i32 to index
      %swap3A_3350 = arith.index_cast %select_n3A_2289 : i32 to index
      %swap3A_3351 = arith.index_cast %swap3A_3348 : i32 to index
      %swap3A_3352 = arith.constant 112 : index
      %swap3A_3353 = tpu.vector_load %arg10[%swap3A_3349, %swap3A_3350, %swap3A_3351, %swap3A_3352] {strides = array<i32>} : memref<8x4x8x128xf32, #tpu.memory_space<vmem>>, vector<16xf32>,
      tpu.vector_store %arg10[%swap3A_3349, %swap3A_3350, %swap3A_3351, %swap3A_3352], %gather3A_3347 {strides = array<i32>} : memref<8x4x8x128xf32, #tpu.memory_space<vmem>>, vector<16xf32>,
      %mul3A_3354 = arith.constant 2 : i32
      %mul3A_3355 = arith.muli %mul3A_3354, %select_n3A_2273 : i32
      %add3A_3356 = arith.constant 1 : i32
      %add3A_3357 = arith.addi %mul3A_3355, %add3A_3356 : i32
      %mul3A_3358 = arith.constant 0 : i32
      %mul3A_3359 = vector.broadcast %mul3A_3358 : i32 to vector<16xi32>
      %mul3A_3360 = arith.muli %iota3A, %mul3A_3359 : vector<16xi32>
      %mul3A_3361 = arith.constant 16 : i32
      %mul3A_3362 = arith.muli %select_n3A_2273, %mul3A_3361 : i32
      %add3A_3363 = arith.constant 8 : i32
      %add3A_3364 = arith.addi %mul3A_3362, %add3A_3363 : i32
      %add3A_3365 = vector.broadcast %add3A_3364 : i32 to vector<16xi32>
      %add3A_3366 = arith.addi %mul3A_3360, %add3A_3365 : vector<16xi32>
      %add3A_3367 = arith.constant 0 : i32
      %add3A_3368 = vector.broadcast %add3A_3367 : i32 to vector<16xi32>
      %add3A_3369 = arith.addi %add3A_3368, %iota3A : vector<16xi32>
      %gather3A_3370 = arith.constant 1 : i32
      %gather3A_3371 = arith.constant 0 : i32
      %gather3A_3372 = arith.constant 0 : i32
      %gather3A_3373 = tpu.memref_slice %arg9[%gather3A_3370, %gather3A_3371, %gather3A_3372] : memref<2x128x64xf32, #tpu.memory_space<vmem>> -> memref<1x128x64xf32, #tpu.memory_space<vmem>>
      %gather3A_3374 = tpu.memref_squeeze %gather3A_3373 : memref<1x128x64xf32, #tpu.memory_space<vmem>> -> memref<128x64xf32, #tpu.memory_space<vmem>>
      %gather3A_3375 = tpu.vector_load_idx %gather3A_3374[%add3A_3369, %add3A_3366] : memref<128x64xf32, #tpu.memory_space<vmem>>[vector<16xi32>, vector<16xi32>], vector<16xf32>,
      %swap3A_3376 = arith.constant 0 : i32
      %swap3A_3377 = arith.index_cast %add3A_3357 : i32 to index
      %swap3A_3378 = arith.index_cast %select_n3A_2289 : i32 to index
      %swap3A_3379 = arith.index_cast %swap3A_3376 : i32 to index
      %swap3A_3380 = arith.constant 0 : index
      %swap3A_3381 = tpu.vector_load %arg10[%swap3A_3377, %swap3A_3378, %swap3A_3379, %swap3A_3380] {strides = array<i32>} : memref<8x4x8x128xf32, #tpu.memory_space<vmem>>, vector<16xf32>,
      tpu.vector_store %arg10[%swap3A_3377, %swap3A_3378, %swap3A_3379, %swap3A_3380], %gather3A_3375 {strides = array<i32>} : memref<8x4x8x128xf32, #tpu.memory_space<vmem>>, vector<16xf32>,
      %add3A_3382 = arith.constant 16 : i32
      %add3A_3383 = vector.broadcast %add3A_3382 : i32 to vector<16xi32>
      %add3A_3384 = arith.addi %add3A_3383, %iota3A : vector<16xi32>
      %gather3A_3385 = arith.constant 1 : i32
      %gather3A_3386 = arith.constant 0 : i32
      %gather3A_3387 = arith.constant 0 : i32
      %gather3A_3388 = tpu.memref_slice %arg9[%gather3A_3385, %gather3A_3386, %gather3A_3387] : memref<2x128x64xf32, #tpu.memory_space<vmem>> -> memref<1x128x64xf32, #tpu.memory_space<vmem>>
      %gather3A_3389 = tpu.memref_squeeze %gather3A_3388 : memref<1x128x64xf32, #tpu.memory_space<vmem>> -> memref<128x64xf32, #tpu.memory_space<vmem>>
      %gather3A_3390 = tpu.vector_load_idx %gather3A_3389[%add3A_3384, %add3A_3366] : memref<128x64xf32, #tpu.memory_space<vmem>>[vector<16xi32>, vector<16xi32>], vector<16xf32>,
      %swap3A_3391 = arith.constant 0 : i32
      %swap3A_3392 = arith.index_cast %add3A_3357 : i32 to index
      %swap3A_3393 = arith.index_cast %select_n3A_2289 : i32 to index
      %swap3A_3394 = arith.index_cast %swap3A_3391 : i32 to index
      %swap3A_3395 = arith.constant 16 : index
      %swap3A_3396 = tpu.vector_load %arg10[%swap3A_3392, %swap3A_3393, %swap3A_3394, %swap3A_3395] {strides = array<i32>} : memref<8x4x8x128xf32, #tpu.memory_space<vmem>>, vector<16xf32>,
      tpu.vector_store %arg10[%swap3A_3392, %swap3A_3393, %swap3A_3394, %swap3A_3395], %gather3A_3390 {strides = array<i32>} : memref<8x4x8x128xf32, #tpu.memory_space<vmem>>, vector<16xf32>,
      %add3A_3397 = arith.constant 32 : i32
      %add3A_3398 = vector.broadcast %add3A_3397 : i32 to vector<16xi32>
      %add3A_3399 = arith.addi %add3A_3398, %iota3A : vector<16xi32>
      %gather3A_3400 = arith.constant 1 : i32
      %gather3A_3401 = arith.constant 0 : i32
      %gather3A_3402 = arith.constant 0 : i32
      %gather3A_3403 = tpu.memref_slice %arg9[%gather3A_3400, %gather3A_3401, %gather3A_3402] : memref<2x128x64xf32, #tpu.memory_space<vmem>> -> memref<1x128x64xf32, #tpu.memory_space<vmem>>
      %gather3A_3404 = tpu.memref_squeeze %gather3A_3403 : memref<1x128x64xf32, #tpu.memory_space<vmem>> -> memref<128x64xf32, #tpu.memory_space<vmem>>
      %gather3A_3405 = tpu.vector_load_idx %gather3A_3404[%add3A_3399, %add3A_3366] : memref<128x64xf32, #tpu.memory_space<vmem>>[vector<16xi32>, vector<16xi32>], vector<16xf32>,
      %swap3A_3406 = arith.constant 0 : i32
      %swap3A_3407 = arith.index_cast %add3A_3357 : i32 to index
      %swap3A_3408 = arith.index_cast %select_n3A_2289 : i32 to index
      %swap3A_3409 = arith.index_cast %swap3A_3406 : i32 to index
      %swap3A_3410 = arith.constant 32 : index
      %swap3A_3411 = tpu.vector_load %arg10[%swap3A_3407, %swap3A_3408, %swap3A_3409, %swap3A_3410] {strides = array<i32>} : memref<8x4x8x128xf32, #tpu.memory_space<vmem>>, vector<16xf32>,
      tpu.vector_store %arg10[%swap3A_3407, %swap3A_3408, %swap3A_3409, %swap3A_3410], %gather3A_3405 {strides = array<i32>} : memref<8x4x8x128xf32, #tpu.memory_space<vmem>>, vector<16xf32>,
      %add3A_3412 = arith.constant 48 : i32
      %add3A_3413 = vector.broadcast %add3A_3412 : i32 to vector<16xi32>
      %add3A_3414 = arith.addi %add3A_3413, %iota3A : vector<16xi32>
      %gather3A_3415 = arith.constant 1 : i32
      %gather3A_3416 = arith.constant 0 : i32
      %gather3A_3417 = arith.constant 0 : i32
      %gather3A_3418 = tpu.memref_slice %arg9[%gather3A_3415, %gather3A_3416, %gather3A_3417] : memref<2x128x64xf32, #tpu.memory_space<vmem>> -> memref<1x128x64xf32, #tpu.memory_space<vmem>>
      %gather3A_3419 = tpu.memref_squeeze %gather3A_3418 : memref<1x128x64xf32, #tpu.memory_space<vmem>> -> memref<128x64xf32, #tpu.memory_space<vmem>>
      %gather3A_3420 = tpu.vector_load_idx %gather3A_3419[%add3A_3414, %add3A_3366] : memref<128x64xf32, #tpu.memory_space<vmem>>[vector<16xi32>, vector<16xi32>], vector<16xf32>,
      %swap3A_3421 = arith.constant 0 : i32
      %swap3A_3422 = arith.index_cast %add3A_3357 : i32 to index
      %swap3A_3423 = arith.index_cast %select_n3A_2289 : i32 to index
      %swap3A_3424 = arith.index_cast %swap3A_3421 : i32 to index
      %swap3A_3425 = arith.constant 48 : index
      %swap3A_3426 = tpu.vector_load %arg10[%swap3A_3422, %swap3A_3423, %swap3A_3424, %swap3A_3425] {strides = array<i32>} : memref<8x4x8x128xf32, #tpu.memory_space<vmem>>, vector<16xf32>,
      tpu.vector_store %arg10[%swap3A_3422, %swap3A_3423, %swap3A_3424, %swap3A_3425], %gather3A_3420 {strides = array<i32>} : memref<8x4x8x128xf32, #tpu.memory_space<vmem>>, vector<16xf32>,
      %add3A_3427 = arith.constant 64 : i32
      %add3A_3428 = vector.broadcast %add3A_3427 : i32 to vector<16xi32>
      %add3A_3429 = arith.addi %add3A_3428, %iota3A : vector<16xi32>
      %gather3A_3430 = arith.constant 1 : i32
      %gather3A_3431 = arith.constant 0 : i32
      %gather3A_3432 = arith.constant 0 : i32
      %gather3A_3433 = tpu.memref_slice %arg9[%gather3A_3430, %gather3A_3431, %gather3A_3432] : memref<2x128x64xf32, #tpu.memory_space<vmem>> -> memref<1x128x64xf32, #tpu.memory_space<vmem>>
      %gather3A_3434 = tpu.memref_squeeze %gather3A_3433 : memref<1x128x64xf32, #tpu.memory_space<vmem>> -> memref<128x64xf32, #tpu.memory_space<vmem>>
      %gather3A_3435 = tpu.vector_load_idx %gather3A_3434[%add3A_3429, %add3A_3366] : memref<128x64xf32, #tpu.memory_space<vmem>>[vector<16xi32>, vector<16xi32>], vector<16xf32>,
      %swap3A_3436 = arith.constant 0 : i32
      %swap3A_3437 = arith.index_cast %add3A_3357 : i32 to index
      %swap3A_3438 = arith.index_cast %select_n3A_2289 : i32 to index
      %swap3A_3439 = arith.index_cast %swap3A_3436 : i32 to index
      %swap3A_3440 = arith.constant 64 : index
      %swap3A_3441 = tpu.vector_load %arg10[%swap3A_3437, %swap3A_3438, %swap3A_3439, %swap3A_3440] {strides = array<i32>} : memref<8x4x8x128xf32, #tpu.memory_space<vmem>>, vector<16xf32>,
      tpu.vector_store %arg10[%swap3A_3437, %swap3A_3438, %swap3A_3439, %swap3A_3440], %gather3A_3435 {strides = array<i32>} : memref<8x4x8x128xf32, #tpu.memory_space<vmem>>, vector<16xf32>,
      %add3A_3442 = arith.constant 80 : i32
      %add3A_3443 = vector.broadcast %add3A_3442 : i32 to vector<16xi32>
      %add3A_3444 = arith.addi %add3A_3443, %iota3A : vector<16xi32>
      %gather3A_3445 = arith.constant 1 : i32
      %gather3A_3446 = arith.constant 0 : i32
      %gather3A_3447 = arith.constant 0 : i32
      %gather3A_3448 = tpu.memref_slice %arg9[%gather3A_3445, %gather3A_3446, %gather3A_3447] : memref<2x128x64xf32, #tpu.memory_space<vmem>> -> memref<1x128x64xf32, #tpu.memory_space<vmem>>
      %gather3A_3449 = tpu.memref_squeeze %gather3A_3448 : memref<1x128x64xf32, #tpu.memory_space<vmem>> -> memref<128x64xf32, #tpu.memory_space<vmem>>
      %gather3A_3450 = tpu.vector_load_idx %gather3A_3449[%add3A_3444, %add3A_3366] : memref<128x64xf32, #tpu.memory_space<vmem>>[vector<16xi32>, vector<16xi32>], vector<16xf32>,
      %swap3A_3451 = arith.constant 0 : i32
      %swap3A_3452 = arith.index_cast %add3A_3357 : i32 to index
      %swap3A_3453 = arith.index_cast %select_n3A_2289 : i32 to index
      %swap3A_3454 = arith.index_cast %swap3A_3451 : i32 to index
      %swap3A_3455 = arith.constant 80 : index
      %swap3A_3456 = tpu.vector_load %arg10[%swap3A_3452, %swap3A_3453, %swap3A_3454, %swap3A_3455] {strides = array<i32>} : memref<8x4x8x128xf32, #tpu.memory_space<vmem>>, vector<16xf32>,
      tpu.vector_store %arg10[%swap3A_3452, %swap3A_3453, %swap3A_3454, %swap3A_3455], %gather3A_3450 {strides = array<i32>} : memref<8x4x8x128xf32, #tpu.memory_space<vmem>>, vector<16xf32>,
      %add3A_3457 = arith.constant 96 : i32
      %add3A_3458 = vector.broadcast %add3A_3457 : i32 to vector<16xi32>
      %add3A_3459 = arith.addi %add3A_3458, %iota3A : vector<16xi32>
      %gather3A_3460 = arith.constant 1 : i32
      %gather3A_3461 = arith.constant 0 : i32
      %gather3A_3462 = arith.constant 0 : i32
      %gather3A_3463 = tpu.memref_slice %arg9[%gather3A_3460, %gather3A_3461, %gather3A_3462] : memref<2x128x64xf32, #tpu.memory_space<vmem>> -> memref<1x128x64xf32, #tpu.memory_space<vmem>>
      %gather3A_3464 = tpu.memref_squeeze %gather3A_3463 : memref<1x128x64xf32, #tpu.memory_space<vmem>> -> memref<128x64xf32, #tpu.memory_space<vmem>>
      %gather3A_3465 = tpu.vector_load_idx %gather3A_3464[%add3A_3459, %add3A_3366] : memref<128x64xf32, #tpu.memory_space<vmem>>[vector<16xi32>, vector<16xi32>], vector<16xf32>,
      %swap3A_3466 = arith.constant 0 : i32
      %swap3A_3467 = arith.index_cast %add3A_3357 : i32 to index
      %swap3A_3468 = arith.index_cast %select_n3A_2289 : i32 to index
      %swap3A_3469 = arith.index_cast %swap3A_3466 : i32 to index
      %swap3A_3470 = arith.constant 96 : index
      %swap3A_3471 = tpu.vector_load %arg10[%swap3A_3467, %swap3A_3468, %swap3A_3469, %swap3A_3470] {strides = array<i32>} : memref<8x4x8x128xf32, #tpu.memory_space<vmem>>, vector<16xf32>,
      tpu.vector_store %arg10[%swap3A_3467, %swap3A_3468, %swap3A_3469, %swap3A_3470], %gather3A_3465 {strides = array<i32>} : memref<8x4x8x128xf32, #tpu.memory_space<vmem>>, vector<16xf32>,
      %add3A_3472 = arith.constant 112 : i32
      %add3A_3473 = vector.broadcast %add3A_3472 : i32 to vector<16xi32>
      %add3A_3474 = arith.addi %add3A_3473, %iota3A : vector<16xi32>
      %gather3A_3475 = arith.constant 1 : i32
      %gather3A_3476 = arith.constant 0 : i32
      %gather3A_3477 = arith.constant 0 : i32
      %gather3A_3478 = tpu.memref_slice %arg9[%gather3A_3475, %gather3A_3476, %gather3A_3477] : memref<2x128x64xf32, #tpu.memory_space<vmem>> -> memref<1x128x64xf32, #tpu.memory_space<vmem>>
      %gather3A_3479 = tpu.memref_squeeze %gather3A_3478 : memref<1x128x64xf32, #tpu.memory_space<vmem>> -> memref<128x64xf32, #tpu.memory_space<vmem>>
      %gather3A_3480 = tpu.vector_load_idx %gather3A_3479[%add3A_3474, %add3A_3366] : memref<128x64xf32, #tpu.memory_space<vmem>>[vector<16xi32>, vector<16xi32>], vector<16xf32>,
      %swap3A_3481 = arith.constant 0 : i32
      %swap3A_3482 = arith.index_cast %add3A_3357 : i32 to index
      %swap3A_3483 = arith.index_cast %select_n3A_2289 : i32 to index
      %swap3A_3484 = arith.index_cast %swap3A_3481 : i32 to index
      %swap3A_3485 = arith.constant 112 : index
      %swap3A_3486 = tpu.vector_load %arg10[%swap3A_3482, %swap3A_3483, %swap3A_3484, %swap3A_3485] {strides = array<i32>} : memref<8x4x8x128xf32, #tpu.memory_space<vmem>>, vector<16xf32>,
      tpu.vector_store %arg10[%swap3A_3482, %swap3A_3483, %swap3A_3484, %swap3A_3485], %gather3A_3480 {strides = array<i32>} : memref<8x4x8x128xf32, #tpu.memory_space<vmem>>, vector<16xf32>,
      %mul3A_3487 = arith.constant 2 : i32
      %mul3A_3488 = arith.muli %mul3A_3487, %select_n3A_2273 : i32
      %add3A_3489 = arith.constant 1 : i32
      %add3A_3490 = arith.addi %mul3A_3488, %add3A_3489 : i32
      %mul3A_3491 = arith.constant 0 : i32
      %mul3A_3492 = vector.broadcast %mul3A_3491 : i32 to vector<16xi32>
      %mul3A_3493 = arith.muli %iota3A, %mul3A_3492 : vector<16xi32>
      %mul3A_3494 = arith.constant 16 : i32
      %mul3A_3495 = arith.muli %select_n3A_2273, %mul3A_3494 : i32
      %add3A_3496 = arith.constant 9 : i32
      %add3A_3497 = arith.addi %mul3A_3495, %add3A_3496 : i32
      %add3A_3498 = vector.broadcast %add3A_3497 : i32 to vector<16xi32>
      %add3A_3499 = arith.addi %mul3A_3493, %add3A_3498 : vector<16xi32>
      %add3A_3500 = arith.constant 0 : i32
      %add3A_3501 = vector.broadcast %add3A_3500 : i32 to vector<16xi32>
      %add3A_3502 = arith.addi %add3A_3501, %iota3A : vector<16xi32>
      %gather3A_3503 = arith.constant 1 : i32
      %gather3A_3504 = arith.constant 0 : i32
      %gather3A_3505 = arith.constant 0 : i32
      %gather3A_3506 = tpu.memref_slice %arg9[%gather3A_3503, %gather3A_3504, %gather3A_3505] : memref<2x128x64xf32, #tpu.memory_space<vmem>> -> memref<1x128x64xf32, #tpu.memory_space<vmem>>
      %gather3A_3507 = tpu.memref_squeeze %gather3A_3506 : memref<1x128x64xf32, #tpu.memory_space<vmem>> -> memref<128x64xf32, #tpu.memory_space<vmem>>
      %gather3A_3508 = tpu.vector_load_idx %gather3A_3507[%add3A_3502, %add3A_3499] : memref<128x64xf32, #tpu.memory_space<vmem>>[vector<16xi32>, vector<16xi32>], vector<16xf32>,
      %swap3A_3509 = arith.constant 1 : i32
      %swap3A_3510 = arith.index_cast %add3A_3490 : i32 to index
      %swap3A_3511 = arith.index_cast %select_n3A_2289 : i32 to index
      %swap3A_3512 = arith.index_cast %swap3A_3509 : i32 to index
      %swap3A_3513 = arith.constant 0 : index
      %swap3A_3514 = tpu.vector_load %arg10[%swap3A_3510, %swap3A_3511, %swap3A_3512, %swap3A_3513] {strides = array<i32>} : memref<8x4x8x128xf32, #tpu.memory_space<vmem>>, vector<16xf32>,
      tpu.vector_store %arg10[%swap3A_3510, %swap3A_3511, %swap3A_3512, %swap3A_3513], %gather3A_3508 {strides = array<i32>} : memref<8x4x8x128xf32, #tpu.memory_space<vmem>>, vector<16xf32>,
      %add3A_3515 = arith.constant 16 : i32
      %add3A_3516 = vector.broadcast %add3A_3515 : i32 to vector<16xi32>
      %add3A_3517 = arith.addi %add3A_3516, %iota3A : vector<16xi32>
      %gather3A_3518 = arith.constant 1 : i32
      %gather3A_3519 = arith.constant 0 : i32
      %gather3A_3520 = arith.constant 0 : i32
      %gather3A_3521 = tpu.memref_slice %arg9[%gather3A_3518, %gather3A_3519, %gather3A_3520] : memref<2x128x64xf32, #tpu.memory_space<vmem>> -> memref<1x128x64xf32, #tpu.memory_space<vmem>>
      %gather3A_3522 = tpu.memref_squeeze %gather3A_3521 : memref<1x128x64xf32, #tpu.memory_space<vmem>> -> memref<128x64xf32, #tpu.memory_space<vmem>>
      %gather3A_3523 = tpu.vector_load_idx %gather3A_3522[%add3A_3517, %add3A_3499] : memref<128x64xf32, #tpu.memory_space<vmem>>[vector<16xi32>, vector<16xi32>], vector<16xf32>,
      %swap3A_3524 = arith.constant 1 : i32
      %swap3A_3525 = arith.index_cast %add3A_3490 : i32 to index
      %swap3A_3526 = arith.index_cast %select_n3A_2289 : i32 to index
      %swap3A_3527 = arith.index_cast %swap3A_3524 : i32 to index
      %swap3A_3528 = arith.constant 16 : index
      %swap3A_3529 = tpu.vector_load %arg10[%swap3A_3525, %swap3A_3526, %swap3A_3527, %swap3A_3528] {strides = array<i32>} : memref<8x4x8x128xf32, #tpu.memory_space<vmem>>, vector<16xf32>,
      tpu.vector_store %arg10[%swap3A_3525, %swap3A_3526, %swap3A_3527, %swap3A_3528], %gather3A_3523 {strides = array<i32>} : memref<8x4x8x128xf32, #tpu.memory_space<vmem>>, vector<16xf32>,
      %add3A_3530 = arith.constant 32 : i32
      %add3A_3531 = vector.broadcast %add3A_3530 : i32 to vector<16xi32>
      %add3A_3532 = arith.addi %add3A_3531, %iota3A : vector<16xi32>
      %gather3A_3533 = arith.constant 1 : i32
      %gather3A_3534 = arith.constant 0 : i32
      %gather3A_3535 = arith.constant 0 : i32
      %gather3A_3536 = tpu.memref_slice %arg9[%gather3A_3533, %gather3A_3534, %gather3A_3535] : memref<2x128x64xf32, #tpu.memory_space<vmem>> -> memref<1x128x64xf32, #tpu.memory_space<vmem>>
      %gather3A_3537 = tpu.memref_squeeze %gather3A_3536 : memref<1x128x64xf32, #tpu.memory_space<vmem>> -> memref<128x64xf32, #tpu.memory_space<vmem>>
      %gather3A_3538 = tpu.vector_load_idx %gather3A_3537[%add3A_3532, %add3A_3499] : memref<128x64xf32, #tpu.memory_space<vmem>>[vector<16xi32>, vector<16xi32>], vector<16xf32>,
      %swap3A_3539 = arith.constant 1 : i32
      %swap3A_3540 = arith.index_cast %add3A_3490 : i32 to index
      %swap3A_3541 = arith.index_cast %select_n3A_2289 : i32 to index
      %swap3A_3542 = arith.index_cast %swap3A_3539 : i32 to index
      %swap3A_3543 = arith.constant 32 : index
      %swap3A_3544 = tpu.vector_load %arg10[%swap3A_3540, %swap3A_3541, %swap3A_3542, %swap3A_3543] {strides = array<i32>} : memref<8x4x8x128xf32, #tpu.memory_space<vmem>>, vector<16xf32>,
      tpu.vector_store %arg10[%swap3A_3540, %swap3A_3541, %swap3A_3542, %swap3A_3543], %gather3A_3538 {strides = array<i32>} : memref<8x4x8x128xf32, #tpu.memory_space<vmem>>, vector<16xf32>,
      %add3A_3545 = arith.constant 48 : i32
      %add3A_3546 = vector.broadcast %add3A_3545 : i32 to vector<16xi32>
      %add3A_3547 = arith.addi %add3A_3546, %iota3A : vector<16xi32>
      %gather3A_3548 = arith.constant 1 : i32
      %gather3A_3549 = arith.constant 0 : i32
      %gather3A_3550 = arith.constant 0 : i32
      %gather3A_3551 = tpu.memref_slice %arg9[%gather3A_3548, %gather3A_3549, %gather3A_3550] : memref<2x128x64xf32, #tpu.memory_space<vmem>> -> memref<1x128x64xf32, #tpu.memory_space<vmem>>
      %gather3A_3552 = tpu.memref_squeeze %gather3A_3551 : memref<1x128x64xf32, #tpu.memory_space<vmem>> -> memref<128x64xf32, #tpu.memory_space<vmem>>
      %gather3A_3553 = tpu.vector_load_idx %gather3A_3552[%add3A_3547, %add3A_3499] : memref<128x64xf32, #tpu.memory_space<vmem>>[vector<16xi32>, vector<16xi32>], vector<16xf32>,
      %swap3A_3554 = arith.constant 1 : i32
      %swap3A_3555 = arith.index_cast %add3A_3490 : i32 to index
      %swap3A_3556 = arith.index_cast %select_n3A_2289 : i32 to index
      %swap3A_3557 = arith.index_cast %swap3A_3554 : i32 to index
      %swap3A_3558 = arith.constant 48 : index
      %swap3A_3559 = tpu.vector_load %arg10[%swap3A_3555, %swap3A_3556, %swap3A_3557, %swap3A_3558] {strides = array<i32>} : memref<8x4x8x128xf32, #tpu.memory_space<vmem>>, vector<16xf32>,
      tpu.vector_store %arg10[%swap3A_3555, %swap3A_3556, %swap3A_3557, %swap3A_3558], %gather3A_3553 {strides = array<i32>} : memref<8x4x8x128xf32, #tpu.memory_space<vmem>>, vector<16xf32>,
      %add3A_3560 = arith.constant 64 : i32
      %add3A_3561 = vector.broadcast %add3A_3560 : i32 to vector<16xi32>
      %add3A_3562 = arith.addi %add3A_3561, %iota3A : vector<16xi32>
      %gather3A_3563 = arith.constant 1 : i32
      %gather3A_3564 = arith.constant 0 : i32
      %gather3A_3565 = arith.constant 0 : i32
      %gather3A_3566 = tpu.memref_slice %arg9[%gather3A_3563, %gather3A_3564, %gather3A_3565] : memref<2x128x64xf32, #tpu.memory_space<vmem>> -> memref<1x128x64xf32, #tpu.memory_space<vmem>>
      %gather3A_3567 = tpu.memref_squeeze %gather3A_3566 : memref<1x128x64xf32, #tpu.memory_space<vmem>> -> memref<128x64xf32, #tpu.memory_space<vmem>>
      %gather3A_3568 = tpu.vector_load_idx %gather3A_3567[%add3A_3562, %add3A_3499] : memref<128x64xf32, #tpu.memory_space<vmem>>[vector<16xi32>, vector<16xi32>], vector<16xf32>,
      %swap3A_3569 = arith.constant 1 : i32
      %swap3A_3570 = arith.index_cast %add3A_3490 : i32 to index
      %swap3A_3571 = arith.index_cast %select_n3A_2289 : i32 to index
      %swap3A_3572 = arith.index_cast %swap3A_3569 : i32 to index
      %swap3A_3573 = arith.constant 64 : index
      %swap3A_3574 = tpu.vector_load %arg10[%swap3A_3570, %swap3A_3571, %swap3A_3572, %swap3A_3573] {strides = array<i32>} : memref<8x4x8x128xf32, #tpu.memory_space<vmem>>, vector<16xf32>,
      tpu.vector_store %arg10[%swap3A_3570, %swap3A_3571, %swap3A_3572, %swap3A_3573], %gather3A_3568 {strides = array<i32>} : memref<8x4x8x128xf32, #tpu.memory_space<vmem>>, vector<16xf32>,
      %add3A_3575 = arith.constant 80 : i32
      %add3A_3576 = vector.broadcast %add3A_3575 : i32 to vector<16xi32>
      %add3A_3577 = arith.addi %add3A_3576, %iota3A : vector<16xi32>
      %gather3A_3578 = arith.constant 1 : i32
      %gather3A_3579 = arith.constant 0 : i32
      %gather3A_3580 = arith.constant 0 : i32
      %gather3A_3581 = tpu.memref_slice %arg9[%gather3A_3578, %gather3A_3579, %gather3A_3580] : memref<2x128x64xf32, #tpu.memory_space<vmem>> -> memref<1x128x64xf32, #tpu.memory_space<vmem>>
      %gather3A_3582 = tpu.memref_squeeze %gather3A_3581 : memref<1x128x64xf32, #tpu.memory_space<vmem>> -> memref<128x64xf32, #tpu.memory_space<vmem>>
      %gather3A_3583 = tpu.vector_load_idx %gather3A_3582[%add3A_3577, %add3A_3499] : memref<128x64xf32, #tpu.memory_space<vmem>>[vector<16xi32>, vector<16xi32>], vector<16xf32>,
      %swap3A_3584 = arith.constant 1 : i32
      %swap3A_3585 = arith.index_cast %add3A_3490 : i32 to index
      %swap3A_3586 = arith.index_cast %select_n3A_2289 : i32 to index
      %swap3A_3587 = arith.index_cast %swap3A_3584 : i32 to index
      %swap3A_3588 = arith.constant 80 : index
      %swap3A_3589 = tpu.vector_load %arg10[%swap3A_3585, %swap3A_3586, %swap3A_3587, %swap3A_3588] {strides = array<i32>} : memref<8x4x8x128xf32, #tpu.memory_space<vmem>>, vector<16xf32>,
      tpu.vector_store %arg10[%swap3A_3585, %swap3A_3586, %swap3A_3587, %swap3A_3588], %gather3A_3583 {strides = array<i32>} : memref<8x4x8x128xf32, #tpu.memory_space<vmem>>, vector<16xf32>,
      %add3A_3590 = arith.constant 96 : i32
      %add3A_3591 = vector.broadcast %add3A_3590 : i32 to vector<16xi32>
      %add3A_3592 = arith.addi %add3A_3591, %iota3A : vector<16xi32>
      %gather3A_3593 = arith.constant 1 : i32
      %gather3A_3594 = arith.constant 0 : i32
      %gather3A_3595 = arith.constant 0 : i32
      %gather3A_3596 = tpu.memref_slice %arg9[%gather3A_3593, %gather3A_3594, %gather3A_3595] : memref<2x128x64xf32, #tpu.memory_space<vmem>> -> memref<1x128x64xf32, #tpu.memory_space<vmem>>
      %gather3A_3597 = tpu.memref_squeeze %gather3A_3596 : memref<1x128x64xf32, #tpu.memory_space<vmem>> -> memref<128x64xf32, #tpu.memory_space<vmem>>
      %gather3A_3598 = tpu.vector_load_idx %gather3A_3597[%add3A_3592, %add3A_3499] : memref<128x64xf32, #tpu.memory_space<vmem>>[vector<16xi32>, vector<16xi32>], vector<16xf32>,
      %swap3A_3599 = arith.constant 1 : i32
      %swap3A_3600 = arith.index_cast %add3A_3490 : i32 to index
      %swap3A_3601 = arith.index_cast %select_n3A_2289 : i32 to index
      %swap3A_3602 = arith.index_cast %swap3A_3599 : i32 to index
      %swap3A_3603 = arith.constant 96 : index
      %swap3A_3604 = tpu.vector_load %arg10[%swap3A_3600, %swap3A_3601, %swap3A_3602, %swap3A_3603] {strides = array<i32>} : memref<8x4x8x128xf32, #tpu.memory_space<vmem>>, vector<16xf32>,
      tpu.vector_store %arg10[%swap3A_3600, %swap3A_3601, %swap3A_3602, %swap3A_3603], %gather3A_3598 {strides = array<i32>} : memref<8x4x8x128xf32, #tpu.memory_space<vmem>>, vector<16xf32>,
      %add3A_3605 = arith.constant 112 : i32
      %add3A_3606 = vector.broadcast %add3A_3605 : i32 to vector<16xi32>
      %add3A_3607 = arith.addi %add3A_3606, %iota3A : vector<16xi32>
      %gather3A_3608 = arith.constant 1 : i32
      %gather3A_3609 = arith.constant 0 : i32
      %gather3A_3610 = arith.constant 0 : i32
      %gather3A_3611 = tpu.memref_slice %arg9[%gather3A_3608, %gather3A_3609, %gather3A_3610] : memref<2x128x64xf32, #tpu.memory_space<vmem>> -> memref<1x128x64xf32, #tpu.memory_space<vmem>>
      %gather3A_3612 = tpu.memref_squeeze %gather3A_3611 : memref<1x128x64xf32, #tpu.memory_space<vmem>> -> memref<128x64xf32, #tpu.memory_space<vmem>>
      %gather3A_3613 = tpu.vector_load_idx %gather3A_3612[%add3A_3607, %add3A_3499] : memref<128x64xf32, #tpu.memory_space<vmem>>[vector<16xi32>, vector<16xi32>], vector<16xf32>,
      %swap3A_3614 = arith.constant 1 : i32
      %swap3A_3615 = arith.index_cast %add3A_3490 : i32 to index
      %swap3A_3616 = arith.index_cast %select_n3A_2289 : i32 to index
      %swap3A_3617 = arith.index_cast %swap3A_3614 : i32 to index
      %swap3A_3618 = arith.constant 112 : index
      %swap3A_3619 = tpu.vector_load %arg10[%swap3A_3615, %swap3A_3616, %swap3A_3617, %swap3A_3618] {strides = array<i32>} : memref<8x4x8x128xf32, #tpu.memory_space<vmem>>, vector<16xf32>,
      tpu.vector_store %arg10[%swap3A_3615, %swap3A_3616, %swap3A_3617, %swap3A_3618], %gather3A_3613 {strides = array<i32>} : memref<8x4x8x128xf32, #tpu.memory_space<vmem>>, vector<16xf32>,
      %mul3A_3620 = arith.constant 2 : i32
      %mul3A_3621 = arith.muli %mul3A_3620, %select_n3A_2273 : i32
      %add3A_3622 = arith.constant 1 : i32
      %add3A_3623 = arith.addi %mul3A_3621, %add3A_3622 : i32
      %mul3A_3624 = arith.constant 0 : i32
      %mul3A_3625 = vector.broadcast %mul3A_3624 : i32 to vector<16xi32>
      %mul3A_3626 = arith.muli %iota3A, %mul3A_3625 : vector<16xi32>
      %mul3A_3627 = arith.constant 16 : i32
      %mul3A_3628 = arith.muli %select_n3A_2273, %mul3A_3627 : i32
      %add3A_3629 = arith.constant 10 : i32
      %add3A_3630 = arith.addi %mul3A_3628, %add3A_3629 : i32
      %add3A_3631 = vector.broadcast %add3A_3630 : i32 to vector<16xi32>
      %add3A_3632 = arith.addi %mul3A_3626, %add3A_3631 : vector<16xi32>
      %add3A_3633 = arith.constant 0 : i32
      %add3A_3634 = vector.broadcast %add3A_3633 : i32 to vector<16xi32>
      %add3A_3635 = arith.addi %add3A_3634, %iota3A : vector<16xi32>
      %gather3A_3636 = arith.constant 1 : i32
      %gather3A_3637 = arith.constant 0 : i32
      %gather3A_3638 = arith.constant 0 : i32
      %gather3A_3639 = tpu.memref_slice %arg9[%gather3A_3636, %gather3A_3637, %gather3A_3638] : memref<2x128x64xf32, #tpu.memory_space<vmem>> -> memref<1x128x64xf32, #tpu.memory_space<vmem>>
      %gather3A_3640 = tpu.memref_squeeze %gather3A_3639 : memref<1x128x64xf32, #tpu.memory_space<vmem>> -> memref<128x64xf32, #tpu.memory_space<vmem>>
      %gather3A_3641 = tpu.vector_load_idx %gather3A_3640[%add3A_3635, %add3A_3632] : memref<128x64xf32, #tpu.memory_space<vmem>>[vector<16xi32>, vector<16xi32>], vector<16xf32>,
      %swap3A_3642 = arith.constant 2 : i32
      %swap3A_3643 = arith.index_cast %add3A_3623 : i32 to index
      %swap3A_3644 = arith.index_cast %select_n3A_2289 : i32 to index
      %swap3A_3645 = arith.index_cast %swap3A_3642 : i32 to index
      %swap3A_3646 = arith.constant 0 : index
      %swap3A_3647 = tpu.vector_load %arg10[%swap3A_3643, %swap3A_3644, %swap3A_3645, %swap3A_3646] {strides = array<i32>} : memref<8x4x8x128xf32, #tpu.memory_space<vmem>>, vector<16xf32>,
      tpu.vector_store %arg10[%swap3A_3643, %swap3A_3644, %swap3A_3645, %swap3A_3646], %gather3A_3641 {strides = array<i32>} : memref<8x4x8x128xf32, #tpu.memory_space<vmem>>, vector<16xf32>,
      %add3A_3648 = arith.constant 16 : i32
      %add3A_3649 = vector.broadcast %add3A_3648 : i32 to vector<16xi32>
      %add3A_3650 = arith.addi %add3A_3649, %iota3A : vector<16xi32>
      %gather3A_3651 = arith.constant 1 : i32
      %gather3A_3652 = arith.constant 0 : i32
      %gather3A_3653 = arith.constant 0 : i32
      %gather3A_3654 = tpu.memref_slice %arg9[%gather3A_3651, %gather3A_3652, %gather3A_3653] : memref<2x128x64xf32, #tpu.memory_space<vmem>> -> memref<1x128x64xf32, #tpu.memory_space<vmem>>
      %gather3A_3655 = tpu.memref_squeeze %gather3A_3654 : memref<1x128x64xf32, #tpu.memory_space<vmem>> -> memref<128x64xf32, #tpu.memory_space<vmem>>
      %gather3A_3656 = tpu.vector_load_idx %gather3A_3655[%add3A_3650, %add3A_3632] : memref<128x64xf32, #tpu.memory_space<vmem>>[vector<16xi32>, vector<16xi32>], vector<16xf32>,
      %swap3A_3657 = arith.constant 2 : i32
      %swap3A_3658 = arith.index_cast %add3A_3623 : i32 to index
      %swap3A_3659 = arith.index_cast %select_n3A_2289 : i32 to index
      %swap3A_3660 = arith.index_cast %swap3A_3657 : i32 to index
      %swap3A_3661 = arith.constant 16 : index
      %swap3A_3662 = tpu.vector_load %arg10[%swap3A_3658, %swap3A_3659, %swap3A_3660, %swap3A_3661] {strides = array<i32>} : memref<8x4x8x128xf32, #tpu.memory_space<vmem>>, vector<16xf32>,
      tpu.vector_store %arg10[%swap3A_3658, %swap3A_3659, %swap3A_3660, %swap3A_3661], %gather3A_3656 {strides = array<i32>} : memref<8x4x8x128xf32, #tpu.memory_space<vmem>>, vector<16xf32>,
      %add3A_3663 = arith.constant 32 : i32
      %add3A_3664 = vector.broadcast %add3A_3663 : i32 to vector<16xi32>
      %add3A_3665 = arith.addi %add3A_3664, %iota3A : vector<16xi32>
      %gather3A_3666 = arith.constant 1 : i32
      %gather3A_3667 = arith.constant 0 : i32
      %gather3A_3668 = arith.constant 0 : i32
      %gather3A_3669 = tpu.memref_slice %arg9[%gather3A_3666, %gather3A_3667, %gather3A_3668] : memref<2x128x64xf32, #tpu.memory_space<vmem>> -> memref<1x128x64xf32, #tpu.memory_space<vmem>>
      %gather3A_3670 = tpu.memref_squeeze %gather3A_3669 : memref<1x128x64xf32, #tpu.memory_space<vmem>> -> memref<128x64xf32, #tpu.memory_space<vmem>>
      %gather3A_3671 = tpu.vector_load_idx %gather3A_3670[%add3A_3665, %add3A_3632] : memref<128x64xf32, #tpu.memory_space<vmem>>[vector<16xi32>, vector<16xi32>], vector<16xf32>,
      %swap3A_3672 = arith.constant 2 : i32
      %swap3A_3673 = arith.index_cast %add3A_3623 : i32 to index
      %swap3A_3674 = arith.index_cast %select_n3A_2289 : i32 to index
      %swap3A_3675 = arith.index_cast %swap3A_3672 : i32 to index
      %swap3A_3676 = arith.constant 32 : index
      %swap3A_3677 = tpu.vector_load %arg10[%swap3A_3673, %swap3A_3674, %swap3A_3675, %swap3A_3676] {strides = array<i32>} : memref<8x4x8x128xf32, #tpu.memory_space<vmem>>, vector<16xf32>,
      tpu.vector_store %arg10[%swap3A_3673, %swap3A_3674, %swap3A_3675, %swap3A_3676], %gather3A_3671 {strides = array<i32>} : memref<8x4x8x128xf32, #tpu.memory_space<vmem>>, vector<16xf32>,
      %add3A_3678 = arith.constant 48 : i32
      %add3A_3679 = vector.broadcast %add3A_3678 : i32 to vector<16xi32>
      %add3A_3680 = arith.addi %add3A_3679, %iota3A : vector<16xi32>
      %gather3A_3681 = arith.constant 1 : i32
      %gather3A_3682 = arith.constant 0 : i32
      %gather3A_3683 = arith.constant 0 : i32
      %gather3A_3684 = tpu.memref_slice %arg9[%gather3A_3681, %gather3A_3682, %gather3A_3683] : memref<2x128x64xf32, #tpu.memory_space<vmem>> -> memref<1x128x64xf32, #tpu.memory_space<vmem>>
      %gather3A_3685 = tpu.memref_squeeze %gather3A_3684 : memref<1x128x64xf32, #tpu.memory_space<vmem>> -> memref<128x64xf32, #tpu.memory_space<vmem>>
      %gather3A_3686 = tpu.vector_load_idx %gather3A_3685[%add3A_3680, %add3A_3632] : memref<128x64xf32, #tpu.memory_space<vmem>>[vector<16xi32>, vector<16xi32>], vector<16xf32>,
      %swap3A_3687 = arith.constant 2 : i32
      %swap3A_3688 = arith.index_cast %add3A_3623 : i32 to index
      %swap3A_3689 = arith.index_cast %select_n3A_2289 : i32 to index
      %swap3A_3690 = arith.index_cast %swap3A_3687 : i32 to index
      %swap3A_3691 = arith.constant 48 : index
      %swap3A_3692 = tpu.vector_load %arg10[%swap3A_3688, %swap3A_3689, %swap3A_3690, %swap3A_3691] {strides = array<i32>} : memref<8x4x8x128xf32, #tpu.memory_space<vmem>>, vector<16xf32>,
      tpu.vector_store %arg10[%swap3A_3688, %swap3A_3689, %swap3A_3690, %swap3A_3691], %gather3A_3686 {strides = array<i32>} : memref<8x4x8x128xf32, #tpu.memory_space<vmem>>, vector<16xf32>,
      %add3A_3693 = arith.constant 64 : i32
      %add3A_3694 = vector.broadcast %add3A_3693 : i32 to vector<16xi32>
      %add3A_3695 = arith.addi %add3A_3694, %iota3A : vector<16xi32>
      %gather3A_3696 = arith.constant 1 : i32
      %gather3A_3697 = arith.constant 0 : i32
      %gather3A_3698 = arith.constant 0 : i32
      %gather3A_3699 = tpu.memref_slice %arg9[%gather3A_3696, %gather3A_3697, %gather3A_3698] : memref<2x128x64xf32, #tpu.memory_space<vmem>> -> memref<1x128x64xf32, #tpu.memory_space<vmem>>
      %gather3A_3700 = tpu.memref_squeeze %gather3A_3699 : memref<1x128x64xf32, #tpu.memory_space<vmem>> -> memref<128x64xf32, #tpu.memory_space<vmem>>
      %gather3A_3701 = tpu.vector_load_idx %gather3A_3700[%add3A_3695, %add3A_3632] : memref<128x64xf32, #tpu.memory_space<vmem>>[vector<16xi32>, vector<16xi32>], vector<16xf32>,
      %swap3A_3702 = arith.constant 2 : i32
      %swap3A_3703 = arith.index_cast %add3A_3623 : i32 to index
      %swap3A_3704 = arith.index_cast %select_n3A_2289 : i32 to index
      %swap3A_3705 = arith.index_cast %swap3A_3702 : i32 to index
      %swap3A_3706 = arith.constant 64 : index
      %swap3A_3707 = tpu.vector_load %arg10[%swap3A_3703, %swap3A_3704, %swap3A_3705, %swap3A_3706] {strides = array<i32>} : memref<8x4x8x128xf32, #tpu.memory_space<vmem>>, vector<16xf32>,
      tpu.vector_store %arg10[%swap3A_3703, %swap3A_3704, %swap3A_3705, %swap3A_3706], %gather3A_3701 {strides = array<i32>} : memref<8x4x8x128xf32, #tpu.memory_space<vmem>>, vector<16xf32>,
      %add3A_3708 = arith.constant 80 : i32
      %add3A_3709 = vector.broadcast %add3A_3708 : i32 to vector<16xi32>
      %add3A_3710 = arith.addi %add3A_3709, %iota3A : vector<16xi32>
      %gather3A_3711 = arith.constant 1 : i32
      %gather3A_3712 = arith.constant 0 : i32
      %gather3A_3713 = arith.constant 0 : i32
      %gather3A_3714 = tpu.memref_slice %arg9[%gather3A_3711, %gather3A_3712, %gather3A_3713] : memref<2x128x64xf32, #tpu.memory_space<vmem>> -> memref<1x128x64xf32, #tpu.memory_space<vmem>>
      %gather3A_3715 = tpu.memref_squeeze %gather3A_3714 : memref<1x128x64xf32, #tpu.memory_space<vmem>> -> memref<128x64xf32, #tpu.memory_space<vmem>>
      %gather3A_3716 = tpu.vector_load_idx %gather3A_3715[%add3A_3710, %add3A_3632] : memref<128x64xf32, #tpu.memory_space<vmem>>[vector<16xi32>, vector<16xi32>], vector<16xf32>,
      %swap3A_3717 = arith.constant 2 : i32
      %swap3A_3718 = arith.index_cast %add3A_3623 : i32 to index
      %swap3A_3719 = arith.index_cast %select_n3A_2289 : i32 to index
      %swap3A_3720 = arith.index_cast %swap3A_3717 : i32 to index
      %swap3A_3721 = arith.constant 80 : index
      %swap3A_3722 = tpu.vector_load %arg10[%swap3A_3718, %swap3A_3719, %swap3A_3720, %swap3A_3721] {strides = array<i32>} : memref<8x4x8x128xf32, #tpu.memory_space<vmem>>, vector<16xf32>,
      tpu.vector_store %arg10[%swap3A_3718, %swap3A_3719, %swap3A_3720, %swap3A_3721], %gather3A_3716 {strides = array<i32>} : memref<8x4x8x128xf32, #tpu.memory_space<vmem>>, vector<16xf32>,
      %add3A_3723 = arith.constant 96 : i32
      %add3A_3724 = vector.broadcast %add3A_3723 : i32 to vector<16xi32>
      %add3A_3725 = arith.addi %add3A_3724, %iota3A : vector<16xi32>
      %gather3A_3726 = arith.constant 1 : i32
      %gather3A_3727 = arith.constant 0 : i32
      %gather3A_3728 = arith.constant 0 : i32
      %gather3A_3729 = tpu.memref_slice %arg9[%gather3A_3726, %gather3A_3727, %gather3A_3728] : memref<2x128x64xf32, #tpu.memory_space<vmem>> -> memref<1x128x64xf32, #tpu.memory_space<vmem>>
      %gather3A_3730 = tpu.memref_squeeze %gather3A_3729 : memref<1x128x64xf32, #tpu.memory_space<vmem>> -> memref<128x64xf32, #tpu.memory_space<vmem>>
      %gather3A_3731 = tpu.vector_load_idx %gather3A_3730[%add3A_3725, %add3A_3632] : memref<128x64xf32, #tpu.memory_space<vmem>>[vector<16xi32>, vector<16xi32>], vector<16xf32>,
      %swap3A_3732 = arith.constant 2 : i32
      %swap3A_3733 = arith.index_cast %add3A_3623 : i32 to index
      %swap3A_3734 = arith.index_cast %select_n3A_2289 : i32 to index
      %swap3A_3735 = arith.index_cast %swap3A_3732 : i32 to index
      %swap3A_3736 = arith.constant 96 : index
      %swap3A_3737 = tpu.vector_load %arg10[%swap3A_3733, %swap3A_3734, %swap3A_3735, %swap3A_3736] {strides = array<i32>} : memref<8x4x8x128xf32, #tpu.memory_space<vmem>>, vector<16xf32>,
      tpu.vector_store %arg10[%swap3A_3733, %swap3A_3734, %swap3A_3735, %swap3A_3736], %gather3A_3731 {strides = array<i32>} : memref<8x4x8x128xf32, #tpu.memory_space<vmem>>, vector<16xf32>,
      %add3A_3738 = arith.constant 112 : i32
      %add3A_3739 = vector.broadcast %add3A_3738 : i32 to vector<16xi32>
      %add3A_3740 = arith.addi %add3A_3739, %iota3A : vector<16xi32>
      %gather3A_3741 = arith.constant 1 : i32
      %gather3A_3742 = arith.constant 0 : i32
      %gather3A_3743 = arith.constant 0 : i32
      %gather3A_3744 = tpu.memref_slice %arg9[%gather3A_3741, %gather3A_3742, %gather3A_3743] : memref<2x128x64xf32, #tpu.memory_space<vmem>> -> memref<1x128x64xf32, #tpu.memory_space<vmem>>
      %gather3A_3745 = tpu.memref_squeeze %gather3A_3744 : memref<1x128x64xf32, #tpu.memory_space<vmem>> -> memref<128x64xf32, #tpu.memory_space<vmem>>
      %gather3A_3746 = tpu.vector_load_idx %gather3A_3745[%add3A_3740, %add3A_3632] : memref<128x64xf32, #tpu.memory_space<vmem>>[vector<16xi32>, vector<16xi32>], vector<16xf32>,
      %swap3A_3747 = arith.constant 2 : i32
      %swap3A_3748 = arith.index_cast %add3A_3623 : i32 to index
      %swap3A_3749 = arith.index_cast %select_n3A_2289 : i32 to index
      %swap3A_3750 = arith.index_cast %swap3A_3747 : i32 to index
      %swap3A_3751 = arith.constant 112 : index
      %swap3A_3752 = tpu.vector_load %arg10[%swap3A_3748, %swap3A_3749, %swap3A_3750, %swap3A_3751] {strides = array<i32>} : memref<8x4x8x128xf32, #tpu.memory_space<vmem>>, vector<16xf32>,
      tpu.vector_store %arg10[%swap3A_3748, %swap3A_3749, %swap3A_3750, %swap3A_3751], %gather3A_3746 {strides = array<i32>} : memref<8x4x8x128xf32, #tpu.memory_space<vmem>>, vector<16xf32>,
      %mul3A_3753 = arith.constant 2 : i32
      %mul3A_3754 = arith.muli %mul3A_3753, %select_n3A_2273 : i32
      %add3A_3755 = arith.constant 1 : i32
      %add3A_3756 = arith.addi %mul3A_3754, %add3A_3755 : i32
      %mul3A_3757 = arith.constant 0 : i32
      %mul3A_3758 = vector.broadcast %mul3A_3757 : i32 to vector<16xi32>
      %mul3A_3759 = arith.muli %iota3A, %mul3A_3758 : vector<16xi32>
      %mul3A_3760 = arith.constant 16 : i32
      %mul3A_3761 = arith.muli %select_n3A_2273, %mul3A_3760 : i32
      %add3A_3762 = arith.constant 11 : i32
      %add3A_3763 = arith.addi %mul3A_3761, %add3A_3762 : i32
      %add3A_3764 = vector.broadcast %add3A_3763 : i32 to vector<16xi32>
      %add3A_3765 = arith.addi %mul3A_3759, %add3A_3764 : vector<16xi32>
      %add3A_3766 = arith.constant 0 : i32
      %add3A_3767 = vector.broadcast %add3A_3766 : i32 to vector<16xi32>
      %add3A_3768 = arith.addi %add3A_3767, %iota3A : vector<16xi32>
      %gather3A_3769 = arith.constant 1 : i32
      %gather3A_3770 = arith.constant 0 : i32
      %gather3A_3771 = arith.constant 0 : i32
      %gather3A_3772 = tpu.memref_slice %arg9[%gather3A_3769, %gather3A_3770, %gather3A_3771] : memref<2x128x64xf32, #tpu.memory_space<vmem>> -> memref<1x128x64xf32, #tpu.memory_space<vmem>>
      %gather3A_3773 = tpu.memref_squeeze %gather3A_3772 : memref<1x128x64xf32, #tpu.memory_space<vmem>> -> memref<128x64xf32, #tpu.memory_space<vmem>>
      %gather3A_3774 = tpu.vector_load_idx %gather3A_3773[%add3A_3768, %add3A_3765] : memref<128x64xf32, #tpu.memory_space<vmem>>[vector<16xi32>, vector<16xi32>], vector<16xf32>,
      %swap3A_3775 = arith.constant 3 : i32
      %swap3A_3776 = arith.index_cast %add3A_3756 : i32 to index
      %swap3A_3777 = arith.index_cast %select_n3A_2289 : i32 to index
      %swap3A_3778 = arith.index_cast %swap3A_3775 : i32 to index
      %swap3A_3779 = arith.constant 0 : index
      %swap3A_3780 = tpu.vector_load %arg10[%swap3A_3776, %swap3A_3777, %swap3A_3778, %swap3A_3779] {strides = array<i32>} : memref<8x4x8x128xf32, #tpu.memory_space<vmem>>, vector<16xf32>,
      tpu.vector_store %arg10[%swap3A_3776, %swap3A_3777, %swap3A_3778, %swap3A_3779], %gather3A_3774 {strides = array<i32>} : memref<8x4x8x128xf32, #tpu.memory_space<vmem>>, vector<16xf32>,
      %add3A_3781 = arith.constant 16 : i32
      %add3A_3782 = vector.broadcast %add3A_3781 : i32 to vector<16xi32>
      %add3A_3783 = arith.addi %add3A_3782, %iota3A : vector<16xi32>
      %gather3A_3784 = arith.constant 1 : i32
      %gather3A_3785 = arith.constant 0 : i32
      %gather3A_3786 = arith.constant 0 : i32
      %gather3A_3787 = tpu.memref_slice %arg9[%gather3A_3784, %gather3A_3785, %gather3A_3786] : memref<2x128x64xf32, #tpu.memory_space<vmem>> -> memref<1x128x64xf32, #tpu.memory_space<vmem>>
      %gather3A_3788 = tpu.memref_squeeze %gather3A_3787 : memref<1x128x64xf32, #tpu.memory_space<vmem>> -> memref<128x64xf32, #tpu.memory_space<vmem>>
      %gather3A_3789 = tpu.vector_load_idx %gather3A_3788[%add3A_3783, %add3A_3765] : memref<128x64xf32, #tpu.memory_space<vmem>>[vector<16xi32>, vector<16xi32>], vector<16xf32>,
      %swap3A_3790 = arith.constant 3 : i32
      %swap3A_3791 = arith.index_cast %add3A_3756 : i32 to index
      %swap3A_3792 = arith.index_cast %select_n3A_2289 : i32 to index
      %swap3A_3793 = arith.index_cast %swap3A_3790 : i32 to index
      %swap3A_3794 = arith.constant 16 : index
      %swap3A_3795 = tpu.vector_load %arg10[%swap3A_3791, %swap3A_3792, %swap3A_3793, %swap3A_3794] {strides = array<i32>} : memref<8x4x8x128xf32, #tpu.memory_space<vmem>>, vector<16xf32>,
      tpu.vector_store %arg10[%swap3A_3791, %swap3A_3792, %swap3A_3793, %swap3A_3794], %gather3A_3789 {strides = array<i32>} : memref<8x4x8x128xf32, #tpu.memory_space<vmem>>, vector<16xf32>,
      %add3A_3796 = arith.constant 32 : i32
      %add3A_3797 = vector.broadcast %add3A_3796 : i32 to vector<16xi32>
      %add3A_3798 = arith.addi %add3A_3797, %iota3A : vector<16xi32>
      %gather3A_3799 = arith.constant 1 : i32
      %gather3A_3800 = arith.constant 0 : i32
      %gather3A_3801 = arith.constant 0 : i32
      %gather3A_3802 = tpu.memref_slice %arg9[%gather3A_3799, %gather3A_3800, %gather3A_3801] : memref<2x128x64xf32, #tpu.memory_space<vmem>> -> memref<1x128x64xf32, #tpu.memory_space<vmem>>
      %gather3A_3803 = tpu.memref_squeeze %gather3A_3802 : memref<1x128x64xf32, #tpu.memory_space<vmem>> -> memref<128x64xf32, #tpu.memory_space<vmem>>
      %gather3A_3804 = tpu.vector_load_idx %gather3A_3803[%add3A_3798, %add3A_3765] : memref<128x64xf32, #tpu.memory_space<vmem>>[vector<16xi32>, vector<16xi32>], vector<16xf32>,
      %swap3A_3805 = arith.constant 3 : i32
      %swap3A_3806 = arith.index_cast %add3A_3756 : i32 to index
      %swap3A_3807 = arith.index_cast %select_n3A_2289 : i32 to index
      %swap3A_3808 = arith.index_cast %swap3A_3805 : i32 to index
      %swap3A_3809 = arith.constant 32 : index
      %swap3A_3810 = tpu.vector_load %arg10[%swap3A_3806, %swap3A_3807, %swap3A_3808, %swap3A_3809] {strides = array<i32>} : memref<8x4x8x128xf32, #tpu.memory_space<vmem>>, vector<16xf32>,
      tpu.vector_store %arg10[%swap3A_3806, %swap3A_3807, %swap3A_3808, %swap3A_3809], %gather3A_3804 {strides = array<i32>} : memref<8x4x8x128xf32, #tpu.memory_space<vmem>>, vector<16xf32>,
      %add3A_3811 = arith.constant 48 : i32
      %add3A_3812 = vector.broadcast %add3A_3811 : i32 to vector<16xi32>
      %add3A_3813 = arith.addi %add3A_3812, %iota3A : vector<16xi32>
      %gather3A_3814 = arith.constant 1 : i32
      %gather3A_3815 = arith.constant 0 : i32
      %gather3A_3816 = arith.constant 0 : i32
      %gather3A_3817 = tpu.memref_slice %arg9[%gather3A_3814, %gather3A_3815, %gather3A_3816] : memref<2x128x64xf32, #tpu.memory_space<vmem>> -> memref<1x128x64xf32, #tpu.memory_space<vmem>>
      %gather3A_3818 = tpu.memref_squeeze %gather3A_3817 : memref<1x128x64xf32, #tpu.memory_space<vmem>> -> memref<128x64xf32, #tpu.memory_space<vmem>>
      %gather3A_3819 = tpu.vector_load_idx %gather3A_3818[%add3A_3813, %add3A_3765] : memref<128x64xf32, #tpu.memory_space<vmem>>[vector<16xi32>, vector<16xi32>], vector<16xf32>,
      %swap3A_3820 = arith.constant 3 : i32
      %swap3A_3821 = arith.index_cast %add3A_3756 : i32 to index
      %swap3A_3822 = arith.index_cast %select_n3A_2289 : i32 to index
      %swap3A_3823 = arith.index_cast %swap3A_3820 : i32 to index
      %swap3A_3824 = arith.constant 48 : index
      %swap3A_3825 = tpu.vector_load %arg10[%swap3A_3821, %swap3A_3822, %swap3A_3823, %swap3A_3824] {strides = array<i32>} : memref<8x4x8x128xf32, #tpu.memory_space<vmem>>, vector<16xf32>,
      tpu.vector_store %arg10[%swap3A_3821, %swap3A_3822, %swap3A_3823, %swap3A_3824], %gather3A_3819 {strides = array<i32>} : memref<8x4x8x128xf32, #tpu.memory_space<vmem>>, vector<16xf32>,
      %add3A_3826 = arith.constant 64 : i32
      %add3A_3827 = vector.broadcast %add3A_3826 : i32 to vector<16xi32>
      %add3A_3828 = arith.addi %add3A_3827, %iota3A : vector<16xi32>
      %gather3A_3829 = arith.constant 1 : i32
      %gather3A_3830 = arith.constant 0 : i32
      %gather3A_3831 = arith.constant 0 : i32
      %gather3A_3832 = tpu.memref_slice %arg9[%gather3A_3829, %gather3A_3830, %gather3A_3831] : memref<2x128x64xf32, #tpu.memory_space<vmem>> -> memref<1x128x64xf32, #tpu.memory_space<vmem>>
      %gather3A_3833 = tpu.memref_squeeze %gather3A_3832 : memref<1x128x64xf32, #tpu.memory_space<vmem>> -> memref<128x64xf32, #tpu.memory_space<vmem>>
      %gather3A_3834 = tpu.vector_load_idx %gather3A_3833[%add3A_3828, %add3A_3765] : memref<128x64xf32, #tpu.memory_space<vmem>>[vector<16xi32>, vector<16xi32>], vector<16xf32>,
      %swap3A_3835 = arith.constant 3 : i32
      %swap3A_3836 = arith.index_cast %add3A_3756 : i32 to index
      %swap3A_3837 = arith.index_cast %select_n3A_2289 : i32 to index
      %swap3A_3838 = arith.index_cast %swap3A_3835 : i32 to index
      %swap3A_3839 = arith.constant 64 : index
      %swap3A_3840 = tpu.vector_load %arg10[%swap3A_3836, %swap3A_3837, %swap3A_3838, %swap3A_3839] {strides = array<i32>} : memref<8x4x8x128xf32, #tpu.memory_space<vmem>>, vector<16xf32>,
      tpu.vector_store %arg10[%swap3A_3836, %swap3A_3837, %swap3A_3838, %swap3A_3839], %gather3A_3834 {strides = array<i32>} : memref<8x4x8x128xf32, #tpu.memory_space<vmem>>, vector<16xf32>,
      %add3A_3841 = arith.constant 80 : i32
      %add3A_3842 = vector.broadcast %add3A_3841 : i32 to vector<16xi32>
      %add3A_3843 = arith.addi %add3A_3842, %iota3A : vector<16xi32>
      %gather3A_3844 = arith.constant 1 : i32
      %gather3A_3845 = arith.constant 0 : i32
      %gather3A_3846 = arith.constant 0 : i32
      %gather3A_3847 = tpu.memref_slice %arg9[%gather3A_3844, %gather3A_3845, %gather3A_3846] : memref<2x128x64xf32, #tpu.memory_space<vmem>> -> memref<1x128x64xf32, #tpu.memory_space<vmem>>
      %gather3A_3848 = tpu.memref_squeeze %gather3A_3847 : memref<1x128x64xf32, #tpu.memory_space<vmem>> -> memref<128x64xf32, #tpu.memory_space<vmem>>
      %gather3A_3849 = tpu.vector_load_idx %gather3A_3848[%add3A_3843, %add3A_3765] : memref<128x64xf32, #tpu.memory_space<vmem>>[vector<16xi32>, vector<16xi32>], vector<16xf32>,
      %swap3A_3850 = arith.constant 3 : i32
      %swap3A_3851 = arith.index_cast %add3A_3756 : i32 to index
      %swap3A_3852 = arith.index_cast %select_n3A_2289 : i32 to index
      %swap3A_3853 = arith.index_cast %swap3A_3850 : i32 to index
      %swap3A_3854 = arith.constant 80 : index
      %swap3A_3855 = tpu.vector_load %arg10[%swap3A_3851, %swap3A_3852, %swap3A_3853, %swap3A_3854] {strides = array<i32>} : memref<8x4x8x128xf32, #tpu.memory_space<vmem>>, vector<16xf32>,
      tpu.vector_store %arg10[%swap3A_3851, %swap3A_3852, %swap3A_3853, %swap3A_3854], %gather3A_3849 {strides = array<i32>} : memref<8x4x8x128xf32, #tpu.memory_space<vmem>>, vector<16xf32>,
      %add3A_3856 = arith.constant 96 : i32
      %add3A_3857 = vector.broadcast %add3A_3856 : i32 to vector<16xi32>
      %add3A_3858 = arith.addi %add3A_3857, %iota3A : vector<16xi32>
      %gather3A_3859 = arith.constant 1 : i32
      %gather3A_3860 = arith.constant 0 : i32
      %gather3A_3861 = arith.constant 0 : i32
      %gather3A_3862 = tpu.memref_slice %arg9[%gather3A_3859, %gather3A_3860, %gather3A_3861] : memref<2x128x64xf32, #tpu.memory_space<vmem>> -> memref<1x128x64xf32, #tpu.memory_space<vmem>>
      %gather3A_3863 = tpu.memref_squeeze %gather3A_3862 : memref<1x128x64xf32, #tpu.memory_space<vmem>> -> memref<128x64xf32, #tpu.memory_space<vmem>>
      %gather3A_3864 = tpu.vector_load_idx %gather3A_3863[%add3A_3858, %add3A_3765] : memref<128x64xf32, #tpu.memory_space<vmem>>[vector<16xi32>, vector<16xi32>], vector<16xf32>,
      %swap3A_3865 = arith.constant 3 : i32
      %swap3A_3866 = arith.index_cast %add3A_3756 : i32 to index
      %swap3A_3867 = arith.index_cast %select_n3A_2289 : i32 to index
      %swap3A_3868 = arith.index_cast %swap3A_3865 : i32 to index
      %swap3A_3869 = arith.constant 96 : index
      %swap3A_3870 = tpu.vector_load %arg10[%swap3A_3866, %swap3A_3867, %swap3A_3868, %swap3A_3869] {strides = array<i32>} : memref<8x4x8x128xf32, #tpu.memory_space<vmem>>, vector<16xf32>,
      tpu.vector_store %arg10[%swap3A_3866, %swap3A_3867, %swap3A_3868, %swap3A_3869], %gather3A_3864 {strides = array<i32>} : memref<8x4x8x128xf32, #tpu.memory_space<vmem>>, vector<16xf32>,
      %add3A_3871 = arith.constant 112 : i32
      %add3A_3872 = vector.broadcast %add3A_3871 : i32 to vector<16xi32>
      %add3A_3873 = arith.addi %add3A_3872, %iota3A : vector<16xi32>
      %gather3A_3874 = arith.constant 1 : i32
      %gather3A_3875 = arith.constant 0 : i32
      %gather3A_3876 = arith.constant 0 : i32
      %gather3A_3877 = tpu.memref_slice %arg9[%gather3A_3874, %gather3A_3875, %gather3A_3876] : memref<2x128x64xf32, #tpu.memory_space<vmem>> -> memref<1x128x64xf32, #tpu.memory_space<vmem>>
      %gather3A_3878 = tpu.memref_squeeze %gather3A_3877 : memref<1x128x64xf32, #tpu.memory_space<vmem>> -> memref<128x64xf32, #tpu.memory_space<vmem>>
      %gather3A_3879 = tpu.vector_load_idx %gather3A_3878[%add3A_3873, %add3A_3765] : memref<128x64xf32, #tpu.memory_space<vmem>>[vector<16xi32>, vector<16xi32>], vector<16xf32>,
      %swap3A_3880 = arith.constant 3 : i32
      %swap3A_3881 = arith.index_cast %add3A_3756 : i32 to index
      %swap3A_3882 = arith.index_cast %select_n3A_2289 : i32 to index
      %swap3A_3883 = arith.index_cast %swap3A_3880 : i32 to index
      %swap3A_3884 = arith.constant 112 : index
      %swap3A_3885 = tpu.vector_load %arg10[%swap3A_3881, %swap3A_3882, %swap3A_3883, %swap3A_3884] {strides = array<i32>} : memref<8x4x8x128xf32, #tpu.memory_space<vmem>>, vector<16xf32>,
      tpu.vector_store %arg10[%swap3A_3881, %swap3A_3882, %swap3A_3883, %swap3A_3884], %gather3A_3879 {strides = array<i32>} : memref<8x4x8x128xf32, #tpu.memory_space<vmem>>, vector<16xf32>,
      %mul3A_3886 = arith.constant 2 : i32
      %mul3A_3887 = arith.muli %mul3A_3886, %select_n3A_2273 : i32
      %add3A_3888 = arith.constant 1 : i32
      %add3A_3889 = arith.addi %mul3A_3887, %add3A_3888 : i32
      %mul3A_3890 = arith.constant 0 : i32
      %mul3A_3891 = vector.broadcast %mul3A_3890 : i32 to vector<16xi32>
      %mul3A_3892 = arith.muli %iota3A, %mul3A_3891 : vector<16xi32>
      %mul3A_3893 = arith.constant 16 : i32
      %mul3A_3894 = arith.muli %select_n3A_2273, %mul3A_3893 : i32
      %add3A_3895 = arith.constant 12 : i32
      %add3A_3896 = arith.addi %mul3A_3894, %add3A_3895 : i32
      %add3A_3897 = vector.broadcast %add3A_3896 : i32 to vector<16xi32>
      %add3A_3898 = arith.addi %mul3A_3892, %add3A_3897 : vector<16xi32>
      %add3A_3899 = arith.constant 0 : i32
      %add3A_3900 = vector.broadcast %add3A_3899 : i32 to vector<16xi32>
      %add3A_3901 = arith.addi %add3A_3900, %iota3A : vector<16xi32>
      %gather3A_3902 = arith.constant 1 : i32
      %gather3A_3903 = arith.constant 0 : i32
      %gather3A_3904 = arith.constant 0 : i32
      %gather3A_3905 = tpu.memref_slice %arg9[%gather3A_3902, %gather3A_3903, %gather3A_3904] : memref<2x128x64xf32, #tpu.memory_space<vmem>> -> memref<1x128x64xf32, #tpu.memory_space<vmem>>
      %gather3A_3906 = tpu.memref_squeeze %gather3A_3905 : memref<1x128x64xf32, #tpu.memory_space<vmem>> -> memref<128x64xf32, #tpu.memory_space<vmem>>
      %gather3A_3907 = tpu.vector_load_idx %gather3A_3906[%add3A_3901, %add3A_3898] : memref<128x64xf32, #tpu.memory_space<vmem>>[vector<16xi32>, vector<16xi32>], vector<16xf32>,
      %swap3A_3908 = arith.constant 4 : i32
      %swap3A_3909 = arith.index_cast %add3A_3889 : i32 to index
      %swap3A_3910 = arith.index_cast %select_n3A_2289 : i32 to index
      %swap3A_3911 = arith.index_cast %swap3A_3908 : i32 to index
      %swap3A_3912 = arith.constant 0 : index
      %swap3A_3913 = tpu.vector_load %arg10[%swap3A_3909, %swap3A_3910, %swap3A_3911, %swap3A_3912] {strides = array<i32>} : memref<8x4x8x128xf32, #tpu.memory_space<vmem>>, vector<16xf32>,
      tpu.vector_store %arg10[%swap3A_3909, %swap3A_3910, %swap3A_3911, %swap3A_3912], %gather3A_3907 {strides = array<i32>} : memref<8x4x8x128xf32, #tpu.memory_space<vmem>>, vector<16xf32>,
      %add3A_3914 = arith.constant 16 : i32
      %add3A_3915 = vector.broadcast %add3A_3914 : i32 to vector<16xi32>
      %add3A_3916 = arith.addi %add3A_3915, %iota3A : vector<16xi32>
      %gather3A_3917 = arith.constant 1 : i32
      %gather3A_3918 = arith.constant 0 : i32
      %gather3A_3919 = arith.constant 0 : i32
      %gather3A_3920 = tpu.memref_slice %arg9[%gather3A_3917, %gather3A_3918, %gather3A_3919] : memref<2x128x64xf32, #tpu.memory_space<vmem>> -> memref<1x128x64xf32, #tpu.memory_space<vmem>>
      %gather3A_3921 = tpu.memref_squeeze %gather3A_3920 : memref<1x128x64xf32, #tpu.memory_space<vmem>> -> memref<128x64xf32, #tpu.memory_space<vmem>>
      %gather3A_3922 = tpu.vector_load_idx %gather3A_3921[%add3A_3916, %add3A_3898] : memref<128x64xf32, #tpu.memory_space<vmem>>[vector<16xi32>, vector<16xi32>], vector<16xf32>,
      %swap3A_3923 = arith.constant 4 : i32
      %swap3A_3924 = arith.index_cast %add3A_3889 : i32 to index
      %swap3A_3925 = arith.index_cast %select_n3A_2289 : i32 to index
      %swap3A_3926 = arith.index_cast %swap3A_3923 : i32 to index
      %swap3A_3927 = arith.constant 16 : index
      %swap3A_3928 = tpu.vector_load %arg10[%swap3A_3924, %swap3A_3925, %swap3A_3926, %swap3A_3927] {strides = array<i32>} : memref<8x4x8x128xf32, #tpu.memory_space<vmem>>, vector<16xf32>,
      tpu.vector_store %arg10[%swap3A_3924, %swap3A_3925, %swap3A_3926, %swap3A_3927], %gather3A_3922 {strides = array<i32>} : memref<8x4x8x128xf32, #tpu.memory_space<vmem>>, vector<16xf32>,
      %add3A_3929 = arith.constant 32 : i32
      %add3A_3930 = vector.broadcast %add3A_3929 : i32 to vector<16xi32>
      %add3A_3931 = arith.addi %add3A_3930, %iota3A : vector<16xi32>
      %gather3A_3932 = arith.constant 1 : i32
      %gather3A_3933 = arith.constant 0 : i32
      %gather3A_3934 = arith.constant 0 : i32
      %gather3A_3935 = tpu.memref_slice %arg9[%gather3A_3932, %gather3A_3933, %gather3A_3934] : memref<2x128x64xf32, #tpu.memory_space<vmem>> -> memref<1x128x64xf32, #tpu.memory_space<vmem>>
      %gather3A_3936 = tpu.memref_squeeze %gather3A_3935 : memref<1x128x64xf32, #tpu.memory_space<vmem>> -> memref<128x64xf32, #tpu.memory_space<vmem>>
      %gather3A_3937 = tpu.vector_load_idx %gather3A_3936[%add3A_3931, %add3A_3898] : memref<128x64xf32, #tpu.memory_space<vmem>>[vector<16xi32>, vector<16xi32>], vector<16xf32>,
      %swap3A_3938 = arith.constant 4 : i32
      %swap3A_3939 = arith.index_cast %add3A_3889 : i32 to index
      %swap3A_3940 = arith.index_cast %select_n3A_2289 : i32 to index
      %swap3A_3941 = arith.index_cast %swap3A_3938 : i32 to index
      %swap3A_3942 = arith.constant 32 : index
      %swap3A_3943 = tpu.vector_load %arg10[%swap3A_3939, %swap3A_3940, %swap3A_3941, %swap3A_3942] {strides = array<i32>} : memref<8x4x8x128xf32, #tpu.memory_space<vmem>>, vector<16xf32>,
      tpu.vector_store %arg10[%swap3A_3939, %swap3A_3940, %swap3A_3941, %swap3A_3942], %gather3A_3937 {strides = array<i32>} : memref<8x4x8x128xf32, #tpu.memory_space<vmem>>, vector<16xf32>,
      %add3A_3944 = arith.constant 48 : i32
      %add3A_3945 = vector.broadcast %add3A_3944 : i32 to vector<16xi32>
      %add3A_3946 = arith.addi %add3A_3945, %iota3A : vector<16xi32>
      %gather3A_3947 = arith.constant 1 : i32
      %gather3A_3948 = arith.constant 0 : i32
      %gather3A_3949 = arith.constant 0 : i32
      %gather3A_3950 = tpu.memref_slice %arg9[%gather3A_3947, %gather3A_3948, %gather3A_3949] : memref<2x128x64xf32, #tpu.memory_space<vmem>> -> memref<1x128x64xf32, #tpu.memory_space<vmem>>
      %gather3A_3951 = tpu.memref_squeeze %gather3A_3950 : memref<1x128x64xf32, #tpu.memory_space<vmem>> -> memref<128x64xf32, #tpu.memory_space<vmem>>
      %gather3A_3952 = tpu.vector_load_idx %gather3A_3951[%add3A_3946, %add3A_3898] : memref<128x64xf32, #tpu.memory_space<vmem>>[vector<16xi32>, vector<16xi32>], vector<16xf32>,
      %swap3A_3953 = arith.constant 4 : i32
      %swap3A_3954 = arith.index_cast %add3A_3889 : i32 to index
      %swap3A_3955 = arith.index_cast %select_n3A_2289 : i32 to index
      %swap3A_3956 = arith.index_cast %swap3A_3953 : i32 to index
      %swap3A_3957 = arith.constant 48 : index
      %swap3A_3958 = tpu.vector_load %arg10[%swap3A_3954, %swap3A_3955, %swap3A_3956, %swap3A_3957] {strides = array<i32>} : memref<8x4x8x128xf32, #tpu.memory_space<vmem>>, vector<16xf32>,
      tpu.vector_store %arg10[%swap3A_3954, %swap3A_3955, %swap3A_3956, %swap3A_3957], %gather3A_3952 {strides = array<i32>} : memref<8x4x8x128xf32, #tpu.memory_space<vmem>>, vector<16xf32>,
      %add3A_3959 = arith.constant 64 : i32
      %add3A_3960 = vector.broadcast %add3A_3959 : i32 to vector<16xi32>
      %add3A_3961 = arith.addi %add3A_3960, %iota3A : vector<16xi32>
      %gather3A_3962 = arith.constant 1 : i32
      %gather3A_3963 = arith.constant 0 : i32
      %gather3A_3964 = arith.constant 0 : i32
      %gather3A_3965 = tpu.memref_slice %arg9[%gather3A_3962, %gather3A_3963, %gather3A_3964] : memref<2x128x64xf32, #tpu.memory_space<vmem>> -> memref<1x128x64xf32, #tpu.memory_space<vmem>>
      %gather3A_3966 = tpu.memref_squeeze %gather3A_3965 : memref<1x128x64xf32, #tpu.memory_space<vmem>> -> memref<128x64xf32, #tpu.memory_space<vmem>>
      %gather3A_3967 = tpu.vector_load_idx %gather3A_3966[%add3A_3961, %add3A_3898] : memref<128x64xf32, #tpu.memory_space<vmem>>[vector<16xi32>, vector<16xi32>], vector<16xf32>,
      %swap3A_3968 = arith.constant 4 : i32
      %swap3A_3969 = arith.index_cast %add3A_3889 : i32 to index
      %swap3A_3970 = arith.index_cast %select_n3A_2289 : i32 to index
      %swap3A_3971 = arith.index_cast %swap3A_3968 : i32 to index
      %swap3A_3972 = arith.constant 64 : index
      %swap3A_3973 = tpu.vector_load %arg10[%swap3A_3969, %swap3A_3970, %swap3A_3971, %swap3A_3972] {strides = array<i32>} : memref<8x4x8x128xf32, #tpu.memory_space<vmem>>, vector<16xf32>,
      tpu.vector_store %arg10[%swap3A_3969, %swap3A_3970, %swap3A_3971, %swap3A_3972], %gather3A_3967 {strides = array<i32>} : memref<8x4x8x128xf32, #tpu.memory_space<vmem>>, vector<16xf32>,
      %add3A_3974 = arith.constant 80 : i32
      %add3A_3975 = vector.broadcast %add3A_3974 : i32 to vector<16xi32>
      %add3A_3976 = arith.addi %add3A_3975, %iota3A : vector<16xi32>
      %gather3A_3977 = arith.constant 1 : i32
      %gather3A_3978 = arith.constant 0 : i32
      %gather3A_3979 = arith.constant 0 : i32
      %gather3A_3980 = tpu.memref_slice %arg9[%gather3A_3977, %gather3A_3978, %gather3A_3979] : memref<2x128x64xf32, #tpu.memory_space<vmem>> -> memref<1x128x64xf32, #tpu.memory_space<vmem>>
      %gather3A_3981 = tpu.memref_squeeze %gather3A_3980 : memref<1x128x64xf32, #tpu.memory_space<vmem>> -> memref<128x64xf32, #tpu.memory_space<vmem>>
      %gather3A_3982 = tpu.vector_load_idx %gather3A_3981[%add3A_3976, %add3A_3898] : memref<128x64xf32, #tpu.memory_space<vmem>>[vector<16xi32>, vector<16xi32>], vector<16xf32>,
      %swap3A_3983 = arith.constant 4 : i32
      %swap3A_3984 = arith.index_cast %add3A_3889 : i32 to index
      %swap3A_3985 = arith.index_cast %select_n3A_2289 : i32 to index
      %swap3A_3986 = arith.index_cast %swap3A_3983 : i32 to index
      %swap3A_3987 = arith.constant 80 : index
      %swap3A_3988 = tpu.vector_load %arg10[%swap3A_3984, %swap3A_3985, %swap3A_3986, %swap3A_3987] {strides = array<i32>} : memref<8x4x8x128xf32, #tpu.memory_space<vmem>>, vector<16xf32>,
      tpu.vector_store %arg10[%swap3A_3984, %swap3A_3985, %swap3A_3986, %swap3A_3987], %gather3A_3982 {strides = array<i32>} : memref<8x4x8x128xf32, #tpu.memory_space<vmem>>, vector<16xf32>,
      %add3A_3989 = arith.constant 96 : i32
      %add3A_3990 = vector.broadcast %add3A_3989 : i32 to vector<16xi32>
      %add3A_3991 = arith.addi %add3A_3990, %iota3A : vector<16xi32>
      %gather3A_3992 = arith.constant 1 : i32
      %gather3A_3993 = arith.constant 0 : i32
      %gather3A_3994 = arith.constant 0 : i32
      %gather3A_3995 = tpu.memref_slice %arg9[%gather3A_3992, %gather3A_3993, %gather3A_3994] : memref<2x128x64xf32, #tpu.memory_space<vmem>> -> memref<1x128x64xf32, #tpu.memory_space<vmem>>
      %gather3A_3996 = tpu.memref_squeeze %gather3A_3995 : memref<1x128x64xf32, #tpu.memory_space<vmem>> -> memref<128x64xf32, #tpu.memory_space<vmem>>
      %gather3A_3997 = tpu.vector_load_idx %gather3A_3996[%add3A_3991, %add3A_3898] : memref<128x64xf32, #tpu.memory_space<vmem>>[vector<16xi32>, vector<16xi32>], vector<16xf32>,
      %swap3A_3998 = arith.constant 4 : i32
      %swap3A_3999 = arith.index_cast %add3A_3889 : i32 to index
      %swap3A_4000 = arith.index_cast %select_n3A_2289 : i32 to index
      %swap3A_4001 = arith.index_cast %swap3A_3998 : i32 to index
      %swap3A_4002 = arith.constant 96 : index
      %swap3A_4003 = tpu.vector_load %arg10[%swap3A_3999, %swap3A_4000, %swap3A_4001, %swap3A_4002] {strides = array<i32>} : memref<8x4x8x128xf32, #tpu.memory_space<vmem>>, vector<16xf32>,
      tpu.vector_store %arg10[%swap3A_3999, %swap3A_4000, %swap3A_4001, %swap3A_4002], %gather3A_3997 {strides = array<i32>} : memref<8x4x8x128xf32, #tpu.memory_space<vmem>>, vector<16xf32>,
      %add3A_4004 = arith.constant 112 : i32
      %add3A_4005 = vector.broadcast %add3A_4004 : i32 to vector<16xi32>
      %add3A_4006 = arith.addi %add3A_4005, %iota3A : vector<16xi32>
      %gather3A_4007 = arith.constant 1 : i32
      %gather3A_4008 = arith.constant 0 : i32
      %gather3A_4009 = arith.constant 0 : i32
      %gather3A_4010 = tpu.memref_slice %arg9[%gather3A_4007, %gather3A_4008, %gather3A_4009] : memref<2x128x64xf32, #tpu.memory_space<vmem>> -> memref<1x128x64xf32, #tpu.memory_space<vmem>>
      %gather3A_4011 = tpu.memref_squeeze %gather3A_4010 : memref<1x128x64xf32, #tpu.memory_space<vmem>> -> memref<128x64xf32, #tpu.memory_space<vmem>>
      %gather3A_4012 = tpu.vector_load_idx %gather3A_4011[%add3A_4006, %add3A_3898] : memref<128x64xf32, #tpu.memory_space<vmem>>[vector<16xi32>, vector<16xi32>], vector<16xf32>,
      %swap3A_4013 = arith.constant 4 : i32
      %swap3A_4014 = arith.index_cast %add3A_3889 : i32 to index
      %swap3A_4015 = arith.index_cast %select_n3A_2289 : i32 to index
      %swap3A_4016 = arith.index_cast %swap3A_4013 : i32 to index
      %swap3A_4017 = arith.constant 112 : index
      %swap3A_4018 = tpu.vector_load %arg10[%swap3A_4014, %swap3A_4015, %swap3A_4016, %swap3A_4017] {strides = array<i32>} : memref<8x4x8x128xf32, #tpu.memory_space<vmem>>, vector<16xf32>,
      tpu.vector_store %arg10[%swap3A_4014, %swap3A_4015, %swap3A_4016, %swap3A_4017], %gather3A_4012 {strides = array<i32>} : memref<8x4x8x128xf32, #tpu.memory_space<vmem>>, vector<16xf32>,
      %mul3A_4019 = arith.constant 2 : i32
      %mul3A_4020 = arith.muli %mul3A_4019, %select_n3A_2273 : i32
      %add3A_4021 = arith.constant 1 : i32
      %add3A_4022 = arith.addi %mul3A_4020, %add3A_4021 : i32
      %mul3A_4023 = arith.constant 0 : i32
      %mul3A_4024 = vector.broadcast %mul3A_4023 : i32 to vector<16xi32>
      %mul3A_4025 = arith.muli %iota3A, %mul3A_4024 : vector<16xi32>
      %mul3A_4026 = arith.constant 16 : i32
      %mul3A_4027 = arith.muli %select_n3A_2273, %mul3A_4026 : i32
      %add3A_4028 = arith.constant 13 : i32
      %add3A_4029 = arith.addi %mul3A_4027, %add3A_4028 : i32
      %add3A_4030 = vector.broadcast %add3A_4029 : i32 to vector<16xi32>
      %add3A_4031 = arith.addi %mul3A_4025, %add3A_4030 : vector<16xi32>
      %add3A_4032 = arith.constant 0 : i32
      %add3A_4033 = vector.broadcast %add3A_4032 : i32 to vector<16xi32>
      %add3A_4034 = arith.addi %add3A_4033, %iota3A : vector<16xi32>
      %gather3A_4035 = arith.constant 1 : i32
      %gather3A_4036 = arith.constant 0 : i32
      %gather3A_4037 = arith.constant 0 : i32
      %gather3A_4038 = tpu.memref_slice %arg9[%gather3A_4035, %gather3A_4036, %gather3A_4037] : memref<2x128x64xf32, #tpu.memory_space<vmem>> -> memref<1x128x64xf32, #tpu.memory_space<vmem>>
      %gather3A_4039 = tpu.memref_squeeze %gather3A_4038 : memref<1x128x64xf32, #tpu.memory_space<vmem>> -> memref<128x64xf32, #tpu.memory_space<vmem>>
      %gather3A_4040 = tpu.vector_load_idx %gather3A_4039[%add3A_4034, %add3A_4031] : memref<128x64xf32, #tpu.memory_space<vmem>>[vector<16xi32>, vector<16xi32>], vector<16xf32>,
      %swap3A_4041 = arith.constant 5 : i32
      %swap3A_4042 = arith.index_cast %add3A_4022 : i32 to index
      %swap3A_4043 = arith.index_cast %select_n3A_2289 : i32 to index
      %swap3A_4044 = arith.index_cast %swap3A_4041 : i32 to index
      %swap3A_4045 = arith.constant 0 : index
      %swap3A_4046 = tpu.vector_load %arg10[%swap3A_4042, %swap3A_4043, %swap3A_4044, %swap3A_4045] {strides = array<i32>} : memref<8x4x8x128xf32, #tpu.memory_space<vmem>>, vector<16xf32>,
      tpu.vector_store %arg10[%swap3A_4042, %swap3A_4043, %swap3A_4044, %swap3A_4045], %gather3A_4040 {strides = array<i32>} : memref<8x4x8x128xf32, #tpu.memory_space<vmem>>, vector<16xf32>,
      %add3A_4047 = arith.constant 16 : i32
      %add3A_4048 = vector.broadcast %add3A_4047 : i32 to vector<16xi32>
      %add3A_4049 = arith.addi %add3A_4048, %iota3A : vector<16xi32>
      %gather3A_4050 = arith.constant 1 : i32
      %gather3A_4051 = arith.constant 0 : i32
      %gather3A_4052 = arith.constant 0 : i32
      %gather3A_4053 = tpu.memref_slice %arg9[%gather3A_4050, %gather3A_4051, %gather3A_4052] : memref<2x128x64xf32, #tpu.memory_space<vmem>> -> memref<1x128x64xf32, #tpu.memory_space<vmem>>
      %gather3A_4054 = tpu.memref_squeeze %gather3A_4053 : memref<1x128x64xf32, #tpu.memory_space<vmem>> -> memref<128x64xf32, #tpu.memory_space<vmem>>
      %gather3A_4055 = tpu.vector_load_idx %gather3A_4054[%add3A_4049, %add3A_4031] : memref<128x64xf32, #tpu.memory_space<vmem>>[vector<16xi32>, vector<16xi32>], vector<16xf32>,
      %swap3A_4056 = arith.constant 5 : i32
      %swap3A_4057 = arith.index_cast %add3A_4022 : i32 to index
      %swap3A_4058 = arith.index_cast %select_n3A_2289 : i32 to index
      %swap3A_4059 = arith.index_cast %swap3A_4056 : i32 to index
      %swap3A_4060 = arith.constant 16 : index
      %swap3A_4061 = tpu.vector_load %arg10[%swap3A_4057, %swap3A_4058, %swap3A_4059, %swap3A_4060] {strides = array<i32>} : memref<8x4x8x128xf32, #tpu.memory_space<vmem>>, vector<16xf32>,
      tpu.vector_store %arg10[%swap3A_4057, %swap3A_4058, %swap3A_4059, %swap3A_4060], %gather3A_4055 {strides = array<i32>} : memref<8x4x8x128xf32, #tpu.memory_space<vmem>>, vector<16xf32>,
      %add3A_4062 = arith.constant 32 : i32
      %add3A_4063 = vector.broadcast %add3A_4062 : i32 to vector<16xi32>
      %add3A_4064 = arith.addi %add3A_4063, %iota3A : vector<16xi32>
      %gather3A_4065 = arith.constant 1 : i32
      %gather3A_4066 = arith.constant 0 : i32
      %gather3A_4067 = arith.constant 0 : i32
      %gather3A_4068 = tpu.memref_slice %arg9[%gather3A_4065, %gather3A_4066, %gather3A_4067] : memref<2x128x64xf32, #tpu.memory_space<vmem>> -> memref<1x128x64xf32, #tpu.memory_space<vmem>>
      %gather3A_4069 = tpu.memref_squeeze %gather3A_4068 : memref<1x128x64xf32, #tpu.memory_space<vmem>> -> memref<128x64xf32, #tpu.memory_space<vmem>>
      %gather3A_4070 = tpu.vector_load_idx %gather3A_4069[%add3A_4064, %add3A_4031] : memref<128x64xf32, #tpu.memory_space<vmem>>[vector<16xi32>, vector<16xi32>], vector<16xf32>,
      %swap3A_4071 = arith.constant 5 : i32
      %swap3A_4072 = arith.index_cast %add3A_4022 : i32 to index
      %swap3A_4073 = arith.index_cast %select_n3A_2289 : i32 to index
      %swap3A_4074 = arith.index_cast %swap3A_4071 : i32 to index
      %swap3A_4075 = arith.constant 32 : index
      %swap3A_4076 = tpu.vector_load %arg10[%swap3A_4072, %swap3A_4073, %swap3A_4074, %swap3A_4075] {strides = array<i32>} : memref<8x4x8x128xf32, #tpu.memory_space<vmem>>, vector<16xf32>,
      tpu.vector_store %arg10[%swap3A_4072, %swap3A_4073, %swap3A_4074, %swap3A_4075], %gather3A_4070 {strides = array<i32>} : memref<8x4x8x128xf32, #tpu.memory_space<vmem>>, vector<16xf32>,
      %add3A_4077 = arith.constant 48 : i32
      %add3A_4078 = vector.broadcast %add3A_4077 : i32 to vector<16xi32>
      %add3A_4079 = arith.addi %add3A_4078, %iota3A : vector<16xi32>
      %gather3A_4080 = arith.constant 1 : i32
      %gather3A_4081 = arith.constant 0 : i32
      %gather3A_4082 = arith.constant 0 : i32
      %gather3A_4083 = tpu.memref_slice %arg9[%gather3A_4080, %gather3A_4081, %gather3A_4082] : memref<2x128x64xf32, #tpu.memory_space<vmem>> -> memref<1x128x64xf32, #tpu.memory_space<vmem>>
      %gather3A_4084 = tpu.memref_squeeze %gather3A_4083 : memref<1x128x64xf32, #tpu.memory_space<vmem>> -> memref<128x64xf32, #tpu.memory_space<vmem>>
      %gather3A_4085 = tpu.vector_load_idx %gather3A_4084[%add3A_4079, %add3A_4031] : memref<128x64xf32, #tpu.memory_space<vmem>>[vector<16xi32>, vector<16xi32>], vector<16xf32>,
      %swap3A_4086 = arith.constant 5 : i32
      %swap3A_4087 = arith.index_cast %add3A_4022 : i32 to index
      %swap3A_4088 = arith.index_cast %select_n3A_2289 : i32 to index
      %swap3A_4089 = arith.index_cast %swap3A_4086 : i32 to index
      %swap3A_4090 = arith.constant 48 : index
      %swap3A_4091 = tpu.vector_load %arg10[%swap3A_4087, %swap3A_4088, %swap3A_4089, %swap3A_4090] {strides = array<i32>} : memref<8x4x8x128xf32, #tpu.memory_space<vmem>>, vector<16xf32>,
      tpu.vector_store %arg10[%swap3A_4087, %swap3A_4088, %swap3A_4089, %swap3A_4090], %gather3A_4085 {strides = array<i32>} : memref<8x4x8x128xf32, #tpu.memory_space<vmem>>, vector<16xf32>,
      %add3A_4092 = arith.constant 64 : i32
      %add3A_4093 = vector.broadcast %add3A_4092 : i32 to vector<16xi32>
      %add3A_4094 = arith.addi %add3A_4093, %iota3A : vector<16xi32>
      %gather3A_4095 = arith.constant 1 : i32
      %gather3A_4096 = arith.constant 0 : i32
      %gather3A_4097 = arith.constant 0 : i32
      %gather3A_4098 = tpu.memref_slice %arg9[%gather3A_4095, %gather3A_4096, %gather3A_4097] : memref<2x128x64xf32, #tpu.memory_space<vmem>> -> memref<1x128x64xf32, #tpu.memory_space<vmem>>
      %gather3A_4099 = tpu.memref_squeeze %gather3A_4098 : memref<1x128x64xf32, #tpu.memory_space<vmem>> -> memref<128x64xf32, #tpu.memory_space<vmem>>
      %gather3A_4100 = tpu.vector_load_idx %gather3A_4099[%add3A_4094, %add3A_4031] : memref<128x64xf32, #tpu.memory_space<vmem>>[vector<16xi32>, vector<16xi32>], vector<16xf32>,
      %swap3A_4101 = arith.constant 5 : i32
      %swap3A_4102 = arith.index_cast %add3A_4022 : i32 to index
      %swap3A_4103 = arith.index_cast %select_n3A_2289 : i32 to index
      %swap3A_4104 = arith.index_cast %swap3A_4101 : i32 to index
      %swap3A_4105 = arith.constant 64 : index
      %swap3A_4106 = tpu.vector_load %arg10[%swap3A_4102, %swap3A_4103, %swap3A_4104, %swap3A_4105] {strides = array<i32>} : memref<8x4x8x128xf32, #tpu.memory_space<vmem>>, vector<16xf32>,
      tpu.vector_store %arg10[%swap3A_4102, %swap3A_4103, %swap3A_4104, %swap3A_4105], %gather3A_4100 {strides = array<i32>} : memref<8x4x8x128xf32, #tpu.memory_space<vmem>>, vector<16xf32>,
      %add3A_4107 = arith.constant 80 : i32
      %add3A_4108 = vector.broadcast %add3A_4107 : i32 to vector<16xi32>
      %add3A_4109 = arith.addi %add3A_4108, %iota3A : vector<16xi32>
      %gather3A_4110 = arith.constant 1 : i32
      %gather3A_4111 = arith.constant 0 : i32
      %gather3A_4112 = arith.constant 0 : i32
      %gather3A_4113 = tpu.memref_slice %arg9[%gather3A_4110, %gather3A_4111, %gather3A_4112] : memref<2x128x64xf32, #tpu.memory_space<vmem>> -> memref<1x128x64xf32, #tpu.memory_space<vmem>>
      %gather3A_4114 = tpu.memref_squeeze %gather3A_4113 : memref<1x128x64xf32, #tpu.memory_space<vmem>> -> memref<128x64xf32, #tpu.memory_space<vmem>>
      %gather3A_4115 = tpu.vector_load_idx %gather3A_4114[%add3A_4109, %add3A_4031] : memref<128x64xf32, #tpu.memory_space<vmem>>[vector<16xi32>, vector<16xi32>], vector<16xf32>,
      %swap3A_4116 = arith.constant 5 : i32
      %swap3A_4117 = arith.index_cast %add3A_4022 : i32 to index
      %swap3A_4118 = arith.index_cast %select_n3A_2289 : i32 to index
      %swap3A_4119 = arith.index_cast %swap3A_4116 : i32 to index
      %swap3A_4120 = arith.constant 80 : index
      %swap3A_4121 = tpu.vector_load %arg10[%swap3A_4117, %swap3A_4118, %swap3A_4119, %swap3A_4120] {strides = array<i32>} : memref<8x4x8x128xf32, #tpu.memory_space<vmem>>, vector<16xf32>,
      tpu.vector_store %arg10[%swap3A_4117, %swap3A_4118, %swap3A_4119, %swap3A_4120], %gather3A_4115 {strides = array<i32>} : memref<8x4x8x128xf32, #tpu.memory_space<vmem>>, vector<16xf32>,
      %add3A_4122 = arith.constant 96 : i32
      %add3A_4123 = vector.broadcast %add3A_4122 : i32 to vector<16xi32>
      %add3A_4124 = arith.addi %add3A_4123, %iota3A : vector<16xi32>
      %gather3A_4125 = arith.constant 1 : i32
      %gather3A_4126 = arith.constant 0 : i32
      %gather3A_4127 = arith.constant 0 : i32
      %gather3A_4128 = tpu.memref_slice %arg9[%gather3A_4125, %gather3A_4126, %gather3A_4127] : memref<2x128x64xf32, #tpu.memory_space<vmem>> -> memref<1x128x64xf32, #tpu.memory_space<vmem>>
      %gather3A_4129 = tpu.memref_squeeze %gather3A_4128 : memref<1x128x64xf32, #tpu.memory_space<vmem>> -> memref<128x64xf32, #tpu.memory_space<vmem>>
      %gather3A_4130 = tpu.vector_load_idx %gather3A_4129[%add3A_4124, %add3A_4031] : memref<128x64xf32, #tpu.memory_space<vmem>>[vector<16xi32>, vector<16xi32>], vector<16xf32>,
      %swap3A_4131 = arith.constant 5 : i32
      %swap3A_4132 = arith.index_cast %add3A_4022 : i32 to index
      %swap3A_4133 = arith.index_cast %select_n3A_2289 : i32 to index
      %swap3A_4134 = arith.index_cast %swap3A_4131 : i32 to index
      %swap3A_4135 = arith.constant 96 : index
      %swap3A_4136 = tpu.vector_load %arg10[%swap3A_4132, %swap3A_4133, %swap3A_4134, %swap3A_4135] {strides = array<i32>} : memref<8x4x8x128xf32, #tpu.memory_space<vmem>>, vector<16xf32>,
      tpu.vector_store %arg10[%swap3A_4132, %swap3A_4133, %swap3A_4134, %swap3A_4135], %gather3A_4130 {strides = array<i32>} : memref<8x4x8x128xf32, #tpu.memory_space<vmem>>, vector<16xf32>,
      %add3A_4137 = arith.constant 112 : i32
      %add3A_4138 = vector.broadcast %add3A_4137 : i32 to vector<16xi32>
      %add3A_4139 = arith.addi %add3A_4138, %iota3A : vector<16xi32>
      %gather3A_4140 = arith.constant 1 : i32
      %gather3A_4141 = arith.constant 0 : i32
      %gather3A_4142 = arith.constant 0 : i32
      %gather3A_4143 = tpu.memref_slice %arg9[%gather3A_4140, %gather3A_4141, %gather3A_4142] : memref<2x128x64xf32, #tpu.memory_space<vmem>> -> memref<1x128x64xf32, #tpu.memory_space<vmem>>
      %gather3A_4144 = tpu.memref_squeeze %gather3A_4143 : memref<1x128x64xf32, #tpu.memory_space<vmem>> -> memref<128x64xf32, #tpu.memory_space<vmem>>
      %gather3A_4145 = tpu.vector_load_idx %gather3A_4144[%add3A_4139, %add3A_4031] : memref<128x64xf32, #tpu.memory_space<vmem>>[vector<16xi32>, vector<16xi32>], vector<16xf32>,
      %swap3A_4146 = arith.constant 5 : i32
      %swap3A_4147 = arith.index_cast %add3A_4022 : i32 to index
      %swap3A_4148 = arith.index_cast %select_n3A_2289 : i32 to index
      %swap3A_4149 = arith.index_cast %swap3A_4146 : i32 to index
      %swap3A_4150 = arith.constant 112 : index
      %swap3A_4151 = tpu.vector_load %arg10[%swap3A_4147, %swap3A_4148, %swap3A_4149, %swap3A_4150] {strides = array<i32>} : memref<8x4x8x128xf32, #tpu.memory_space<vmem>>, vector<16xf32>,
      tpu.vector_store %arg10[%swap3A_4147, %swap3A_4148, %swap3A_4149, %swap3A_4150], %gather3A_4145 {strides = array<i32>} : memref<8x4x8x128xf32, #tpu.memory_space<vmem>>, vector<16xf32>,
      %mul3A_4152 = arith.constant 2 : i32
      %mul3A_4153 = arith.muli %mul3A_4152, %select_n3A_2273 : i32
      %add3A_4154 = arith.constant 1 : i32
      %add3A_4155 = arith.addi %mul3A_4153, %add3A_4154 : i32
      %mul3A_4156 = arith.constant 0 : i32
      %mul3A_4157 = vector.broadcast %mul3A_4156 : i32 to vector<16xi32>
      %mul3A_4158 = arith.muli %iota3A, %mul3A_4157 : vector<16xi32>
      %mul3A_4159 = arith.constant 16 : i32
      %mul3A_4160 = arith.muli %select_n3A_2273, %mul3A_4159 : i32
      %add3A_4161 = arith.constant 14 : i32
      %add3A_4162 = arith.addi %mul3A_4160, %add3A_4161 : i32
      %add3A_4163 = vector.broadcast %add3A_4162 : i32 to vector<16xi32>
      %add3A_4164 = arith.addi %mul3A_4158, %add3A_4163 : vector<16xi32>
      %add3A_4165 = arith.constant 0 : i32
      %add3A_4166 = vector.broadcast %add3A_4165 : i32 to vector<16xi32>
      %add3A_4167 = arith.addi %add3A_4166, %iota3A : vector<16xi32>
      %gather3A_4168 = arith.constant 1 : i32
      %gather3A_4169 = arith.constant 0 : i32
      %gather3A_4170 = arith.constant 0 : i32
      %gather3A_4171 = tpu.memref_slice %arg9[%gather3A_4168, %gather3A_4169, %gather3A_4170] : memref<2x128x64xf32, #tpu.memory_space<vmem>> -> memref<1x128x64xf32, #tpu.memory_space<vmem>>
      %gather3A_4172 = tpu.memref_squeeze %gather3A_4171 : memref<1x128x64xf32, #tpu.memory_space<vmem>> -> memref<128x64xf32, #tpu.memory_space<vmem>>
      %gather3A_4173 = tpu.vector_load_idx %gather3A_4172[%add3A_4167, %add3A_4164] : memref<128x64xf32, #tpu.memory_space<vmem>>[vector<16xi32>, vector<16xi32>], vector<16xf32>,
      %swap3A_4174 = arith.constant 6 : i32
      %swap3A_4175 = arith.index_cast %add3A_4155 : i32 to index
      %swap3A_4176 = arith.index_cast %select_n3A_2289 : i32 to index
      %swap3A_4177 = arith.index_cast %swap3A_4174 : i32 to index
      %swap3A_4178 = arith.constant 0 : index
      %swap3A_4179 = tpu.vector_load %arg10[%swap3A_4175, %swap3A_4176, %swap3A_4177, %swap3A_4178] {strides = array<i32>} : memref<8x4x8x128xf32, #tpu.memory_space<vmem>>, vector<16xf32>,
      tpu.vector_store %arg10[%swap3A_4175, %swap3A_4176, %swap3A_4177, %swap3A_4178], %gather3A_4173 {strides = array<i32>} : memref<8x4x8x128xf32, #tpu.memory_space<vmem>>, vector<16xf32>,
      %add3A_4180 = arith.constant 16 : i32
      %add3A_4181 = vector.broadcast %add3A_4180 : i32 to vector<16xi32>
      %add3A_4182 = arith.addi %add3A_4181, %iota3A : vector<16xi32>
      %gather3A_4183 = arith.constant 1 : i32
      %gather3A_4184 = arith.constant 0 : i32
      %gather3A_4185 = arith.constant 0 : i32
      %gather3A_4186 = tpu.memref_slice %arg9[%gather3A_4183, %gather3A_4184, %gather3A_4185] : memref<2x128x64xf32, #tpu.memory_space<vmem>> -> memref<1x128x64xf32, #tpu.memory_space<vmem>>
      %gather3A_4187 = tpu.memref_squeeze %gather3A_4186 : memref<1x128x64xf32, #tpu.memory_space<vmem>> -> memref<128x64xf32, #tpu.memory_space<vmem>>
      %gather3A_4188 = tpu.vector_load_idx %gather3A_4187[%add3A_4182, %add3A_4164] : memref<128x64xf32, #tpu.memory_space<vmem>>[vector<16xi32>, vector<16xi32>], vector<16xf32>,
      %swap3A_4189 = arith.constant 6 : i32
      %swap3A_4190 = arith.index_cast %add3A_4155 : i32 to index
      %swap3A_4191 = arith.index_cast %select_n3A_2289 : i32 to index
      %swap3A_4192 = arith.index_cast %swap3A_4189 : i32 to index
      %swap3A_4193 = arith.constant 16 : index
      %swap3A_4194 = tpu.vector_load %arg10[%swap3A_4190, %swap3A_4191, %swap3A_4192, %swap3A_4193] {strides = array<i32>} : memref<8x4x8x128xf32, #tpu.memory_space<vmem>>, vector<16xf32>,
      tpu.vector_store %arg10[%swap3A_4190, %swap3A_4191, %swap3A_4192, %swap3A_4193], %gather3A_4188 {strides = array<i32>} : memref<8x4x8x128xf32, #tpu.memory_space<vmem>>, vector<16xf32>,
      %add3A_4195 = arith.constant 32 : i32
      %add3A_4196 = vector.broadcast %add3A_4195 : i32 to vector<16xi32>
      %add3A_4197 = arith.addi %add3A_4196, %iota3A : vector<16xi32>
      %gather3A_4198 = arith.constant 1 : i32
      %gather3A_4199 = arith.constant 0 : i32
      %gather3A_4200 = arith.constant 0 : i32
      %gather3A_4201 = tpu.memref_slice %arg9[%gather3A_4198, %gather3A_4199, %gather3A_4200] : memref<2x128x64xf32, #tpu.memory_space<vmem>> -> memref<1x128x64xf32, #tpu.memory_space<vmem>>
      %gather3A_4202 = tpu.memref_squeeze %gather3A_4201 : memref<1x128x64xf32, #tpu.memory_space<vmem>> -> memref<128x64xf32, #tpu.memory_space<vmem>>
      %gather3A_4203 = tpu.vector_load_idx %gather3A_4202[%add3A_4197, %add3A_4164] : memref<128x64xf32, #tpu.memory_space<vmem>>[vector<16xi32>, vector<16xi32>], vector<16xf32>,
      %swap3A_4204 = arith.constant 6 : i32
      %swap3A_4205 = arith.index_cast %add3A_4155 : i32 to index
      %swap3A_4206 = arith.index_cast %select_n3A_2289 : i32 to index
      %swap3A_4207 = arith.index_cast %swap3A_4204 : i32 to index
      %swap3A_4208 = arith.constant 32 : index
      %swap3A_4209 = tpu.vector_load %arg10[%swap3A_4205, %swap3A_4206, %swap3A_4207, %swap3A_4208] {strides = array<i32>} : memref<8x4x8x128xf32, #tpu.memory_space<vmem>>, vector<16xf32>,
      tpu.vector_store %arg10[%swap3A_4205, %swap3A_4206, %swap3A_4207, %swap3A_4208], %gather3A_4203 {strides = array<i32>} : memref<8x4x8x128xf32, #tpu.memory_space<vmem>>, vector<16xf32>,
      %add3A_4210 = arith.constant 48 : i32
      %add3A_4211 = vector.broadcast %add3A_4210 : i32 to vector<16xi32>
      %add3A_4212 = arith.addi %add3A_4211, %iota3A : vector<16xi32>
      %gather3A_4213 = arith.constant 1 : i32
      %gather3A_4214 = arith.constant 0 : i32
      %gather3A_4215 = arith.constant 0 : i32
      %gather3A_4216 = tpu.memref_slice %arg9[%gather3A_4213, %gather3A_4214, %gather3A_4215] : memref<2x128x64xf32, #tpu.memory_space<vmem>> -> memref<1x128x64xf32, #tpu.memory_space<vmem>>
      %gather3A_4217 = tpu.memref_squeeze %gather3A_4216 : memref<1x128x64xf32, #tpu.memory_space<vmem>> -> memref<128x64xf32, #tpu.memory_space<vmem>>
      %gather3A_4218 = tpu.vector_load_idx %gather3A_4217[%add3A_4212, %add3A_4164] : memref<128x64xf32, #tpu.memory_space<vmem>>[vector<16xi32>, vector<16xi32>], vector<16xf32>,
      %swap3A_4219 = arith.constant 6 : i32
      %swap3A_4220 = arith.index_cast %add3A_4155 : i32 to index
      %swap3A_4221 = arith.index_cast %select_n3A_2289 : i32 to index
      %swap3A_4222 = arith.index_cast %swap3A_4219 : i32 to index
      %swap3A_4223 = arith.constant 48 : index
      %swap3A_4224 = tpu.vector_load %arg10[%swap3A_4220, %swap3A_4221, %swap3A_4222, %swap3A_4223] {strides = array<i32>} : memref<8x4x8x128xf32, #tpu.memory_space<vmem>>, vector<16xf32>,
      tpu.vector_store %arg10[%swap3A_4220, %swap3A_4221, %swap3A_4222, %swap3A_4223], %gather3A_4218 {strides = array<i32>} : memref<8x4x8x128xf32, #tpu.memory_space<vmem>>, vector<16xf32>,
      %add3A_4225 = arith.constant 64 : i32
      %add3A_4226 = vector.broadcast %add3A_4225 : i32 to vector<16xi32>
      %add3A_4227 = arith.addi %add3A_4226, %iota3A : vector<16xi32>
      %gather3A_4228 = arith.constant 1 : i32
      %gather3A_4229 = arith.constant 0 : i32
      %gather3A_4230 = arith.constant 0 : i32
      %gather3A_4231 = tpu.memref_slice %arg9[%gather3A_4228, %gather3A_4229, %gather3A_4230] : memref<2x128x64xf32, #tpu.memory_space<vmem>> -> memref<1x128x64xf32, #tpu.memory_space<vmem>>
      %gather3A_4232 = tpu.memref_squeeze %gather3A_4231 : memref<1x128x64xf32, #tpu.memory_space<vmem>> -> memref<128x64xf32, #tpu.memory_space<vmem>>
      %gather3A_4233 = tpu.vector_load_idx %gather3A_4232[%add3A_4227, %add3A_4164] : memref<128x64xf32, #tpu.memory_space<vmem>>[vector<16xi32>, vector<16xi32>], vector<16xf32>,
      %swap3A_4234 = arith.constant 6 : i32
      %swap3A_4235 = arith.index_cast %add3A_4155 : i32 to index
      %swap3A_4236 = arith.index_cast %select_n3A_2289 : i32 to index
      %swap3A_4237 = arith.index_cast %swap3A_4234 : i32 to index
      %swap3A_4238 = arith.constant 64 : index
      %swap3A_4239 = tpu.vector_load %arg10[%swap3A_4235, %swap3A_4236, %swap3A_4237, %swap3A_4238] {strides = array<i32>} : memref<8x4x8x128xf32, #tpu.memory_space<vmem>>, vector<16xf32>,
      tpu.vector_store %arg10[%swap3A_4235, %swap3A_4236, %swap3A_4237, %swap3A_4238], %gather3A_4233 {strides = array<i32>} : memref<8x4x8x128xf32, #tpu.memory_space<vmem>>, vector<16xf32>,
      %add3A_4240 = arith.constant 80 : i32
      %add3A_4241 = vector.broadcast %add3A_4240 : i32 to vector<16xi32>
      %add3A_4242 = arith.addi %add3A_4241, %iota3A : vector<16xi32>
      %gather3A_4243 = arith.constant 1 : i32
      %gather3A_4244 = arith.constant 0 : i32
      %gather3A_4245 = arith.constant 0 : i32
      %gather3A_4246 = tpu.memref_slice %arg9[%gather3A_4243, %gather3A_4244, %gather3A_4245] : memref<2x128x64xf32, #tpu.memory_space<vmem>> -> memref<1x128x64xf32, #tpu.memory_space<vmem>>
      %gather3A_4247 = tpu.memref_squeeze %gather3A_4246 : memref<1x128x64xf32, #tpu.memory_space<vmem>> -> memref<128x64xf32, #tpu.memory_space<vmem>>
      %gather3A_4248 = tpu.vector_load_idx %gather3A_4247[%add3A_4242, %add3A_4164] : memref<128x64xf32, #tpu.memory_space<vmem>>[vector<16xi32>, vector<16xi32>], vector<16xf32>,
      %swap3A_4249 = arith.constant 6 : i32
      %swap3A_4250 = arith.index_cast %add3A_4155 : i32 to index
      %swap3A_4251 = arith.index_cast %select_n3A_2289 : i32 to index
      %swap3A_4252 = arith.index_cast %swap3A_4249 : i32 to index
      %swap3A_4253 = arith.constant 80 : index
      %swap3A_4254 = tpu.vector_load %arg10[%swap3A_4250, %swap3A_4251, %swap3A_4252, %swap3A_4253] {strides = array<i32>} : memref<8x4x8x128xf32, #tpu.memory_space<vmem>>, vector<16xf32>,
      tpu.vector_store %arg10[%swap3A_4250, %swap3A_4251, %swap3A_4252, %swap3A_4253], %gather3A_4248 {strides = array<i32>} : memref<8x4x8x128xf32, #tpu.memory_space<vmem>>, vector<16xf32>,
      %add3A_4255 = arith.constant 96 : i32
      %add3A_4256 = vector.broadcast %add3A_4255 : i32 to vector<16xi32>
      %add3A_4257 = arith.addi %add3A_4256, %iota3A : vector<16xi32>
      %gather3A_4258 = arith.constant 1 : i32
      %gather3A_4259 = arith.constant 0 : i32
      %gather3A_4260 = arith.constant 0 : i32
      %gather3A_4261 = tpu.memref_slice %arg9[%gather3A_4258, %gather3A_4259, %gather3A_4260] : memref<2x128x64xf32, #tpu.memory_space<vmem>> -> memref<1x128x64xf32, #tpu.memory_space<vmem>>
      %gather3A_4262 = tpu.memref_squeeze %gather3A_4261 : memref<1x128x64xf32, #tpu.memory_space<vmem>> -> memref<128x64xf32, #tpu.memory_space<vmem>>
      %gather3A_4263 = tpu.vector_load_idx %gather3A_4262[%add3A_4257, %add3A_4164] : memref<128x64xf32, #tpu.memory_space<vmem>>[vector<16xi32>, vector<16xi32>], vector<16xf32>,
      %swap3A_4264 = arith.constant 6 : i32
      %swap3A_4265 = arith.index_cast %add3A_4155 : i32 to index
      %swap3A_4266 = arith.index_cast %select_n3A_2289 : i32 to index
      %swap3A_4267 = arith.index_cast %swap3A_4264 : i32 to index
      %swap3A_4268 = arith.constant 96 : index
      %swap3A_4269 = tpu.vector_load %arg10[%swap3A_4265, %swap3A_4266, %swap3A_4267, %swap3A_4268] {strides = array<i32>} : memref<8x4x8x128xf32, #tpu.memory_space<vmem>>, vector<16xf32>,
      tpu.vector_store %arg10[%swap3A_4265, %swap3A_4266, %swap3A_4267, %swap3A_4268], %gather3A_4263 {strides = array<i32>} : memref<8x4x8x128xf32, #tpu.memory_space<vmem>>, vector<16xf32>,
      %add3A_4270 = arith.constant 112 : i32
      %add3A_4271 = vector.broadcast %add3A_4270 : i32 to vector<16xi32>
      %add3A_4272 = arith.addi %add3A_4271, %iota3A : vector<16xi32>
      %gather3A_4273 = arith.constant 1 : i32
      %gather3A_4274 = arith.constant 0 : i32
      %gather3A_4275 = arith.constant 0 : i32
      %gather3A_4276 = tpu.memref_slice %arg9[%gather3A_4273, %gather3A_4274, %gather3A_4275] : memref<2x128x64xf32, #tpu.memory_space<vmem>> -> memref<1x128x64xf32, #tpu.memory_space<vmem>>
      %gather3A_4277 = tpu.memref_squeeze %gather3A_4276 : memref<1x128x64xf32, #tpu.memory_space<vmem>> -> memref<128x64xf32, #tpu.memory_space<vmem>>
      %gather3A_4278 = tpu.vector_load_idx %gather3A_4277[%add3A_4272, %add3A_4164] : memref<128x64xf32, #tpu.memory_space<vmem>>[vector<16xi32>, vector<16xi32>], vector<16xf32>,
      %swap3A_4279 = arith.constant 6 : i32
      %swap3A_4280 = arith.index_cast %add3A_4155 : i32 to index
      %swap3A_4281 = arith.index_cast %select_n3A_2289 : i32 to index
      %swap3A_4282 = arith.index_cast %swap3A_4279 : i32 to index
      %swap3A_4283 = arith.constant 112 : index
      %swap3A_4284 = tpu.vector_load %arg10[%swap3A_4280, %swap3A_4281, %swap3A_4282, %swap3A_4283] {strides = array<i32>} : memref<8x4x8x128xf32, #tpu.memory_space<vmem>>, vector<16xf32>,
      tpu.vector_store %arg10[%swap3A_4280, %swap3A_4281, %swap3A_4282, %swap3A_4283], %gather3A_4278 {strides = array<i32>} : memref<8x4x8x128xf32, #tpu.memory_space<vmem>>, vector<16xf32>,
      %mul3A_4285 = arith.constant 2 : i32
      %mul3A_4286 = arith.muli %mul3A_4285, %select_n3A_2273 : i32
      %add3A_4287 = arith.constant 1 : i32
      %add3A_4288 = arith.addi %mul3A_4286, %add3A_4287 : i32
      %mul3A_4289 = arith.constant 0 : i32
      %mul3A_4290 = vector.broadcast %mul3A_4289 : i32 to vector<16xi32>
      %mul3A_4291 = arith.muli %iota3A, %mul3A_4290 : vector<16xi32>
      %mul3A_4292 = arith.constant 16 : i32
      %mul3A_4293 = arith.muli %select_n3A_2273, %mul3A_4292 : i32
      %add3A_4294 = arith.constant 15 : i32
      %add3A_4295 = arith.addi %mul3A_4293, %add3A_4294 : i32
      %add3A_4296 = vector.broadcast %add3A_4295 : i32 to vector<16xi32>
      %add3A_4297 = arith.addi %mul3A_4291, %add3A_4296 : vector<16xi32>
      %add3A_4298 = arith.constant 0 : i32
      %add3A_4299 = vector.broadcast %add3A_4298 : i32 to vector<16xi32>
      %add3A_4300 = arith.addi %add3A_4299, %iota3A : vector<16xi32>
      %gather3A_4301 = arith.constant 1 : i32
      %gather3A_4302 = arith.constant 0 : i32
      %gather3A_4303 = arith.constant 0 : i32
      %gather3A_4304 = tpu.memref_slice %arg9[%gather3A_4301, %gather3A_4302, %gather3A_4303] : memref<2x128x64xf32, #tpu.memory_space<vmem>> -> memref<1x128x64xf32, #tpu.memory_space<vmem>>
      %gather3A_4305 = tpu.memref_squeeze %gather3A_4304 : memref<1x128x64xf32, #tpu.memory_space<vmem>> -> memref<128x64xf32, #tpu.memory_space<vmem>>
      %gather3A_4306 = tpu.vector_load_idx %gather3A_4305[%add3A_4300, %add3A_4297] : memref<128x64xf32, #tpu.memory_space<vmem>>[vector<16xi32>, vector<16xi32>], vector<16xf32>,
      %swap3A_4307 = arith.constant 7 : i32
      %swap3A_4308 = arith.index_cast %add3A_4288 : i32 to index
      %swap3A_4309 = arith.index_cast %select_n3A_2289 : i32 to index
      %swap3A_4310 = arith.index_cast %swap3A_4307 : i32 to index
      %swap3A_4311 = arith.constant 0 : index
      %swap3A_4312 = tpu.vector_load %arg10[%swap3A_4308, %swap3A_4309, %swap3A_4310, %swap3A_4311] {strides = array<i32>} : memref<8x4x8x128xf32, #tpu.memory_space<vmem>>, vector<16xf32>,
      tpu.vector_store %arg10[%swap3A_4308, %swap3A_4309, %swap3A_4310, %swap3A_4311], %gather3A_4306 {strides = array<i32>} : memref<8x4x8x128xf32, #tpu.memory_space<vmem>>, vector<16xf32>,
      %add3A_4313 = arith.constant 16 : i32
      %add3A_4314 = vector.broadcast %add3A_4313 : i32 to vector<16xi32>
      %add3A_4315 = arith.addi %add3A_4314, %iota3A : vector<16xi32>
      %gather3A_4316 = arith.constant 1 : i32
      %gather3A_4317 = arith.constant 0 : i32
      %gather3A_4318 = arith.constant 0 : i32
      %gather3A_4319 = tpu.memref_slice %arg9[%gather3A_4316, %gather3A_4317, %gather3A_4318] : memref<2x128x64xf32, #tpu.memory_space<vmem>> -> memref<1x128x64xf32, #tpu.memory_space<vmem>>
      %gather3A_4320 = tpu.memref_squeeze %gather3A_4319 : memref<1x128x64xf32, #tpu.memory_space<vmem>> -> memref<128x64xf32, #tpu.memory_space<vmem>>
      %gather3A_4321 = tpu.vector_load_idx %gather3A_4320[%add3A_4315, %add3A_4297] : memref<128x64xf32, #tpu.memory_space<vmem>>[vector<16xi32>, vector<16xi32>], vector<16xf32>,
      %swap3A_4322 = arith.constant 7 : i32
      %swap3A_4323 = arith.index_cast %add3A_4288 : i32 to index
      %swap3A_4324 = arith.index_cast %select_n3A_2289 : i32 to index
      %swap3A_4325 = arith.index_cast %swap3A_4322 : i32 to index
      %swap3A_4326 = arith.constant 16 : index
      %swap3A_4327 = tpu.vector_load %arg10[%swap3A_4323, %swap3A_4324, %swap3A_4325, %swap3A_4326] {strides = array<i32>} : memref<8x4x8x128xf32, #tpu.memory_space<vmem>>, vector<16xf32>,
      tpu.vector_store %arg10[%swap3A_4323, %swap3A_4324, %swap3A_4325, %swap3A_4326], %gather3A_4321 {strides = array<i32>} : memref<8x4x8x128xf32, #tpu.memory_space<vmem>>, vector<16xf32>,
      %add3A_4328 = arith.constant 32 : i32
      %add3A_4329 = vector.broadcast %add3A_4328 : i32 to vector<16xi32>
      %add3A_4330 = arith.addi %add3A_4329, %iota3A : vector<16xi32>
      %gather3A_4331 = arith.constant 1 : i32
      %gather3A_4332 = arith.constant 0 : i32
      %gather3A_4333 = arith.constant 0 : i32
      %gather3A_4334 = tpu.memref_slice %arg9[%gather3A_4331, %gather3A_4332, %gather3A_4333] : memref<2x128x64xf32, #tpu.memory_space<vmem>> -> memref<1x128x64xf32, #tpu.memory_space<vmem>>
      %gather3A_4335 = tpu.memref_squeeze %gather3A_4334 : memref<1x128x64xf32, #tpu.memory_space<vmem>> -> memref<128x64xf32, #tpu.memory_space<vmem>>
      %gather3A_4336 = tpu.vector_load_idx %gather3A_4335[%add3A_4330, %add3A_4297] : memref<128x64xf32, #tpu.memory_space<vmem>>[vector<16xi32>, vector<16xi32>], vector<16xf32>,
      %swap3A_4337 = arith.constant 7 : i32
      %swap3A_4338 = arith.index_cast %add3A_4288 : i32 to index
      %swap3A_4339 = arith.index_cast %select_n3A_2289 : i32 to index
      %swap3A_4340 = arith.index_cast %swap3A_4337 : i32 to index
      %swap3A_4341 = arith.constant 32 : index
      %swap3A_4342 = tpu.vector_load %arg10[%swap3A_4338, %swap3A_4339, %swap3A_4340, %swap3A_4341] {strides = array<i32>} : memref<8x4x8x128xf32, #tpu.memory_space<vmem>>, vector<16xf32>,
      tpu.vector_store %arg10[%swap3A_4338, %swap3A_4339, %swap3A_4340, %swap3A_4341], %gather3A_4336 {strides = array<i32>} : memref<8x4x8x128xf32, #tpu.memory_space<vmem>>, vector<16xf32>,
      %add3A_4343 = arith.constant 48 : i32
      %add3A_4344 = vector.broadcast %add3A_4343 : i32 to vector<16xi32>
      %add3A_4345 = arith.addi %add3A_4344, %iota3A : vector<16xi32>
      %gather3A_4346 = arith.constant 1 : i32
      %gather3A_4347 = arith.constant 0 : i32
      %gather3A_4348 = arith.constant 0 : i32
      %gather3A_4349 = tpu.memref_slice %arg9[%gather3A_4346, %gather3A_4347, %gather3A_4348] : memref<2x128x64xf32, #tpu.memory_space<vmem>> -> memref<1x128x64xf32, #tpu.memory_space<vmem>>
      %gather3A_4350 = tpu.memref_squeeze %gather3A_4349 : memref<1x128x64xf32, #tpu.memory_space<vmem>> -> memref<128x64xf32, #tpu.memory_space<vmem>>
      %gather3A_4351 = tpu.vector_load_idx %gather3A_4350[%add3A_4345, %add3A_4297] : memref<128x64xf32, #tpu.memory_space<vmem>>[vector<16xi32>, vector<16xi32>], vector<16xf32>,
      %swap3A_4352 = arith.constant 7 : i32
      %swap3A_4353 = arith.index_cast %add3A_4288 : i32 to index
      %swap3A_4354 = arith.index_cast %select_n3A_2289 : i32 to index
      %swap3A_4355 = arith.index_cast %swap3A_4352 : i32 to index
      %swap3A_4356 = arith.constant 48 : index
      %swap3A_4357 = tpu.vector_load %arg10[%swap3A_4353, %swap3A_4354, %swap3A_4355, %swap3A_4356] {strides = array<i32>} : memref<8x4x8x128xf32, #tpu.memory_space<vmem>>, vector<16xf32>,
      tpu.vector_store %arg10[%swap3A_4353, %swap3A_4354, %swap3A_4355, %swap3A_4356], %gather3A_4351 {strides = array<i32>} : memref<8x4x8x128xf32, #tpu.memory_space<vmem>>, vector<16xf32>,
      %add3A_4358 = arith.constant 64 : i32
      %add3A_4359 = vector.broadcast %add3A_4358 : i32 to vector<16xi32>
      %add3A_4360 = arith.addi %add3A_4359, %iota3A : vector<16xi32>
      %gather3A_4361 = arith.constant 1 : i32
      %gather3A_4362 = arith.constant 0 : i32
      %gather3A_4363 = arith.constant 0 : i32
      %gather3A_4364 = tpu.memref_slice %arg9[%gather3A_4361, %gather3A_4362, %gather3A_4363] : memref<2x128x64xf32, #tpu.memory_space<vmem>> -> memref<1x128x64xf32, #tpu.memory_space<vmem>>
      %gather3A_4365 = tpu.memref_squeeze %gather3A_4364 : memref<1x128x64xf32, #tpu.memory_space<vmem>> -> memref<128x64xf32, #tpu.memory_space<vmem>>
      %gather3A_4366 = tpu.vector_load_idx %gather3A_4365[%add3A_4360, %add3A_4297] : memref<128x64xf32, #tpu.memory_space<vmem>>[vector<16xi32>, vector<16xi32>], vector<16xf32>,
      %swap3A_4367 = arith.constant 7 : i32
      %swap3A_4368 = arith.index_cast %add3A_4288 : i32 to index
      %swap3A_4369 = arith.index_cast %select_n3A_2289 : i32 to index
      %swap3A_4370 = arith.index_cast %swap3A_4367 : i32 to index
      %swap3A_4371 = arith.constant 64 : index
      %swap3A_4372 = tpu.vector_load %arg10[%swap3A_4368, %swap3A_4369, %swap3A_4370, %swap3A_4371] {strides = array<i32>} : memref<8x4x8x128xf32, #tpu.memory_space<vmem>>, vector<16xf32>,
      tpu.vector_store %arg10[%swap3A_4368, %swap3A_4369, %swap3A_4370, %swap3A_4371], %gather3A_4366 {strides = array<i32>} : memref<8x4x8x128xf32, #tpu.memory_space<vmem>>, vector<16xf32>,
      %add3A_4373 = arith.constant 80 : i32
      %add3A_4374 = vector.broadcast %add3A_4373 : i32 to vector<16xi32>
      %add3A_4375 = arith.addi %add3A_4374, %iota3A : vector<16xi32>
      %gather3A_4376 = arith.constant 1 : i32
      %gather3A_4377 = arith.constant 0 : i32
      %gather3A_4378 = arith.constant 0 : i32
      %gather3A_4379 = tpu.memref_slice %arg9[%gather3A_4376, %gather3A_4377, %gather3A_4378] : memref<2x128x64xf32, #tpu.memory_space<vmem>> -> memref<1x128x64xf32, #tpu.memory_space<vmem>>
      %gather3A_4380 = tpu.memref_squeeze %gather3A_4379 : memref<1x128x64xf32, #tpu.memory_space<vmem>> -> memref<128x64xf32, #tpu.memory_space<vmem>>
      %gather3A_4381 = tpu.vector_load_idx %gather3A_4380[%add3A_4375, %add3A_4297] : memref<128x64xf32, #tpu.memory_space<vmem>>[vector<16xi32>, vector<16xi32>], vector<16xf32>,
      %swap3A_4382 = arith.constant 7 : i32
      %swap3A_4383 = arith.index_cast %add3A_4288 : i32 to index
      %swap3A_4384 = arith.index_cast %select_n3A_2289 : i32 to index
      %swap3A_4385 = arith.index_cast %swap3A_4382 : i32 to index
      %swap3A_4386 = arith.constant 80 : index
      %swap3A_4387 = tpu.vector_load %arg10[%swap3A_4383, %swap3A_4384, %swap3A_4385, %swap3A_4386] {strides = array<i32>} : memref<8x4x8x128xf32, #tpu.memory_space<vmem>>, vector<16xf32>,
      tpu.vector_store %arg10[%swap3A_4383, %swap3A_4384, %swap3A_4385, %swap3A_4386], %gather3A_4381 {strides = array<i32>} : memref<8x4x8x128xf32, #tpu.memory_space<vmem>>, vector<16xf32>,
      %add3A_4388 = arith.constant 96 : i32
      %add3A_4389 = vector.broadcast %add3A_4388 : i32 to vector<16xi32>
      %add3A_4390 = arith.addi %add3A_4389, %iota3A : vector<16xi32>
      %gather3A_4391 = arith.constant 1 : i32
      %gather3A_4392 = arith.constant 0 : i32
      %gather3A_4393 = arith.constant 0 : i32
      %gather3A_4394 = tpu.memref_slice %arg9[%gather3A_4391, %gather3A_4392, %gather3A_4393] : memref<2x128x64xf32, #tpu.memory_space<vmem>> -> memref<1x128x64xf32, #tpu.memory_space<vmem>>
      %gather3A_4395 = tpu.memref_squeeze %gather3A_4394 : memref<1x128x64xf32, #tpu.memory_space<vmem>> -> memref<128x64xf32, #tpu.memory_space<vmem>>
      %gather3A_4396 = tpu.vector_load_idx %gather3A_4395[%add3A_4390, %add3A_4297] : memref<128x64xf32, #tpu.memory_space<vmem>>[vector<16xi32>, vector<16xi32>], vector<16xf32>,
      %swap3A_4397 = arith.constant 7 : i32
      %swap3A_4398 = arith.index_cast %add3A_4288 : i32 to index
      %swap3A_4399 = arith.index_cast %select_n3A_2289 : i32 to index
      %swap3A_4400 = arith.index_cast %swap3A_4397 : i32 to index
      %swap3A_4401 = arith.constant 96 : index
      %swap3A_4402 = tpu.vector_load %arg10[%swap3A_4398, %swap3A_4399, %swap3A_4400, %swap3A_4401] {strides = array<i32>} : memref<8x4x8x128xf32, #tpu.memory_space<vmem>>, vector<16xf32>,
      tpu.vector_store %arg10[%swap3A_4398, %swap3A_4399, %swap3A_4400, %swap3A_4401], %gather3A_4396 {strides = array<i32>} : memref<8x4x8x128xf32, #tpu.memory_space<vmem>>, vector<16xf32>,
      %add3A_4403 = arith.constant 112 : i32
      %add3A_4404 = vector.broadcast %add3A_4403 : i32 to vector<16xi32>
      %add3A_4405 = arith.addi %add3A_4404, %iota3A : vector<16xi32>
      %gather3A_4406 = arith.constant 1 : i32
      %gather3A_4407 = arith.constant 0 : i32
      %gather3A_4408 = arith.constant 0 : i32
      %gather3A_4409 = tpu.memref_slice %arg9[%gather3A_4406, %gather3A_4407, %gather3A_4408] : memref<2x128x64xf32, #tpu.memory_space<vmem>> -> memref<1x128x64xf32, #tpu.memory_space<vmem>>
      %gather3A_4410 = tpu.memref_squeeze %gather3A_4409 : memref<1x128x64xf32, #tpu.memory_space<vmem>> -> memref<128x64xf32, #tpu.memory_space<vmem>>
      %gather3A_4411 = tpu.vector_load_idx %gather3A_4410[%add3A_4405, %add3A_4297] : memref<128x64xf32, #tpu.memory_space<vmem>>[vector<16xi32>, vector<16xi32>], vector<16xf32>,
      %swap3A_4412 = arith.constant 7 : i32
      %swap3A_4413 = arith.index_cast %add3A_4288 : i32 to index
      %swap3A_4414 = arith.index_cast %select_n3A_2289 : i32 to index
      %swap3A_4415 = arith.index_cast %swap3A_4412 : i32 to index
      %swap3A_4416 = arith.constant 112 : index
      %swap3A_4417 = tpu.vector_load %arg10[%swap3A_4413, %swap3A_4414, %swap3A_4415, %swap3A_4416] {strides = array<i32>} : memref<8x4x8x128xf32, #tpu.memory_space<vmem>>, vector<16xf32>,
      tpu.vector_store %arg10[%swap3A_4413, %swap3A_4414, %swap3A_4415, %swap3A_4416], %gather3A_4411 {strides = array<i32>} : memref<8x4x8x128xf32, #tpu.memory_space<vmem>>, vector<16xf32>,
      %add3A_4418 = arith.constant 3 : i32
      %add3A_4419 = arith.addi %mul3A_56, %add3A_4418 : i32
      %lt3A_4420 = arith.constant 16 : i32
      %lt3A_4421 = arith.cmpi slt, %add3A_4419, %lt3A_4420 : i32
      %convert_element_type3A_4422 = arith.extui %lt3A_4421 : i1 to i32
      %cond3A_4423 = arith.constant 0 : i32
      %cond3A_4424 = arith.cmpi ne, %convert_element_type3A_4422, %cond3A_4423 : i32
      scf.if %cond3A_4424 {
        %add3A_4425 = arith.constant 3 : i32
        %add3A_4426 = arith.addi %mul3A_56, %add3A_4425 : i32
        %jit3A_4427 = arith.constant 4 : i32
        %div3A_4428 = arith.divsi %add3A_4426, %jit3A_4427 : i32
        %sign3A_4429 = arith.constant 0 : i32
        %sign3A_4430 = arith.cmpi sgt, %add3A_4426, %sign3A_4429 : i32
        %sign3A_4431 = arith.extui %sign3A_4430 : i1 to i32
        %sign3A_4432 = arith.constant 0 : i32
        %sign3A_4433 = arith.cmpi slt, %add3A_4426, %sign3A_4432 : i32
        %sign3A_4434 = arith.extui %sign3A_4433 : i1 to i32
        %sign3A_4435 = arith.subi %sign3A_4431, %sign3A_4434 : i32
        %sign3A_4436 = arith.constant 0 : i32
        %sign3A_4437 = arith.cmpi sgt, %jit3A_4427, %sign3A_4436 : i32
        %sign3A_4438 = arith.extui %sign3A_4437 : i1 to i32
        %sign3A_4439 = arith.constant 0 : i32
        %sign3A_4440 = arith.cmpi slt, %jit3A_4427, %sign3A_4439 : i32
        %sign3A_4441 = arith.extui %sign3A_4440 : i1 to i32
        %sign3A_4442 = arith.subi %sign3A_4438, %sign3A_4441 : i32
        %ne3A_4443 = arith.cmpi ne, %sign3A_4435, %sign3A_4442 : i32
        %rem3A_4444 = arith.remsi %add3A_4426, %jit3A_4427 : i32
        %ne3A_4445 = arith.constant 0 : i32
        %ne3A_4446 = arith.cmpi ne, %rem3A_4444, %ne3A_4445 : i32
        %and3A_4447 = arith.andi %ne3A_4443, %ne3A_4446 : i1
        %sub3A_4448 = arith.constant 1 : i32
        %sub3A_4449 = arith.subi %div3A_4428, %sub3A_4448 : i32
        %select_n3A_4450 = arith.select %and3A_4447, %sub3A_4449, %div3A_4428 : i32
        %jit3A_4451 = arith.constant 4 : i32
        %eq3A_4452 = arith.constant 0 : i32
        %eq3A_4453 = arith.cmpi eq, %jit3A_4451, %eq3A_4452 : i32
        %jit3A_4454 = arith.constant 1 : i32
        %select_n3A_4455 = arith.select %eq3A_4453, %jit3A_4454, %jit3A_4451 : i32
        %rem3A_4456 = arith.remsi %add3A_4426, %select_n3A_4455 : i32
        %ne3A_4457 = arith.constant 0 : i32
        %ne3A_4458 = arith.cmpi ne, %rem3A_4456, %ne3A_4457 : i32
        %lt3A_4459 = arith.constant 0 : i32
        %lt3A_4460 = arith.cmpi slt, %rem3A_4456, %lt3A_4459 : i32
        %lt3A_4461 = arith.constant 0 : i32
        %lt3A_4462 = arith.cmpi slt, %select_n3A_4455, %lt3A_4461 : i32
        %ne3A_4463 = arith.xori %lt3A_4460, %lt3A_4462 : i1
        %and3A_4464 = arith.andi %ne3A_4463, %ne3A_4458 : i1
        %add3A_4465 = arith.addi %rem3A_4456, %select_n3A_4455 : i32
        %select_n3A_4466 = arith.select %and3A_4464, %add3A_4465, %rem3A_4456 : i32
        %mul3A_4467 = arith.constant 128 : i32
        %mul3A_4468 = arith.muli %select_n3A_4466, %mul3A_4467 : i32
        %dma_start3A_4469 = arith.constant 1 : i32
        %dma_start3A_4470 = arith.constant 0 : i32
        %dma_start3A_4471 = arith.constant 0 : i32
        %dma_start3A_4472 = tpu.memref_slice %arg9[%dma_start3A_4469, %dma_start3A_4470, %dma_start3A_4471] : memref<2x128x64xf32, #tpu.memory_space<vmem>> -> memref<1x128x64xf32, #tpu.memory_space<vmem>>
        %dma_start3A_4473 = tpu.memref_squeeze %dma_start3A_4472 : memref<1x128x64xf32, #tpu.memory_space<vmem>> -> memref<128x64xf32, #tpu.memory_space<vmem>>
        %dma_start3A_4474 = tpu.memref_slice %arg8[%select_n3A_4450, %mul3A_4468] : memref<4x512xi32, #tpu.memory_space<vmem>> -> memref<1x128xi32, #tpu.memory_space<vmem>>
        %dma_start3A_4475 = tpu.memref_squeeze %dma_start3A_4474 : memref<1x128xi32, #tpu.memory_space<vmem>> -> memref<128xi32, #tpu.memory_space<vmem>>
        %dma_start3A_4476 = arith.constant 0 : i32
        %dma_start3A_4477 = arith.constant 0 : i32
        %dma_start3A_4478 = tpu.memref_slice %arg2[%dma_start3A_4476, %dma_start3A_4477] : memref<1000000x64xf32, #tpu.memory_space<hbm>> -> memref<1000000x64xf32, #tpu.memory_space<hbm>>
        tpu.enqueue_indirect_dma source(%dma_start3A_4478 : memref<1000000x64xf32, #tpu.memory_space<hbm>>) target(%dma_start3A_4473 : memref<128x64xf32, #tpu.memory_space<vmem>>) offsets(%dma_start3A_4475 : memref<128xi32, #tpu.memory_space<vmem>>) semaphore(%arg12 : memref<!tpu.dma_semaphore, #tpu.memory_space<semaphore_mem>>)
      } else {
      }
    }
    %scan3A_36 = arith.constant 8 : i32
    %mul3A_37 = arith.constant 4 : i32
    %mul3A_38 = arith.muli %mul3A_37, %add3A : i32
    %dma_start3A_39 = arith.constant 0 : i32
    %dma_start3A_40 = arith.constant 0 : i32
    %dma_start3A_41 = arith.constant 0 : i32
    %dma_start3A_42 = tpu.memref_slice %arg5[%dma_start3A_39, %mul3A_38, %dma_start3A_40, %dma_start3A_41] : memref<8x128x8x128xf32, #tpu.memory_space<hbm>> -> memref<8x4x8x128xf32, #tpu.memory_space<hbm>>
    %dma_start3A_43 = arith.constant 0 : i32
    %dma_start3A_44 = arith.constant 0 : i32
    %dma_start3A_45 = arith.constant 0 : i32
    %dma_start3A_46 = tpu.memref_slice %arg5[%dma_start3A_43, %mul3A_38, %dma_start3A_44, %dma_start3A_45] : memref<8x128x8x128xf32, #tpu.memory_space<hbm>> -> memref<8x4x8x128xf32, #tpu.memory_space<hbm>>
    tpu.enqueue_dma source(%arg10 : memref<8x4x8x128xf32, #tpu.memory_space<vmem>>) target(%dma_start3A_46 : memref<8x4x8x128xf32, #tpu.memory_space<hbm>>) target_semaphore(%arg13 : memref<!tpu.dma_semaphore, #tpu.memory_space<semaphore_mem>>)
    %dma_wait3A = arith.constant 0 : i32
    %dma_wait3A_47 = arith.constant 0 : i32
    %dma_wait3A_48 = arith.constant 0 : i32
    %dma_wait3A_49 = tpu.memref_slice %arg5[%dma_wait3A, %mul3A_38, %dma_wait3A_47, %dma_wait3A_48] : memref<8x128x8x128xf32, #tpu.memory_space<hbm>> -> memref<8x4x8x128xf32, #tpu.memory_space<hbm>>
    %dma_wait3A_50 = arith.constant 0 : i32
    %dma_wait3A_51 = arith.constant 0 : i32
    %dma_wait3A_52 = arith.constant 0 : i32
    %dma_wait3A_53 = tpu.memref_slice %arg5[%dma_wait3A_50, %mul3A_38, %dma_wait3A_51, %dma_wait3A_52] : memref<8x128x8x128xf32, #tpu.memory_space<hbm>> -> memref<8x4x8x128xf32, #tpu.memory_space<hbm>>
    tpu.wait_dma2 semaphore(%arg13 : memref<!tpu.dma_semaphore, #tpu.memory_space<semaphore_mem>>) src(%arg10 : memref<8x4x8x128xf32, #tpu.memory_space<vmem>>) dst(%dma_wait3A_53 : memref<8x4x8x128xf32, #tpu.memory_space<hbm>>)
    return
  }
}

</mosaic_0001>

<sc_bundles>
// kernel: kernel.3.cloned.1.call-start
scs
__scs_entry_jumppad:
0x0: {  	(pc) =	sbr.rel $0x88, $3  }
0x1: {  	(tag) =	ssettag $0x0;
	lr =	simm.s32 $0x1  }
0x2: {  	[smem:$0x3F9E] =	sst lr;
	_ =	strace $0xD0000000  }
0x3: {  	_ = 	snop  }
0x4: {  	_ = 	snop  }
0x5: {  	_ = 	snop  }
0x6: {  	_ = 	snop  }
0x7: {  	_ = 	snop  }
__scs_overlays_trampoline_lowered:
0x8: {  	[smem:$0x3FAD] =	sst s0  }
0x9: {  	[smem:$0x3FAE] =	sst s1  }
0xa: {  	[smem:$0x3FAF] =	sst s2  }
0xb: {  	[smem:$0x3FB0] =	sst s3  }
0xc: {  	[smem:$0x3FB1] =	sst s4  }
0xd: {  	[smem:$0x3FB2] =	sst s5  }
0xe: {  	[smem:$0x3FB3] =	sst s6  }
0xf: {  	[smem:$0x3FB4] =	sst s7  }
0x10: {  	[smem:$0x3FB5] =	sst s8  }
0x11: {  	[smem:$0x3FB6] =	sst s9;
	s0 =	simm.s32 @!p0 $0x0  }
0x12: {  	s1 =	sld [smem:$0x3F9C];
	s0 =	simm.s32 @p0 $0x1  }
0x13: {  	[smem:$0x3FB7] =	sst s0;
	s0 =	simm.s32 @!p1 $0x0  }
0x14: {  	s2 =	sld [smem:$0x3F9B];
	s0 =	simm.s32 @p1 $0x1  }
0x15: {  	[smem:$0x3FB8] =	sst s0;
	s0 =	simm.s32 @!p2 $0x0  }
0x16: {  	s3 =	sld [smem:$0x3FDB];
	s0 =	simm.s32 @p2 $0x1  }
0x17: {  	s4 =	simm.s32 $0x1BF5;
	[smem:$0x3FBA] =	sst s0  }
0x18: {  	s0 =	sld [smem:$0x3F9D];
	_ =	swait.ge [sflag:s4], $0x0  }
0x19: {  	s7 =	sld [smem:$0x3F9E]  }
0x1a: {  	s8 =	sadd.s32 $0xFFFFE003, lr  }
0x1b: {  	s9 =	sadd.s32 $0xFFFFFEF7, lr;
	s5 =	simm.s32 $0xFFFFFFFF;
	p2 =	slt.u32 s8, $0xFFFFF086  }
0x1c: {  	p1 =	slt.u32 s9, $0xF7A;
	s5 =	simm.s32 @!p2 $0x0  }
0x1d: {  	s5 =	simm.s32 @p1 $0x1;
	p0 =	seq.s32 s7, s2  }
0x1e: {  	s7 =	smul.u32 @!p0 $0xF7A, s2;
	p2 =	seq.s32 @!p0 s5, $0x0  }
0x1f: {  	s9 =	smul.u32 $0xF7A, s1;
	s8 =	simm.s32 @!p0 $0x1BF5;
	p2 =	por !p2, p0  }
0x20: {  	[sflag:s8] =	ssyncset.s32 @!p0 $0xFFFFF086;
	s6 =	sadd.s32 @!p0 s3, s7;
	s7 =	simm.s32 @!p0 $0x108  }
0x21: {  	s3 =	sadd.s32 s3, s9;
	s6 =	sadd.s32 @!p0 $0x88, s6;
	s7 =	simm.s32 @p2 $0x1082  }
0x22: {  	[simem:s7], [sflag:s8] =	dma.local @!p0 [hbm:s6], $0xF7A  }
0x23: {  	s9 =	sor.u32 $0xD0000000, s2;
	s6 =	simm.s32 $0x108;
	_ =	swait.ge @!p0 [sflag:s8], $0x0  }
0x24: {  	s3 =	sadd.s32 $0x88, s3;
	s6 =	simm.s32 @!p1 $0x1082;
	[sflag:s4] =	ssyncset.s32 $0xFFFFF086  }
0x25: {  	[simem:s6], [sflag:s4] =	dma.local [hbm:s3], $0xF7A  }
0x26: {  	[smem:$0x3F9E] =	sst s1;
	(tag) =	ssettag s2;
	_ =	strace s9  }
0x27: {  	s1 =	sld [smem:$0x3FAE]  }
0x28: {  	s2 =	sld [smem:$0x3FAF]  }
0x29: {  	s4 =	sld [smem:$0x3FB1]  }
0x2a: {  	p0 =	seq.s32 s5, $0x0;
	s5 =	sld [smem:$0x3FB2]  }
0x2b: {  	s6 =	sld [smem:$0x3FB3]  }
0x2c: {  	s7 =	sld [smem:$0x3FB4]  }
0x2d: {  	s3 =	simm.s32 $0x108;
	s8 =	sld [smem:$0x3FB5]  }
0x2e: {  	s3 =	simm.s32 @!p0 $0x1082;
	s9 =	sld [smem:$0x3FB6]  }
0x2f: {  	lr =	sadd.s32 s0, s3;
	s0 =	sld [smem:$0x3FAD]  }
0x30: {  	s3 =	sld [smem:$0x3FB0]  }
0x31: {  	[smem:$0x3FB9] =	sst s10  }
0x32: {  	s10 =	sld [smem:$0x3FB7];
	_ =	sdelay $0x3  }
0x33: {  	p0 =	seq.s32 s10, $0x1;
	s10 =	sld [smem:$0x3FB9];
	_ =	sdelay $0x3  }
0x34: {  	[smem:$0x3FB9] =	sst s10  }
0x35: {  	s10 =	sld [smem:$0x3FB8];
	_ =	sdelay $0x3  }
0x36: {  	p1 =	seq.s32 s10, $0x1;
	s10 =	sld [smem:$0x3FB9];
	_ =	sdelay $0x3  }
0x37: {  	[smem:$0x3FB9] =	sst s10  }
0x38: {  	s10 =	sld [smem:$0x3FBA]  }
0x39: {  	_ = 	snop;
	(pc) =	sbr.ind lr, $3  }
0x3a: {  	_ = 	snop  }
0x3b: {  	_ = 	snop  }
0x3c: {  	p2 =	seq.s32 s10, $0x1;
	s10 =	sld [smem:$0x3FB9]  }
0x3d: {  	_ =	shalt  }
0x3e: {  	_ =	shalt  }
0x3f: {  	_ =	shalt  }
0x40: {  	_ =	shalt  }
0x41: {  	_ =	shalt  }
0x42: {  	_ =	shalt  }
0x43: {  	_ =	shalt  }
0x44: {  	_ =	shalt  }
0x45: {  	_ =	shalt  }
0x46: {  	_ =	shalt  }
0x47: {  	_ =	shalt  }
0x48: {  	_ =	shalt  }
0x49: {  	_ =	shalt  }
0x4a: {  	_ =	shalt  }
0x4b: {  	_ =	shalt  }
0x4c: {  	_ =	shalt  }
0x4d: {  	_ =	shalt  }
0x4e: {  	_ =	shalt  }
0x4f: {  	_ =	shalt  }
0x50: {  	_ =	shalt  }
0x51: {  	_ =	shalt  }
0x52: {  	_ =	shalt  }
0x53: {  	_ =	shalt  }
0x54: {  	_ =	shalt  }
0x55: {  	_ =	shalt  }
0x56: {  	_ =	shalt  }
0x57: {  	_ =	shalt  }
0x58: {  	_ =	shalt  }
0x59: {  	_ =	shalt  }
0x5a: {  	_ =	shalt  }
0x5b: {  	_ =	shalt  }
0x5c: {  	_ =	shalt  }
0x5d: {  	_ =	shalt  }
0x5e: {  	_ =	shalt  }
0x5f: {  	_ =	shalt  }
0x60: {  	_ =	shalt  }
0x61: {  	_ =	shalt  }
0x62: {  	_ =	shalt  }
0x63: {  	_ =	shalt  }
0x64: {  	_ =	shalt  }
0x65: {  	_ =	shalt  }
0x66: {  	_ =	shalt  }
0x67: {  	_ =	shalt  }
0x68: {  	_ =	shalt  }
0x69: {  	_ =	shalt  }
0x6a: {  	_ =	shalt  }
0x6b: {  	_ =	shalt  }
0x6c: {  	_ =	shalt  }
0x6d: {  	_ =	shalt  }
0x6e: {  	_ =	shalt  }
0x6f: {  	_ =	shalt  }
0x70: {  	_ =	shalt  }
0x71: {  	_ =	shalt  }
0x72: {  	_ =	shalt  }
0x73: {  	_ =	shalt  }
0x74: {  	_ =	shalt  }
0x75: {  	_ =	shalt  }
0x76: {  	_ =	shalt  }
0x77: {  	_ =	shalt  }
0x78: {  	_ =	shalt  }
0x79: {  	_ =	shalt  }
0x7a: {  	_ =	shalt  }
0x7b: {  	_ =	shalt  }
0x7c: {  	_ =	shalt  }
0x7d: {  	_ =	shalt  }
0x7e: {  	_ =	shalt  }
0x7f: {  	_ =	shalt  }
0x80: {  	_ =	shalt  }
0x81: {  	_ =	shalt  }
0x82: {  	_ =	shalt  }
0x83: {  	_ =	shalt  }
0x84: {  	_ =	shalt  }
0x85: {  	_ =	shalt  }
0x86: {  	_ =	shalt  }
0x87: {  	_ =	shalt  }
.Lfunc_end0:
.L_simem_size_0:
called_computation.1_lowered:
.L_overlay_start_0:
0x88: {  	s2 =	sld [smem:$0x3FD9]  }
0x89: {  	s3 =	sld [smem:$0x3FFE];
	_ =	sdelay $0x1  }
0x8a: {  	s1 =	srdreg.scid  }
0x8b: {  	s0 =	sand.u32 $0x1, s1  }
0x8c: {  	s17 =	sshll.u32 s0, $0xA;
	s2 =	sadd.s32 s3, s2  }
0x8d: {  	s2 =	sadd.s32 s2, s17  }
0x8e: {  	[smem:$0x3FC5] =	sst s2  }
0x8f: {  	_ = 	snop  }
0x90: {  	s2 =	sld [smem:$0x3FC9]  }
0x91: {  	s18 =	sld [smem:$0x3FD0];
	(tm) =	ssettm $0x1  }
0x92: {  	s4 =	sld [smem:$0x3FFB];
	_ =	sdelay $0x3  }
0x93: {  	_ =	strace s4  }
0x94: {  	s4 =	sld [smem:$0x3FFC];
	_ =	sdelay $0x3  }
0x95: {  	_ =	strace s4  }
0x96: {  	s4 =	sld [smem:$0x3FFD];
	_ =	sdelay $0x3  }
0x97: {  	_ =	strace s4  }
0x98: {  	_ =	strace $0x8FFFFFFF  }
0x99: {  	s19 =	sld [smem:$0x3FDB];
	_ =	sdelay $0x1  }
0x9a: {  	s5 =	simm.s32 $_scs_section_size  }
0x9b: {  	s6 =	simm.s32 $_size__tile_overlayer_lowered;
	s7 =	simm.s32 $_tile_overlayer_lowered  }
0x9c: {  	s22 =	simm.s32 $0x1BFF;
	s21 =	sshll.u32 s7, $0x1;
	s4 =	sadd.s32 s5, s19  }
0x9d: {  	s8 =	simm.s32 $0x0;
	s20 =	sshll.u32 s6, $0x1;
	s6 =	sadd.s32 s21, s4  }
0x9e: {  	[timem:s8], [sflag:s22] =	dma.local [hbm:s6], s20  }
0x9f: {  	_ =	swait.ge [sflag:s22], s20  }
0xa0: {  	s5 =	ssub.s32 $0x0, s20;
	[sflag:s22] =	ssyncset.done $0x0  }
0xa1: {  	[sflag:s22] =	ssyncadd.s32 s5;
	_ =	sdelay $0x1  }
0xa2: {  	s23 =	simm.s32 $0x1B8B  }
0xa3: {  	_ =	swait.ge [sflag:s23], $0x1  }
0xa4: {  	[sflag:s23] =	ssyncset.done $0x0  }
0xa5: {  	s25 =	simm.s32 $0x1B8E;
	s24 =	sld [smem:$0x3FFE];
	[sflag:s23] =	ssyncadd.s32 $0xFFFFFFFF  }
0xa6: {  	s26 =	simm.s32 $execute0_lowered;
	[smem:$0x3FD2] =	sst s25  }
0xa7: {  	s6 =	sshll.u32 s26, $0x1;
	_ =	strace $0x80000049;
	[dreg:$0x1] =	wrdreg $0xFFFFFFFF  }
0xa8: {  	s28 =	simm.s32 $_size_execute0_lowered;
	s4 =	sadd.s32 s4, s6;
	[dreg:$0x0] =	wrdreg $0x0  }
0xa9: {  	s6 =	sshll.u32 s28, $0x1;
	[dreg:$0x2] =	wrdreg s4  }
0xaa: {  	[dreg:$0x3] =	wrdreg s6  }
0xab: {  	[dreg:$0x4] =	wrdreg $0xC0  }
0xac: {  	_ =	task [dreg:s8], $0x5FFFF  }
0xad: {  	[dreg:$0x1] =	wrdreg $0xFFFFFFFF  }
0xae: {  	[dreg:$0x0] =	wrdreg $0x60  }
0xaf: {  	[dreg:$0x2] =	wrdreg s24  }
0xb0: {  	[dreg:$0x3] =	wrdreg s2  }
0xb1: {  	[dreg:$0x4] =	wrdreg s18  }
0xb2: {  	[dreg:$0x5] =	wrdreg $0x9  }
0xb3: {  	_ =	task.clear_ibuf [dreg:s8], $0x6FFFF;
	_ =	strace $0x90000049  }
0xb4: {  	s29 =	simm.s32 $0x9;
	_ =	strace $0x8000004B  }
0xb5: {  	_ =	swait.ge [sflag:s29], $0x1  }
0xb6: {  	[sflag:s29] =	ssyncadd.s32 $0xFFFFFFFF  }
0xb7: {  	_ =	strace $0x9000004B  }
0xb8: {  	_ =	sfence  }
0xb9: {  	s30 =	sld [smem:$0x0];
	_ =	sdelay $0x2  }
0xba: {  	s31 =	sshll.u32 s1, $0xD;
	s1 =	sshrl.u32 s1, $0x2  }
0xbb: {  	s3 =	sand.u32 $0x4000, s31;
	s1 =	sadd.s32 s1, s30  }
0xbc: {  	s0 =	sor.u32 s3, s0;
	s1 =	sshll.u32 s1, $0x11  }
0xbd: {  	s0 =	sor.u32 s1, s0  }
0xbe: {  	s0 =	sadd.s32 $0x8F2B, s0  }
0xbf: {  	[sflag:s0] =	ssyncadd.remote.s32 $0x1  }
0xc0: {  	_ =	sfence.sel $0xFFFF  }
0xc1: {  	[dreg:$0x0] =	wrdreg $0xFFFFFFFF;
	(pc) =	sbr.abs _section_cstart, $3  }
0xc2: {  	[dreg:$0x1] =	wrdreg $0xFFFFFFFF  }
0xc3: {  	_ =	task.clear_ibuf [dreg:s8], $0x2FFFF;
	_ =	strace $0x9FFFFFFF  }
0xc4: {  	(tm) =	ssettm $0x7FFFFFFF  }
0xc5: {  	_ =	shalt  }
tec
execute0_lowered:
.L_overlay_start_1:
0x0: {  	(tag) =	ssettag $0x1  }
0x1: {  	v0 =	vlaneseq.u32  }
0x2: {  	v1 =	vimm.s32 $0x0;
	vm0 =	vcmask $0x300;
	v0 =	vmul.u32 $0x40, v0  }
0x3: {  	v1 =	vsel vm0, $0x3, v1  }
0x4: {  	[tilespmem:$0x1FC50] =	vst v1;
	v8 =	vor.u32 $0x400, v0  }
0x5: {  	v9 =	vor.u32 $0x800, v0;
	[tilespmem:$0x1FC60] =	vst v8  }
0x6: {  	v10 =	vor.u32 $0xC00, v0;
	[tilespmem:$0x1FC70] =	vst v9  }
0x7: {  	v11 =	vor.u32 $0x1000, v0;
	[tilespmem:$0x1FC80] =	vst v10  }
0x8: {  	v12 =	vor.u32 $0x1400, v0;
	[tilespmem:$0x1FC90] =	vst v11  }
0x9: {  	v13 =	vor.u32 $0x1800, v0;
	[tilespmem:$0x1FCA0] =	vst v12  }
0xa: {  	v14 =	vor.u32 $0x1C00, v0;
	[tilespmem:$0x1FCB0] =	vst v13  }
0xb: {  	v15 =	vor.u32 $0x1, v0;
	[tilespmem:$0x1FCC0] =	vst v14  }
0xc: {  	v16 =	vor.u32 $0x401, v0;
	[tilespmem:$0x1FCD0] =	vst v15  }
0xd: {  	v17 =	vor.u32 $0x801, v0;
	[tilespmem:$0x1FCE0] =	vst v16  }
0xe: {  	v18 =	vor.u32 $0xC01, v0;
	[tilespmem:$0x1FCF0] =	vst v17  }
0xf: {  	v19 =	vor.u32 $0x1001, v0;
	[tilespmem:$0x1FD00] =	vst v18  }
0x10: {  	v20 =	vor.u32 $0x1401, v0;
	[tilespmem:$0x1FD10] =	vst v19  }
0x11: {  	v21 =	vor.u32 $0x1801, v0;
	[tilespmem:$0x1FD20] =	vst v20  }
0x12: {  	v22 =	vor.u32 $0x1C01, v0;
	[tilespmem:$0x1FD30] =	vst v21  }
0x13: {  	v23 =	vor.u32 $0x2, v0;
	[tilespmem:$0x1FD40] =	vst v22  }
0x14: {  	v24 =	vor.u32 $0x402, v0;
	[tilespmem:$0x1FD50] =	vst v23  }
0x15: {  	v25 =	vor.u32 $0x802, v0;
	[tilespmem:$0x1FD60] =	vst v24  }
0x16: {  	v26 =	vor.u32 $0xC02, v0;
	[tilespmem:$0x1FD70] =	vst v25  }
0x17: {  	v27 =	vor.u32 $0x1002, v0;
	[tilespmem:$0x1FD80] =	vst v26  }
0x18: {  	v28 =	vor.u32 $0x1402, v0;
	[tilespmem:$0x1FD90] =	vst v27  }
0x19: {  	v29 =	vor.u32 $0x1802, v0;
	[tilespmem:$0x1FDA0] =	vst v28  }
0x1a: {  	v30 =	vor.u32 $0x1C02, v0;
	[tilespmem:$0x1FDB0] =	vst v29  }
0x1b: {  	v31 =	vor.u32 $0x3, v0;
	[tilespmem:$0x1FDC0] =	vst v30  }
0x1c: {  	s4 =	rddreg [dreg:$0x0];
	v32 =	vor.u32 $0x403, v0;
	[tilespmem:$0x1FDD0] =	vst v31  }
0x1d: {  	s5 =	rddreg [dreg:$0x1];
	v33 =	vor.u32 $0x803, v0;
	[tilespmem:$0x1FDE0] =	vst v32  }
0x1e: {  	s6 =	rddreg [dreg:$0x2];
	s1 =	simm.s32 $0x0;
	v34 =	vor.u32 $0xC03, v0;
	[tilespmem:$0x1FDF0] =	vst v33  }
0x1f: {  	[smem:$0x7FF] =	sst s1;
	v35 =	vor.u32 $0x1003, v0;
	[tilespmem:$0x1FE00] =	vst v34  }
0x20: {  	s0 =	rddreg [dreg:$0x3];
	v36 =	vor.u32 $0x1403, v0;
	_ =	strace $0x8000004A;
	[tilespmem:$0x1FE10] =	vst v35  }
0x21: {  	v37 =	vor.u32 $0x1803, v0;
	[tilespmem:$0x1FE20] =	vst v36  }
0x22: {  	v38 =	vor.u32 $0x1C03, v0;
	[tilespmem:$0x1FE30] =	vst v37  }
0x23: {  	v39 =	vor.u32 $0x4, v0;
	[tilespmem:$0x1FE40] =	vst v38  }
0x24: {  	v40 =	vor.u32 $0x404, v0;
	[tilespmem:$0x1FE50] =	vst v39  }
0x25: {  	v41 =	vor.u32 $0x804, v0;
	[tilespmem:$0x1FE60] =	vst v40  }
0x26: {  	v42 =	vor.u32 $0xC04, v0;
	[tilespmem:$0x1FE70] =	vst v41  }
0x27: {  	v43 =	vor.u32 $0x1004, v0;
	[tilespmem:$0x1FE80] =	vst v42  }
0x28: {  	v44 =	vor.u32 $0x1404, v0;
	[tilespmem:$0x1FE90] =	vst v43  }
0x29: {  	v45 =	vor.u32 $0x1804, v0;
	[tilespmem:$0x1FEA0] =	vst v44  }
0x2a: {  	v46 =	vor.u32 $0x1C04, v0;
	[tilespmem:$0x1FEB0] =	vst v45  }
0x2b: {  	v47 =	vor.u32 $0x5, v0;
	[tilespmem:$0x1FEC0] =	vst v46  }
0x2c: {  	v48 =	vor.u32 $0x405, v0;
	[tilespmem:$0x1FED0] =	vst v47  }
0x2d: {  	v49 =	vor.u32 $0x805, v0;
	[tilespmem:$0x1FEE0] =	vst v48  }
0x2e: {  	v50 =	vor.u32 $0xC05, v0;
	[tilespmem:$0x1FEF0] =	vst v49  }
0x2f: {  	v51 =	vor.u32 $0x1005, v0;
	[tilespmem:$0x1FF00] =	vst v50  }
0x30: {  	v52 =	vor.u32 $0x1405, v0;
	[tilespmem:$0x1FF10] =	vst v51  }
0x31: {  	v53 =	vor.u32 $0x1805, v0;
	[tilespmem:$0x1FF20] =	vst v52  }
0x32: {  	v54 =	vor.u32 $0x1C05, v0;
	[tilespmem:$0x1FF30] =	vst v53  }
0x33: {  	v55 =	vor.u32 $0x6, v0;
	[tilespmem:$0x1FF40] =	vst v54  }
0x34: {  	v56 =	vor.u32 $0x406, v0;
	[tilespmem:$0x1FF50] =	vst v55  }
0x35: {  	s7 =	srdreg.scid;
	s2 =	stileid.u32;
	s11 =	simm.s32 $0x240;
	v57 =	vor.u32 $0x806, v0;
	[tilespmem:$0x1FF60] =	vst v56  }
0x36: {  	s12 =	simm.s32 $0xA40;
	s13 =	simm.s32 $0x2C0;
	s14 =	simm.s32 $0x2A40;
	v58 =	vor.u32 $0xC06, v0;
	[tilespmem:$0x1FF70] =	vst v57  }
0x37: {  	s15 =	simm.s32 $0x1;
	s16 =	simm.s32 $0x2;
	s17 =	simm.s32 $0x1000;
	v59 =	vor.u32 $0x1006, v0;
	[tilespmem:$0x1FF80] =	vst v58  }
0x38: {  	s18 =	simm.s32 $0x20000;
	s19 =	simm.s32 $0x4A40;
	s20 =	simm.s32 $0x3;
	v60 =	vor.u32 $0x1406, v0;
	[tilespmem:$0x1FF90] =	vst v59  }
0x39: {  	s21 =	simm.s32 $0x0;
	s3 =	sadd.s32 $0xF43000, s4;
	s7 =	sand.u32 $0x1, s7;
	v61 =	vor.u32 $0x1806, v0;
	[tilespmem:$0x1FFA0] =	vst v60  }
.Ltmp0:
0x3a: {  	s8 =	sshll.u32 s2, $0x1;
	s9 =	ssub.s32 $0x2, s7;
	v62 =	vor.u32 $0x1C06, v0;
	[tilespmem:$0x1FFB0] =	vst v61;
	(pc) =	sbr.rel .LBB2_1-.Ltmp0, $4  }
0x3b: {  	s4 =	sadd.s32 $0xF42E00, s4;
	s7 =	sor.u32 s7, s8;
	s31 =	sshrl.u32 s9, $0x1;
	v63 =	vor.u32 $0x7, v0;
	[tilespmem:$0x1FFC0] =	vst v62  }
0x3c: {  	s10 =	sshll.u32 s7, $0x6;
	s7 =	sshll.u32 s7, $0x9;
	s8 =	ssub.s32 s9, s31;
	[tilespmem:$0x1FFD0] =	vst v63  }
0x3d: {  	s5 =	sadd.s32 s5, s10;
	s6 =	sadd.s32 s6, s7;
	s9 =	simm.s32 $0x200;
	[tilespmem:$0x1FFE0] =	vst v0;
	v0 =	vor.u32 $0x407, v0  }
0x3e: {  	s10 =	simm.s32 $0x80;
	s7 =	smax.u32 s8, $0x1;
	s8 =	simm.s32 $0x4;
	[tilespmem:$0x1FFF0] =	vst v0  }
.LBB2_6:
0x3f: {  	s21 =	sadd.s32 $0x1, s21  }
0x40: {  	p0 =	sne.s32 s21, s7  }
.Ltmp1:
0x41: {  	_ = 	snop;
	(pc) =	sbr.rel @!p0 .LBB2_7-.Ltmp1, $4  }
0x42: {  	[hbm4b:s6+s17] =	stream.strided.scatter [tilespmem:s19], [sflag:$0x3], $0x8000, s18, s17, $0x38;
	[tilespmem:$0xCA40] =	vst v63  }
0x43: {  	_ =	swait.ge [sflag:s20], $0x8000  }
0x44: {  	[sflag:s20] =	ssyncset.done $0x0  }
0x45: {  	[sflag:s20] =	ssyncadd.s32 $0xFFFF8000  }
.LBB2_1:
0x46: {  	[tilespmem:s1], [sflag:$0x4] =	stream.linear.gather [hbm4b:s5+s1], $0x200, $0x38;
	[tilespmem:$0xCA40] =	vst v63  }
0x47: {  	_ =	swait.ge [sflag:s8], $0x200  }
0x48: {  	[sflag:s8] =	ssyncset.done $0x0  }
0x49: {  	[sflag:s8] =	ssyncadd.s32 $0xFFFFFE00  }
0x4a: {  	[tilespmem:s9], [sflag:$0x4] =	stream.linear.gather [hbm4b:s4+s1], $0x40, $0x38;
	[tilespmem:$0xCA40] =	vst v63  }
0x4b: {  	_ =	swait.ge [sflag:s8], $0x40  }
0x4c: {  	[sflag:s8] =	ssyncset.done $0x0  }
0x4d: {  	s22 =	simm.s32 $0x0;
	[sflag:s8] =	ssyncadd.s32 $0xFFFFFFC0  }
0x4e: {  	s23 =	simm.s32 $0x40;
	v0 =	vld [tilespmem:s22+$0x0]  }
.LBB2_2:
0x4f: {  	p0 =	sne.s32 s23, $0x7C0;
	v1 =	vld [tilespmem:$0x200];
	_ =	sdelay $0x4  }
0x50: {  	v1 =	vmul.u32 v0, v1;
	_ =	sdelay $0x1  }
0x51: {  	v3 =	vmulhi.u32 $0x431BDE83, v1;
	_ =	sdelay $0x1  }
0x52: {  	v3 =	vshrl.u32 v3, $0x12  }
0x53: {  	v3 =	vmul.u32 $0xF4240, v3;
	_ =	sdelay $0x1  }
0x54: {  	v1 =	vsub.s32 v1, v3  }
0x55: {  	[tilespmem:s22+$0x240] =	vst v1  }
0x56: {  	v1 =	vld [tilespmem:$0x210];
	_ =	sdelay $0x4  }
0x57: {  	v1 =	vmul.u32 v0, v1;
	_ =	sdelay $0x1  }
0x58: {  	v3 =	vmulhi.u32 $0x431BDE83, v1;
	_ =	sdelay $0x1  }
0x59: {  	v3 =	vshrl.u32 v3, $0x12  }
0x5a: {  	v3 =	vmul.u32 $0xF4240, v3;
	_ =	sdelay $0x1  }
0x5b: {  	v1 =	vsub.s32 v1, v3  }
0x5c: {  	[tilespmem:s22+$0x440] =	vst v1  }
0x5d: {  	v1 =	vld [tilespmem:$0x220];
	_ =	sdelay $0x4  }
0x5e: {  	v1 =	vmul.u32 v0, v1;
	_ =	sdelay $0x1  }
0x5f: {  	v3 =	vmulhi.u32 $0x431BDE83, v1;
	_ =	sdelay $0x1  }
0x60: {  	v3 =	vshrl.u32 v3, $0x12  }
0x61: {  	v3 =	vmul.u32 $0xF4240, v3;
	_ =	sdelay $0x1  }
0x62: {  	v1 =	vsub.s32 v1, v3  }
0x63: {  	[tilespmem:s22+$0x640] =	vst v1  }
0x64: {  	v1 =	vld [tilespmem:$0x230];
	_ =	sdelay $0x4  }
0x65: {  	v0 =	vmul.u32 v0, v1;
	_ =	sdelay $0x1  }
0x66: {  	v1 =	vmulhi.u32 $0x431BDE83, v0;
	_ =	sdelay $0x1  }
.Ltmp2:
0x67: {  	v1 =	vshrl.u32 v1, $0x12;
	(pc) =	sbr.rel @p0 .LBB2_2-.Ltmp2, $3  }
0x68: {  	v1 =	vmul.u32 $0xF4240, v1;
	_ =	sdelay $0x1  }
0x69: {  	s24 =	sshra.s32 s23, $0x2;
	v1 =	vsub.s32 v0, v1  }
0x6a: {  	s23 =	sadd.s32 $0x40, s23;
	v0 =	vld [tilespmem:s24+$0x0];
	[tilespmem:s22+$0x840] =	vst v1;
	s22 =	smov.u32 s24  }
0x6b: {  	v1 =	vld [tilespmem:$0x200];
	_ =	sdelay $0x4  }
0x6c: {  	v1 =	vmul.u32 v0, v1;
	_ =	sdelay $0x1  }
0x6d: {  	v3 =	vmulhi.u32 $0x431BDE83, v1;
	_ =	sdelay $0x1  }
0x6e: {  	v3 =	vshrl.u32 v3, $0x12  }
0x6f: {  	v3 =	vmul.u32 $0xF4240, v3;
	_ =	sdelay $0x1  }
0x70: {  	v1 =	vsub.s32 v1, v3  }
0x71: {  	[tilespmem:s22+$0x240] =	vst v1  }
0x72: {  	v1 =	vld [tilespmem:$0x210];
	_ =	sdelay $0x4  }
0x73: {  	v1 =	vmul.u32 v0, v1;
	_ =	sdelay $0x1  }
0x74: {  	v61 =	vmulhi.u32 $0x431BDE83, v1;
	_ =	sdelay $0x1  }
0x75: {  	v3 =	vshrl.u32 v61, $0x12  }
0x76: {  	v3 =	vmul.u32 $0xF4240, v3;
	_ =	sdelay $0x1  }
0x77: {  	v1 =	vsub.s32 v1, v3  }
0x78: {  	[tilespmem:s22+$0x440] =	vst v1  }
0x79: {  	v1 =	vld [tilespmem:$0x220];
	_ =	sdelay $0x4  }
0x7a: {  	v1 =	vmul.u32 v0, v1;
	_ =	sdelay $0x1  }
0x7b: {  	v62 =	vmulhi.u32 $0x431BDE83, v1;
	_ =	sdelay $0x1  }
0x7c: {  	v3 =	vshrl.u32 v62, $0x12  }
0x7d: {  	v3 =	vmul.u32 $0xF4240, v3;
	_ =	sdelay $0x1  }
0x7e: {  	v1 =	vsub.s32 v1, v3  }
0x7f: {  	[tilespmem:s22+$0x640] =	vst v1  }
0x80: {  	v1 =	vld [tilespmem:$0x230];
	_ =	sdelay $0x4  }
0x81: {  	v63 =	vmul.u32 v0, v1;
	_ =	sdelay $0x1  }
0x82: {  	v1 =	vmulhi.u32 $0x431BDE83, v63;
	_ =	sdelay $0x1  }
0x83: {  	v1 =	vshrl.u32 v1, $0x12  }
0x84: {  	v1 =	vmul.u32 $0xF4240, v1;
	_ =	sdelay $0x1  }
0x85: {  	v0 =	vsub.s32 v63, v1  }
0x86: {  	s23 =	simm.s32 $0x180;
	[tilespmem:s22+$0x840] =	vst v0  }
0x87: {  	[tilespmem:s12], [sflag:$0x1] =	stream.indirect.gather [hbm4b:s3+s10], $0x40, s11, s10, $0xb8;
	[tilespmem:$0xCA40] =	vst v63  }
0x88: {  	s24 =	simm.s32 $0x0;
	s25 =	simm.s32 $0x0;
	s22 =	simm.s32 $0x600  }
0x89: {  	[tilespmem:s14], [sflag:$0x2] =	stream.indirect.gather [hbm4b:s3+s10], $0x40, s13, s10, $0xb8;
	[tilespmem:$0xCA40] =	vst v63  }
.LBB2_4:
0x8a: {  	v5 =	vld [tilespmem:$0x1FC50]  }
0x8b: {  	s26 =	sshrl.u32 s25, $0x1  }
0x8c: {  	s28 =	sshll.u32 s26, $0x4  }
0x8d: {  	v4 =	vld [tilespmem:$0x1FFE0];
	v0 =	vmov s28  }
0x8e: {  	v0 =	vshrl.u32 v0, $0x3  }
0x8f: {  	v0 =	vshll.u32 v0, v5  }
0x90: {  	v0 =	vbroadcast v0, $0x0;
	_ =	sdelay $0x1  }
0x91: {  	v1 =	vadd.s32 v4, v0  }
0x92: {  	[tilespmem:$0x1F7D0] =	vst v1  }
0x93: {  	_ =	swait.ge [sflag:s15], $0x2000  }
0x94: {  	v6 =	vld [tilespmem:$0x1FC60];
	_ =	sdelay $0x1  }
0x95: {  	[sflag:s15] =	ssyncset.done $0x0  }
0x96: {  	[sflag:s15] =	ssyncadd.s32 $0xFFFFE000  }
0x97: {  	v1 =	vld.idx.msk [tilespmem:v1+s12+$0x0], $0xffff  }
0x98: {  	v3 =	vadd.s32 v6, v0  }
0x99: {  	s26 =	sshll.u32 s26, $0xF;
	v7 =	vld [tilespmem:$0x1FC70]  }
0x9a: {  	s29 =	sand.u32 $0x800, s24;
	s26 =	sshra.s32 s26, $0x2  }
0x9b: {  	s26 =	sor.u32 s29, s26  }
0x9c: {  	[tilespmem:s26+$0x4A40] =	vst v1  }
0x9d: {  	v1 =	vld.idx.msk [tilespmem:v3+s12+$0x0], $0xffff  }
0x9e: {  	v10 =	vadd.s32 v7, v0  }
0x9f: {  	v8 =	vld [tilespmem:$0x1FC80];
	_ =	sdelay $0x2  }
0xa0: {  	[tilespmem:s26+$0x4A50] =	vst v1  }
0xa1: {  	v1 =	vld.idx.msk [tilespmem:v10+s12+$0x0], $0xffff  }
0xa2: {  	v11 =	vadd.s32 v8, v0  }
0xa3: {  	v9 =	vld [tilespmem:$0x1FC90];
	_ =	sdelay $0x2  }
0xa4: {  	[tilespmem:s26+$0x4A60] =	vst v1  }
0xa5: {  	v1 =	vld.idx.msk [tilespmem:v11+s12+$0x0], $0xffff  }
0xa6: {  	v12 =	vadd.s32 v9, v0  }
0xa7: {  	[tilespmem:$0x1F7F0] =	vst v10;
	v10 =	vld [tilespmem:$0x1FCA0];
	_ =	sdelay $0x2  }
0xa8: {  	[tilespmem:s26+$0x4A70] =	vst v1  }
0xa9: {  	v1 =	vld.idx.msk [tilespmem:v12+s12+$0x0], $0xffff  }
0xaa: {  	v13 =	vadd.s32 v10, v0  }
0xab: {  	[tilespmem:$0x1F800] =	vst v11;
	v11 =	vld [tilespmem:$0x1FCB0];
	_ =	sdelay $0x2  }
0xac: {  	[tilespmem:s26+$0x4A80] =	vst v1  }
0xad: {  	v1 =	vld.idx.msk [tilespmem:v13+s12+$0x0], $0xffff  }
0xae: {  	v14 =	vadd.s32 v11, v0  }
0xaf: {  	[tilespmem:$0x1F810] =	vst v12;
	v12 =	vld [tilespmem:$0x1FCC0];
	_ =	sdelay $0x2  }
0xb0: {  	[tilespmem:s26+$0x4A90] =	vst v1  }
0xb1: {  	v1 =	vld.idx.msk [tilespmem:v14+s12+$0x0], $0xffff  }
0xb2: {  	v15 =	vadd.s32 v12, v0  }
0xb3: {  	[tilespmem:$0x1F820] =	vst v13;
	v13 =	vld [tilespmem:$0x1FCD0];
	_ =	sdelay $0x2  }
0xb4: {  	[tilespmem:s26+$0x4AA0] =	vst v1  }
0xb5: {  	v1 =	vld.idx.msk [tilespmem:v15+s12+$0x0], $0xffff  }
0xb6: {  	v16 =	vadd.s32 v13, v0  }
0xb7: {  	[tilespmem:$0x1F830] =	vst v14;
	v14 =	vld [tilespmem:$0x1FCE0];
	_ =	sdelay $0x2  }
0xb8: {  	[tilespmem:s26+$0x4AB0] =	vst v1  }
0xb9: {  	v1 =	vld.idx.msk [tilespmem:v16+s12+$0x0], $0xffff  }
0xba: {  	v17 =	vadd.s32 v14, v0  }
0xbb: {  	[tilespmem:$0x1F840] =	vst v15;
	v15 =	vld [tilespmem:$0x1FCF0];
	_ =	sdelay $0x2  }
0xbc: {  	[tilespmem:s26+$0x4AC0] =	vst v1  }
0xbd: {  	v1 =	vld.idx.msk [tilespmem:v17+s12+$0x0], $0xffff  }
0xbe: {  	v18 =	vadd.s32 v15, v0  }
0xbf: {  	[tilespmem:$0x1F850] =	vst v16;
	v16 =	vld [tilespmem:$0x1FD00];
	_ =	sdelay $0x2  }
0xc0: {  	[tilespmem:s26+$0x4AD0] =	vst v1  }
0xc1: {  	v1 =	vld.idx.msk [tilespmem:v18+s12+$0x0], $0xffff  }
0xc2: {  	v19 =	vadd.s32 v16, v0  }
0xc3: {  	[tilespmem:$0x1F860] =	vst v17;
	v17 =	vld [tilespmem:$0x1FD10];
	_ =	sdelay $0x2  }
0xc4: {  	[tilespmem:s26+$0x4AE0] =	vst v1  }
0xc5: {  	v1 =	vld.idx.msk [tilespmem:v19+s12+$0x0], $0xffff  }
0xc6: {  	v20 =	vadd.s32 v17, v0  }
0xc7: {  	[tilespmem:$0x1F870] =	vst v18;
	v18 =	vld [tilespmem:$0x1FD20];
	_ =	sdelay $0x2  }
0xc8: {  	[tilespmem:s26+$0x4AF0] =	vst v1  }
0xc9: {  	v1 =	vld.idx.msk [tilespmem:v20+s12+$0x0], $0xffff  }
0xca: {  	v21 =	vadd.s32 v18, v0  }
0xcb: {  	[tilespmem:$0x1F880] =	vst v19;
	v19 =	vld [tilespmem:$0x1FD30];
	_ =	sdelay $0x2  }
0xcc: {  	[tilespmem:s26+$0x4B00] =	vst v1  }
0xcd: {  	v1 =	vld.idx.msk [tilespmem:v21+s12+$0x0], $0xffff  }
0xce: {  	v22 =	vadd.s32 v19, v0  }
0xcf: {  	[tilespmem:$0x1F890] =	vst v20;
	v20 =	vld [tilespmem:$0x1FD40];
	_ =	sdelay $0x2  }
0xd0: {  	[tilespmem:s26+$0x4B10] =	vst v1  }
0xd1: {  	v1 =	vld.idx.msk [tilespmem:v22+s12+$0x0], $0xffff  }
0xd2: {  	v23 =	vadd.s32 v20, v0  }
0xd3: {  	[tilespmem:$0x1F8A0] =	vst v21;
	v21 =	vld [tilespmem:$0x1FD50];
	_ =	sdelay $0x2  }
0xd4: {  	[tilespmem:s26+$0x4B20] =	vst v1  }
0xd5: {  	v1 =	vld.idx.msk [tilespmem:v23+s12+$0x0], $0xffff  }
0xd6: {  	v24 =	vadd.s32 v21, v0  }
0xd7: {  	[tilespmem:$0x1F8B0] =	vst v22;
	v22 =	vld [tilespmem:$0x1FD60];
	_ =	sdelay $0x2  }
0xd8: {  	[tilespmem:s26+$0x4B30] =	vst v1  }
0xd9: {  	v1 =	vld.idx.msk [tilespmem:v24+s12+$0x0], $0xffff  }
0xda: {  	v25 =	vadd.s32 v22, v0  }
0xdb: {  	[tilespmem:$0x1F8C0] =	vst v23;
	v23 =	vld [tilespmem:$0x1FD70];
	_ =	sdelay $0x2  }
0xdc: {  	[tilespmem:s26+$0x4B40] =	vst v1  }
0xdd: {  	v1 =	vld.idx.msk [tilespmem:v25+s12+$0x0], $0xffff  }
0xde: {  	v26 =	vadd.s32 v23, v0  }
0xdf: {  	[tilespmem:$0x1F8D0] =	vst v24;
	v24 =	vld [tilespmem:$0x1FD80];
	_ =	sdelay $0x2  }
0xe0: {  	[tilespmem:s26+$0x4B50] =	vst v1  }
0xe1: {  	v1 =	vld.idx.msk [tilespmem:v26+s12+$0x0], $0xffff  }
0xe2: {  	v27 =	vadd.s32 v24, v0  }
0xe3: {  	[tilespmem:$0x1F8E0] =	vst v25;
	v25 =	vld [tilespmem:$0x1FD90];
	_ =	sdelay $0x2  }
0xe4: {  	[tilespmem:s26+$0x4B60] =	vst v1  }
0xe5: {  	v1 =	vld.idx.msk [tilespmem:v27+s12+$0x0], $0xffff  }
0xe6: {  	v28 =	vadd.s32 v25, v0  }
0xe7: {  	[tilespmem:$0x1F8F0] =	vst v26;
	v26 =	vld [tilespmem:$0x1FDA0];
	_ =	sdelay $0x2  }
0xe8: {  	[tilespmem:s26+$0x4B70] =	vst v1  }
0xe9: {  	v1 =	vld.idx.msk [tilespmem:v28+s12+$0x0], $0xffff  }
0xea: {  	v29 =	vadd.s32 v26, v0  }
0xeb: {  	[tilespmem:$0x1F900] =	vst v27;
	v27 =	vld [tilespmem:$0x1FDB0];
	_ =	sdelay $0x2  }
0xec: {  	[tilespmem:s26+$0x4B80] =	vst v1  }
0xed: {  	v1 =	vld.idx.msk [tilespmem:v29+s12+$0x0], $0xffff  }
0xee: {  	v30 =	vadd.s32 v27, v0  }
0xef: {  	[tilespmem:$0x1F910] =	vst v28;
	v28 =	vld [tilespmem:$0x1FDC0];
	_ =	sdelay $0x2  }
0xf0: {  	[tilespmem:s26+$0x4B90] =	vst v1  }
0xf1: {  	v1 =	vld.idx.msk [tilespmem:v30+s12+$0x0], $0xffff  }
0xf2: {  	v31 =	vadd.s32 v28, v0  }
0xf3: {  	[tilespmem:$0x1F920] =	vst v29;
	v29 =	vld [tilespmem:$0x1FDD0];
	_ =	sdelay $0x2  }
0xf4: {  	[tilespmem:s26+$0x4BA0] =	vst v1  }
0xf5: {  	v1 =	vld.idx.msk [tilespmem:v31+s12+$0x0], $0xffff  }
0xf6: {  	v32 =	vadd.s32 v29, v0  }
0xf7: {  	[tilespmem:$0x1F930] =	vst v30;
	v30 =	vld [tilespmem:$0x1FDE0];
	_ =	sdelay $0x2  }
0xf8: {  	[tilespmem:s26+$0x4BB0] =	vst v1  }
0xf9: {  	v1 =	vld.idx.msk [tilespmem:v32+s12+$0x0], $0xffff  }
0xfa: {  	v33 =	vadd.s32 v30, v0  }
0xfb: {  	[tilespmem:$0x1F940] =	vst v31;
	v31 =	vld [tilespmem:$0x1FDF0];
	_ =	sdelay $0x2  }
0xfc: {  	[tilespmem:s26+$0x4BC0] =	vst v1  }
0xfd: {  	v1 =	vld.idx.msk [tilespmem:v33+s12+$0x0], $0xffff  }
0xfe: {  	v34 =	vadd.s32 v31, v0  }
0xff: {  	[tilespmem:$0x1F950] =	vst v32;
	v32 =	vld [tilespmem:$0x1FE00];
	_ =	sdelay $0x2  }
0x100: {  	[tilespmem:s26+$0x4BD0] =	vst v1  }
0x101: {  	v1 =	vld.idx.msk [tilespmem:v34+s12+$0x0], $0xffff  }
0x102: {  	v35 =	vadd.s32 v32, v0  }
0x103: {  	[tilespmem:$0x1F960] =	vst v33;
	v33 =	vld [tilespmem:$0x1FE10];
	_ =	sdelay $0x2  }
0x104: {  	[tilespmem:s26+$0x4BE0] =	vst v1  }
0x105: {  	v1 =	vld.idx.msk [tilespmem:v35+s12+$0x0], $0xffff  }
0x106: {  	v36 =	vadd.s32 v33, v0  }
0x107: {  	[tilespmem:$0x1F970] =	vst v34;
	v34 =	vld [tilespmem:$0x1FE20];
	_ =	sdelay $0x2  }
0x108: {  	[tilespmem:s26+$0x4BF0] =	vst v1  }
0x109: {  	v1 =	vld.idx.msk [tilespmem:v36+s12+$0x0], $0xffff  }
0x10a: {  	v37 =	vadd.s32 v34, v0  }
0x10b: {  	[tilespmem:$0x1F980] =	vst v35;
	v35 =	vld [tilespmem:$0x1FE30];
	_ =	sdelay $0x2  }
0x10c: {  	[tilespmem:s26+$0x4C00] =	vst v1  }
0x10d: {  	v1 =	vld.idx.msk [tilespmem:v37+s12+$0x0], $0xffff  }
0x10e: {  	v38 =	vadd.s32 v35, v0  }
0x10f: {  	[tilespmem:$0x1F990] =	vst v36;
	v36 =	vld [tilespmem:$0x1FE40];
	_ =	sdelay $0x2  }
0x110: {  	[tilespmem:s26+$0x4C10] =	vst v1  }
0x111: {  	v1 =	vld.idx.msk [tilespmem:v38+s12+$0x0], $0xffff  }
0x112: {  	v39 =	vadd.s32 v36, v0  }
0x113: {  	[tilespmem:$0x1F9A0] =	vst v37;
	v37 =	vld [tilespmem:$0x1FE50];
	_ =	sdelay $0x2  }
0x114: {  	[tilespmem:s26+$0x4C20] =	vst v1  }
0x115: {  	v1 =	vld.idx.msk [tilespmem:v39+s12+$0x0], $0xffff  }
0x116: {  	v40 =	vadd.s32 v37, v0  }
0x117: {  	[tilespmem:$0x1F9B0] =	vst v38;
	v38 =	vld [tilespmem:$0x1FE60];
	_ =	sdelay $0x2  }
0x118: {  	[tilespmem:s26+$0x4C30] =	vst v1  }
0x119: {  	v1 =	vld.idx.msk [tilespmem:v40+s12+$0x0], $0xffff  }
0x11a: {  	v41 =	vadd.s32 v38, v0  }
0x11b: {  	[tilespmem:$0x1F9C0] =	vst v39;
	v39 =	vld [tilespmem:$0x1FE70];
	_ =	sdelay $0x2  }
0x11c: {  	[tilespmem:s26+$0x4C40] =	vst v1  }
0x11d: {  	v1 =	vld.idx.msk [tilespmem:v41+s12+$0x0], $0xffff  }
0x11e: {  	v42 =	vadd.s32 v39, v0  }
0x11f: {  	[tilespmem:$0x1F9D0] =	vst v40;
	v40 =	vld [tilespmem:$0x1FE80];
	_ =	sdelay $0x2  }
0x120: {  	[tilespmem:s26+$0x4C50] =	vst v1  }
0x121: {  	v1 =	vld.idx.msk [tilespmem:v42+s12+$0x0], $0xffff  }
0x122: {  	v43 =	vadd.s32 v40, v0  }
0x123: {  	[tilespmem:$0x1F9E0] =	vst v41;
	v41 =	vld [tilespmem:$0x1FE90];
	_ =	sdelay $0x2  }
0x124: {  	[tilespmem:s26+$0x4C60] =	vst v1  }
0x125: {  	v1 =	vld.idx.msk [tilespmem:v43+s12+$0x0], $0xffff  }
0x126: {  	v44 =	vadd.s32 v41, v0  }
0x127: {  	[tilespmem:$0x1F9F0] =	vst v42;
	v42 =	vld [tilespmem:$0x1FEA0];
	_ =	sdelay $0x2  }
0x128: {  	[tilespmem:s26+$0x4C70] =	vst v1  }
0x129: {  	v1 =	vld.idx.msk [tilespmem:v44+s12+$0x0], $0xffff  }
0x12a: {  	v45 =	vadd.s32 v42, v0  }
0x12b: {  	[tilespmem:$0x1FA00] =	vst v43;
	v43 =	vld [tilespmem:$0x1FEB0];
	_ =	sdelay $0x2  }
0x12c: {  	[tilespmem:s26+$0x4C80] =	vst v1  }
0x12d: {  	v1 =	vld.idx.msk [tilespmem:v45+s12+$0x0], $0xffff  }
0x12e: {  	v46 =	vadd.s32 v43, v0  }
0x12f: {  	[tilespmem:$0x1FA10] =	vst v44;
	v44 =	vld [tilespmem:$0x1FEC0];
	_ =	sdelay $0x2  }
0x130: {  	[tilespmem:s26+$0x4C90] =	vst v1  }
0x131: {  	v1 =	vld.idx.msk [tilespmem:v46+s12+$0x0], $0xffff  }
0x132: {  	v47 =	vadd.s32 v44, v0  }
0x133: {  	[tilespmem:$0x1FA20] =	vst v45;
	v45 =	vld [tilespmem:$0x1FED0];
	_ =	sdelay $0x2  }
0x134: {  	[tilespmem:s26+$0x4CA0] =	vst v1  }
0x135: {  	v1 =	vld.idx.msk [tilespmem:v47+s12+$0x0], $0xffff  }
0x136: {  	v48 =	vadd.s32 v45, v0  }
0x137: {  	[tilespmem:$0x1FA30] =	vst v46;
	v46 =	vld [tilespmem:$0x1FEE0];
	_ =	sdelay $0x2  }
0x138: {  	[tilespmem:s26+$0x4CB0] =	vst v1  }
0x139: {  	v1 =	vld.idx.msk [tilespmem:v48+s12+$0x0], $0xffff  }
0x13a: {  	v49 =	vadd.s32 v46, v0  }
0x13b: {  	[tilespmem:$0x1FA40] =	vst v47;
	v47 =	vld [tilespmem:$0x1FEF0];
	_ =	sdelay $0x2  }
0x13c: {  	[tilespmem:s26+$0x4CC0] =	vst v1  }
0x13d: {  	v1 =	vld.idx.msk [tilespmem:v49+s12+$0x0], $0xffff  }
0x13e: {  	v50 =	vadd.s32 v47, v0  }
0x13f: {  	[tilespmem:$0x1FA50] =	vst v48;
	v48 =	vld [tilespmem:$0x1FF00];
	_ =	sdelay $0x2  }
0x140: {  	[tilespmem:s26+$0x4CD0] =	vst v1  }
0x141: {  	v1 =	vld.idx.msk [tilespmem:v50+s12+$0x0], $0xffff  }
0x142: {  	v51 =	vadd.s32 v48, v0  }
0x143: {  	[tilespmem:$0x1FA60] =	vst v49;
	v49 =	vld [tilespmem:$0x1FF10];
	_ =	sdelay $0x2  }
0x144: {  	[tilespmem:s26+$0x4CE0] =	vst v1  }
0x145: {  	v1 =	vld.idx.msk [tilespmem:v51+s12+$0x0], $0xffff  }
0x146: {  	v52 =	vadd.s32 v49, v0  }
0x147: {  	[tilespmem:$0x1FA70] =	vst v50;
	v50 =	vld [tilespmem:$0x1FF20];
	_ =	sdelay $0x2  }
0x148: {  	[tilespmem:s26+$0x4CF0] =	vst v1  }
0x149: {  	v1 =	vld.idx.msk [tilespmem:v52+s12+$0x0], $0xffff  }
0x14a: {  	v53 =	vadd.s32 v50, v0  }
0x14b: {  	[tilespmem:$0x1FA80] =	vst v51;
	v51 =	vld [tilespmem:$0x1FF30];
	_ =	sdelay $0x2  }
0x14c: {  	[tilespmem:s26+$0x4D00] =	vst v1  }
0x14d: {  	v1 =	vld.idx.msk [tilespmem:v53+s12+$0x0], $0xffff  }
0x14e: {  	v54 =	vadd.s32 v51, v0  }
0x14f: {  	[tilespmem:$0x1FA90] =	vst v52;
	v52 =	vld [tilespmem:$0x1FF40];
	_ =	sdelay $0x2  }
0x150: {  	[tilespmem:s26+$0x4D10] =	vst v1  }
0x151: {  	v1 =	vld.idx.msk [tilespmem:v54+s12+$0x0], $0xffff  }
0x152: {  	v55 =	vadd.s32 v52, v0  }
0x153: {  	[tilespmem:$0x1FAA0] =	vst v53;
	v53 =	vld [tilespmem:$0x1FF50];
	_ =	sdelay $0x2  }
0x154: {  	[tilespmem:s26+$0x4D20] =	vst v1  }
0x155: {  	v1 =	vld.idx.msk [tilespmem:v55+s12+$0x0], $0xffff  }
0x156: {  	v56 =	vadd.s32 v53, v0  }
0x157: {  	[tilespmem:$0x1FAB0] =	vst v54;
	v54 =	vld [tilespmem:$0x1FF60];
	_ =	sdelay $0x2  }
0x158: {  	[tilespmem:s26+$0x4D30] =	vst v1  }
0x159: {  	v1 =	vld.idx.msk [tilespmem:v56+s12+$0x0], $0xffff  }
0x15a: {  	v57 =	vadd.s32 v54, v0  }
0x15b: {  	v2 =	vld [tilespmem:$0x1FF70];
	_ =	sdelay $0x2  }
0x15c: {  	[tilespmem:s26+$0x4D40] =	vst v1  }
0x15d: {  	v1 =	vld.idx.msk [tilespmem:v57+s12+$0x0], $0xffff  }
0x15e: {  	v58 =	vadd.s32 v2, v0  }
0x15f: {  	[tilespmem:$0x1FAC0] =	vst v55;
	v55 =	vld [tilespmem:$0x1FF80];
	_ =	sdelay $0x2  }
0x160: {  	[tilespmem:s26+$0x4D50] =	vst v1  }
0x161: {  	v1 =	vld.idx.msk [tilespmem:v58+s12+$0x0], $0xffff  }
0x162: {  	v59 =	vadd.s32 v55, v0;
	_ =	sdelay $0x3  }
0x163: {  	[tilespmem:s26+$0x4D60] =	vst v1  }
0x164: {  	v1 =	vld.idx.msk [tilespmem:v59+s12+$0x0], $0xffff  }
0x165: {  	[tilespmem:$0x1FB00] =	vst v59;
	v59 =	vld [tilespmem:$0x1FF90];
	_ =	sdelay $0x4  }
0x166: {  	v60 =	vadd.s32 v59, v0;
	_ =	sdelay $0x3  }
0x167: {  	[tilespmem:s26+$0x4D70] =	vst v1  }
0x168: {  	v1 =	vld.idx.msk [tilespmem:v60+s12+$0x0], $0xffff  }
0x169: {  	[tilespmem:$0x1FB10] =	vst v60;
	v60 =	vld [tilespmem:$0x1FFA0];
	_ =	sdelay $0x4  }
0x16a: {  	v61 =	vadd.s32 v60, v0;
	_ =	sdelay $0x3  }
0x16b: {  	[tilespmem:s26+$0x4D80] =	vst v1  }
0x16c: {  	v1 =	vld.idx.msk [tilespmem:v61+s12+$0x0], $0xffff  }
0x16d: {  	[tilespmem:$0x1FB20] =	vst v61;
	v61 =	vld [tilespmem:$0x1FFB0];
	_ =	sdelay $0x4  }
0x16e: {  	v62 =	vadd.s32 v61, v0;
	_ =	sdelay $0x3  }
0x16f: {  	[tilespmem:s26+$0x4D90] =	vst v1  }
0x170: {  	v1 =	vld.idx.msk [tilespmem:v62+s12+$0x0], $0xffff  }
0x171: {  	[tilespmem:$0x1FB30] =	vst v62;
	v62 =	vld [tilespmem:$0x1FFC0];
	_ =	sdelay $0x4  }
0x172: {  	[tilespmem:$0x1F7E0] =	vst v3;
	v63 =	vadd.s32 v62, v0  }
0x173: {  	[tilespmem:$0x1FAF0] =	vst v58  }
0x174: {  	[tilespmem:$0x1FAD0] =	vst v56  }
0x175: {  	[tilespmem:$0x1FAE0] =	vst v57  }
0x176: {  	[tilespmem:s26+$0x4DA0] =	vst v1  }
0x177: {  	[tilespmem:$0x1FB40] =	vst v63;
	v1 =	vld.idx.msk [tilespmem:v63+s12+$0x0], $0xffff  }
0x178: {  	v63 =	vld [tilespmem:$0x1FFD0];
	_ =	sdelay $0x4  }
0x179: {  	v56 =	vadd.s32 v63, v0  }
0x17a: {  	v57 =	vld [tilespmem:$0x1FFF0];
	_ =	sdelay $0x2  }
0x17b: {  	[tilespmem:s26+$0x4DB0] =	vst v1  }
0x17c: {  	v1 =	vld.idx.msk [tilespmem:v56+s12+$0x0], $0xffff  }
0x17d: {  	v58 =	vadd.s32 v57, v0;
	_ =	sdelay $0x3  }
0x17e: {  	[tilespmem:s26+$0x4DC0] =	vst v1  }
0x17f: {  	[tilespmem:$0x1FB50] =	vst v56;
	v56 =	vor.u32 $0x807, v4;
	v1 =	vld.idx.msk [tilespmem:v58+s12+$0x0], $0xffff  }
0x180: {  	v57 =	vadd.s32 v56, v0;
	_ =	sdelay $0x3  }
0x181: {  	[tilespmem:s26+$0x4DD0] =	vst v1  }
0x182: {  	[tilespmem:$0x1FB60] =	vst v58;
	v58 =	vor.u32 $0xC07, v4;
	v1 =	vld.idx.msk [tilespmem:v57+s12+$0x0], $0xffff  }
0x183: {  	[tilespmem:$0x1F7B0] =	vst v56;
	v56 =	vadd.s32 v58, v0;
	_ =	sdelay $0x3  }
0x184: {  	[tilespmem:s26+$0x4DE0] =	vst v1  }
0x185: {  	[tilespmem:$0x1FB80] =	vst v56;
	v1 =	vld.idx.msk [tilespmem:v56+s12+$0x0], $0xffff;
	v56 =	vor.u32 $0x1007, v4  }
0x186: {  	[tilespmem:$0x1FB70] =	vst v57;
	v57 =	vadd.s32 v56, v0;
	_ =	sdelay $0x3  }
0x187: {  	[tilespmem:s26+$0x4DF0] =	vst v1  }
0x188: {  	[tilespmem:$0x1FB90] =	vst v57;
	v1 =	vld.idx.msk [tilespmem:v57+s12+$0x0], $0xffff;
	v57 =	vor.u32 $0x1407, v4  }
0x189: {  	[tilespmem:$0x1F7C0] =	vst v58;
	v58 =	vadd.s32 v57, v0;
	_ =	sdelay $0x3  }
0x18a: {  	[tilespmem:s26+$0x4E00] =	vst v1  }
0x18b: {  	[tilespmem:$0x1FBA0] =	vst v58;
	v2 =	vld.idx.msk [tilespmem:v58+s12+$0x0], $0xffff;
	v58 =	vor.u32 $0x1807, v4  }
0x18c: {  	v1 =	vadd.s32 v58, v0;
	_ =	sdelay $0x3  }
0x18d: {  	[tilespmem:s26+$0x4E10] =	vst v2  }
0x18e: {  	[tilespmem:$0x1FBB0] =	vst v1;
	v3 =	vld.idx.msk [tilespmem:v1+s12+$0x0], $0xffff;
	v1 =	vor.u32 $0x1C07, v4  }
0x18f: {  	s28 =	sor.u32 $0x8, s28;
	v2 =	vadd.s32 v1, v0  }
0x190: {  	v0 =	vmov s28  }
0x191: {  	v0 =	vshrl.u32 v0, $0x3  }
0x192: {  	v0 =	vshll.u32 v0, v5  }
0x193: {  	[tilespmem:s26+$0x4E20] =	vst v3;
	v3 =	vbroadcast v0, $0x0  }
0x194: {  	v0 =	vld.idx.msk [tilespmem:v2+s12+$0x0], $0xffff  }
0x195: {  	v5 =	vadd.s32 v4, v3;
	_ =	sdelay $0x3  }
0x196: {  	[tilespmem:s26+$0x4E30] =	vst v0  }
0x197: {  	v0 =	vld.idx.msk [tilespmem:v5+s12+$0x0], $0xffff  }
0x198: {  	v4 =	vadd.s32 v6, v3;
	_ =	sdelay $0x3  }
0x199: {  	[tilespmem:s26+$0x5A40] =	vst v0  }
0x19a: {  	v0 =	vld.idx.msk [tilespmem:v4+s12+$0x0], $0xffff  }
0x19b: {  	[tilespmem:$0x1FBD0] =	vst v5;
	v5 =	vadd.s32 v7, v3;
	_ =	sdelay $0x3  }
0x19c: {  	[tilespmem:s26+$0x5A50] =	vst v0  }
0x19d: {  	[tilespmem:$0x1FBF0] =	vst v5;
	v5 =	vld.idx.msk [tilespmem:v5+s12+$0x0], $0xffff  }
0x19e: {  	v0 =	vadd.s32 v8, v3;
	_ =	sdelay $0x3  }
0x19f: {  	[tilespmem:s26+$0x5A60] =	vst v5  }
0x1a0: {  	v5 =	vld.idx.msk [tilespmem:v0+s12+$0x0], $0xffff  }
0x1a1: {  	v6 =	vadd.s32 v9, v3;
	_ =	sdelay $0x3  }
0x1a2: {  	[tilespmem:s26+$0x5A70] =	vst v5  }
0x1a3: {  	v5 =	vld.idx.msk [tilespmem:v6+s12+$0x0], $0xffff  }
0x1a4: {  	v7 =	vadd.s32 v10, v3;
	_ =	sdelay $0x3  }
0x1a5: {  	[tilespmem:s26+$0x5A80] =	vst v5  }
0x1a6: {  	v5 =	vld.idx.msk [tilespmem:v7+s12+$0x0], $0xffff  }
0x1a7: {  	v8 =	vadd.s32 v11, v3;
	_ =	sdelay $0x3  }
0x1a8: {  	[tilespmem:s26+$0x5A90] =	vst v5  }
0x1a9: {  	v5 =	vld.idx.msk [tilespmem:v8+s12+$0x0], $0xffff  }
0x1aa: {  	v9 =	vadd.s32 v12, v3;
	_ =	sdelay $0x3  }
0x1ab: {  	[tilespmem:s26+$0x5AA0] =	vst v5  }
0x1ac: {  	v5 =	vld.idx.msk [tilespmem:v9+s12+$0x0], $0xffff  }
0x1ad: {  	v10 =	vadd.s32 v13, v3;
	_ =	sdelay $0x3  }
0x1ae: {  	[tilespmem:s26+$0x5AB0] =	vst v5  }
0x1af: {  	v11 =	vld.idx.msk [tilespmem:v10+s12+$0x0], $0xffff  }
0x1b0: {  	v5 =	vadd.s32 v14, v3;
	_ =	sdelay $0x3  }
0x1b1: {  	[tilespmem:s26+$0x5AC0] =	vst v11  }
0x1b2: {  	v12 =	vld.idx.msk [tilespmem:v5+s12+$0x0], $0xffff  }
0x1b3: {  	[tilespmem:$0x1FC00] =	vst v6;
	v6 =	vadd.s32 v15, v3;
	_ =	sdelay $0x3  }
0x1b4: {  	[tilespmem:s26+$0x5AD0] =	vst v12  }
0x1b5: {  	v13 =	vld.idx.msk [tilespmem:v6+s12+$0x0], $0xffff  }
0x1b6: {  	[tilespmem:$0x1FC10] =	vst v7;
	v7 =	vadd.s32 v16, v3;
	_ =	sdelay $0x3  }
0x1b7: {  	[tilespmem:s26+$0x5AE0] =	vst v13  }
0x1b8: {  	v14 =	vld.idx.msk [tilespmem:v7+s12+$0x0], $0xffff  }
0x1b9: {  	[tilespmem:$0x1FC20] =	vst v8;
	v8 =	vadd.s32 v17, v3;
	_ =	sdelay $0x3  }
0x1ba: {  	[tilespmem:s26+$0x5AF0] =	vst v14  }
0x1bb: {  	v15 =	vld.idx.msk [tilespmem:v8+s12+$0x0], $0xffff  }
0x1bc: {  	[tilespmem:$0x1FC30] =	vst v9;
	v9 =	vadd.s32 v18, v3;
	_ =	sdelay $0x3  }
0x1bd: {  	[tilespmem:s26+$0x5B00] =	vst v15  }
0x1be: {  	v16 =	vld.idx.msk [tilespmem:v9+s12+$0x0], $0xffff  }
0x1bf: {  	[tilespmem:$0x1FC40] =	vst v10;
	v10 =	vadd.s32 v19, v3;
	_ =	sdelay $0x3  }
0x1c0: {  	[tilespmem:s26+$0x5B10] =	vst v16  }
0x1c1: {  	v17 =	vld.idx.msk [tilespmem:v10+s12+$0x0], $0xffff  }
0x1c2: {  	v11 =	vadd.s32 v20, v3;
	_ =	sdelay $0x3  }
0x1c3: {  	[tilespmem:s26+$0x5B20] =	vst v17  }
0x1c4: {  	v18 =	vld.idx.msk [tilespmem:v11+s12+$0x0], $0xffff  }
0x1c5: {  	v12 =	vadd.s32 v21, v3;
	_ =	sdelay $0x3  }
0x1c6: {  	[tilespmem:s26+$0x5B30] =	vst v18  }
0x1c7: {  	v19 =	vld.idx.msk [tilespmem:v12+s12+$0x0], $0xffff  }
0x1c8: {  	v13 =	vadd.s32 v22, v3;
	_ =	sdelay $0x3  }
0x1c9: {  	[tilespmem:s26+$0x5B40] =	vst v19  }
0x1ca: {  	v20 =	vld.idx.msk [tilespmem:v13+s12+$0x0], $0xffff  }
0x1cb: {  	v14 =	vadd.s32 v23, v3;
	_ =	sdelay $0x3  }
0x1cc: {  	[tilespmem:s26+$0x5B50] =	vst v20  }
0x1cd: {  	v21 =	vld.idx.msk [tilespmem:v14+s12+$0x0], $0xffff  }
0x1ce: {  	v15 =	vadd.s32 v24, v3;
	_ =	sdelay $0x3  }
0x1cf: {  	[tilespmem:s26+$0x5B60] =	vst v21  }
0x1d0: {  	v22 =	vld.idx.msk [tilespmem:v15+s12+$0x0], $0xffff  }
0x1d1: {  	v16 =	vadd.s32 v25, v3;
	_ =	sdelay $0x3  }
0x1d2: {  	[tilespmem:s26+$0x5B70] =	vst v22  }
0x1d3: {  	v23 =	vld.idx.msk [tilespmem:v16+s12+$0x0], $0xffff  }
0x1d4: {  	v17 =	vadd.s32 v26, v3;
	_ =	sdelay $0x3  }
0x1d5: {  	[tilespmem:s26+$0x5B80] =	vst v23  }
0x1d6: {  	v24 =	vld.idx.msk [tilespmem:v17+s12+$0x0], $0xffff  }
0x1d7: {  	v18 =	vadd.s32 v27, v3;
	_ =	sdelay $0x3  }
0x1d8: {  	[tilespmem:s26+$0x5B90] =	vst v24  }
0x1d9: {  	v25 =	vld.idx.msk [tilespmem:v18+s12+$0x0], $0xffff  }
0x1da: {  	v19 =	vadd.s32 v28, v3;
	_ =	sdelay $0x3  }
0x1db: {  	[tilespmem:s26+$0x5BA0] =	vst v25  }
0x1dc: {  	v26 =	vld.idx.msk [tilespmem:v19+s12+$0x0], $0xffff  }
0x1dd: {  	v20 =	vadd.s32 v29, v3;
	_ =	sdelay $0x3  }
0x1de: {  	[tilespmem:s26+$0x5BB0] =	vst v26  }
0x1df: {  	v27 =	vld.idx.msk [tilespmem:v20+s12+$0x0], $0xffff  }
0x1e0: {  	v21 =	vadd.s32 v30, v3;
	_ =	sdelay $0x3  }
0x1e1: {  	[tilespmem:s26+$0x5BC0] =	vst v27  }
0x1e2: {  	v28 =	vld.idx.msk [tilespmem:v21+s12+$0x0], $0xffff  }
0x1e3: {  	v22 =	vadd.s32 v31, v3;
	_ =	sdelay $0x3  }
0x1e4: {  	[tilespmem:s26+$0x5BD0] =	vst v28  }
0x1e5: {  	v29 =	vld.idx.msk [tilespmem:v22+s12+$0x0], $0xffff  }
0x1e6: {  	v23 =	vadd.s32 v32, v3;
	_ =	sdelay $0x3  }
0x1e7: {  	[tilespmem:s26+$0x5BE0] =	vst v29  }
0x1e8: {  	v30 =	vld.idx.msk [tilespmem:v23+s12+$0x0], $0xffff  }
0x1e9: {  	v24 =	vadd.s32 v33, v3;
	_ =	sdelay $0x3  }
0x1ea: {  	[tilespmem:s26+$0x5BF0] =	vst v30  }
0x1eb: {  	v31 =	vld.idx.msk [tilespmem:v24+s12+$0x0], $0xffff  }
0x1ec: {  	v25 =	vadd.s32 v34, v3;
	_ =	sdelay $0x3  }
0x1ed: {  	[tilespmem:s26+$0x5C00] =	vst v31  }
0x1ee: {  	v32 =	vld.idx.msk [tilespmem:v25+s12+$0x0], $0xffff  }
0x1ef: {  	v26 =	vadd.s32 v35, v3;
	_ =	sdelay $0x3  }
0x1f0: {  	[tilespmem:s26+$0x5C10] =	vst v32  }
0x1f1: {  	v33 =	vld.idx.msk [tilespmem:v26+s12+$0x0], $0xffff  }
0x1f2: {  	v27 =	vadd.s32 v36, v3;
	_ =	sdelay $0x3  }
0x1f3: {  	[tilespmem:s26+$0x5C20] =	vst v33  }
0x1f4: {  	v34 =	vld.idx.msk [tilespmem:v27+s12+$0x0], $0xffff  }
0x1f5: {  	v28 =	vadd.s32 v37, v3;
	_ =	sdelay $0x3  }
0x1f6: {  	[tilespmem:s26+$0x5C30] =	vst v34  }
0x1f7: {  	v35 =	vld.idx.msk [tilespmem:v28+s12+$0x0], $0xffff  }
0x1f8: {  	v29 =	vadd.s32 v38, v3;
	_ =	sdelay $0x3  }
0x1f9: {  	[tilespmem:s26+$0x5C40] =	vst v35  }
0x1fa: {  	v36 =	vld.idx.msk [tilespmem:v29+s12+$0x0], $0xffff  }
0x1fb: {  	v30 =	vadd.s32 v39, v3;
	_ =	sdelay $0x3  }
0x1fc: {  	[tilespmem:s26+$0x5C50] =	vst v36  }
0x1fd: {  	v37 =	vld.idx.msk [tilespmem:v30+s12+$0x0], $0xffff  }
0x1fe: {  	v31 =	vadd.s32 v40, v3;
	_ =	sdelay $0x3  }
0x1ff: {  	[tilespmem:s26+$0x5C60] =	vst v37  }
0x200: {  	v38 =	vld.idx.msk [tilespmem:v31+s12+$0x0], $0xffff  }
0x201: {  	v32 =	vadd.s32 v41, v3;
	_ =	sdelay $0x3  }
0x202: {  	[tilespmem:s26+$0x5C70] =	vst v38  }
0x203: {  	v39 =	vld.idx.msk [tilespmem:v32+s12+$0x0], $0xffff  }
0x204: {  	v33 =	vadd.s32 v42, v3;
	_ =	sdelay $0x3  }
0x205: {  	[tilespmem:s26+$0x5C80] =	vst v39  }
0x206: {  	v40 =	vld.idx.msk [tilespmem:v33+s12+$0x0], $0xffff  }
0x207: {  	v34 =	vadd.s32 v43, v3;
	_ =	sdelay $0x3  }
0x208: {  	[tilespmem:s26+$0x5C90] =	vst v40  }
0x209: {  	v41 =	vld.idx.msk [tilespmem:v34+s12+$0x0], $0xffff  }
0x20a: {  	v35 =	vadd.s32 v44, v3;
	_ =	sdelay $0x3  }
0x20b: {  	[tilespmem:s26+$0x5CA0] =	vst v41  }
0x20c: {  	v42 =	vld.idx.msk [tilespmem:v35+s12+$0x0], $0xffff  }
0x20d: {  	v36 =	vadd.s32 v45, v3;
	_ =	sdelay $0x3  }
0x20e: {  	[tilespmem:s26+$0x5CB0] =	vst v42  }
0x20f: {  	v43 =	vld.idx.msk [tilespmem:v36+s12+$0x0], $0xffff  }
0x210: {  	v37 =	vadd.s32 v46, v3;
	_ =	sdelay $0x3  }
0x211: {  	[tilespmem:s26+$0x5CC0] =	vst v43  }
0x212: {  	v44 =	vld.idx.msk [tilespmem:v37+s12+$0x0], $0xffff  }
0x213: {  	v38 =	vadd.s32 v47, v3;
	_ =	sdelay $0x3  }
0x214: {  	[tilespmem:s26+$0x5CD0] =	vst v44  }
0x215: {  	v45 =	vld.idx.msk [tilespmem:v38+s12+$0x0], $0xffff  }
0x216: {  	v39 =	vadd.s32 v48, v3;
	_ =	sdelay $0x3  }
0x217: {  	[tilespmem:s26+$0x5CE0] =	vst v45  }
0x218: {  	v46 =	vld.idx.msk [tilespmem:v39+s12+$0x0], $0xffff  }
0x219: {  	v40 =	vadd.s32 v49, v3;
	_ =	sdelay $0x3  }
0x21a: {  	[tilespmem:s26+$0x5CF0] =	vst v46  }
0x21b: {  	v47 =	vld.idx.msk [tilespmem:v40+s12+$0x0], $0xffff  }
0x21c: {  	v41 =	vadd.s32 v50, v3;
	_ =	sdelay $0x3  }
0x21d: {  	[tilespmem:s26+$0x5D00] =	vst v47  }
0x21e: {  	v48 =	vld.idx.msk [tilespmem:v41+s12+$0x0], $0xffff  }
0x21f: {  	v42 =	vadd.s32 v51, v3;
	_ =	sdelay $0x3  }
0x220: {  	[tilespmem:s26+$0x5D10] =	vst v48  }
0x221: {  	v49 =	vld.idx.msk [tilespmem:v42+s12+$0x0], $0xffff  }
0x222: {  	v43 =	vadd.s32 v52, v3;
	_ =	sdelay $0x3  }
0x223: {  	[tilespmem:s26+$0x5D20] =	vst v49  }
0x224: {  	v50 =	vld.idx.msk [tilespmem:v43+s12+$0x0], $0xffff  }
0x225: {  	v44 =	vadd.s32 v53, v3;
	_ =	sdelay $0x3  }
0x226: {  	[tilespmem:s26+$0x5D30] =	vst v50  }
0x227: {  	v51 =	vld.idx.msk [tilespmem:v44+s12+$0x0], $0xffff  }
0x228: {  	v45 =	vadd.s32 v54, v3  }
0x229: {  	v53 =	vld [tilespmem:$0x1FF70];
	_ =	sdelay $0x2  }
0x22a: {  	[tilespmem:s26+$0x5D40] =	vst v51  }
0x22b: {  	v52 =	vld.idx.msk [tilespmem:v45+s12+$0x0], $0xffff  }
0x22c: {  	v46 =	vadd.s32 v53, v3;
	_ =	sdelay $0x3  }
0x22d: {  	[tilespmem:s26+$0x5D50] =	vst v52  }
0x22e: {  	v54 =	vld.idx.msk [tilespmem:v46+s12+$0x0], $0xffff  }
0x22f: {  	v47 =	vadd.s32 v55, v3;
	_ =	sdelay $0x3  }
0x230: {  	[tilespmem:s26+$0x5D60] =	vst v54  }
0x231: {  	v55 =	vld.idx.msk [tilespmem:v47+s12+$0x0], $0xffff  }
0x232: {  	v48 =	vadd.s32 v59, v3;
	_ =	sdelay $0x3  }
0x233: {  	[tilespmem:s26+$0x5D70] =	vst v55  }
0x234: {  	v59 =	vld.idx.msk [tilespmem:v48+s12+$0x0], $0xffff  }
0x235: {  	v49 =	vadd.s32 v60, v3;
	_ =	sdelay $0x3  }
0x236: {  	[tilespmem:s26+$0x5D80] =	vst v59  }
0x237: {  	v60 =	vld.idx.msk [tilespmem:v49+s12+$0x0], $0xffff  }
0x238: {  	v50 =	vadd.s32 v61, v3;
	_ =	sdelay $0x3  }
0x239: {  	[tilespmem:s26+$0x5D90] =	vst v60  }
0x23a: {  	v61 =	vld.idx.msk [tilespmem:v50+s12+$0x0], $0xffff  }
0x23b: {  	v51 =	vadd.s32 v62, v3;
	_ =	sdelay $0x3  }
0x23c: {  	[tilespmem:s26+$0x5DA0] =	vst v61  }
0x23d: {  	[tilespmem:$0x1FBC0] =	vst v2;
	v2 =	vld.idx.msk [tilespmem:v51+s12+$0x0], $0xffff  }
0x23e: {  	v52 =	vadd.s32 v63, v3  }
0x23f: {  	v59 =	vld [tilespmem:$0x1FFF0];
	_ =	sdelay $0x2  }
0x240: {  	[tilespmem:s26+$0x5DB0] =	vst v2  }
0x241: {  	[tilespmem:$0x1FBE0] =	vst v4;
	v4 =	vld.idx.msk [tilespmem:v52+s12+$0x0], $0xffff  }
0x242: {  	v53 =	vadd.s32 v59, v3  }
0x243: {  	v60 =	vld [tilespmem:$0x1F7B0];
	_ =	sdelay $0x2  }
0x244: {  	[tilespmem:s26+$0x5DC0] =	vst v4  }
0x245: {  	v2 =	vld.idx.msk [tilespmem:v53+s12+$0x0], $0xffff  }
0x246: {  	v54 =	vadd.s32 v60, v3  }
0x247: {  	v61 =	vld [tilespmem:$0x1F7C0];
	_ =	sdelay $0x2  }
0x248: {  	[tilespmem:s26+$0x5DD0] =	vst v2  }
0x249: {  	v2 =	vld.idx.msk [tilespmem:v54+s12+$0x0], $0xffff  }
0x24a: {  	v55 =	vadd.s32 v61, v3;
	_ =	sdelay $0x3  }
0x24b: {  	[tilespmem:s26+$0x5DE0] =	vst v2  }
0x24c: {  	v2 =	vld.idx.msk [tilespmem:v55+s12+$0x0], $0xffff  }
0x24d: {  	v56 =	vadd.s32 v56, v3;
	_ =	sdelay $0x3  }
0x24e: {  	[tilespmem:s26+$0x5DF0] =	vst v2  }
0x24f: {  	v2 =	vld.idx.msk [tilespmem:v56+s12+$0x0], $0xffff  }
0x250: {  	v57 =	vadd.s32 v57, v3;
	_ =	sdelay $0x3  }
0x251: {  	[tilespmem:s26+$0x5E00] =	vst v2  }
0x252: {  	v2 =	vld.idx.msk [tilespmem:v57+s12+$0x0], $0xffff  }
0x253: {  	v58 =	vadd.s32 v58, v3;
	_ =	sdelay $0x3  }
0x254: {  	[tilespmem:s26+$0x5E10] =	vst v2  }
0x255: {  	v2 =	vld.idx.msk [tilespmem:v58+s12+$0x0], $0xffff  }
0x256: {  	v4 =	vadd.s32 v1, v3;
	_ =	sdelay $0x3  }
0x257: {  	[tilespmem:s26+$0x5E20] =	vst v2  }
0x258: {  	p0 =	seq.s32 s25, $0x7;
	v1 =	vld.idx.msk [tilespmem:v4+s12+$0x0], $0xffff  }
0x259: {  	s28 =	sadd.s32 @!p0 $0xFFFFFE00, s22  }
0x25a: {  	s29 =	sadd.s32 @!p0 $0xFFFFFF80, s23;
	s28 =	sand.u32 @!p0 $0x3800, s28  }
0x25b: {  	s29 =	sand.u32 @!p0 $0x100, s29;
	s28 =	sshrl.u32 @!p0 s28, $0x2  }
0x25c: {  	s28 =	sor.u32 @!p0 s29, s28  }
0x25d: {  	s30 =	simm.s32 @!p0 $0xA40;
	s29 =	simm.s32 @!p0 $0x80;
	s28 =	sadd.s32 @!p0 $0x240, s28;
	[tilespmem:s26+$0x5E30] =	vst v1  }
0x25e: {  	[tilespmem:s30], [sflag:$0x1] =	stream.indirect.gather @!p0 [hbm4b:s3+s29], $0x40, s28, s29, $0xb8;
	[tilespmem:$0xCA40] =	vst v63  }
0x25f: {  	_ =	swait.ge [sflag:s16], $0x2000  }
0x260: {  	v62 =	vld [tilespmem:$0x1F7D0];
	_ =	sdelay $0x5  }
0x261: {  	[sflag:s16] =	ssyncset.done $0x0;
	v63 =	vld [tilespmem:$0x1F7E0]  }
0x262: {  	[sflag:s16] =	ssyncadd.s32 $0xFFFFE000  }
0x263: {  	v1 =	vld.idx.msk [tilespmem:v62+s14+$0x0], $0xffff;
	_ =	sdelay $0x3  }
0x264: {  	s26 =	sadd.s32 $0x4A40, s26;
	v59 =	vld [tilespmem:$0x1F7F0]  }
0x265: {  	[tilespmem:s26+$0x400] =	vst v1  }
0x266: {  	v1 =	vld.idx.msk [tilespmem:v63+s14+$0x0], $0xffff;
	_ =	sdelay $0x3  }
0x267: {  	v60 =	vld [tilespmem:$0x1F800]  }
0x268: {  	[tilespmem:s26+$0x410] =	vst v1  }
0x269: {  	v1 =	vld.idx.msk [tilespmem:v59+s14+$0x0], $0xffff;
	_ =	sdelay $0x3  }
0x26a: {  	v61 =	vld [tilespmem:$0x1F810]  }
0x26b: {  	[tilespmem:s26+$0x420] =	vst v1  }
0x26c: {  	v1 =	vld.idx.msk [tilespmem:v60+s14+$0x0], $0xffff;
	_ =	sdelay $0x3  }
0x26d: {  	v62 =	vld [tilespmem:$0x1F820]  }
0x26e: {  	[tilespmem:s26+$0x430] =	vst v1  }
0x26f: {  	v1 =	vld.idx.msk [tilespmem:v61+s14+$0x0], $0xffff;
	_ =	sdelay $0x3  }
0x270: {  	v63 =	vld [tilespmem:$0x1F830]  }
0x271: {  	[tilespmem:s26+$0x440] =	vst v1  }
0x272: {  	v1 =	vld.idx.msk [tilespmem:v62+s14+$0x0], $0xffff;
	_ =	sdelay $0x3  }
0x273: {  	v59 =	vld [tilespmem:$0x1F840]  }
0x274: {  	[tilespmem:s26+$0x450] =	vst v1  }
0x275: {  	v1 =	vld.idx.msk [tilespmem:v63+s14+$0x0], $0xffff;
	_ =	sdelay $0x3  }
0x276: {  	v60 =	vld [tilespmem:$0x1F850]  }
0x277: {  	[tilespmem:s26+$0x460] =	vst v1  }
0x278: {  	v1 =	vld.idx.msk [tilespmem:v59+s14+$0x0], $0xffff;
	_ =	sdelay $0x3  }
0x279: {  	v61 =	vld [tilespmem:$0x1F860]  }
0x27a: {  	[tilespmem:s26+$0x470] =	vst v1  }
0x27b: {  	v1 =	vld.idx.msk [tilespmem:v60+s14+$0x0], $0xffff;
	_ =	sdelay $0x3  }
0x27c: {  	v62 =	vld [tilespmem:$0x1F870]  }
0x27d: {  	[tilespmem:s26+$0x480] =	vst v1  }
0x27e: {  	v1 =	vld.idx.msk [tilespmem:v61+s14+$0x0], $0xffff;
	_ =	sdelay $0x3  }
0x27f: {  	v63 =	vld [tilespmem:$0x1F880]  }
0x280: {  	[tilespmem:s26+$0x490] =	vst v1  }
0x281: {  	v1 =	vld.idx.msk [tilespmem:v62+s14+$0x0], $0xffff;
	_ =	sdelay $0x3  }
0x282: {  	v59 =	vld [tilespmem:$0x1F890]  }
0x283: {  	[tilespmem:s26+$0x4A0] =	vst v1  }
0x284: {  	v1 =	vld.idx.msk [tilespmem:v63+s14+$0x0], $0xffff;
	_ =	sdelay $0x3  }
0x285: {  	v60 =	vld [tilespmem:$0x1F8A0]  }
0x286: {  	[tilespmem:s26+$0x4B0] =	vst v1  }
0x287: {  	v1 =	vld.idx.msk [tilespmem:v59+s14+$0x0], $0xffff;
	_ =	sdelay $0x3  }
0x288: {  	v61 =	vld [tilespmem:$0x1F8B0]  }
0x289: {  	[tilespmem:s26+$0x4C0] =	vst v1  }
0x28a: {  	v1 =	vld.idx.msk [tilespmem:v60+s14+$0x0], $0xffff;
	_ =	sdelay $0x3  }
0x28b: {  	v62 =	vld [tilespmem:$0x1F8C0]  }
0x28c: {  	[tilespmem:s26+$0x4D0] =	vst v1  }
0x28d: {  	v1 =	vld.idx.msk [tilespmem:v61+s14+$0x0], $0xffff;
	_ =	sdelay $0x3  }
0x28e: {  	v63 =	vld [tilespmem:$0x1F8D0]  }
0x28f: {  	[tilespmem:s26+$0x4E0] =	vst v1  }
0x290: {  	v1 =	vld.idx.msk [tilespmem:v62+s14+$0x0], $0xffff;
	_ =	sdelay $0x3  }
0x291: {  	v59 =	vld [tilespmem:$0x1F8E0]  }
0x292: {  	[tilespmem:s26+$0x4F0] =	vst v1  }
0x293: {  	v1 =	vld.idx.msk [tilespmem:v63+s14+$0x0], $0xffff;
	_ =	sdelay $0x3  }
0x294: {  	v60 =	vld [tilespmem:$0x1F8F0]  }
0x295: {  	[tilespmem:s26+$0x500] =	vst v1  }
0x296: {  	v1 =	vld.idx.msk [tilespmem:v59+s14+$0x0], $0xffff;
	_ =	sdelay $0x3  }
0x297: {  	v61 =	vld [tilespmem:$0x1F900]  }
0x298: {  	[tilespmem:s26+$0x510] =	vst v1  }
0x299: {  	v1 =	vld.idx.msk [tilespmem:v60+s14+$0x0], $0xffff;
	_ =	sdelay $0x3  }
0x29a: {  	v62 =	vld [tilespmem:$0x1F910]  }
0x29b: {  	[tilespmem:s26+$0x520] =	vst v1  }
0x29c: {  	v1 =	vld.idx.msk [tilespmem:v61+s14+$0x0], $0xffff;
	_ =	sdelay $0x3  }
0x29d: {  	v63 =	vld [tilespmem:$0x1F920]  }
0x29e: {  	[tilespmem:s26+$0x530] =	vst v1  }
0x29f: {  	v1 =	vld.idx.msk [tilespmem:v62+s14+$0x0], $0xffff;
	_ =	sdelay $0x3  }
0x2a0: {  	v59 =	vld [tilespmem:$0x1F930]  }
0x2a1: {  	[tilespmem:s26+$0x540] =	vst v1  }
0x2a2: {  	v1 =	vld.idx.msk [tilespmem:v63+s14+$0x0], $0xffff;
	_ =	sdelay $0x3  }
0x2a3: {  	v60 =	vld [tilespmem:$0x1F940]  }
0x2a4: {  	[tilespmem:s26+$0x550] =	vst v1  }
0x2a5: {  	v1 =	vld.idx.msk [tilespmem:v59+s14+$0x0], $0xffff;
	_ =	sdelay $0x3  }
0x2a6: {  	v61 =	vld [tilespmem:$0x1F950]  }
0x2a7: {  	[tilespmem:s26+$0x560] =	vst v1  }
0x2a8: {  	v1 =	vld.idx.msk [tilespmem:v60+s14+$0x0], $0xffff;
	_ =	sdelay $0x3  }
0x2a9: {  	v62 =	vld [tilespmem:$0x1F960]  }
0x2aa: {  	[tilespmem:s26+$0x570] =	vst v1  }
0x2ab: {  	v1 =	vld.idx.msk [tilespmem:v61+s14+$0x0], $0xffff;
	_ =	sdelay $0x3  }
0x2ac: {  	v63 =	vld [tilespmem:$0x1F970]  }
0x2ad: {  	[tilespmem:s26+$0x580] =	vst v1  }
0x2ae: {  	v1 =	vld.idx.msk [tilespmem:v62+s14+$0x0], $0xffff;
	_ =	sdelay $0x3  }
0x2af: {  	v59 =	vld [tilespmem:$0x1F980]  }
0x2b0: {  	[tilespmem:s26+$0x590] =	vst v1  }
0x2b1: {  	v1 =	vld.idx.msk [tilespmem:v63+s14+$0x0], $0xffff;
	_ =	sdelay $0x3  }
0x2b2: {  	v60 =	vld [tilespmem:$0x1F990]  }
0x2b3: {  	[tilespmem:s26+$0x5A0] =	vst v1  }
0x2b4: {  	v1 =	vld.idx.msk [tilespmem:v59+s14+$0x0], $0xffff;
	_ =	sdelay $0x3  }
0x2b5: {  	v61 =	vld [tilespmem:$0x1F9A0]  }
0x2b6: {  	[tilespmem:s26+$0x5B0] =	vst v1  }
0x2b7: {  	v1 =	vld.idx.msk [tilespmem:v60+s14+$0x0], $0xffff;
	_ =	sdelay $0x3  }
0x2b8: {  	v62 =	vld [tilespmem:$0x1F9B0]  }
0x2b9: {  	[tilespmem:s26+$0x5C0] =	vst v1  }
0x2ba: {  	v1 =	vld.idx.msk [tilespmem:v61+s14+$0x0], $0xffff;
	_ =	sdelay $0x3  }
0x2bb: {  	v63 =	vld [tilespmem:$0x1F9C0]  }
0x2bc: {  	[tilespmem:s26+$0x5D0] =	vst v1  }
0x2bd: {  	v1 =	vld.idx.msk [tilespmem:v62+s14+$0x0], $0xffff;
	_ =	sdelay $0x3  }
0x2be: {  	v59 =	vld [tilespmem:$0x1F9D0]  }
0x2bf: {  	[tilespmem:s26+$0x5E0] =	vst v1  }
0x2c0: {  	v1 =	vld.idx.msk [tilespmem:v63+s14+$0x0], $0xffff;
	_ =	sdelay $0x3  }
0x2c1: {  	v60 =	vld [tilespmem:$0x1F9E0]  }
0x2c2: {  	[tilespmem:s26+$0x5F0] =	vst v1  }
0x2c3: {  	v1 =	vld.idx.msk [tilespmem:v59+s14+$0x0], $0xffff;
	_ =	sdelay $0x3  }
0x2c4: {  	v61 =	vld [tilespmem:$0x1F9F0]  }
0x2c5: {  	[tilespmem:s26+$0x600] =	vst v1  }
0x2c6: {  	v1 =	vld.idx.msk [tilespmem:v60+s14+$0x0], $0xffff;
	_ =	sdelay $0x3  }
0x2c7: {  	v62 =	vld [tilespmem:$0x1FA00]  }
0x2c8: {  	[tilespmem:s26+$0x610] =	vst v1  }
0x2c9: {  	v1 =	vld.idx.msk [tilespmem:v61+s14+$0x0], $0xffff;
	_ =	sdelay $0x3  }
0x2ca: {  	v63 =	vld [tilespmem:$0x1FA10]  }
0x2cb: {  	[tilespmem:s26+$0x620] =	vst v1  }
0x2cc: {  	v1 =	vld.idx.msk [tilespmem:v62+s14+$0x0], $0xffff;
	_ =	sdelay $0x3  }
0x2cd: {  	v59 =	vld [tilespmem:$0x1FA20]  }
0x2ce: {  	[tilespmem:s26+$0x630] =	vst v1  }
0x2cf: {  	v1 =	vld.idx.msk [tilespmem:v63+s14+$0x0], $0xffff;
	_ =	sdelay $0x3  }
0x2d0: {  	v60 =	vld [tilespmem:$0x1FA30]  }
0x2d1: {  	[tilespmem:s26+$0x640] =	vst v1  }
0x2d2: {  	v1 =	vld.idx.msk [tilespmem:v59+s14+$0x0], $0xffff;
	_ =	sdelay $0x3  }
0x2d3: {  	v61 =	vld [tilespmem:$0x1FA40]  }
0x2d4: {  	[tilespmem:s26+$0x650] =	vst v1  }
0x2d5: {  	v1 =	vld.idx.msk [tilespmem:v60+s14+$0x0], $0xffff;
	_ =	sdelay $0x3  }
0x2d6: {  	v62 =	vld [tilespmem:$0x1FA50]  }
0x2d7: {  	[tilespmem:s26+$0x660] =	vst v1  }
0x2d8: {  	v1 =	vld.idx.msk [tilespmem:v61+s14+$0x0], $0xffff;
	_ =	sdelay $0x3  }
0x2d9: {  	v63 =	vld [tilespmem:$0x1FA60]  }
0x2da: {  	[tilespmem:s26+$0x670] =	vst v1  }
0x2db: {  	v1 =	vld.idx.msk [tilespmem:v62+s14+$0x0], $0xffff;
	_ =	sdelay $0x3  }
0x2dc: {  	v59 =	vld [tilespmem:$0x1FA70]  }
0x2dd: {  	[tilespmem:s26+$0x680] =	vst v1  }
0x2de: {  	v1 =	vld.idx.msk [tilespmem:v63+s14+$0x0], $0xffff;
	_ =	sdelay $0x3  }
0x2df: {  	v60 =	vld [tilespmem:$0x1FA80]  }
0x2e0: {  	[tilespmem:s26+$0x690] =	vst v1  }
0x2e1: {  	v1 =	vld.idx.msk [tilespmem:v59+s14+$0x0], $0xffff;
	_ =	sdelay $0x3  }
0x2e2: {  	v61 =	vld [tilespmem:$0x1FA90]  }
0x2e3: {  	[tilespmem:s26+$0x6A0] =	vst v1  }
0x2e4: {  	v1 =	vld.idx.msk [tilespmem:v60+s14+$0x0], $0xffff;
	_ =	sdelay $0x3  }
0x2e5: {  	v62 =	vld [tilespmem:$0x1FAA0]  }
0x2e6: {  	[tilespmem:s26+$0x6B0] =	vst v1  }
0x2e7: {  	v1 =	vld.idx.msk [tilespmem:v61+s14+$0x0], $0xffff;
	_ =	sdelay $0x3  }
0x2e8: {  	v63 =	vld [tilespmem:$0x1FAB0]  }
0x2e9: {  	[tilespmem:s26+$0x6C0] =	vst v1  }
0x2ea: {  	v1 =	vld.idx.msk [tilespmem:v62+s14+$0x0], $0xffff;
	_ =	sdelay $0x3  }
0x2eb: {  	v59 =	vld [tilespmem:$0x1FAC0]  }
0x2ec: {  	[tilespmem:s26+$0x6D0] =	vst v1  }
0x2ed: {  	v1 =	vld.idx.msk [tilespmem:v63+s14+$0x0], $0xffff;
	_ =	sdelay $0x3  }
0x2ee: {  	v60 =	vld [tilespmem:$0x1FAD0]  }
0x2ef: {  	[tilespmem:s26+$0x6E0] =	vst v1  }
0x2f0: {  	v1 =	vld.idx.msk [tilespmem:v59+s14+$0x0], $0xffff;
	_ =	sdelay $0x3  }
0x2f1: {  	v61 =	vld [tilespmem:$0x1FAE0]  }
0x2f2: {  	[tilespmem:s26+$0x6F0] =	vst v1  }
0x2f3: {  	v1 =	vld.idx.msk [tilespmem:v60+s14+$0x0], $0xffff;
	_ =	sdelay $0x3  }
0x2f4: {  	v62 =	vld [tilespmem:$0x1FAF0]  }
0x2f5: {  	[tilespmem:s26+$0x700] =	vst v1  }
0x2f6: {  	v1 =	vld.idx.msk [tilespmem:v61+s14+$0x0], $0xffff;
	_ =	sdelay $0x3  }
0x2f7: {  	v63 =	vld [tilespmem:$0x1FB00]  }
0x2f8: {  	[tilespmem:s26+$0x710] =	vst v1  }
0x2f9: {  	v1 =	vld.idx.msk [tilespmem:v62+s14+$0x0], $0xffff;
	_ =	sdelay $0x3  }
0x2fa: {  	v59 =	vld [tilespmem:$0x1FB10]  }
0x2fb: {  	[tilespmem:s26+$0x720] =	vst v1  }
0x2fc: {  	v1 =	vld.idx.msk [tilespmem:v63+s14+$0x0], $0xffff;
	_ =	sdelay $0x3  }
0x2fd: {  	v60 =	vld [tilespmem:$0x1FB20]  }
0x2fe: {  	[tilespmem:s26+$0x730] =	vst v1  }
0x2ff: {  	v1 =	vld.idx.msk [tilespmem:v59+s14+$0x0], $0xffff;
	_ =	sdelay $0x3  }
0x300: {  	v61 =	vld [tilespmem:$0x1FB30]  }
0x301: {  	[tilespmem:s26+$0x740] =	vst v1  }
0x302: {  	v1 =	vld.idx.msk [tilespmem:v60+s14+$0x0], $0xffff;
	_ =	sdelay $0x3  }
0x303: {  	v62 =	vld [tilespmem:$0x1FB40]  }
0x304: {  	[tilespmem:s26+$0x750] =	vst v1  }
0x305: {  	v1 =	vld.idx.msk [tilespmem:v61+s14+$0x0], $0xffff;
	_ =	sdelay $0x3  }
0x306: {  	v63 =	vld [tilespmem:$0x1FB50]  }
0x307: {  	[tilespmem:s26+$0x760] =	vst v1  }
0x308: {  	v1 =	vld.idx.msk [tilespmem:v62+s14+$0x0], $0xffff;
	_ =	sdelay $0x3  }
0x309: {  	v59 =	vld [tilespmem:$0x1FB60]  }
0x30a: {  	[tilespmem:s26+$0x770] =	vst v1  }
0x30b: {  	v1 =	vld.idx.msk [tilespmem:v63+s14+$0x0], $0xffff;
	_ =	sdelay $0x3  }
0x30c: {  	v60 =	vld [tilespmem:$0x1FB70]  }
0x30d: {  	[tilespmem:s26+$0x780] =	vst v1  }
0x30e: {  	v1 =	vld.idx.msk [tilespmem:v59+s14+$0x0], $0xffff;
	_ =	sdelay $0x3  }
0x30f: {  	v61 =	vld [tilespmem:$0x1FB80]  }
0x310: {  	[tilespmem:s26+$0x790] =	vst v1  }
0x311: {  	v1 =	vld.idx.msk [tilespmem:v60+s14+$0x0], $0xffff;
	_ =	sdelay $0x3  }
0x312: {  	v62 =	vld [tilespmem:$0x1FB90]  }
0x313: {  	[tilespmem:s26+$0x7A0] =	vst v1  }
0x314: {  	v1 =	vld.idx.msk [tilespmem:v61+s14+$0x0], $0xffff;
	_ =	sdelay $0x3  }
0x315: {  	v63 =	vld [tilespmem:$0x1FBA0]  }
0x316: {  	[tilespmem:s26+$0x7B0] =	vst v1  }
0x317: {  	v1 =	vld.idx.msk [tilespmem:v62+s14+$0x0], $0xffff;
	_ =	sdelay $0x3  }
0x318: {  	v59 =	vld [tilespmem:$0x1FBB0]  }
0x319: {  	[tilespmem:s26+$0x7C0] =	vst v1  }
0x31a: {  	v1 =	vld.idx.msk [tilespmem:v63+s14+$0x0], $0xffff;
	_ =	sdelay $0x3  }
0x31b: {  	v60 =	vld [tilespmem:$0x1FBC0]  }
0x31c: {  	[tilespmem:s26+$0x7D0] =	vst v1  }
0x31d: {  	v1 =	vld.idx.msk [tilespmem:v59+s14+$0x0], $0xffff;
	_ =	sdelay $0x3  }
0x31e: {  	v61 =	vld [tilespmem:$0x1FBD0]  }
0x31f: {  	[tilespmem:s26+$0x7E0] =	vst v1  }
0x320: {  	v1 =	vld.idx.msk [tilespmem:v60+s14+$0x0], $0xffff;
	_ =	sdelay $0x3  }
0x321: {  	v62 =	vld [tilespmem:$0x1FBE0]  }
0x322: {  	[tilespmem:s26+$0x7F0] =	vst v1  }
0x323: {  	v1 =	vld.idx.msk [tilespmem:v61+s14+$0x0], $0xffff;
	_ =	sdelay $0x3  }
0x324: {  	v63 =	vld [tilespmem:$0x1FBF0]  }
0x325: {  	[tilespmem:s26+$0x1400] =	vst v1  }
0x326: {  	v1 =	vld.idx.msk [tilespmem:v62+s14+$0x0], $0xffff;
	_ =	sdelay $0x4  }
0x327: {  	[tilespmem:s26+$0x1410] =	vst v1  }
0x328: {  	v1 =	vld.idx.msk [tilespmem:v63+s14+$0x0], $0xffff;
	_ =	sdelay $0x3  }
0x329: {  	v59 =	vld [tilespmem:$0x1FC00]  }
0x32a: {  	[tilespmem:s26+$0x1420] =	vst v1  }
0x32b: {  	v0 =	vld.idx.msk [tilespmem:v0+s14+$0x0], $0xffff;
	_ =	sdelay $0x3  }
0x32c: {  	v60 =	vld [tilespmem:$0x1FC10]  }
0x32d: {  	[tilespmem:s26+$0x1430] =	vst v0  }
0x32e: {  	v0 =	vld.idx.msk [tilespmem:v59+s14+$0x0], $0xffff;
	_ =	sdelay $0x3  }
0x32f: {  	v61 =	vld [tilespmem:$0x1FC20]  }
0x330: {  	[tilespmem:s26+$0x1440] =	vst v0  }
0x331: {  	v0 =	vld.idx.msk [tilespmem:v60+s14+$0x0], $0xffff;
	_ =	sdelay $0x3  }
0x332: {  	v62 =	vld [tilespmem:$0x1FC30]  }
0x333: {  	[tilespmem:s26+$0x1450] =	vst v0  }
0x334: {  	v0 =	vld.idx.msk [tilespmem:v61+s14+$0x0], $0xffff;
	_ =	sdelay $0x3  }
0x335: {  	v63 =	vld [tilespmem:$0x1FC40]  }
0x336: {  	[tilespmem:s26+$0x1460] =	vst v0  }
0x337: {  	v0 =	vld.idx.msk [tilespmem:v62+s14+$0x0], $0xffff;
	_ =	sdelay $0x4  }
0x338: {  	[tilespmem:s26+$0x1470] =	vst v0  }
0x339: {  	v0 =	vld.idx.msk [tilespmem:v63+s14+$0x0], $0xffff;
	_ =	sdelay $0x4  }
0x33a: {  	[tilespmem:s26+$0x1480] =	vst v0  }
0x33b: {  	v0 =	vld.idx.msk [tilespmem:v5+s14+$0x0], $0xffff;
	_ =	sdelay $0x4  }
0x33c: {  	[tilespmem:s26+$0x1490] =	vst v0  }
0x33d: {  	v0 =	vld.idx.msk [tilespmem:v6+s14+$0x0], $0xffff;
	_ =	sdelay $0x4  }
0x33e: {  	[tilespmem:s26+$0x14A0] =	vst v0  }
0x33f: {  	v0 =	vld.idx.msk [tilespmem:v7+s14+$0x0], $0xffff;
	_ =	sdelay $0x4  }
0x340: {  	[tilespmem:s26+$0x14B0] =	vst v0  }
0x341: {  	v0 =	vld.idx.msk [tilespmem:v8+s14+$0x0], $0xffff;
	_ =	sdelay $0x4  }
0x342: {  	[tilespmem:s26+$0x14C0] =	vst v0  }
0x343: {  	v0 =	vld.idx.msk [tilespmem:v9+s14+$0x0], $0xffff;
	_ =	sdelay $0x4  }
0x344: {  	[tilespmem:s26+$0x14D0] =	vst v0  }
0x345: {  	v0 =	vld.idx.msk [tilespmem:v10+s14+$0x0], $0xffff;
	_ =	sdelay $0x4  }
0x346: {  	[tilespmem:s26+$0x14E0] =	vst v0  }
0x347: {  	v0 =	vld.idx.msk [tilespmem:v11+s14+$0x0], $0xffff;
	_ =	sdelay $0x4  }
0x348: {  	[tilespmem:s26+$0x14F0] =	vst v0  }
0x349: {  	v0 =	vld.idx.msk [tilespmem:v12+s14+$0x0], $0xffff;
	_ =	sdelay $0x4  }
0x34a: {  	[tilespmem:s26+$0x1500] =	vst v0  }
0x34b: {  	v0 =	vld.idx.msk [tilespmem:v13+s14+$0x0], $0xffff;
	_ =	sdelay $0x4  }
0x34c: {  	[tilespmem:s26+$0x1510] =	vst v0  }
0x34d: {  	v0 =	vld.idx.msk [tilespmem:v14+s14+$0x0], $0xffff;
	_ =	sdelay $0x4  }
0x34e: {  	[tilespmem:s26+$0x1520] =	vst v0  }
0x34f: {  	v0 =	vld.idx.msk [tilespmem:v15+s14+$0x0], $0xffff;
	_ =	sdelay $0x4  }
0x350: {  	[tilespmem:s26+$0x1530] =	vst v0  }
0x351: {  	v0 =	vld.idx.msk [tilespmem:v16+s14+$0x0], $0xffff;
	_ =	sdelay $0x4  }
0x352: {  	[tilespmem:s26+$0x1540] =	vst v0  }
0x353: {  	v0 =	vld.idx.msk [tilespmem:v17+s14+$0x0], $0xffff;
	_ =	sdelay $0x4  }
0x354: {  	[tilespmem:s26+$0x1550] =	vst v0  }
0x355: {  	v0 =	vld.idx.msk [tilespmem:v18+s14+$0x0], $0xffff;
	_ =	sdelay $0x4  }
0x356: {  	[tilespmem:s26+$0x1560] =	vst v0  }
0x357: {  	v0 =	vld.idx.msk [tilespmem:v19+s14+$0x0], $0xffff;
	_ =	sdelay $0x4  }
0x358: {  	[tilespmem:s26+$0x1570] =	vst v0  }
0x359: {  	v0 =	vld.idx.msk [tilespmem:v20+s14+$0x0], $0xffff;
	_ =	sdelay $0x4  }
0x35a: {  	[tilespmem:s26+$0x1580] =	vst v0  }
0x35b: {  	v0 =	vld.idx.msk [tilespmem:v21+s14+$0x0], $0xffff;
	_ =	sdelay $0x4  }
0x35c: {  	[tilespmem:s26+$0x1590] =	vst v0  }
0x35d: {  	v0 =	vld.idx.msk [tilespmem:v22+s14+$0x0], $0xffff;
	_ =	sdelay $0x4  }
0x35e: {  	[tilespmem:s26+$0x15A0] =	vst v0  }
0x35f: {  	v0 =	vld.idx.msk [tilespmem:v23+s14+$0x0], $0xffff;
	_ =	sdelay $0x4  }
0x360: {  	[tilespmem:s26+$0x15B0] =	vst v0  }
0x361: {  	v0 =	vld.idx.msk [tilespmem:v24+s14+$0x0], $0xffff;
	_ =	sdelay $0x4  }
0x362: {  	[tilespmem:s26+$0x15C0] =	vst v0  }
0x363: {  	v0 =	vld.idx.msk [tilespmem:v25+s14+$0x0], $0xffff;
	_ =	sdelay $0x4  }
0x364: {  	[tilespmem:s26+$0x15D0] =	vst v0  }
0x365: {  	v0 =	vld.idx.msk [tilespmem:v26+s14+$0x0], $0xffff;
	_ =	sdelay $0x4  }
0x366: {  	[tilespmem:s26+$0x15E0] =	vst v0  }
0x367: {  	v0 =	vld.idx.msk [tilespmem:v27+s14+$0x0], $0xffff;
	_ =	sdelay $0x4  }
0x368: {  	[tilespmem:s26+$0x15F0] =	vst v0  }
0x369: {  	v0 =	vld.idx.msk [tilespmem:v28+s14+$0x0], $0xffff;
	_ =	sdelay $0x4  }
0x36a: {  	[tilespmem:s26+$0x1600] =	vst v0  }
0x36b: {  	v0 =	vld.idx.msk [tilespmem:v29+s14+$0x0], $0xffff;
	_ =	sdelay $0x4  }
0x36c: {  	[tilespmem:s26+$0x1610] =	vst v0  }
0x36d: {  	v0 =	vld.idx.msk [tilespmem:v30+s14+$0x0], $0xffff;
	_ =	sdelay $0x4  }
0x36e: {  	[tilespmem:s26+$0x1620] =	vst v0  }
0x36f: {  	v0 =	vld.idx.msk [tilespmem:v31+s14+$0x0], $0xffff;
	_ =	sdelay $0x4  }
0x370: {  	[tilespmem:s26+$0x1630] =	vst v0  }
0x371: {  	v0 =	vld.idx.msk [tilespmem:v32+s14+$0x0], $0xffff;
	_ =	sdelay $0x4  }
0x372: {  	[tilespmem:s26+$0x1640] =	vst v0  }
0x373: {  	v0 =	vld.idx.msk [tilespmem:v33+s14+$0x0], $0xffff;
	_ =	sdelay $0x4  }
0x374: {  	[tilespmem:s26+$0x1650] =	vst v0  }
0x375: {  	v0 =	vld.idx.msk [tilespmem:v34+s14+$0x0], $0xffff;
	_ =	sdelay $0x4  }
0x376: {  	[tilespmem:s26+$0x1660] =	vst v0  }
0x377: {  	v0 =	vld.idx.msk [tilespmem:v35+s14+$0x0], $0xffff;
	_ =	sdelay $0x4  }
0x378: {  	[tilespmem:s26+$0x1670] =	vst v0  }
0x379: {  	v0 =	vld.idx.msk [tilespmem:v36+s14+$0x0], $0xffff;
	_ =	sdelay $0x4  }
0x37a: {  	[tilespmem:s26+$0x1680] =	vst v0  }
0x37b: {  	v0 =	vld.idx.msk [tilespmem:v37+s14+$0x0], $0xffff;
	_ =	sdelay $0x4  }
0x37c: {  	[tilespmem:s26+$0x1690] =	vst v0  }
0x37d: {  	v0 =	vld.idx.msk [tilespmem:v38+s14+$0x0], $0xffff;
	_ =	sdelay $0x4  }
0x37e: {  	[tilespmem:s26+$0x16A0] =	vst v0  }
0x37f: {  	v0 =	vld.idx.msk [tilespmem:v39+s14+$0x0], $0xffff;
	_ =	sdelay $0x4  }
0x380: {  	[tilespmem:s26+$0x16B0] =	vst v0  }
0x381: {  	v0 =	vld.idx.msk [tilespmem:v40+s14+$0x0], $0xffff;
	_ =	sdelay $0x4  }
0x382: {  	[tilespmem:s26+$0x16C0] =	vst v0  }
0x383: {  	v0 =	vld.idx.msk [tilespmem:v41+s14+$0x0], $0xffff;
	_ =	sdelay $0x4  }
0x384: {  	[tilespmem:s26+$0x16D0] =	vst v0  }
0x385: {  	v0 =	vld.idx.msk [tilespmem:v42+s14+$0x0], $0xffff;
	_ =	sdelay $0x4  }
0x386: {  	[tilespmem:s26+$0x16E0] =	vst v0  }
0x387: {  	v0 =	vld.idx.msk [tilespmem:v43+s14+$0x0], $0xffff;
	_ =	sdelay $0x4  }
0x388: {  	[tilespmem:s26+$0x16F0] =	vst v0  }
0x389: {  	v0 =	vld.idx.msk [tilespmem:v44+s14+$0x0], $0xffff;
	_ =	sdelay $0x4  }
0x38a: {  	[tilespmem:s26+$0x1700] =	vst v0  }
0x38b: {  	v0 =	vld.idx.msk [tilespmem:v45+s14+$0x0], $0xffff;
	_ =	sdelay $0x4  }
0x38c: {  	[tilespmem:s26+$0x1710] =	vst v0  }
0x38d: {  	v0 =	vld.idx.msk [tilespmem:v46+s14+$0x0], $0xffff;
	_ =	sdelay $0x4  }
0x38e: {  	[tilespmem:s26+$0x1720] =	vst v0  }
0x38f: {  	v0 =	vld.idx.msk [tilespmem:v47+s14+$0x0], $0xffff;
	_ =	sdelay $0x4  }
0x390: {  	[tilespmem:s26+$0x1730] =	vst v0  }
0x391: {  	v0 =	vld.idx.msk [tilespmem:v48+s14+$0x0], $0xffff;
	_ =	sdelay $0x4  }
0x392: {  	[tilespmem:s26+$0x1740] =	vst v0  }
0x393: {  	v0 =	vld.idx.msk [tilespmem:v49+s14+$0x0], $0xffff;
	_ =	sdelay $0x4  }
0x394: {  	[tilespmem:s26+$0x1750] =	vst v0  }
0x395: {  	v0 =	vld.idx.msk [tilespmem:v50+s14+$0x0], $0xffff;
	_ =	sdelay $0x4  }
0x396: {  	[tilespmem:s26+$0x1760] =	vst v0  }
0x397: {  	v0 =	vld.idx.msk [tilespmem:v51+s14+$0x0], $0xffff;
	_ =	sdelay $0x4  }
0x398: {  	[tilespmem:s26+$0x1770] =	vst v0  }
0x399: {  	v0 =	vld.idx.msk [tilespmem:v52+s14+$0x0], $0xffff;
	_ =	sdelay $0x4  }
0x39a: {  	[tilespmem:s26+$0x1780] =	vst v0  }
0x39b: {  	v0 =	vld.idx.msk [tilespmem:v53+s14+$0x0], $0xffff;
	_ =	sdelay $0x4  }
0x39c: {  	[tilespmem:s26+$0x1790] =	vst v0  }
0x39d: {  	v0 =	vld.idx.msk [tilespmem:v54+s14+$0x0], $0xffff;
	_ =	sdelay $0x4  }
0x39e: {  	[tilespmem:s26+$0x17A0] =	vst v0  }
0x39f: {  	v0 =	vld.idx.msk [tilespmem:v55+s14+$0x0], $0xffff;
	_ =	sdelay $0x4  }
0x3a0: {  	[tilespmem:s26+$0x17B0] =	vst v0  }
0x3a1: {  	v0 =	vld.idx.msk [tilespmem:v56+s14+$0x0], $0xffff;
	_ =	sdelay $0x4  }
0x3a2: {  	[tilespmem:s26+$0x17C0] =	vst v0  }
0x3a3: {  	v0 =	vld.idx.msk [tilespmem:v57+s14+$0x0], $0xffff;
	_ =	sdelay $0x4  }
0x3a4: {  	[tilespmem:s26+$0x17D0] =	vst v0  }
0x3a5: {  	v0 =	vld.idx.msk [tilespmem:v58+s14+$0x0], $0xffff;
	_ =	sdelay $0x4  }
0x3a6: {  	[tilespmem:s26+$0x17E0] =	vst v0  }
0x3a7: {  	v0 =	vld.idx.msk [tilespmem:v4+s14+$0x0], $0xffff  }
.Ltmp3:
0x3a8: {  	_ = 	snop;
	(pc) =	sbr.rel @p0 .LBB2_6-.Ltmp3, $2  }
0x3a9: {  	_ =	sdelay $0x2  }
0x3aa: {  	[tilespmem:s26+$0x17F0] =	vst v0  }
.Ltmp4:
0x3ab: {  	s26 =	sand.u32 $0x3800, s22;
	(pc) =	sbr.rel .LBB2_4-.Ltmp4, $4  }
0x3ac: {  	s28 =	sand.u32 $0x180, s23;
	s26 =	sshrl.u32 s26, $0x2  }
0x3ad: {  	s25 =	sadd.s32 $0x1, s25;
	s22 =	sadd.s32 $0x400, s22;
	s26 =	sor.u32 s28, s26  }
0x3ae: {  	s23 =	sadd.s32 $0x100, s23;
	s24 =	sadd.s32 $0x800, s24;
	s26 =	sadd.s32 $0x240, s26  }
0x3af: {  	[tilespmem:s14], [sflag:$0x2] =	stream.indirect.gather [hbm4b:s3+s10], $0x40, s26, s10, $0xb8;
	[tilespmem:$0xCA40] =	vst v63  }
.LBB2_7:
0x3b0: {  	_ =	sfence.sel $0x180000  }
0x3b1: {  	[bflag:$0x0] =	sbarrier.arrive $0xFFFF  }
0x3b2: {  	p0 =	sne.s32 s2, $0x0;
	_ =	strace $0x9000004A  }
0x3b3: {  	s0 =	sadd.s32 @!p0 $0x100000, s0;
	[bflag:$0x2] =	sbarrier.arrive $0xFFFF  }
0x3b4: {  	[sflag:s0] =	ssyncadd.tile.s32 @!p0 $0x1;
	_ =	shalt  }
.Lfunc_end2:
_tile_overlayer_lowered:
.L_overlay_start_2:
0x3b5: {  	(tag) =	ssettag $0x2  }
0x3b6: {  	s0 =	rddreg [dreg:$0x0];
	s2 =	stileid.u32  }
0x3b7: {  	s1 =	rddreg [dreg:$0x1];
	p0 =	sne.s32 s2, $0x0  }
0x3b8: {  	s3 =	rddreg [dreg:$0x2];
	[bflag:$0x3] =	sbarrier.arrive $0xFFFF;
	s2 =	simm.s32 @!p0 $0x1C04  }
0x3b9: {  	[timem:s3], [sflag:s2] =	dma.local @!p0 [hbm:s0], s1  }
0x3ba: {  	s0 =	simm.s32 @!p0 $0x4  }
0x3bb: {  	_ =	swait.ge @!p0 [sflag:s0], s1  }
0x3bc: {  	s1 =	ssub.s32 @!p0 $0x0, s1;
	[sflag:s0] =	ssyncset.done @!p0 $0x0  }
0x3bd: {  	[sflag:s0] =	ssyncadd.s32 @!p0 s1  }
0x3be: {  	[bflag:$0x3] =	sbarrier.arrive $0xFFFF  }
0x3bf: {  	_ =	shalt  }

// kernel: sparse-core-data-format-call.cloned.1.call-start
scs
called_computation_lowered:
.L_overlay_start_0:
0x0: {  	s2 =	sld [smem:$0x3FD9]  }
0x1: {  	s3 =	sld [smem:$0x3FFE];
	_ =	sdelay $0x1  }
0x2: {  	s1 =	srdreg.scid  }
0x3: {  	s0 =	sand.u32 $0x1, s1  }
0x4: {  	s18 =	sshll.u32 s0, $0xA;
	s2 =	sadd.s32 s3, s2  }
0x5: {  	s2 =	sadd.s32 s2, s18  }
0x6: {  	[smem:$0x3FC5] =	sst s2  }
0x7: {  	_ = 	snop  }
0x8: {  	s2 =	sld [smem:$0x3FC8];
	(tm) =	ssettm $0x1  }
0x9: {  	s19 =	sld [smem:$0x3FFB];
	_ =	sdelay $0x3  }
0xa: {  	_ =	strace s19  }
0xb: {  	s3 =	sld [smem:$0x3FFC];
	_ =	sdelay $0x3  }
0xc: {  	_ =	strace s3  }
0xd: {  	s3 =	sld [smem:$0x3FFD];
	_ =	sdelay $0x3  }
0xe: {  	_ =	strace s3  }
0xf: {  	_ =	strace $0x8FFFFFFF  }
0x10: {  	s20 =	sld [smem:$0x3FDB];
	_ =	sdelay $0x1  }
0x11: {  	s4 =	simm.s32 $_scs_section_size  }
0x12: {  	s5 =	simm.s32 $_size__tile_overlayer_lowered;
	s6 =	simm.s32 $_tile_overlayer_lowered  }
0x13: {  	s23 =	simm.s32 $0x1BFF;
	s22 =	sshll.u32 s6, $0x1;
	s3 =	sadd.s32 s4, s20  }
0x14: {  	s7 =	simm.s32 $0x0;
	s21 =	sshll.u32 s5, $0x1;
	s5 =	sadd.s32 s22, s3  }
0x15: {  	[timem:s7], [sflag:s23] =	dma.local [hbm:s5], s21  }
0x16: {  	_ =	swait.ge [sflag:s23], s21  }
0x17: {  	s4 =	ssub.s32 $0x0, s21;
	[sflag:s23] =	ssyncset.done $0x0  }
0x18: {  	[sflag:s23] =	ssyncadd.s32 s4;
	_ =	sdelay $0x1  }
0x19: {  	s24 =	simm.s32 $0x1B8B  }
0x1a: {  	_ =	swait.ge [sflag:s24], $0x1  }
0x1b: {  	[sflag:s24] =	ssyncset.done $0x0  }
0x1c: {  	s26 =	simm.s32 $0x1B8E;
	s25 =	sld [smem:$0x3FFE];
	[sflag:s24] =	ssyncadd.s32 $0xFFFFFFFF  }
0x1d: {  	s27 =	simm.s32 $execute0_lowered;
	[smem:$0x3FD2] =	sst s26  }
0x1e: {  	s5 =	sshll.u32 s27, $0x1;
	_ =	strace $0x80000046;
	[dreg:$0x1] =	wrdreg $0xFFFFFFFF  }
0x1f: {  	s28 =	simm.s32 $_size_execute0_lowered;
	s3 =	sadd.s32 s3, s5;
	[dreg:$0x0] =	wrdreg $0x0  }
0x20: {  	s5 =	sshll.u32 s28, $0x1;
	[dreg:$0x2] =	wrdreg s3  }
0x21: {  	[dreg:$0x3] =	wrdreg s5  }
0x22: {  	[dreg:$0x4] =	wrdreg $0xC0  }
0x23: {  	_ =	task [dreg:s7], $0x5FFFF  }
0x24: {  	[dreg:$0x1] =	wrdreg $0xFFFFFFFF  }
0x25: {  	[dreg:$0x0] =	wrdreg $0x60  }
0x26: {  	[dreg:$0x2] =	wrdreg s2  }
0x27: {  	[dreg:$0x3] =	wrdreg s25  }
0x28: {  	[dreg:$0x4] =	wrdreg $0x9  }
0x29: {  	_ =	task.clear_ibuf [dreg:s7], $0x5FFFF;
	_ =	strace $0x90000046  }
0x2a: {  	s29 =	simm.s32 $0x9;
	_ =	strace $0x80000048  }
0x2b: {  	_ =	swait.ge [sflag:s29], $0x1  }
0x2c: {  	[sflag:s29] =	ssyncadd.s32 $0xFFFFFFFF  }
0x2d: {  	_ =	strace $0x90000048  }
0x2e: {  	_ =	sfence  }
0x2f: {  	s30 =	sld [smem:$0x0];
	_ =	sdelay $0x2  }
0x30: {  	s31 =	sshll.u32 s1, $0xD;
	s1 =	sshrl.u32 s1, $0x2  }
0x31: {  	s3 =	sand.u32 $0x4000, s31;
	s1 =	sadd.s32 s1, s30  }
0x32: {  	s0 =	sor.u32 s3, s0;
	s1 =	sshll.u32 s1, $0x11  }
0x33: {  	s0 =	sor.u32 s1, s0  }
0x34: {  	s0 =	sadd.s32 $0x8F2B, s0  }
0x35: {  	[sflag:s0] =	ssyncadd.remote.s32 $0x1  }
0x36: {  	_ =	sfence.sel $0xFFFF  }
0x37: {  	[dreg:$0x0] =	wrdreg $0xFFFFFFFF;
	(pc) =	sbr.abs _section_cstart, $3  }
0x38: {  	[dreg:$0x1] =	wrdreg $0xFFFFFFFF  }
0x39: {  	_ =	task.clear_ibuf [dreg:s7], $0x2FFFF;
	_ =	strace $0x9FFFFFFF  }
0x3a: {  	(tm) =	ssettm $0x7FFFFFFF  }
0x3b: {  	_ =	shalt  }
tec
execute0_lowered:
.L_overlay_start_1:
0x0: {  	(tag) =	ssettag $0x1  }
0x1: {  	s0 =	srdreg.scid;
	s2 =	rddreg [dreg:$0x0]  }
0x2: {  	s5 =	rddreg [dreg:$0x1];
	s1 =	stileid.u32  }
0x3: {  	s4 =	simm.s32 $0x1;
	s6 =	simm.s32 $0x2;
	s15 =	simm.s32 $0x0  }
0x4: {  	p0 =	por $0x0, $0x0;
	s8 =	simm.s32 $0x80;
	s0 =	sshll.u32 s0, $0x4  }
0x5: {  	s14 =	simm.s32 $0x0;
	s9 =	simm.s32 $0x0;
	s3 =	sand.u32 $0x10, s0  }
.Ltmp0:
0x6: {  	s10 =	simm.s32 $0x0;
	s3 =	sor.u32 s1, s3;
	(pc) =	sbr.rel .LBB1_1-.Ltmp0, $4  }
0x7: {  	s0 =	rddreg [dreg:$0x2];
	_ =	strace $0x80000047;
	s3 =	sshll.u32 s3, $0x7  }
0x8: {  	s12 =	simm.s32 $0x0;
	[sflag:s4] =	ssyncpa.u1 $0x0;
	s7 =	ssub.s32 $0xF4200, s3  }
0x9: {  	s13 =	simm.s32 $0x0;
	[sflag:s6] =	ssyncpa.u1 $0x0;
	s6 =	sshrl.u32 s7, $0xC  }
0xa: {  	s5 =	sadd.s32 $0xA00, s5;
	s11 =	smov.u32 s3;
	s7 =	sadd.s32 $0x2, s6  }
.LBB1_5:
0xb: {  	p1 =	slt.u32 s13, $0x2  }
0xc: {  	s17 =	smov.u32 s15;
	p2 =	sgt.s32 @!p1 s15, $0xF41C0;
	s16 =	sshra.s32 @!p1 s15, $0x1F  }
0xd: {  	p3 =	sgt.s32 @!p1 s14, $0x40;
	s18 =	sshra.s32 @!p1 s14, $0x1F;
	p2 =	por !p2, p1  }
0xe: {  	s15 =	sand.u32 @!p1 s16, s15;
	p3 =	por !p3, p1;
	s16 =	smov.u32 s14  }
0xf: {  	s14 =	sand.u32 @!p1 s18, s14;
	s17 =	simm.s32 @p2 $0xF41C0;
	s16 =	simm.s32 @p3 $0x40  }
0x10: {  	s15 =	ssub.s32 @!p1 s17, s15;
	s14 =	ssub.s32 @!p1 s16, s14  }
0x11: {  	s18 =	smov.u32 s12;
	s16 =	sadd.s32 @!p1 $0xFFF0BE40, s15;
	s17 =	sadd.s32 @!p1 $0xFFFFFFC0, s14  }
0x12: {  	s15 =	ssub.s32 @!p1 $0xF4240, s15;
	p2 =	sgt.s32 @!p1 s16, $0x7F;
	p3 =	sgt.s32 @!p1 s17, $0x3F  }
0x13: {  	s14 =	ssub.s32 @!p1 $0x80, s14;
	p2 =	por !p2, p1;
	p3 =	por !p3, p1  }
0x14: {  	s16 =	sadd.s32 $0x1000, s11;
	s15 =	simm.s32 @!p2 $0x0;
	s14 =	simm.s32 @!p3 $0x0  }
0x15: {  	p2 =	sgt.s32 s16, $0xF423F;
	s14 =	smul.u32 @!p1 s14, s15;
	s15 =	sadd.s32 $0x40, s12  }
0x16: {  	s18 =	smov.u32 @p2 s15  }
0x17: {  	s16 =	smov.u32 @p2 s3;
	p2 =	sgt.s32 s18, $0x3F  }
0x18: {  	s18 =	simm.s32 @p2 $0x0;
	p2 =	sne.s32 s13, s7  }
.Ltmp1:
0x19: {  	p0 =	por !p0, !p0;
	s17 =	simm.s32 @!p1 $0x2;
	(pc) =	sbr.rel @!p2 .LBB1_6-.Ltmp1, $4  }
0x1a: {  	s15 =	smov.u32 s9;
	s9 =	smov.u32 s11;
	s14 =	sand.u32 @!p1 $0x3FFFFFFF, s14  }
0x1b: {  	s11 =	smov.u32 s16;
	_ =	swait.ge @!p1 [sflag:s17], s14;
	s19 =	ssub.s32 @!p1 $0x0, s14  }
0x1c: {  	s14 =	smov.u32 s10;
	s13 =	sadd.s32 $0x1, s13;
	[sflag:s17] =	ssyncset.done @!p1 $0x0  }
0x1d: {  	s10 =	smov.u32 s12;
	s12 =	smov.u32 s18;
	[sflag:s17] =	ssyncadd.s32 @!p1 s19  }
.LBB1_1:
0x1e: {  	p1 =	sgt.u32 s13, s6  }
0x1f: {  	s16 =	sshrl.u32 @!p1 s12, $0x3  }
0x20: {  	s17 =	sshll.u32 @!p1 s11, $0x3;
	s16 =	smul.u32 @!p1 $0x7A1400, s16  }
0x21: {  	s18 =	sshll.u32 @!p1 s12, $0x7;
	s17 =	sand.u32 @!p1 $0xFFFFFC00, s17  }
0x22: {  	s16 =	sadd.s32 @!p1 s16, s17;
	s17 =	sand.u32 @!p1 $0x380, s18  }
0x23: {  	s18 =	sand.u32 @!p1 $0x7F, s11;
	s16 =	sor.u32 @!p1 s17, s16  }
0x24: {  	s17 =	sor.u32 @!p1 s18, s16  }
0x25: {  	s18 =	smulhi.u32 @!p1 $0x218D6287, s17;
	_ =	sdelay $0x1  }
0x26: {  	s16 =	smulhi.u32 @!p1 $0x218D6287, s16;
	s18 =	sshrl.u32 @!p1 s18, $0x11  }
0x27: {  	s18 =	smul.u32 @!p1 $0xF4280, s18  }
0x28: {  	s19 =	sxor.u32 @!p1 $0xFFFFFFFF, s13;
	s16 =	sshrl.u32 @!p1 s16, $0x11  }
0x29: {  	s19 =	sshll.u32 @!p1 s19, $0xD;
	s16 =	sand.u32 @!p1 $0x3F, s16;
	s17 =	ssub.s32 @!p1 s17, s18  }
0x2a: {  	s16 =	smul.u32 @!p1 $0x1E850, s16;
	s18 =	sshrl.u32 @!p1 s17, $0x3;
	s17 =	sand.u32 @!p1 $0x7, s17  }
0x2b: {  	s19 =	sand.u32 @!p1 $0x2000, s19;
	s18 =	sadd.s32 @!p1 s2, s18;
	s17 =	sshll.u32 @!p1 s17, $0x12  }
0x2c: {  	s16 =	sadd.s32 @!p1 s16, s18;
	s17 =	sor.u32 @!p1 $0x400, s17;
	s18 =	simm.s32 @!p1 $0x7A1400  }
0x2d: {  	[tilespmem:s19], [sflag:$0x1] =	stream.strided.gather @!p1 [hbm4b:s16+s17], $0x2000, s18, s17, $0x38;
	[tilespmem:$0x8100] =	vst v63  }
0x2e: {  	p1 =	seq.s32 s13, $0x0  }
0x2f: {  	p2 =	sge.u32 @!p1 s13, s7  }
0x30: {  	p1 =	por p1, p2  }
.Ltmp2:
0x31: {  	_ = 	snop;
	(pc) =	sbr.rel @p1 .LBB1_5-.Ltmp2, $1  }
0x32: {  	_ =	sdelay $0x3  }
0x33: {  	s16 =	simm.s32 $0x1  }
0x34: {  	_ =	swait.ge [sflag:s4], $0x2000;
	s16 =	simm.s32 @!p0 $0x0  }
0x35: {  	[sflag:s4] =	ssyncset.done $0x0;
	s17 =	sshll.u32 s16, $0xD  }
0x36: {  	[sflag:s4] =	ssyncadd.s32 $0xFFFFE000;
	s17 =	sor.u32 $0x40, s17  }
0x37: {  	s16 =	smul.u32 $0x8200, s16;
	v0 =	vld [tilespmem:s17+$0x30]  }
0x38: {  	v1 =	vld [tilespmem:s17+$0xFFFFFFD0]  }
0x39: {  	s16 =	sshrl.u32 s16, $0x2;
	v5 =	vld [tilespmem:s17+$0xFFFFFFE0]  }
0x3a: {  	v6 =	vld [tilespmem:s17+$0xFFFFFFF0];
	s19 =	sor.u32 $0x4000, s16  }
0x3b: {  	s31 =	sand.u32 $0x1, s13;
	v4 =	vld [tilespmem:s17+$0x0];
	s18 =	sadd.s32 $0x0, s19  }
0x3c: {  	v3 =	vld [tilespmem:s17+$0x10];
	s16 =	smul.u32 $0x8200, s31;
	[tilespmem:s18+$0x1C70 ss:$0x41] =	vst.msk $0xffff, v0  }
0x3d: {  	v2 =	vld [tilespmem:s17+$0x20];
	[tilespmem:s18+$0x410 ss:$0x41] =	vst.msk $0xffff, v1  }
0x3e: {  	s16 =	sshrl.u32 s16, $0x2;
	v1 =	vld [tilespmem:s17+$0xFFFFFFC0];
	[tilespmem:s18+$0x820 ss:$0x41] =	vst.msk $0xffff, v5;
	s17 =	sadd.s32 $0x80, s17  }
0x3f: {  	s20 =	simm.s32 $0x4;
	s21 =	simm.s32 $0x8;
	s16 =	sor.u32 $0x4000, s16;
	[tilespmem:s18+$0xC30 ss:$0x41] =	vst.msk $0xffff, v6;
	v0 =	vld [tilespmem:s17+$0x30]  }
.LBB1_3:
0x40: {  	p1 =	sne.s32 s21, $0xFC;
	v5 =	vld [tilespmem:s17+$0xFFFFFFD0];
	[tilespmem:s18+$0x1040 ss:$0x41] =	vst.msk $0xffff, v4  }
0x41: {  	v6 =	vld [tilespmem:s17+$0xFFFFFFE0];
	[tilespmem:s18+$0x1450 ss:$0x41] =	vst.msk $0xffff, v3  }
0x42: {  	s22 =	sshra.s32 s20, $0x2;
	s20 =	smov.u32 s21;
	v7 =	vld [tilespmem:s17+$0xFFFFFFF0];
	[tilespmem:s18+$0x1860 ss:$0x41] =	vst.msk $0xffff, v2  }
.Ltmp3:
0x43: {  	v4 =	vld [tilespmem:s17+$0x0];
	[tilespmem:s18+$0x0 ss:$0x41] =	vst.msk $0xffff, v1;
	s18 =	sadd.s32 s22, s19;
	(pc) =	sbr.rel @p1 .LBB1_3-.Ltmp3, $4  }
0x44: {  	v3 =	vld [tilespmem:s17+$0x10];
	[tilespmem:s18+$0x1C70 ss:$0x41] =	vst.msk $0xffff, v0  }
0x45: {  	[tilespmem:s18+$0x410 ss:$0x41] =	vst.msk $0xffff, v5;
	v2 =	vld [tilespmem:s17+$0x20]  }
0x46: {  	v1 =	vld [tilespmem:s17+$0xFFFFFFC0];
	[tilespmem:s18+$0x820 ss:$0x41] =	vst.msk $0xffff, v6;
	s17 =	sadd.s32 $0x80, s17  }
0x47: {  	s21 =	sadd.s32 $0x4, s21;
	v0 =	vld [tilespmem:s17+$0x30];
	[tilespmem:s18+$0xC30 ss:$0x41] =	vst.msk $0xffff, v7  }
0x48: {  	s21 =	sshll.u32 s9, $0x7;
	s22 =	sshll.u32 s10, $0x3;
	s20 =	sshra.s32 s20, $0x2  }
0x49: {  	p1 =	sgt.s32 s9, $0xF41C0;
	s30 =	sshra.s32 s9, $0x1F;
	s25 =	sshra.s32 s10, $0x1F  }
0x4a: {  	v5 =	vld [tilespmem:s17+$0xFFFFFFD0];
	s28 =	sshrl.u32 s10, $0x3;
	s23 =	sand.u32 $0xFFFFFC00, s21;
	s22 =	sand.u32 $0xFFFFFC00, s22  }
0x4b: {  	[tilespmem:s18+$0x1040 ss:$0x41] =	vst.msk $0xffff, v4;
	v58 =	vld [tilespmem:s17+$0xFFFFFFE0];
	s21 =	sand.u32 $0x380, s21;
	s19 =	sadd.s32 s20, s19;
	s22 =	sadd.s32 s22, s23  }
0x4c: {  	v59 =	vld [tilespmem:s17+$0xFFFFFFF0];
	[tilespmem:s18+$0x1450 ss:$0x41] =	vst.msk $0xffff, v3;
	s29 =	sor.u32 s21, s22;
	s21 =	smov.u32 s9;
	s22 =	sand.u32 s30, s9  }
0x4d: {  	v60 =	vld [tilespmem:s17+$0x0];
	[tilespmem:s18+$0x1860 ss:$0x41] =	vst.msk $0xffff, v2;
	s30 =	sand.u32 $0x7, s10;
	s20 =	sshrl.u32 s29, $0x7;
	s21 =	simm.s32 @!p1 $0xF41C0  }
0x4e: {  	v61 =	vld [tilespmem:s17+$0x10];
	[tilespmem:s18+$0x0 ss:$0x41] =	vst.msk $0xffff, v1;
	p1 =	sgt.s32 s10, $0x40;
	s24 =	ssub.s32 s21, s22;
	s21 =	smov.u32 s10  }
0x4f: {  	v62 =	vld [tilespmem:s17+$0x20];
	[tilespmem:s19+$0x1C70 ss:$0x41] =	vst.msk $0xffff, v0;
	s31 =	smulhi.u32 $0x218DEF5, s20;
	s22 =	sand.u32 s25, s10;
	s21 =	simm.s32 @!p1 $0x40  }
0x50: {  	v63 =	vld [tilespmem:s17+$0xFFFFFFC0];
	[tilespmem:s19+$0x410 ss:$0x41] =	vst.msk $0xffff, v5;
	s26 =	sadd.s32 $0xFFF0BE40, s24;
	s17 =	ssub.s32 $0xF4240, s24;
	s21 =	ssub.s32 s21, s22  }
0x51: {  	[tilespmem:s19+$0x820 ss:$0x41] =	vst.msk $0xffff, v58;
	s23 =	sshrl.u32 s31, $0xD;
	p1 =	sgt.s32 s26, $0x7F;
	s27 =	sadd.s32 $0xFFFFFFC0, s21  }
0x52: {  	[tilespmem:s19+$0xC30 ss:$0x41] =	vst.msk $0xffff, v59;
	s23 =	smul.u32 $0xF4240, s23;
	s18 =	ssub.s32 $0x80, s21;
	p2 =	sgt.s32 s27, $0x3F  }
.Ltmp4:
0x53: {  	[tilespmem:s19+$0x1040 ss:$0x41] =	vst.msk $0xffff, v60;
	s17 =	simm.s32 @p1 $0x0;
	s18 =	simm.s32 @p2 $0x0;
	(pc) =	sbr.rel .LBB1_5-.Ltmp4, $4  }
0x54: {  	s29 =	sand.u32 $0xF, s28;
	[tilespmem:s19+$0x1450 ss:$0x41] =	vst.msk $0xffff, v61;
	s20 =	ssub.s32 s20, s23;
	s17 =	smul.u32 s18, s17  }
0x55: {  	[tilespmem:s19+$0x1860 ss:$0x41] =	vst.msk $0xffff, v62;
	s21 =	sshll.u32 s30, $0x12;
	s20 =	sshll.u32 s20, $0x4;
	s18 =	sadd.s32 s5, s29  }
0x56: {  	[tilespmem:s19+$0x0 ss:$0x41] =	vst.msk $0xffff, v63;
	s31 =	sor.u32 $0x40, s21;
	s18 =	sadd.s32 s20, s18;
	s17 =	sand.u32 $0x3FFFFFFF, s17  }
0x57: {  	[hbm4b:s18+s31] =	stream.strided.scatter [tilespmem:s16], [sflag:$0x2], s17, s8, s31, $0x18;
	[tilespmem:$0x8100] =	vst v63  }
.LBB1_6:
0x58: {  	_ =	sfence.sel $0x180000  }
0x59: {  	s2 =	simm.s32 $0x1;
	[bflag:$0x0] =	sbarrier.arrive $0xFFFF  }
0x5a: {  	s31 =	simm.s32 $0x2;
	[sflag:s2] =	ssyncpa.u1 $0x1  }
0x5b: {  	[sflag:s31] =	ssyncpa.u1 $0x1  }
0x5c: {  	p0 =	sne.s32 s1, $0x0;
	_ =	strace $0x90000047  }
0x5d: {  	s0 =	sadd.s32 @!p0 $0x100000, s0;
	[bflag:$0x2] =	sbarrier.arrive $0xFFFF  }
0x5e: {  	[sflag:s0] =	ssyncadd.tile.s32 @!p0 $0x1;
	_ =	shalt  }
.Lfunc_end1:
_tile_overlayer_lowered:
.L_overlay_start_2:
0x5f: {  	(tag) =	ssettag $0x2  }
0x60: {  	s0 =	rddreg [dreg:$0x0];
	s2 =	stileid.u32  }
0x61: {  	s1 =	rddreg [dreg:$0x1];
	p0 =	sne.s32 s2, $0x0  }
0x62: {  	s3 =	rddreg [dreg:$0x2];
	[bflag:$0x3] =	sbarrier.arrive $0xFFFF;
	s2 =	simm.s32 @!p0 $0x1C01  }
0x63: {  	[timem:s3], [sflag:s2] =	dma.local @!p0 [hbm:s0], s1  }
0x64: {  	s0 =	simm.s32 @!p0 $0x1  }
0x65: {  	_ =	swait.ge @!p0 [sflag:s0], s1  }
0x66: {  	s1 =	ssub.s32 @!p0 $0x0, s1;
	[sflag:s0] =	ssyncset.done @!p0 $0x0  }
0x67: {  	[sflag:s0] =	ssyncadd.s32 @!p0 s1  }
0x68: {  	[bflag:$0x3] =	sbarrier.arrive $0xFFFF  }
0x69: {  	_ =	shalt  }

</sc_bundles>
